<compile_context>
chip_gen: v7x
topology: tpu7x:2x2x1
jax: 0.10.2.dev20260603
libtpu: 0.0.44.dev20260713+nightly
codegen_flags: <defaults>
</compile_context>

<pallas_src>
import functools

import jax
import jax.numpy as jnp
from jax import lax
from jax.experimental import pallas as pl
from jax.experimental.pallas import tpu as pltpu
from jax.experimental.pallas import tpu_sc as plsc

N_NODES = 10000
N_EDGES = 320000
D_NODE = 128
D_EDGE = 16

NC = 2
NSUB = 16
NW = NC * NSUB
CHUNK = 128
EPW = ((N_EDGES + NW * CHUNK - 1) // (NW * CHUNK)) * CHUNK
E_PAD = NW * EPW
N_PAD = 10240
RPT = N_PAD // NSUB
ZROWS = 64



def _gine_aggregate(x, src, dst, e, d):
    mesh = plsc.VectorSubcoreMesh(core_axis_name="c", subcore_axis_name="s")

    @functools.partial(
        pl.kernel,
        out_type=jax.ShapeDtypeStruct((NC, N_PAD, d), jnp.float32),
        mesh=mesh,
        scratch_types=[
            pltpu.VMEM((CHUNK,), jnp.int32),
            pltpu.VMEM((CHUNK,), jnp.int32),
            pltpu.VMEM((CHUNK, d), jnp.float32),
            pltpu.VMEM((CHUNK, d), jnp.float32),
            pltpu.VMEM((ZROWS, d), jnp.float32),
            pltpu.VMEM_SHARED((N_PAD, d), jnp.float32),
        ],
        compiler_params=pltpu.CompilerParams(use_tc_tiling_on_sc=False),
    )
    def kern(x_hbm, src_hbm, dst_hbm, e_hbm, out_hbm,
             srcv, dstv, rows, ev, zbuf, aggr):
        cid = lax.axis_index("c")
        sid = lax.axis_index("s")
        wid = sid * NC + cid

        @pl.loop(0, ZROWS)
        def _(i):
            for j in range(d // 16):
                zbuf.at[i, pl.ds(j * 16, 16)][...] = jnp.zeros((16,), jnp.float32)

        @pl.loop(0, RPT, step=ZROWS)
        def _(r):
            pltpu.sync_copy(zbuf, aggr.at[pl.ds(sid * RPT + r, ZROWS)])

        plsc.subcore_barrier()

        @pl.loop(0, EPW, step=CHUNK)
        def _(off):
            base = wid * EPW + off
            pltpu.sync_copy(src_hbm.at[pl.ds(base, CHUNK)], srcv)
            pltpu.sync_copy(dst_hbm.at[pl.ds(base, CHUNK)], dstv)
            pltpu.sync_copy(x_hbm.at[srcv], rows)
            pltpu.sync_copy(e_hbm.at[pl.ds(base, CHUNK)], ev)

            @pl.loop(0, CHUNK)
            def _(i):
                for j in range(d // 16):
                    sl = (i, pl.ds(j * 16, 16))
                    ev.at[*sl][...] = jnp.maximum(
                        ev.at[*sl][...] + rows.at[*sl][...], 0.0)

            pltpu.sync_copy(ev, aggr.at[dstv], add=True)

        plsc.subcore_barrier()
        pltpu.sync_copy(aggr.at[pl.ds(sid * RPT, RPT)],
                        out_hbm.at[cid, pl.ds(sid * RPT, RPT)])

    return kern(x, src, dst, e)



def _edge_lin(ea, w_t, b):
    d = w_t.shape[1]
    blk = 2048

    def body(ea_ref, w_ref, b_ref, o_ref):
        o_ref[...] = jnp.dot(ea_ref[...], w_ref[...],
                             preferred_element_type=jnp.float32, precision=lax.Precision.DEFAULT) + b_ref[...]

    return pl.pallas_call(
        body,
        grid=(E_PAD // blk,),
        in_specs=[pl.BlockSpec((blk, D_EDGE), lambda i: (i, 0)),
                  pl.BlockSpec((D_EDGE, d), lambda i: (0, 0)),
                  pl.BlockSpec((1, d), lambda i: (0, 0))],
        out_specs=pl.BlockSpec((blk, d), lambda i: (i, 0)),
        out_shape=jax.ShapeDtypeStruct((E_PAD, d), jnp.float32),
    )(ea, w_t, b.reshape(1, d))



def _bn(z, g, b):
    m = jnp.mean(z, axis=0, keepdims=True)
    v = jnp.mean((z - m) ** 2, axis=0, keepdims=True)
    return (z - m) / jnp.sqrt(v + 1e-5) * g + b


def _gelu(z):
    sqrt_half = jnp.float32(0.7071067811865476)
    return 0.5 * z * (1.0 + lax.erf(z * sqrt_half))


def _mlp(x, part, eps, w1_t, b1, g1, bb1, w2_t, b2, g2, bb2, w3_t=None, b3=None):
    d_mid = w1_t.shape[1]
    d_out = w2_t.shape[1]
    d_fin = d_out if w3_t is None else w3_t.shape[1]
    have3 = w3_t is not None

    def body(*refs):
        if have3:
            (x_ref, p_ref, eps_ref, w1_ref, b1_ref, g1_ref, bb1_ref,
             w2_ref, b2_ref, g2_ref, bb2_ref, w3_ref, b3_ref, o_ref) = refs
        else:
            (x_ref, p_ref, eps_ref, w1_ref, b1_ref, g1_ref, bb1_ref,
             w2_ref, b2_ref, g2_ref, bb2_ref, o_ref) = refs
        h0 = ((1.0 + eps_ref[0]) * x_ref[...]
              + p_ref[0, :N_NODES, :] + p_ref[1, :N_NODES, :])
        z = jnp.dot(h0, w1_ref[...], preferred_element_type=jnp.float32, precision=lax.Precision.DEFAULT) + b1_ref[...]
        z = _gelu(_bn(z, g1_ref[...], bb1_ref[...]))
        z = jnp.dot(z, w2_ref[...], preferred_element_type=jnp.float32, precision=lax.Precision.DEFAULT) + b2_ref[...]
        z = _gelu(_bn(z, g2_ref[...], bb2_ref[...]))
        if have3:
            z = jnp.dot(z, w3_ref[...], preferred_element_type=jnp.float32, precision=lax.Precision.DEFAULT) + b3_ref[...]
        o_ref[...] = z

    args = [x, part, eps.reshape(1),
            w1_t, b1.reshape(1, d_mid), g1.reshape(1, d_mid), bb1.reshape(1, d_mid),
            w2_t, b2.reshape(1, d_out), g2.reshape(1, d_out), bb2.reshape(1, d_out)]
    if have3:
        args += [w3_t, b3.reshape(1, d_fin)]
    in_specs = [pl.BlockSpec(a.shape, _zero_idx(a.ndim)) for a in args]
    in_specs[2] = pl.BlockSpec(memory_space=pltpu.SMEM)
    return pl.pallas_call(
        body,
        in_specs=in_specs,
        out_specs=pl.BlockSpec((N_NODES, d_fin), _zero_idx(2)),
        out_shape=jax.ShapeDtypeStruct((N_NODES, d_fin), jnp.float32),
    )(*args)


def _zero_idx(ndim):
    return lambda *_: (0,) * ndim



def _heads(ha, hv, aw_ts, abs_, cw_t, cb):
    bh = 2000

    def body(ha_ref, hv_ref, w0, w1, w2, b0, b1, b2, cw_ref, cb_ref,
             a0_ref, a1_ref, a2_ref, lp_ref, ent_ref, val_ref):
        h = ha_ref[...]
        lp_acc = jnp.zeros((bh,), jnp.float32)
        ent_acc = jnp.zeros((bh,), jnp.float32)
        for a_ref, w_ref, b_ref in ((a0_ref, w0, b0), (a1_ref, w1, b1),
                                    (a2_ref, w2, b2)):
            l = jnp.dot(h, w_ref[...], preferred_element_type=jnp.float32, precision=lax.Precision.DEFAULT) + b_ref[...]
            m = jnp.max(l, axis=-1, keepdims=True)
            s = l - m
            lse = jnp.log(jnp.sum(jnp.exp(s), axis=-1, keepdims=True))
            logp = s - lse
            iota = lax.broadcasted_iota(jnp.int32, l.shape, 1)
            amax = jnp.min(jnp.where(l == m, iota, l.shape[1]), axis=-1)
            a_ref[...] = amax[None, None, :]
            lp_acc = lp_acc + jnp.sum(
                jnp.where(iota == amax[:, None], logp, 0.0), axis=-1)
            p = jnp.exp(logp)
            ent_acc = ent_acc - jnp.sum(p * logp, axis=-1)
        lp_ref[...] = lp_acc[None, None, :]
        ent_ref[...] = ent_acc[None, None, :]
        val = jnp.dot(hv_ref[...], cw_ref[...],
                      preferred_element_type=jnp.float32, precision=lax.Precision.DEFAULT) + cb_ref[...]
        val_ref[...] = val[:, 0][None, None, :]

    nb = N_NODES // bh
    args = [ha, hv, *aw_ts, *[b.reshape(1, -1) for b in abs_], cw_t,
            cb.reshape(1, 1)]
    in_specs = ([pl.BlockSpec((bh, 64), lambda i: (i, 0))] * 2
                + [pl.BlockSpec(a.shape, _zero_idx(a.ndim)) for a in args[2:]])
    out_shapes = [jax.ShapeDtypeStruct((nb, 1, bh), jnp.int32)] * 3 + \
                 [jax.ShapeDtypeStruct((nb, 1, bh), jnp.float32)] * 3
    return pl.pallas_call(
        body,
        grid=(nb,),
        in_specs=in_specs,
        out_specs=[pl.BlockSpec((1, 1, bh), lambda i: (i, 0, 0))] * 6,
        out_shape=out_shapes,
    )(*args)



def _latent(p, x, src, dst, ea_pad):
    e1 = _edge_lin(ea_pad, p['lin_e1_W'].T, p['lin_e1_b'])
    part1 = _gine_aggregate(x, src, dst, e1, D_NODE)
    h1 = _mlp(x, part1, p['eps1'],
              p['nn1_W1'].T, p['nn1_b1'], p['nn1_bn_g'], p['nn1_bn_b'],
              p['nn1_W2'].T, p['nn1_b2'], p['bn1_g'], p['bn1_b'])
    e2 = _edge_lin(ea_pad, p['lin_e2_W'].T, p['lin_e2_b'])
    part2 = _gine_aggregate(h1, src, dst, e2, 32)
    h2 = _mlp(h1, part2, p['eps2'],
              p['nn2_W1'].T, p['nn2_b1'], p['nn2_bn_g'], p['nn2_bn_b'],
              p['nn2_W2'].T, p['nn2_b2'], p['bn2_g'], p['bn2_b'],
              p['lin_W'].T, p['lin_b'])
    return h2


def kernel(x, edge_index, edge_attr, actor_params, value_params,
           actor_W, actor_b, critic_W, critic_b):
    pad = E_PAD - N_EDGES
    src = jnp.concatenate([edge_index[0], jnp.zeros((pad,), jnp.int32)])
    dst = jnp.concatenate([edge_index[1],
                           jnp.full((pad,), N_NODES, jnp.int32)])
    ea_pad = jnp.concatenate([edge_attr, jnp.zeros((pad, D_EDGE), jnp.float32)])

    perm = jnp.argsort(dst, stable=True)
    src = src[perm]
    dst = dst[perm]
    ea_pad = ea_pad[perm]

    hidden_a = _latent(actor_params, x, src, dst, ea_pad)
    hidden_v = _latent(value_params, x, src, dst, ea_pad)

    aw_ts = [actor_W[9 * j:9 * j + 9].T for j in range(3)]
    abs_ = [actor_b[9 * j:9 * j + 9] for j in range(3)]
    a0, a1, a2, lp, ent, val = _heads(hidden_a, hidden_v, aw_ts, abs_,
                                      critic_W.T, critic_b)
    action = jnp.stack([a0.reshape(N_NODES), a1.reshape(N_NODES),
                        a2.reshape(N_NODES)])
    return (action, lp.reshape(N_NODES), ent.reshape(N_NODES),
            val.reshape(N_NODES, 1))

# --- scband reference (transcript-rebuilt; emitter-appended) ---
"""Pipeline reference for scband-gnnagent-27797028339768 (READ-ONLY COPY).

The authoritative reference and input builder live on the scoring server;
editing this copy changes nothing except your own understanding.
"""

import jax, jax.numpy as jnp
import numpy as np

N_NODES = 10000
N_EDGES = 320000
D_NODE = 128
D_EDGE = 16
NVEC = (9, 9, 9)


def _lin_init(key, out_d, in_d):
    W = jax.random.normal(key, (out_d, in_d), dtype=jnp.float32) / np.sqrt(in_d)
    b = jnp.zeros((out_d,), dtype=jnp.float32)
    return W, b


def _latent_params(key):
    ks = jax.random.split(key, 7)
    p = {}
    p['nn1_W1'], p['nn1_b1'] = _lin_init(ks[0], 32, D_NODE)
    p['nn1_bn_g'] = jnp.ones((32,), jnp.float32); p['nn1_bn_b'] = jnp.zeros((32,), jnp.float32)
    p['nn1_W2'], p['nn1_b2'] = _lin_init(ks[1], 32, 32)
    p['lin_e1_W'], p['lin_e1_b'] = _lin_init(ks[2], D_NODE, D_EDGE)
    p['eps1'] = jnp.zeros((), jnp.float32)
    p['bn1_g'] = jnp.ones((32,), jnp.float32); p['bn1_b'] = jnp.zeros((32,), jnp.float32)
    p['nn2_W1'], p['nn2_b1'] = _lin_init(ks[3], 64, 32)
    p['nn2_bn_g'] = jnp.ones((64,), jnp.float32); p['nn2_bn_b'] = jnp.zeros((64,), jnp.float32)
    p['nn2_W2'], p['nn2_b2'] = _lin_init(ks[4], 64, 64)
    p['lin_e2_W'], p['lin_e2_b'] = _lin_init(ks[5], 32, D_EDGE)
    p['eps2'] = jnp.zeros((), jnp.float32)
    p['bn2_g'] = jnp.ones((64,), jnp.float32); p['bn2_b'] = jnp.zeros((64,), jnp.float32)
    p['lin_W'], p['lin_b'] = _lin_init(ks[6], 64, 64)
    return p


def _bn(x, g, b):
    # BatchNorm1d in training mode: batch statistics
    m = jnp.mean(x, axis=0)
    v = jnp.var(x, axis=0)
    return (x - m) / jnp.sqrt(v + 1e-5) * g + b


def _gelu(x):
    return jax.nn.gelu(x, approximate=False)


def _gine(x, src, dst, edge_attr, eps, leW, leb):
    # GINEConv: out = (1+eps)*x_i + sum_j ReLU(x_j + lin(edge_attr))
    e = edge_attr @ leW.T + leb
    msg = jax.nn.relu(x[src] + e)
    aggr = jnp.zeros_like(x).at[dst].add(msg)
    return (1.0 + eps) * x + aggr


def _latent(p, x, src, dst, edge_attr):
    h = _gine(x, src, dst, edge_attr, p['eps1'], p['lin_e1_W'], p['lin_e1_b'])
    h = h @ p['nn1_W1'].T + p['nn1_b1']
    h = _bn(h, p['nn1_bn_g'], p['nn1_bn_b'])
    h = _gelu(h)
    h = h @ p['nn1_W2'].T + p['nn1_b2']
    h = _bn(h, p['bn1_g'], p['bn1_b'])
    h = _gelu(h)
    h = _gine(h, src, dst, edge_attr, p['eps2'], p['lin_e2_W'], p['lin_e2_b'])
    h = h @ p['nn2_W1'].T + p['nn2_b1']
    h = _bn(h, p['nn2_bn_g'], p['nn2_bn_b'])
    h = _gelu(h)
    h = h @ p['nn2_W2'].T + p['nn2_b2']
    h = _bn(h, p['bn2_g'], p['bn2_b'])
    h = _gelu(h)
    return h @ p['lin_W'].T + p['lin_b']


def setup_inputs(seed: int = 0):
    key = jax.random.key(seed)
    ks = jax.random.split(key, 8)
    x = jax.random.normal(ks[0], (N_NODES, D_NODE), dtype=jnp.float32)
    edge_index = jax.random.randint(ks[1], (2, N_EDGES), 0, N_NODES)
    edge_attr = jax.random.normal(ks[2], (N_EDGES, D_EDGE), dtype=jnp.float32)
    actor_params = _latent_params(ks[3])
    value_params = _latent_params(ks[4])
    actor_W, actor_b = _lin_init(ks[5], int(sum(NVEC)), 64)
    actor_W = actor_W * 0.01
    critic_W, critic_b = _lin_init(ks[6], 1, 64)
    return {'x': x, 'edge_index': edge_index, 'edge_attr': edge_attr,
            'actor_params': actor_params, 'value_params': value_params,
            'actor_W': actor_W, 'actor_b': actor_b,
            'critic_W': critic_W, 'critic_b': critic_b}


def reference(x, edge_index, edge_attr, actor_params, value_params, actor_W, actor_b, critic_W, critic_b):
    # GNNAgent.get_action_and_value with action=None, use_mode=True (deterministic mode)
    src = edge_index[0]
    dst = edge_index[1]
    hidden = _latent(actor_params, x, src, dst, edge_attr)
    logits = hidden @ actor_W.T + actor_b
    split_pts = np.cumsum(np.array(NVEC))[:-1].tolist()
    parts = jnp.split(logits, split_pts, axis=-1)
    actions = []
    log_prob = jnp.zeros((x.shape[0],), jnp.float32)
    entropy = jnp.zeros((x.shape[0],), jnp.float32)
    for l in parts:
        logp = jax.nn.log_softmax(l, axis=-1)
        a = jnp.argmax(l, axis=-1)
        actions.append(a)
        log_prob = log_prob + jnp.take_along_axis(logp, a[:, None], axis=-1)[:, 0]
        p = jnp.exp(logp)
        entropy = entropy + (-(p * logp).sum(axis=-1))
    action = jnp.stack(actions)
    value_hidden = _latent(value_params, x, src, dst, edge_attr)
    values = value_hidden @ critic_W.T + critic_b
    return (action, log_prob, entropy, values)

if __name__ == "__main__":
    import jax
    _d = setup_inputs()
    print(jax.jit(kernel)(*tuple(_d.values())))

</pallas_src>

<mosaic_0001>
module attributes {stable_mosaic.version = 14 : i64} {
  func.func @body(%arg0: i32, %arg1: memref<2000x64xf32, #tpu.memory_space<vmem>>, %arg2: memref<2000x64xf32, #tpu.memory_space<vmem>>, %arg3: memref<64x9xf32, #tpu.memory_space<vmem>>, %arg4: memref<64x9xf32, #tpu.memory_space<vmem>>, %arg5: memref<64x9xf32, #tpu.memory_space<vmem>>, %arg6: memref<1x9xf32, #tpu.memory_space<vmem>>, %arg7: memref<1x9xf32, #tpu.memory_space<vmem>>, %arg8: memref<1x9xf32, #tpu.memory_space<vmem>>, %arg9: memref<64x1xf32, #tpu.memory_space<vmem>>, %arg10: memref<1x1xf32, #tpu.memory_space<vmem>>, %arg11: memref<1x1x2000xi32, #tpu.memory_space<vmem>>, %arg12: memref<1x1x2000xi32, #tpu.memory_space<vmem>>, %arg13: memref<1x1x2000xi32, #tpu.memory_space<vmem>>, %arg14: memref<1x1x2000xf32, #tpu.memory_space<vmem>>, %arg15: memref<1x1x2000xf32, #tpu.memory_space<vmem>>, %arg16: memref<1x1x2000xf32, #tpu.memory_space<vmem>>) attributes {dimension_semantics = [#tpu.dimension_semantics<arbitrary>], iteration_bounds = array<i64: 5>, scalar_prefetch = 0 : i64, scratch_operands = 0 : i64, tpu.core_type = #tpu.core_type<tc>, window_params = [{transform_indices = @transform_0, window_bounds = array<i64: 2000, 64>}, {transform_indices = @transform_1, window_bounds = array<i64: 2000, 64>}, {pipeline_mode = #tpu.pipeline_mode<synchronous>, transform_indices = @transform_2, window_bounds = array<i64: 64, 9>}, {pipeline_mode = #tpu.pipeline_mode<synchronous>, transform_indices = @transform_3, window_bounds = array<i64: 64, 9>}, {pipeline_mode = #tpu.pipeline_mode<synchronous>, transform_indices = @transform_4, window_bounds = array<i64: 64, 9>}, {pipeline_mode = #tpu.pipeline_mode<synchronous>, transform_indices = @transform_5, window_bounds = array<i64: 1, 9>}, {pipeline_mode = #tpu.pipeline_mode<synchronous>, transform_indices = @transform_6, window_bounds = array<i64: 1, 9>}, {pipeline_mode = #tpu.pipeline_mode<synchronous>, transform_indices = @transform_7, window_bounds = array<i64: 1, 9>}, {pipeline_mode = #tpu.pipeline_mode<synchronous>, transform_indices = @transform_8, window_bounds = array<i64: 64, 1>}, {pipeline_mode = #tpu.pipeline_mode<synchronous>, transform_indices = @transform_9, window_bounds = array<i64: 1, 1>}, {transform_indices = @transform_10, window_bounds = array<i64: 1, 1, 2000>}, {transform_indices = @transform_11, window_bounds = array<i64: 1, 1, 2000>}, {transform_indices = @transform_12, window_bounds = array<i64: 1, 1, 2000>}, {transform_indices = @transform_13, window_bounds = array<i64: 1, 1, 2000>}, {transform_indices = @transform_14, window_bounds = array<i64: 1, 1, 2000>}, {transform_indices = @transform_15, window_bounds = array<i64: 1, 1, 2000>}]} {
    %get3A = arith.constant 0 : index
    %get3A_0 = arith.constant 0 : index
    %get3A_1 = vector.load %arg1[%get3A, %get3A_0] : memref<2000x64xf32, #tpu.memory_space<vmem>>, vector<2000x64xf32>
    %broadcast_in_dim3A = arith.constant 0.000000e+00 : f32
    %broadcast_in_dim3A_2 = vector.broadcast %broadcast_in_dim3A : f32 to vector<2000xf32>
    %broadcast_in_dim3A_3 = arith.constant 0.000000e+00 : f32
    %broadcast_in_dim3A_4 = vector.broadcast %broadcast_in_dim3A_3 : f32 to vector<2000xf32>
    %get3A_5 = arith.constant 0 : index
    %get3A_6 = arith.constant 0 : index
    %get3A_7 = vector.load %arg3[%get3A_5, %get3A_6] : memref<64x9xf32, #tpu.memory_space<vmem>>, vector<64x9xf32>
    %dot_general3A = arith.constant dense<0.000000e+00> : vector<2000x9xf32>
    %dot_general3A_8 = tpu.matmul %get3A_1, %get3A_7, %dot_general3A {dimension_numbers = #tpu.dot_dimension_numbers<[1], [0], [0], [1], [0, 0, 1, 1], [], []>, transpose_lhs_hint = false} : vector<2000x64xf32>, vector<64x9xf32>, vector<2000x9xf32> -> vector<2000x9xf32>
    %get3A_9 = arith.constant 0 : index
    %get3A_10 = arith.constant 0 : index
    %get3A_11 = vector.load %arg6[%get3A_9, %get3A_10] : memref<1x9xf32, #tpu.memory_space<vmem>>, vector<1x9xf32>
    %add3A = vector.broadcast %get3A_11 : vector<1x9xf32> to vector<2000x9xf32>
    %add3A_12 = arith.addf %dot_general3A_8, %add3A : vector<2000x9xf32>
    %reduce_max3A = arith.constant dense<0xFF800000> : vector<2000xf32>
    %reduce_max3A_13 = vector.multi_reduction <maximumf>, %add3A_12, %reduce_max3A [1] : vector<2000x9xf32> to vector<2000xf32>
    %broadcast_in_dim3A_14 = vector.shape_cast %reduce_max3A_13 : vector<2000xf32> to vector<2000x1xf32>
    %sub3A = vector.broadcast %broadcast_in_dim3A_14 : vector<2000x1xf32> to vector<2000x9xf32>
    %sub3A_15 = arith.subf %add3A_12, %sub3A : vector<2000x9xf32>
    %exp3A = math.exp %sub3A_15 : vector<2000x9xf32>
    %reduce_sum3A = arith.constant dense<0.000000e+00> : vector<2000xf32>
    %reduce_sum3A_16 = vector.multi_reduction <add>, %exp3A, %reduce_sum3A [1] : vector<2000x9xf32> to vector<2000xf32>
    %broadcast_in_dim3A_17 = vector.shape_cast %reduce_sum3A_16 : vector<2000xf32> to vector<2000x1xf32>
    %log3A = math.log %broadcast_in_dim3A_17 : vector<2000x1xf32>
    %sub3A_18 = vector.broadcast %log3A : vector<2000x1xf32> to vector<2000x9xf32>
    %sub3A_19 = arith.subf %sub3A_15, %sub3A_18 : vector<2000x9xf32>
    %iota3A = tpu.iota {dimensions = array<i32: 1>} : vector<2000x9xi32>
    %eq3A = vector.broadcast %broadcast_in_dim3A_14 : vector<2000x1xf32> to vector<2000x9xf32>
    %eq3A_20 = arith.cmpf oeq, %add3A_12, %eq3A : vector<2000x9xf32>
    %jit3A = arith.constant 9 : i32
    %broadcast_in_dim3A_21 = vector.broadcast %jit3A : i32 to vector<2000x9xi32>
    %select_n3A = arith.select %eq3A_20, %iota3A, %broadcast_in_dim3A_21 : vector<2000x9xi1>, vector<2000x9xi32>
    %reduce_min3A = arith.constant dense<2147483647> : vector<2000xi32>
    %reduce_min3A_22 = vector.multi_reduction <minsi>, %select_n3A, %reduce_min3A [1] : vector<2000x9xi32> to vector<2000xi32>
    %broadcast_in_dim3A_23 = vector.shape_cast %reduce_min3A_22 : vector<2000xi32> to vector<1x1x2000xi32>
    %swap3A = arith.constant 0 : index
    %swap3A_24 = arith.constant 0 : index
    %swap3A_25 = arith.constant 0 : index
    %swap3A_26 = vector.load %arg11[%swap3A, %swap3A_24, %swap3A_25] : memref<1x1x2000xi32, #tpu.memory_space<vmem>>, vector<1x1x2000xi32>
    tpu.vector_store %arg11[%swap3A, %swap3A_24, %swap3A_25], %broadcast_in_dim3A_23 {strides = array<i32>} : memref<1x1x2000xi32, #tpu.memory_space<vmem>>, vector<1x1x2000xi32>,
    %broadcast_in_dim3A_27 = vector.shape_cast %reduce_min3A_22 : vector<2000xi32> to vector<2000x1xi32>
    %eq3A_28 = vector.broadcast %broadcast_in_dim3A_27 : vector<2000x1xi32> to vector<2000x9xi32>
    %eq3A_29 = arith.cmpi eq, %iota3A, %eq3A_28 : vector<2000x9xi32>
    %jit3A_30 = arith.constant 0.000000e+00 : f32
    %broadcast_in_dim3A_31 = vector.broadcast %jit3A_30 : f32 to vector<2000x9xf32>
    %select_n3A_32 = arith.select %eq3A_29, %sub3A_19, %broadcast_in_dim3A_31 : vector<2000x9xi1>, vector<2000x9xf32>
    %reduce_sum3A_33 = arith.constant dense<0.000000e+00> : vector<2000xf32>
    %reduce_sum3A_34 = vector.multi_reduction <add>, %select_n3A_32, %reduce_sum3A_33 [1] : vector<2000x9xf32> to vector<2000xf32>
    %add3A_35 = arith.addf %broadcast_in_dim3A_2, %reduce_sum3A_34 : vector<2000xf32>
    %exp3A_36 = math.exp %sub3A_19 : vector<2000x9xf32>
    %mul3A = arith.mulf %exp3A_36, %sub3A_19 : vector<2000x9xf32>
    %reduce_sum3A_37 = arith.constant dense<0.000000e+00> : vector<2000xf32>
    %reduce_sum3A_38 = vector.multi_reduction <add>, %mul3A, %reduce_sum3A_37 [1] : vector<2000x9xf32> to vector<2000xf32>
    %sub3A_39 = arith.subf %broadcast_in_dim3A_4, %reduce_sum3A_38 : vector<2000xf32>
    %get3A_40 = arith.constant 0 : index
    %get3A_41 = arith.constant 0 : index
    %get3A_42 = vector.load %arg4[%get3A_40, %get3A_41] : memref<64x9xf32, #tpu.memory_space<vmem>>, vector<64x9xf32>
    %dot_general3A_43 = arith.constant dense<0.000000e+00> : vector<2000x9xf32>
    %dot_general3A_44 = tpu.matmul %get3A_1, %get3A_42, %dot_general3A_43 {dimension_numbers = #tpu.dot_dimension_numbers<[1], [0], [0], [1], [0, 0, 1, 1], [], []>, transpose_lhs_hint = false} : vector<2000x64xf32>, vector<64x9xf32>, vector<2000x9xf32> -> vector<2000x9xf32>
    %get3A_45 = arith.constant 0 : index
    %get3A_46 = arith.constant 0 : index
    %get3A_47 = vector.load %arg7[%get3A_45, %get3A_46] : memref<1x9xf32, #tpu.memory_space<vmem>>, vector<1x9xf32>
    %add3A_48 = vector.broadcast %get3A_47 : vector<1x9xf32> to vector<2000x9xf32>
    %add3A_49 = arith.addf %dot_general3A_44, %add3A_48 : vector<2000x9xf32>
    %reduce_max3A_50 = arith.constant dense<0xFF800000> : vector<2000xf32>
    %reduce_max3A_51 = vector.multi_reduction <maximumf>, %add3A_49, %reduce_max3A_50 [1] : vector<2000x9xf32> to vector<2000xf32>
    %broadcast_in_dim3A_52 = vector.shape_cast %reduce_max3A_51 : vector<2000xf32> to vector<2000x1xf32>
    %sub3A_53 = vector.broadcast %broadcast_in_dim3A_52 : vector<2000x1xf32> to vector<2000x9xf32>
    %sub3A_54 = arith.subf %add3A_49, %sub3A_53 : vector<2000x9xf32>
    %exp3A_55 = math.exp %sub3A_54 : vector<2000x9xf32>
    %reduce_sum3A_56 = arith.constant dense<0.000000e+00> : vector<2000xf32>
    %reduce_sum3A_57 = vector.multi_reduction <add>, %exp3A_55, %reduce_sum3A_56 [1] : vector<2000x9xf32> to vector<2000xf32>
    %broadcast_in_dim3A_58 = vector.shape_cast %reduce_sum3A_57 : vector<2000xf32> to vector<2000x1xf32>
    %log3A_59 = math.log %broadcast_in_dim3A_58 : vector<2000x1xf32>
    %sub3A_60 = vector.broadcast %log3A_59 : vector<2000x1xf32> to vector<2000x9xf32>
    %sub3A_61 = arith.subf %sub3A_54, %sub3A_60 : vector<2000x9xf32>
    %iota3A_62 = tpu.iota {dimensions = array<i32: 1>} : vector<2000x9xi32>
    %eq3A_63 = vector.broadcast %broadcast_in_dim3A_52 : vector<2000x1xf32> to vector<2000x9xf32>
    %eq3A_64 = arith.cmpf oeq, %add3A_49, %eq3A_63 : vector<2000x9xf32>
    %jit3A_65 = arith.constant 9 : i32
    %broadcast_in_dim3A_66 = vector.broadcast %jit3A_65 : i32 to vector<2000x9xi32>
    %select_n3A_67 = arith.select %eq3A_64, %iota3A_62, %broadcast_in_dim3A_66 : vector<2000x9xi1>, vector<2000x9xi32>
    %reduce_min3A_68 = arith.constant dense<2147483647> : vector<2000xi32>
    %reduce_min3A_69 = vector.multi_reduction <minsi>, %select_n3A_67, %reduce_min3A_68 [1] : vector<2000x9xi32> to vector<2000xi32>
    %broadcast_in_dim3A_70 = vector.shape_cast %reduce_min3A_69 : vector<2000xi32> to vector<1x1x2000xi32>
    %swap3A_71 = arith.constant 0 : index
    %swap3A_72 = arith.constant 0 : index
    %swap3A_73 = arith.constant 0 : index
    %swap3A_74 = vector.load %arg12[%swap3A_71, %swap3A_72, %swap3A_73] : memref<1x1x2000xi32, #tpu.memory_space<vmem>>, vector<1x1x2000xi32>
    tpu.vector_store %arg12[%swap3A_71, %swap3A_72, %swap3A_73], %broadcast_in_dim3A_70 {strides = array<i32>} : memref<1x1x2000xi32, #tpu.memory_space<vmem>>, vector<1x1x2000xi32>,
    %broadcast_in_dim3A_75 = vector.shape_cast %reduce_min3A_69 : vector<2000xi32> to vector<2000x1xi32>
    %eq3A_76 = vector.broadcast %broadcast_in_dim3A_75 : vector<2000x1xi32> to vector<2000x9xi32>
    %eq3A_77 = arith.cmpi eq, %iota3A_62, %eq3A_76 : vector<2000x9xi32>
    %jit3A_78 = arith.constant 0.000000e+00 : f32
    %broadcast_in_dim3A_79 = vector.broadcast %jit3A_78 : f32 to vector<2000x9xf32>
    %select_n3A_80 = arith.select %eq3A_77, %sub3A_61, %broadcast_in_dim3A_79 : vector<2000x9xi1>, vector<2000x9xf32>
    %reduce_sum3A_81 = arith.constant dense<0.000000e+00> : vector<2000xf32>
    %reduce_sum3A_82 = vector.multi_reduction <add>, %select_n3A_80, %reduce_sum3A_81 [1] : vector<2000x9xf32> to vector<2000xf32>
    %add3A_83 = arith.addf %add3A_35, %reduce_sum3A_82 : vector<2000xf32>
    %exp3A_84 = math.exp %sub3A_61 : vector<2000x9xf32>
    %mul3A_85 = arith.mulf %exp3A_84, %sub3A_61 : vector<2000x9xf32>
    %reduce_sum3A_86 = arith.constant dense<0.000000e+00> : vector<2000xf32>
    %reduce_sum3A_87 = vector.multi_reduction <add>, %mul3A_85, %reduce_sum3A_86 [1] : vector<2000x9xf32> to vector<2000xf32>
    %sub3A_88 = arith.subf %sub3A_39, %reduce_sum3A_87 : vector<2000xf32>
    %get3A_89 = arith.constant 0 : index
    %get3A_90 = arith.constant 0 : index
    %get3A_91 = vector.load %arg5[%get3A_89, %get3A_90] : memref<64x9xf32, #tpu.memory_space<vmem>>, vector<64x9xf32>
    %dot_general3A_92 = arith.constant dense<0.000000e+00> : vector<2000x9xf32>
    %dot_general3A_93 = tpu.matmul %get3A_1, %get3A_91, %dot_general3A_92 {dimension_numbers = #tpu.dot_dimension_numbers<[1], [0], [0], [1], [0, 0, 1, 1], [], []>, transpose_lhs_hint = false} : vector<2000x64xf32>, vector<64x9xf32>, vector<2000x9xf32> -> vector<2000x9xf32>
    %get3A_94 = arith.constant 0 : index
    %get3A_95 = arith.constant 0 : index
    %get3A_96 = vector.load %arg8[%get3A_94, %get3A_95] : memref<1x9xf32, #tpu.memory_space<vmem>>, vector<1x9xf32>
    %add3A_97 = vector.broadcast %get3A_96 : vector<1x9xf32> to vector<2000x9xf32>
    %add3A_98 = arith.addf %dot_general3A_93, %add3A_97 : vector<2000x9xf32>
    %reduce_max3A_99 = arith.constant dense<0xFF800000> : vector<2000xf32>
    %reduce_max3A_100 = vector.multi_reduction <maximumf>, %add3A_98, %reduce_max3A_99 [1] : vector<2000x9xf32> to vector<2000xf32>
    %broadcast_in_dim3A_101 = vector.shape_cast %reduce_max3A_100 : vector<2000xf32> to vector<2000x1xf32>
    %sub3A_102 = vector.broadcast %broadcast_in_dim3A_101 : vector<2000x1xf32> to vector<2000x9xf32>
    %sub3A_103 = arith.subf %add3A_98, %sub3A_102 : vector<2000x9xf32>
    %exp3A_104 = math.exp %sub3A_103 : vector<2000x9xf32>
    %reduce_sum3A_105 = arith.constant dense<0.000000e+00> : vector<2000xf32>
    %reduce_sum3A_106 = vector.multi_reduction <add>, %exp3A_104, %reduce_sum3A_105 [1] : vector<2000x9xf32> to vector<2000xf32>
    %broadcast_in_dim3A_107 = vector.shape_cast %reduce_sum3A_106 : vector<2000xf32> to vector<2000x1xf32>
    %log3A_108 = math.log %broadcast_in_dim3A_107 : vector<2000x1xf32>
    %sub3A_109 = vector.broadcast %log3A_108 : vector<2000x1xf32> to vector<2000x9xf32>
    %sub3A_110 = arith.subf %sub3A_103, %sub3A_109 : vector<2000x9xf32>
    %iota3A_111 = tpu.iota {dimensions = array<i32: 1>} : vector<2000x9xi32>
    %eq3A_112 = vector.broadcast %broadcast_in_dim3A_101 : vector<2000x1xf32> to vector<2000x9xf32>
    %eq3A_113 = arith.cmpf oeq, %add3A_98, %eq3A_112 : vector<2000x9xf32>
    %jit3A_114 = arith.constant 9 : i32
    %broadcast_in_dim3A_115 = vector.broadcast %jit3A_114 : i32 to vector<2000x9xi32>
    %select_n3A_116 = arith.select %eq3A_113, %iota3A_111, %broadcast_in_dim3A_115 : vector<2000x9xi1>, vector<2000x9xi32>
    %reduce_min3A_117 = arith.constant dense<2147483647> : vector<2000xi32>
    %reduce_min3A_118 = vector.multi_reduction <minsi>, %select_n3A_116, %reduce_min3A_117 [1] : vector<2000x9xi32> to vector<2000xi32>
    %broadcast_in_dim3A_119 = vector.shape_cast %reduce_min3A_118 : vector<2000xi32> to vector<1x1x2000xi32>
    %swap3A_120 = arith.constant 0 : index
    %swap3A_121 = arith.constant 0 : index
    %swap3A_122 = arith.constant 0 : index
    %swap3A_123 = vector.load %arg13[%swap3A_120, %swap3A_121, %swap3A_122] : memref<1x1x2000xi32, #tpu.memory_space<vmem>>, vector<1x1x2000xi32>
    tpu.vector_store %arg13[%swap3A_120, %swap3A_121, %swap3A_122], %broadcast_in_dim3A_119 {strides = array<i32>} : memref<1x1x2000xi32, #tpu.memory_space<vmem>>, vector<1x1x2000xi32>,
    %broadcast_in_dim3A_124 = vector.shape_cast %reduce_min3A_118 : vector<2000xi32> to vector<2000x1xi32>
    %eq3A_125 = vector.broadcast %broadcast_in_dim3A_124 : vector<2000x1xi32> to vector<2000x9xi32>
    %eq3A_126 = arith.cmpi eq, %iota3A_111, %eq3A_125 : vector<2000x9xi32>
    %jit3A_127 = arith.constant 0.000000e+00 : f32
    %broadcast_in_dim3A_128 = vector.broadcast %jit3A_127 : f32 to vector<2000x9xf32>
    %select_n3A_129 = arith.select %eq3A_126, %sub3A_110, %broadcast_in_dim3A_128 : vector<2000x9xi1>, vector<2000x9xf32>
    %reduce_sum3A_130 = arith.constant dense<0.000000e+00> : vector<2000xf32>
    %reduce_sum3A_131 = vector.multi_reduction <add>, %select_n3A_129, %reduce_sum3A_130 [1] : vector<2000x9xf32> to vector<2000xf32>
    %add3A_132 = arith.addf %add3A_83, %reduce_sum3A_131 : vector<2000xf32>
    %exp3A_133 = math.exp %sub3A_110 : vector<2000x9xf32>
    %mul3A_134 = arith.mulf %exp3A_133, %sub3A_110 : vector<2000x9xf32>
    %reduce_sum3A_135 = arith.constant dense<0.000000e+00> : vector<2000xf32>
    %reduce_sum3A_136 = vector.multi_reduction <add>, %mul3A_134, %reduce_sum3A_135 [1] : vector<2000x9xf32> to vector<2000xf32>
    %sub3A_137 = arith.subf %sub3A_88, %reduce_sum3A_136 : vector<2000xf32>
    %broadcast_in_dim3A_138 = vector.shape_cast %add3A_132 : vector<2000xf32> to vector<1x1x2000xf32>
    %swap3A_139 = arith.constant 0 : index
    %swap3A_140 = arith.constant 0 : index
    %swap3A_141 = arith.constant 0 : index
    %swap3A_142 = vector.load %arg14[%swap3A_139, %swap3A_140, %swap3A_141] : memref<1x1x2000xf32, #tpu.memory_space<vmem>>, vector<1x1x2000xf32>
    tpu.vector_store %arg14[%swap3A_139, %swap3A_140, %swap3A_141], %broadcast_in_dim3A_138 {strides = array<i32>} : memref<1x1x2000xf32, #tpu.memory_space<vmem>>, vector<1x1x2000xf32>,
    %broadcast_in_dim3A_143 = vector.shape_cast %sub3A_137 : vector<2000xf32> to vector<1x1x2000xf32>
    %swap3A_144 = arith.constant 0 : index
    %swap3A_145 = arith.constant 0 : index
    %swap3A_146 = arith.constant 0 : index
    %swap3A_147 = vector.load %arg15[%swap3A_144, %swap3A_145, %swap3A_146] : memref<1x1x2000xf32, #tpu.memory_space<vmem>>, vector<1x1x2000xf32>
    tpu.vector_store %arg15[%swap3A_144, %swap3A_145, %swap3A_146], %broadcast_in_dim3A_143 {strides = array<i32>} : memref<1x1x2000xf32, #tpu.memory_space<vmem>>, vector<1x1x2000xf32>,
    %get3A_148 = arith.constant 0 : index
    %get3A_149 = arith.constant 0 : index
    %get3A_150 = vector.load %arg2[%get3A_148, %get3A_149] : memref<2000x64xf32, #tpu.memory_space<vmem>>, vector<2000x64xf32>
    %get3A_151 = arith.constant 0 : index
    %get3A_152 = arith.constant 0 : index
    %get3A_153 = vector.load %arg9[%get3A_151, %get3A_152] : memref<64x1xf32, #tpu.memory_space<vmem>>, vector<64x1xf32>
    %dot_general3A_154 = arith.constant dense<0.000000e+00> : vector<2000x1xf32>
    %dot_general3A_155 = tpu.matmul %get3A_150, %get3A_153, %dot_general3A_154 {dimension_numbers = #tpu.dot_dimension_numbers<[1], [0], [0], [1], [0, 0, 1, 1], [], []>, transpose_lhs_hint = false} : vector<2000x64xf32>, vector<64x1xf32>, vector<2000x1xf32> -> vector<2000x1xf32>
    %get3A_156 = arith.constant 0 : index
    %get3A_157 = arith.constant 0 : index
    %get3A_158 = vector.load %arg10[%get3A_156, %get3A_157] : memref<1x1xf32, #tpu.memory_space<vmem>>, vector<1x1xf32>
    %add3A_159 = vector.broadcast %get3A_158 : vector<1x1xf32> to vector<2000x1xf32>
    %add3A_160 = arith.addf %dot_general3A_155, %add3A_159 : vector<2000x1xf32>
    %squeeze3A = vector.shape_cast %add3A_160 : vector<2000x1xf32> to vector<2000xf32>
    %broadcast_in_dim3A_161 = vector.shape_cast %squeeze3A : vector<2000xf32> to vector<1x1x2000xf32>
    %swap3A_162 = arith.constant 0 : index
    %swap3A_163 = arith.constant 0 : index
    %swap3A_164 = arith.constant 0 : index
    %swap3A_165 = vector.load %arg16[%swap3A_162, %swap3A_163, %swap3A_164] : memref<1x1x2000xf32, #tpu.memory_space<vmem>>, vector<1x1x2000xf32>
    tpu.vector_store %arg16[%swap3A_162, %swap3A_163, %swap3A_164], %broadcast_in_dim3A_161 {strides = array<i32>} : memref<1x1x2000xf32, #tpu.memory_space<vmem>>, vector<1x1x2000xf32>,
    return
  }
  func.func @transform_0(%arg0: i32) -> (i32, i32) {
    %c0_i32 = arith.constant 0 : i32
    %c0_i32_0 = arith.constant 0 : i32
    return %arg0, %c0_i32 : i32, i32
  }
  func.func @transform_1(%arg0: i32) -> (i32, i32) {
    %c0_i32 = arith.constant 0 : i32
    %c0_i32_0 = arith.constant 0 : i32
    return %arg0, %c0_i32 : i32, i32
  }
  func.func @transform_2(%arg0: i32) -> (i32, i32) {
    %c0_i32 = arith.constant 0 : i32
    %c0_i32_0 = arith.constant 0 : i32
    %c0_i32_1 = arith.constant 0 : i32
    return %c0_i32, %c0_i32_0 : i32, i32
  }
  func.func @transform_3(%arg0: i32) -> (i32, i32) {
    %c0_i32 = arith.constant 0 : i32
    %c0_i32_0 = arith.constant 0 : i32
    %c0_i32_1 = arith.constant 0 : i32
    return %c0_i32, %c0_i32_0 : i32, i32
  }
  func.func @transform_4(%arg0: i32) -> (i32, i32) {
    %c0_i32 = arith.constant 0 : i32
    %c0_i32_0 = arith.constant 0 : i32
    %c0_i32_1 = arith.constant 0 : i32
    return %c0_i32, %c0_i32_0 : i32, i32
  }
  func.func @transform_5(%arg0: i32) -> (i32, i32) {
    %c0_i32 = arith.constant 0 : i32
    %c0_i32_0 = arith.constant 0 : i32
    %c0_i32_1 = arith.constant 0 : i32
    return %c0_i32, %c0_i32_0 : i32, i32
  }
  func.func @transform_6(%arg0: i32) -> (i32, i32) {
    %c0_i32 = arith.constant 0 : i32
    %c0_i32_0 = arith.constant 0 : i32
    %c0_i32_1 = arith.constant 0 : i32
    return %c0_i32, %c0_i32_0 : i32, i32
  }
  func.func @transform_7(%arg0: i32) -> (i32, i32) {
    %c0_i32 = arith.constant 0 : i32
    %c0_i32_0 = arith.constant 0 : i32
    %c0_i32_1 = arith.constant 0 : i32
    return %c0_i32, %c0_i32_0 : i32, i32
  }
  func.func @transform_8(%arg0: i32) -> (i32, i32) {
    %c0_i32 = arith.constant 0 : i32
    %c0_i32_0 = arith.constant 0 : i32
    %c0_i32_1 = arith.constant 0 : i32
    return %c0_i32, %c0_i32_0 : i32, i32
  }
  func.func @transform_9(%arg0: i32) -> (i32, i32) {
    %c0_i32 = arith.constant 0 : i32
    %c0_i32_0 = arith.constant 0 : i32
    %c0_i32_1 = arith.constant 0 : i32
    return %c0_i32, %c0_i32_0 : i32, i32
  }
  func.func @transform_10(%arg0: i32) -> (i32, i32, i32) {
    %c0_i32 = arith.constant 0 : i32
    %c0_i32_0 = arith.constant 0 : i32
    %c0_i32_1 = arith.constant 0 : i32
    return %arg0, %c0_i32, %c0_i32_0 : i32, i32, i32
  }
  func.func @transform_11(%arg0: i32) -> (i32, i32, i32) {
    %c0_i32 = arith.constant 0 : i32
    %c0_i32_0 = arith.constant 0 : i32
    %c0_i32_1 = arith.constant 0 : i32
    return %arg0, %c0_i32, %c0_i32_0 : i32, i32, i32
  }
  func.func @transform_12(%arg0: i32) -> (i32, i32, i32) {
    %c0_i32 = arith.constant 0 : i32
    %c0_i32_0 = arith.constant 0 : i32
    %c0_i32_1 = arith.constant 0 : i32
    return %arg0, %c0_i32, %c0_i32_0 : i32, i32, i32
  }
  func.func @transform_13(%arg0: i32) -> (i32, i32, i32) {
    %c0_i32 = arith.constant 0 : i32
    %c0_i32_0 = arith.constant 0 : i32
    %c0_i32_1 = arith.constant 0 : i32
    return %arg0, %c0_i32, %c0_i32_0 : i32, i32, i32
  }
  func.func @transform_14(%arg0: i32) -> (i32, i32, i32) {
    %c0_i32 = arith.constant 0 : i32
    %c0_i32_0 = arith.constant 0 : i32
    %c0_i32_1 = arith.constant 0 : i32
    return %arg0, %c0_i32, %c0_i32_0 : i32, i32, i32
  }
  func.func @transform_15(%arg0: i32) -> (i32, i32, i32) {
    %c0_i32 = arith.constant 0 : i32
    %c0_i32_0 = arith.constant 0 : i32
    %c0_i32_1 = arith.constant 0 : i32
    return %arg0, %c0_i32, %c0_i32_0 : i32, i32, i32
  }
}

</mosaic_0001>

<sc_bundles>
// kernel: gather_offload_async_start.1
scs
__scs_entry_jumppad:
0x0: {  	(pc) =	sbr.rel $0x88, $3  }
0x1: {  	(tag) =	ssettag $0x0;
	lr =	simm.s32 $0x1  }
0x2: {  	[smem:$0x3F6A] =	sst lr;
	_ =	strace $0xD0000000  }
0x3: {  	_ = 	snop  }
0x4: {  	_ = 	snop  }
0x5: {  	_ = 	snop  }
0x6: {  	_ = 	snop  }
0x7: {  	_ = 	snop  }
__scs_overlays_trampoline_lowered:
0x8: {  	[smem:$0x3F79] =	sst s0  }
0x9: {  	[smem:$0x3F7A] =	sst s1  }
0xa: {  	[smem:$0x3F7B] =	sst s2  }
0xb: {  	[smem:$0x3F7C] =	sst s3  }
0xc: {  	[smem:$0x3F7D] =	sst s4  }
0xd: {  	[smem:$0x3F7E] =	sst s5  }
0xe: {  	[smem:$0x3F7F] =	sst s6  }
0xf: {  	[smem:$0x3F80] =	sst s7  }
0x10: {  	[smem:$0x3F81] =	sst s8  }
0x11: {  	[smem:$0x3F82] =	sst s9;
	s0 =	simm.s32 @!p0 $0x0  }
0x12: {  	s1 =	sld [smem:$0x3F68];
	s0 =	simm.s32 @p0 $0x1  }
0x13: {  	[smem:$0x3F83] =	sst s0;
	s0 =	simm.s32 @!p1 $0x0  }
0x14: {  	s2 =	sld [smem:$0x3F67];
	s0 =	simm.s32 @p1 $0x1  }
0x15: {  	[smem:$0x3F84] =	sst s0;
	s0 =	simm.s32 @!p2 $0x0  }
0x16: {  	s3 =	sld [smem:$0x3FDB];
	s0 =	simm.s32 @p2 $0x1  }
0x17: {  	s4 =	simm.s32 $0x1BF5;
	[smem:$0x3F86] =	sst s0  }
0x18: {  	s0 =	sld [smem:$0x3F69];
	_ =	swait.ge [sflag:s4], $0x0  }
0x19: {  	s7 =	sld [smem:$0x3F6A]  }
0x1a: {  	s8 =	sadd.s32 $0xFFFFE003, lr  }
0x1b: {  	s9 =	sadd.s32 $0xFFFFFEF7, lr;
	s5 =	simm.s32 $0xFFFFFFFF;
	p2 =	slt.u32 s8, $0xFFFFF086  }
0x1c: {  	p1 =	slt.u32 s9, $0xF7A;
	s5 =	simm.s32 @!p2 $0x0  }
0x1d: {  	s5 =	simm.s32 @p1 $0x1;
	p0 =	seq.s32 s7, s2  }
0x1e: {  	s7 =	smul.u32 @!p0 $0xF7A, s2;
	p2 =	seq.s32 @!p0 s5, $0x0  }
0x1f: {  	s9 =	smul.u32 $0xF7A, s1;
	s8 =	simm.s32 @!p0 $0x1BF5;
	p2 =	por !p2, p0  }
0x20: {  	[sflag:s8] =	ssyncset.s32 @!p0 $0xFFFFF086;
	s6 =	sadd.s32 @!p0 s3, s7;
	s7 =	simm.s32 @!p0 $0x108  }
0x21: {  	s3 =	sadd.s32 s3, s9;
	s6 =	sadd.s32 @!p0 $0x88, s6;
	s7 =	simm.s32 @p2 $0x1082  }
0x22: {  	[simem:s7], [sflag:s8] =	dma.local @!p0 [hbm:s6], $0xF7A  }
0x23: {  	s9 =	sor.u32 $0xD0000000, s2;
	s6 =	simm.s32 $0x108;
	_ =	swait.ge @!p0 [sflag:s8], $0x0  }
0x24: {  	s3 =	sadd.s32 $0x88, s3;
	s6 =	simm.s32 @!p1 $0x1082;
	[sflag:s4] =	ssyncset.s32 $0xFFFFF086  }
0x25: {  	[simem:s6], [sflag:s4] =	dma.local [hbm:s3], $0xF7A  }
0x26: {  	[smem:$0x3F6A] =	sst s1;
	(tag) =	ssettag s2;
	_ =	strace s9  }
0x27: {  	s1 =	sld [smem:$0x3F7A]  }
0x28: {  	s2 =	sld [smem:$0x3F7B]  }
0x29: {  	s4 =	sld [smem:$0x3F7D]  }
0x2a: {  	p0 =	seq.s32 s5, $0x0;
	s5 =	sld [smem:$0x3F7E]  }
0x2b: {  	s6 =	sld [smem:$0x3F7F]  }
0x2c: {  	s7 =	sld [smem:$0x3F80]  }
0x2d: {  	s3 =	simm.s32 $0x108;
	s8 =	sld [smem:$0x3F81]  }
0x2e: {  	s3 =	simm.s32 @!p0 $0x1082;
	s9 =	sld [smem:$0x3F82]  }
0x2f: {  	lr =	sadd.s32 s0, s3;
	s0 =	sld [smem:$0x3F79]  }
0x30: {  	s3 =	sld [smem:$0x3F7C]  }
0x31: {  	[smem:$0x3F85] =	sst s10  }
0x32: {  	s10 =	sld [smem:$0x3F83];
	_ =	sdelay $0x3  }
0x33: {  	p0 =	seq.s32 s10, $0x1;
	s10 =	sld [smem:$0x3F85];
	_ =	sdelay $0x3  }
0x34: {  	[smem:$0x3F85] =	sst s10  }
0x35: {  	s10 =	sld [smem:$0x3F84];
	_ =	sdelay $0x3  }
0x36: {  	p1 =	seq.s32 s10, $0x1;
	s10 =	sld [smem:$0x3F85];
	_ =	sdelay $0x3  }
0x37: {  	[smem:$0x3F85] =	sst s10  }
0x38: {  	s10 =	sld [smem:$0x3F86]  }
0x39: {  	_ = 	snop;
	(pc) =	sbr.ind lr, $3  }
0x3a: {  	_ = 	snop  }
0x3b: {  	_ = 	snop  }
0x3c: {  	p2 =	seq.s32 s10, $0x1;
	s10 =	sld [smem:$0x3F85]  }
0x3d: {  	_ =	shalt  }
0x3e: {  	_ =	shalt  }
0x3f: {  	_ =	shalt  }
0x40: {  	_ =	shalt  }
0x41: {  	_ =	shalt  }
0x42: {  	_ =	shalt  }
0x43: {  	_ =	shalt  }
0x44: {  	_ =	shalt  }
0x45: {  	_ =	shalt  }
0x46: {  	_ =	shalt  }
0x47: {  	_ =	shalt  }
0x48: {  	_ =	shalt  }
0x49: {  	_ =	shalt  }
0x4a: {  	_ =	shalt  }
0x4b: {  	_ =	shalt  }
0x4c: {  	_ =	shalt  }
0x4d: {  	_ =	shalt  }
0x4e: {  	_ =	shalt  }
0x4f: {  	_ =	shalt  }
0x50: {  	_ =	shalt  }
0x51: {  	_ =	shalt  }
0x52: {  	_ =	shalt  }
0x53: {  	_ =	shalt  }
0x54: {  	_ =	shalt  }
0x55: {  	_ =	shalt  }
0x56: {  	_ =	shalt  }
0x57: {  	_ =	shalt  }
0x58: {  	_ =	shalt  }
0x59: {  	_ =	shalt  }
0x5a: {  	_ =	shalt  }
0x5b: {  	_ =	shalt  }
0x5c: {  	_ =	shalt  }
0x5d: {  	_ =	shalt  }
0x5e: {  	_ =	shalt  }
0x5f: {  	_ =	shalt  }
0x60: {  	_ =	shalt  }
0x61: {  	_ =	shalt  }
0x62: {  	_ =	shalt  }
0x63: {  	_ =	shalt  }
0x64: {  	_ =	shalt  }
0x65: {  	_ =	shalt  }
0x66: {  	_ =	shalt  }
0x67: {  	_ =	shalt  }
0x68: {  	_ =	shalt  }
0x69: {  	_ =	shalt  }
0x6a: {  	_ =	shalt  }
0x6b: {  	_ =	shalt  }
0x6c: {  	_ =	shalt  }
0x6d: {  	_ =	shalt  }
0x6e: {  	_ =	shalt  }
0x6f: {  	_ =	shalt  }
0x70: {  	_ =	shalt  }
0x71: {  	_ =	shalt  }
0x72: {  	_ =	shalt  }
0x73: {  	_ =	shalt  }
0x74: {  	_ =	shalt  }
0x75: {  	_ =	shalt  }
0x76: {  	_ =	shalt  }
0x77: {  	_ =	shalt  }
0x78: {  	_ =	shalt  }
0x79: {  	_ =	shalt  }
0x7a: {  	_ =	shalt  }
0x7b: {  	_ =	shalt  }
0x7c: {  	_ =	shalt  }
0x7d: {  	_ =	shalt  }
0x7e: {  	_ =	shalt  }
0x7f: {  	_ =	shalt  }
0x80: {  	_ =	shalt  }
0x81: {  	_ =	shalt  }
0x82: {  	_ =	shalt  }
0x83: {  	_ =	shalt  }
0x84: {  	_ =	shalt  }
0x85: {  	_ =	shalt  }
0x86: {  	_ =	shalt  }
0x87: {  	_ =	shalt  }
.Lfunc_end0:
.L_simem_size_0:
called_computation.9_lowered:
.L_overlay_start_0:
0x88: {  	s2 =	sld [smem:$0x3FD9]  }
0x89: {  	s3 =	sld [smem:$0x3FFE];
	_ =	sdelay $0x1  }
0x8a: {  	s1 =	srdreg.scid  }
0x8b: {  	s0 =	sand.u32 $0x1, s1  }
0x8c: {  	s16 =	sshll.u32 s0, $0xA;
	s2 =	sadd.s32 s3, s2  }
0x8d: {  	s2 =	sadd.s32 s2, s16  }
0x8e: {  	[smem:$0x3F91] =	sst s2  }
0x8f: {  	_ = 	snop  }
0x90: {  	(tm) =	ssettm $0x1  }
0x91: {  	s17 =	sld [smem:$0x3FFB];
	_ =	sdelay $0x3  }
0x92: {  	_ =	strace s17  }
0x93: {  	s2 =	sld [smem:$0x3FFC];
	_ =	sdelay $0x3  }
0x94: {  	_ =	strace s2  }
0x95: {  	s2 =	sld [smem:$0x3FFD];
	_ =	sdelay $0x3  }
0x96: {  	_ =	strace s2  }
0x97: {  	_ =	strace $0x8FFFFFFF  }
0x98: {  	s18 =	sld [smem:$0x3FDB];
	_ =	sdelay $0x1  }
0x99: {  	s19 =	simm.s32 $_scs_section_size  }
0x9a: {  	s4 =	simm.s32 $_size__tile_overlayer_lowered;
	s5 =	simm.s32 $_tile_overlayer_lowered  }
0x9b: {  	s22 =	simm.s32 $0x1BFF;
	s21 =	sshll.u32 s5, $0x1;
	s2 =	sadd.s32 s19, s18  }
0x9c: {  	s6 =	simm.s32 $0x0;
	s20 =	sshll.u32 s4, $0x1;
	s4 =	sadd.s32 s21, s2  }
0x9d: {  	[timem:s6], [sflag:s22] =	dma.local [hbm:s4], s20  }
0x9e: {  	_ =	swait.ge [sflag:s22], s20  }
0x9f: {  	s3 =	ssub.s32 $0x0, s20;
	[sflag:s22] =	ssyncset.done $0x0  }
0xa0: {  	[sflag:s22] =	ssyncadd.s32 s3;
	_ =	sdelay $0x1  }
0xa1: {  	s23 =	simm.s32 $0x1B8B  }
0xa2: {  	_ =	swait.ge [sflag:s23], $0x1  }
0xa3: {  	[sflag:s23] =	ssyncset.done $0x0  }
0xa4: {  	s25 =	simm.s32 $0x1B8E;
	s24 =	sld [smem:$0x3FFE];
	[sflag:s23] =	ssyncadd.s32 $0xFFFFFFFF  }
0xa5: {  	s26 =	simm.s32 $execute0_lowered;
	[smem:$0x3FD2] =	sst s25  }
0xa6: {  	s4 =	sshll.u32 s26, $0x1;
	_ =	strace $0x80000049;
	[dreg:$0x1] =	wrdreg $0xFFFFFFFF  }
0xa7: {  	s28 =	simm.s32 $_size_execute0_lowered;
	s2 =	sadd.s32 s2, s4;
	[dreg:$0x0] =	wrdreg $0x0  }
0xa8: {  	s4 =	sshll.u32 s28, $0x1;
	[dreg:$0x2] =	wrdreg s2  }
0xa9: {  	[dreg:$0x3] =	wrdreg s4  }
0xaa: {  	[dreg:$0x4] =	wrdreg $0xC0  }
0xab: {  	_ =	task [dreg:s6], $0x5FFFF  }
0xac: {  	[dreg:$0x1] =	wrdreg $0xFFFFFFFF  }
0xad: {  	[dreg:$0x0] =	wrdreg $0x60  }
0xae: {  	[dreg:$0x2] =	wrdreg s24  }
0xaf: {  	[dreg:$0x3] =	wrdreg $0x9  }
0xb0: {  	_ =	task.clear_ibuf [dreg:s6], $0x4FFFF;
	_ =	strace $0x90000049  }
0xb1: {  	s29 =	simm.s32 $0x9;
	_ =	strace $0x8000004B  }
0xb2: {  	_ =	swait.ge [sflag:s29], $0x1  }
0xb3: {  	[sflag:s29] =	ssyncadd.s32 $0xFFFFFFFF  }
0xb4: {  	_ =	strace $0x9000004B  }
0xb5: {  	_ =	sfence  }
0xb6: {  	s30 =	sld [smem:$0x0];
	_ =	sdelay $0x2  }
0xb7: {  	s31 =	sshll.u32 s1, $0xD;
	s1 =	sshrl.u32 s1, $0x2  }
0xb8: {  	s3 =	sand.u32 $0x4000, s31;
	s1 =	sadd.s32 s1, s30  }
0xb9: {  	s0 =	sor.u32 s3, s0;
	s1 =	sshll.u32 s1, $0x11  }
0xba: {  	s0 =	sor.u32 s1, s0  }
0xbb: {  	s0 =	sadd.s32 $0x8F2B, s0  }
0xbc: {  	[sflag:s0] =	ssyncadd.remote.s32 $0x1  }
0xbd: {  	_ =	sfence.sel $0xFFFF  }
0xbe: {  	[dreg:$0x0] =	wrdreg $0xFFFFFFFF;
	(pc) =	sbr.abs _section_cstart, $3  }
0xbf: {  	[dreg:$0x1] =	wrdreg $0xFFFFFFFF  }
0xc0: {  	_ =	task.clear_ibuf [dreg:s6], $0x2FFFF;
	_ =	strace $0x9FFFFFFF  }
0xc1: {  	(tm) =	ssettm $0x7FFFFFFF  }
tec
execute0_lowered:
.L_overlay_start_1:
0x0: {  	(tag) =	ssettag $0x1  }
0x1: {  	s0 =	stileid.u32;
	s1 =	srdreg.scid  }
0x2: {  	s1 =	sand.u32 $0x1, s1;
	s2 =	sshll.u32 s0, $0x1  }
0x3: {  	s1 =	sor.u32 s2, s1  }
0x4: {  	s2 =	smul.u32 $0x13C0, s1;
	_ =	sdelay $0x1  }
0x5: {  	s6 =	ssub.s32 $0x4F000, s2  }
0x6: {  	s31 =	smulhi.u32 $0x19EC9, s6  }
0x7: {  	s3 =	rddreg [dreg:$0x0];
	s5 =	simm.s32 $0x1  }
0x8: {  	s9 =	simm.s32 $0x3;
	s10 =	simm.s32 $0x0;
	s7 =	sshrl.u32 s31, $0x2  }
0x9: {  	s13 =	simm.s32 $0x0;
	s12 =	simm.s32 $0x0;
	s8 =	smul.u32 $0x27800, s7  }
.Ltmp0:
0xa: {  	s4 =	sadd.s32 $0x9E00, s3;
	s1 =	rddreg [dreg:$0x1];
	(pc) =	sbr.rel .LBB2_1-.Ltmp0, $4  }
0xb: {  	_ =	strace $0x8000004A;
	p0 =	sne.s32 s6, s8;
	s8 =	simm.s32 $0x1  }
0xc: {  	[sflag:s5] =	ssyncpa.u1 $0x0;
	s6 =	simm.s32 $0x2;
	s8 =	simm.s32 @!p0 $0x0  }
0xd: {  	s11 =	smov.u32 s2;
	[sflag:s6] =	ssyncpa.u1 $0x0;
	s7 =	sadd.s32 s8, s7  }
0xe: {  	vm0 =	vmmov $0xffff;
	s8 =	sadd.s32 $0x6CA00, s3;
	[sflag:s9] =	ssyncpa.u1 $0x0;
	s9 =	sadd.s32 $0x1, s7  }
.LBB2_4:
0xf: {  	v2 =	vnsel vm1, $0x0, v2  }
0x10: {  	vm1 =	vgt.s32 v0, $0x0;
	v2 =	vmin.u32 v2, $0x4EFFF  }
0x11: {  	v0 =	vnsel vm1, $0x0, v0  }
0x12: {  	v0 =	vmin.u32 v0, $0x4EFFF  }
0x13: {  	[tilespmem:s18], [sflag:$0x1] =	stream.indirect_vreg.gather [hbm4b:s3+s10], $0x1, v1, vm0, $0x4038;
	[tilespmem:$0x4F00] =	vst v63  }
0x14: {  	(ifvalue) =	ssetifvalue $0x7FFFFFFF  }
0x15: {  	[tilespmem:s15], [sflag:$0x1] =	stream.indirect_vreg.gather [hbm4b:s3+s10], $0x1, v2, vm0, $0x4038;
	[tilespmem:$0x4F00] =	vst v63  }
0x16: {  	s29 =	sadd.s32 $0x10, s15;
	(ifvalue) =	ssetifvalue $0x7FFFFFFF  }
0x17: {  	[tilespmem:s29], [sflag:$0x1] =	stream.indirect_vreg.gather [hbm4b:s3+s10], $0x1, v0, vm0, $0x4038;
	[tilespmem:$0x4F00] =	vst v63  }
0x18: {  	_ =	swait.ge [sflag:s5], $0x13C0  }
0x19: {  	s30 =	sshrl.u32 s13, $0x3;
	[sflag:s5] =	ssyncset.done $0x0  }
0x1a: {  	s31 =	sand.u32 $0x7, s13;
	s15 =	sadd.s32 s8, s30;
	[sflag:s5] =	ssyncadd.s32 $0xFFFFEC40  }
0x1b: {  	[hbm4b:s15+s31] =	stream.linear.scatter [tilespmem:s14], [sflag:$0x3], $0x13C0, $0x38;
	[tilespmem:$0x4F00] =	vst v63  }
.LBB2_5:
0x1c: {  	s15 =	sadd.s32 $0x27800, s11  }
0x1d: {  	p1 =	sgt.s32 s15, $0x4EFFF  }
0x1e: {  	s15 =	smov.u32 @p1 s2;
	p1 =	sne.s32 s12, s9  }
.Ltmp1:
0x1f: {  	p0 =	slt.u32 s12, $0x2;
	(pc) =	sbr.rel @!p1 .LBB2_6-.Ltmp1, $4  }
0x20: {  	s14 =	simm.s32 @!p0 $0x3  }
0x21: {  	_ =	swait.ge @!p0 [sflag:s14], $0x13C0  }
0x22: {  	s16 =	sadd.s32 $0x1, s12;
	s13 =	smov.u32 s11;
	[sflag:s14] =	ssyncset.done @!p0 $0x0  }
0x23: {  	s12 =	smov.u32 s16;
	s11 =	smov.u32 s15;
	[sflag:s14] =	ssyncadd.s32 @!p0 $0xFFFFEC40  }
.LBB2_1:
0x24: {  	p0 =	sge.u32 s12, s7  }
0x25: {  	s14 =	sxor.u32 @!p0 $0xFFFFFFFF, s12  }
0x26: {  	s14 =	sand.u32 @!p0 $0x1, s14  }
0x27: {  	s14 =	smul.u32 @!p0 $0x4F00, s14  }
0x28: {  	s31 =	sadd.s32 $0xFFFFFFFF, s12;
	s15 =	sshrl.u32 @!p0 s11, $0x3  }
0x29: {  	s16 =	sand.u32 @!p0 $0x7, s11;
	s15 =	sadd.s32 @!p0 s4, s15;
	s14 =	sshrl.u32 @!p0 s14, $0x2  }
0x2a: {  	[tilespmem:s14], [sflag:$0x2] =	stream.linear.gather @!p0 [hbm4b:s15+s16], $0x13C0, $0x38;
	[tilespmem:$0x4F00] =	vst v63  }
0x2b: {  	p0 =	sge.u32 s31, s7  }
.Ltmp2:
0x2c: {  	_ = 	snop;
	(pc) =	sbr.rel @p0 .LBB2_5-.Ltmp2, $1  }
0x2d: {  	_ =	sdelay $0x3  }
0x2e: {  	s14 =	sand.u32 $0x1, s12  }
0x2f: {  	_ =	swait.ge [sflag:s6], $0x13C0;
	p0 =	seq.s32 s14, $0x1;
	s14 =	simm.s32 $0x13C0  }
0x30: {  	[sflag:s6] =	ssyncset.done $0x0;
	s14 =	simm.s32 @!p0 $0x0  }
0x31: {  	[sflag:s6] =	ssyncadd.s32 $0xFFFFEC40;
	(ifvalue) =	ssetifvalue $0x7FFFFFFF;
	v0 =	vld.msk [tilespmem:s14+$0x0 ss:$0x1], $0xffff;
	_ =	sdelay $0x4  }
0x32: {  	s15 =	sadd.s32 $0x10, s14;
	vm1 =	vgt.s32 v0, $0x0  }
0x33: {  	v2 =	vld.msk [tilespmem:s15+$0x0 ss:$0x1], $0xffff;
	v1 =	vnsel vm1, $0x0, v0  }
0x34: {  	v1 =	vmin.u32 v1, $0x4EFFF;
	_ =	sdelay $0x2  }
0x35: {  	s17 =	simm.s32 $0x20;
	s14 =	sadd.s32 $0x2780, s14;
	s16 =	sadd.s32 $0x10, s15  }
0x36: {  	s15 =	sadd.s32 $0x10, s14;
	s18 =	smov.u32 s14;
	v0 =	vld.msk [tilespmem:s16+$0x0 ss:$0x1], $0xffff;
	vm1 =	vgt.s32 v2, $0x0;
	(ifvalue) =	ssetifvalue $0x7FFFFFFF  }
.LBB2_3:
0x37: {  	[tilespmem:s18], [sflag:$0x1] =	stream.indirect_vreg.gather [hbm4b:s3+s10], $0x1, v1, vm0, $0x4038;
	[tilespmem:$0x4F00] =	vst v63  }
0x38: {  	s17 =	sadd.s32 $0x10, s17  }
0x39: {  	v2 =	vnsel vm1, $0x0, v2;
	p0 =	slt.u32 s17, $0x13B0  }
.Ltmp3:
0x3a: {  	s18 =	smov.u32 s15;
	v1 =	vmin.u32 v2, $0x4EFFF;
	(pc) =	sbr.rel @p0 .LBB2_3-.Ltmp3, $3  }
0x3b: {  	_ =	sdelay $0x1  }
0x3c: {  	s16 =	sadd.s32 $0x10, s16  }
0x3d: {  	vm1 =	vgt.s32 v0, $0x0;
	s15 =	sadd.s32 $0x10, s15;
	v2 =	vmov v0;
	(ifvalue) =	ssetifvalue $0x7FFFFFFF;
	v0 =	vld.msk [tilespmem:s16+$0x0 ss:$0x1], $0xffff  }
.Ltmp4:
0x3e: {  	_ = 	snop;
	(pc) =	sbr.rel .LBB2_4-.Ltmp4, $1  }
0x3f: {  	_ =	sdelay $0x3  }
.LBB2_6:
0x40: {  	_ =	sfence.sel $0x180000  }
0x41: {  	s2 =	simm.s32 $0x2;
	[bflag:$0x0] =	sbarrier.arrive $0xFFFF  }
0x42: {  	s30 =	simm.s32 $0x3;
	[sflag:s2] =	ssyncpa.u1 $0x1  }
0x43: {  	s31 =	simm.s32 $0x1;
	[sflag:s30] =	ssyncpa.u1 $0x1  }
0x44: {  	[sflag:s31] =	ssyncpa.u1 $0x1  }
0x45: {  	p0 =	sne.s32 s0, $0x0;
	_ =	strace $0x9000004A  }
0x46: {  	s0 =	sadd.s32 @!p0 $0x100000, s1;
	[bflag:$0x2] =	sbarrier.arrive $0xFFFF  }
0x47: {  	[sflag:s0] =	ssyncadd.tile.s32 @!p0 $0x1;
	_ =	shalt  }
.Lfunc_end2:
_tile_overlayer_lowered:
.L_overlay_start_2:
0x48: {  	(tag) =	ssettag $0x2  }
0x49: {  	s0 =	rddreg [dreg:$0x0];
	s2 =	stileid.u32  }
0x4a: {  	s1 =	rddreg [dreg:$0x1];
	p0 =	sne.s32 s2, $0x0  }
0x4b: {  	s3 =	rddreg [dreg:$0x2];
	[bflag:$0x3] =	sbarrier.arrive $0xFFFF;
	s2 =	simm.s32 @!p0 $0x1C01  }
0x4c: {  	[timem:s3], [sflag:s2] =	dma.local @!p0 [hbm:s0], s1  }
0x4d: {  	s0 =	simm.s32 @!p0 $0x1  }
0x4e: {  	_ =	swait.ge @!p0 [sflag:s0], s1  }
0x4f: {  	s1 =	ssub.s32 @!p0 $0x0, s1;
	[sflag:s0] =	ssyncset.done @!p0 $0x0  }
0x50: {  	[sflag:s0] =	ssyncadd.s32 @!p0 s1  }
0x51: {  	[bflag:$0x3] =	sbarrier.arrive $0xFFFF  }
0x52: {  	_ =	shalt  }

// kernel: gather_offload_async_start
scs
__scs_entry_jumppad:
0x0: {  	(pc) =	sbr.rel $0x88, $3  }
0x1: {  	(tag) =	ssettag $0x0;
	lr =	simm.s32 $0x1  }
0x2: {  	[smem:$0x3F6A] =	sst lr;
	_ =	strace $0xD0000000  }
0x3: {  	_ = 	snop  }
0x4: {  	_ = 	snop  }
0x5: {  	_ = 	snop  }
0x6: {  	_ = 	snop  }
0x7: {  	_ = 	snop  }
__scs_overlays_trampoline_lowered:
0x8: {  	[smem:$0x3F79] =	sst s0  }
0x9: {  	[smem:$0x3F7A] =	sst s1  }
0xa: {  	[smem:$0x3F7B] =	sst s2  }
0xb: {  	[smem:$0x3F7C] =	sst s3  }
0xc: {  	[smem:$0x3F7D] =	sst s4  }
0xd: {  	[smem:$0x3F7E] =	sst s5  }
0xe: {  	[smem:$0x3F7F] =	sst s6  }
0xf: {  	[smem:$0x3F80] =	sst s7  }
0x10: {  	[smem:$0x3F81] =	sst s8  }
0x11: {  	[smem:$0x3F82] =	sst s9;
	s0 =	simm.s32 @!p0 $0x0  }
0x12: {  	s1 =	sld [smem:$0x3F68];
	s0 =	simm.s32 @p0 $0x1  }
0x13: {  	[smem:$0x3F83] =	sst s0;
	s0 =	simm.s32 @!p1 $0x0  }
0x14: {  	s2 =	sld [smem:$0x3F67];
	s0 =	simm.s32 @p1 $0x1  }
0x15: {  	[smem:$0x3F84] =	sst s0;
	s0 =	simm.s32 @!p2 $0x0  }
0x16: {  	s3 =	sld [smem:$0x3FDB];
	s0 =	simm.s32 @p2 $0x1  }
0x17: {  	s4 =	simm.s32 $0x1BF5;
	[smem:$0x3F86] =	sst s0  }
0x18: {  	s0 =	sld [smem:$0x3F69];
	_ =	swait.ge [sflag:s4], $0x0  }
0x19: {  	s7 =	sld [smem:$0x3F6A]  }
0x1a: {  	s8 =	sadd.s32 $0xFFFFE003, lr  }
0x1b: {  	s9 =	sadd.s32 $0xFFFFFEF7, lr;
	s5 =	simm.s32 $0xFFFFFFFF;
	p2 =	slt.u32 s8, $0xFFFFF086  }
0x1c: {  	p1 =	slt.u32 s9, $0xF7A;
	s5 =	simm.s32 @!p2 $0x0  }
0x1d: {  	s5 =	simm.s32 @p1 $0x1;
	p0 =	seq.s32 s7, s2  }
0x1e: {  	s7 =	smul.u32 @!p0 $0xF7A, s2;
	p2 =	seq.s32 @!p0 s5, $0x0  }
0x1f: {  	s9 =	smul.u32 $0xF7A, s1;
	s8 =	simm.s32 @!p0 $0x1BF5;
	p2 =	por !p2, p0  }
0x20: {  	[sflag:s8] =	ssyncset.s32 @!p0 $0xFFFFF086;
	s6 =	sadd.s32 @!p0 s3, s7;
	s7 =	simm.s32 @!p0 $0x108  }
0x21: {  	s3 =	sadd.s32 s3, s9;
	s6 =	sadd.s32 @!p0 $0x88, s6;
	s7 =	simm.s32 @p2 $0x1082  }
0x22: {  	[simem:s7], [sflag:s8] =	dma.local @!p0 [hbm:s6], $0xF7A  }
0x23: {  	s9 =	sor.u32 $0xD0000000, s2;
	s6 =	simm.s32 $0x108;
	_ =	swait.ge @!p0 [sflag:s8], $0x0  }
0x24: {  	s3 =	sadd.s32 $0x88, s3;
	s6 =	simm.s32 @!p1 $0x1082;
	[sflag:s4] =	ssyncset.s32 $0xFFFFF086  }
0x25: {  	[simem:s6], [sflag:s4] =	dma.local [hbm:s3], $0xF7A  }
0x26: {  	[smem:$0x3F6A] =	sst s1;
	(tag) =	ssettag s2;
	_ =	strace s9  }
0x27: {  	s1 =	sld [smem:$0x3F7A]  }
0x28: {  	s2 =	sld [smem:$0x3F7B]  }
0x29: {  	s4 =	sld [smem:$0x3F7D]  }
0x2a: {  	p0 =	seq.s32 s5, $0x0;
	s5 =	sld [smem:$0x3F7E]  }
0x2b: {  	s6 =	sld [smem:$0x3F7F]  }
0x2c: {  	s7 =	sld [smem:$0x3F80]  }
0x2d: {  	s3 =	simm.s32 $0x108;
	s8 =	sld [smem:$0x3F81]  }
0x2e: {  	s3 =	simm.s32 @!p0 $0x1082;
	s9 =	sld [smem:$0x3F82]  }
0x2f: {  	lr =	sadd.s32 s0, s3;
	s0 =	sld [smem:$0x3F79]  }
0x30: {  	s3 =	sld [smem:$0x3F7C]  }
0x31: {  	[smem:$0x3F85] =	sst s10  }
0x32: {  	s10 =	sld [smem:$0x3F83];
	_ =	sdelay $0x3  }
0x33: {  	p0 =	seq.s32 s10, $0x1;
	s10 =	sld [smem:$0x3F85];
	_ =	sdelay $0x3  }
0x34: {  	[smem:$0x3F85] =	sst s10  }
0x35: {  	s10 =	sld [smem:$0x3F84];
	_ =	sdelay $0x3  }
0x36: {  	p1 =	seq.s32 s10, $0x1;
	s10 =	sld [smem:$0x3F85];
	_ =	sdelay $0x3  }
0x37: {  	[smem:$0x3F85] =	sst s10  }
0x38: {  	s10 =	sld [smem:$0x3F86]  }
0x39: {  	_ = 	snop;
	(pc) =	sbr.ind lr, $3  }
0x3a: {  	_ = 	snop  }
0x3b: {  	_ = 	snop  }
0x3c: {  	p2 =	seq.s32 s10, $0x1;
	s10 =	sld [smem:$0x3F85]  }
0x3d: {  	_ =	shalt  }
0x3e: {  	_ =	shalt  }
0x3f: {  	_ =	shalt  }
0x40: {  	_ =	shalt  }
0x41: {  	_ =	shalt  }
0x42: {  	_ =	shalt  }
0x43: {  	_ =	shalt  }
0x44: {  	_ =	shalt  }
0x45: {  	_ =	shalt  }
0x46: {  	_ =	shalt  }
0x47: {  	_ =	shalt  }
0x48: {  	_ =	shalt  }
0x49: {  	_ =	shalt  }
0x4a: {  	_ =	shalt  }
0x4b: {  	_ =	shalt  }
0x4c: {  	_ =	shalt  }
0x4d: {  	_ =	shalt  }
0x4e: {  	_ =	shalt  }
0x4f: {  	_ =	shalt  }
0x50: {  	_ =	shalt  }
0x51: {  	_ =	shalt  }
0x52: {  	_ =	shalt  }
0x53: {  	_ =	shalt  }
0x54: {  	_ =	shalt  }
0x55: {  	_ =	shalt  }
0x56: {  	_ =	shalt  }
0x57: {  	_ =	shalt  }
0x58: {  	_ =	shalt  }
0x59: {  	_ =	shalt  }
0x5a: {  	_ =	shalt  }
0x5b: {  	_ =	shalt  }
0x5c: {  	_ =	shalt  }
0x5d: {  	_ =	shalt  }
0x5e: {  	_ =	shalt  }
0x5f: {  	_ =	shalt  }
0x60: {  	_ =	shalt  }
0x61: {  	_ =	shalt  }
0x62: {  	_ =	shalt  }
0x63: {  	_ =	shalt  }
0x64: {  	_ =	shalt  }
0x65: {  	_ =	shalt  }
0x66: {  	_ =	shalt  }
0x67: {  	_ =	shalt  }
0x68: {  	_ =	shalt  }
0x69: {  	_ =	shalt  }
0x6a: {  	_ =	shalt  }
0x6b: {  	_ =	shalt  }
0x6c: {  	_ =	shalt  }
0x6d: {  	_ =	shalt  }
0x6e: {  	_ =	shalt  }
0x6f: {  	_ =	shalt  }
0x70: {  	_ =	shalt  }
0x71: {  	_ =	shalt  }
0x72: {  	_ =	shalt  }
0x73: {  	_ =	shalt  }
0x74: {  	_ =	shalt  }
0x75: {  	_ =	shalt  }
0x76: {  	_ =	shalt  }
0x77: {  	_ =	shalt  }
0x78: {  	_ =	shalt  }
0x79: {  	_ =	shalt  }
0x7a: {  	_ =	shalt  }
0x7b: {  	_ =	shalt  }
0x7c: {  	_ =	shalt  }
0x7d: {  	_ =	shalt  }
0x7e: {  	_ =	shalt  }
0x7f: {  	_ =	shalt  }
0x80: {  	_ =	shalt  }
0x81: {  	_ =	shalt  }
0x82: {  	_ =	shalt  }
0x83: {  	_ =	shalt  }
0x84: {  	_ =	shalt  }
0x85: {  	_ =	shalt  }
0x86: {  	_ =	shalt  }
0x87: {  	_ =	shalt  }
.Lfunc_end0:
.L_simem_size_0:
called_computation.8_lowered:
.L_overlay_start_0:
0x88: {  	s2 =	sld [smem:$0x3FD9]  }
0x89: {  	s3 =	sld [smem:$0x3FFE];
	_ =	sdelay $0x1  }
0x8a: {  	s1 =	srdreg.scid  }
0x8b: {  	s0 =	sand.u32 $0x1, s1  }
0x8c: {  	s16 =	sshll.u32 s0, $0xA;
	s2 =	sadd.s32 s3, s2  }
0x8d: {  	s2 =	sadd.s32 s2, s16  }
0x8e: {  	[smem:$0x3F91] =	sst s2  }
0x8f: {  	_ = 	snop  }
0x90: {  	(tm) =	ssettm $0x1  }
0x91: {  	s17 =	sld [smem:$0x3FFB];
	_ =	sdelay $0x3  }
0x92: {  	_ =	strace s17  }
0x93: {  	s2 =	sld [smem:$0x3FFC];
	_ =	sdelay $0x3  }
0x94: {  	_ =	strace s2  }
0x95: {  	s2 =	sld [smem:$0x3FFD];
	_ =	sdelay $0x3  }
0x96: {  	_ =	strace s2  }
0x97: {  	_ =	strace $0x8FFFFFFF  }
0x98: {  	s18 =	sld [smem:$0x3FDB];
	_ =	sdelay $0x1  }
0x99: {  	s19 =	simm.s32 $_scs_section_size  }
0x9a: {  	s4 =	simm.s32 $_size__tile_overlayer_lowered;
	s5 =	simm.s32 $_tile_overlayer_lowered  }
0x9b: {  	s22 =	simm.s32 $0x1BFF;
	s21 =	sshll.u32 s5, $0x1;
	s2 =	sadd.s32 s19, s18  }
0x9c: {  	s6 =	simm.s32 $0x0;
	s20 =	sshll.u32 s4, $0x1;
	s4 =	sadd.s32 s21, s2  }
0x9d: {  	[timem:s6], [sflag:s22] =	dma.local [hbm:s4], s20  }
0x9e: {  	_ =	swait.ge [sflag:s22], s20  }
0x9f: {  	s3 =	ssub.s32 $0x0, s20;
	[sflag:s22] =	ssyncset.done $0x0  }
0xa0: {  	[sflag:s22] =	ssyncadd.s32 s3;
	_ =	sdelay $0x1  }
0xa1: {  	s23 =	simm.s32 $0x1B8B  }
0xa2: {  	_ =	swait.ge [sflag:s23], $0x1  }
0xa3: {  	[sflag:s23] =	ssyncset.done $0x0  }
0xa4: {  	s25 =	simm.s32 $0x1B8E;
	s24 =	sld [smem:$0x3FFE];
	[sflag:s23] =	ssyncadd.s32 $0xFFFFFFFF  }
0xa5: {  	s26 =	simm.s32 $execute0_lowered;
	[smem:$0x3FD2] =	sst s25  }
0xa6: {  	s4 =	sshll.u32 s26, $0x1;
	_ =	strace $0x80000046;
	[dreg:$0x1] =	wrdreg $0xFFFFFFFF  }
0xa7: {  	s28 =	simm.s32 $_size_execute0_lowered;
	s2 =	sadd.s32 s2, s4;
	[dreg:$0x0] =	wrdreg $0x0  }
0xa8: {  	s4 =	sshll.u32 s28, $0x1;
	[dreg:$0x2] =	wrdreg s2  }
0xa9: {  	[dreg:$0x3] =	wrdreg s4  }
0xaa: {  	[dreg:$0x4] =	wrdreg $0xC0  }
0xab: {  	_ =	task [dreg:s6], $0x5FFFF  }
0xac: {  	[dreg:$0x1] =	wrdreg $0xFFFFFFFF  }
0xad: {  	[dreg:$0x0] =	wrdreg $0x60  }
0xae: {  	[dreg:$0x2] =	wrdreg s24  }
0xaf: {  	[dreg:$0x3] =	wrdreg $0x9  }
0xb0: {  	_ =	task.clear_ibuf [dreg:s6], $0x4FFFF;
	_ =	strace $0x90000046  }
0xb1: {  	s29 =	simm.s32 $0x9;
	_ =	strace $0x80000048  }
0xb2: {  	_ =	swait.ge [sflag:s29], $0x1  }
0xb3: {  	[sflag:s29] =	ssyncadd.s32 $0xFFFFFFFF  }
0xb4: {  	_ =	strace $0x90000048  }
0xb5: {  	_ =	sfence  }
0xb6: {  	s30 =	sld [smem:$0x0];
	_ =	sdelay $0x2  }
0xb7: {  	s31 =	sshll.u32 s1, $0xD;
	s1 =	sshrl.u32 s1, $0x2  }
0xb8: {  	s3 =	sand.u32 $0x4000, s31;
	s1 =	sadd.s32 s1, s30  }
0xb9: {  	s0 =	sor.u32 s3, s0;
	s1 =	sshll.u32 s1, $0x11  }
0xba: {  	s0 =	sor.u32 s1, s0  }
0xbb: {  	s0 =	sadd.s32 $0x8F2B, s0  }
0xbc: {  	[sflag:s0] =	ssyncadd.remote.s32 $0x1  }
0xbd: {  	_ =	sfence.sel $0xFFFF  }
0xbe: {  	[dreg:$0x0] =	wrdreg $0xFFFFFFFF;
	(pc) =	sbr.abs _section_cstart, $3  }
0xbf: {  	[dreg:$0x1] =	wrdreg $0xFFFFFFFF  }
0xc0: {  	_ =	task.clear_ibuf [dreg:s6], $0x2FFFF;
	_ =	strace $0x9FFFFFFF  }
0xc1: {  	(tm) =	ssettm $0x7FFFFFFF  }
tec
execute0_lowered:
.L_overlay_start_1:
0x0: {  	(tag) =	ssettag $0x1  }
0x1: {  	s0 =	stileid.u32;
	s1 =	srdreg.scid  }
0x2: {  	s1 =	sand.u32 $0x1, s1;
	s2 =	sshll.u32 s0, $0x1  }
0x3: {  	s1 =	sor.u32 s2, s1  }
0x4: {  	s2 =	smul.u32 $0x13C0, s1;
	_ =	sdelay $0x1  }
0x5: {  	s6 =	ssub.s32 $0x4F000, s2  }
0x6: {  	s31 =	smulhi.u32 $0x19EC9, s6  }
0x7: {  	s8 =	rddreg [dreg:$0x0];
	s5 =	simm.s32 $0x1;
	s10 =	simm.s32 $0x3  }
0x8: {  	s13 =	simm.s32 $0x0;
	s12 =	simm.s32 $0x0;
	s7 =	sshrl.u32 s31, $0x2  }
0x9: {  	s3 =	sadd.s32 $0x13C00, s8;
	s4 =	sadd.s32 $0x9E00, s8;
	s9 =	smul.u32 $0x27800, s7  }
.Ltmp0:
0xa: {  	s8 =	sadd.s32 $0x6CA00, s8;
	s1 =	rddreg [dreg:$0x1];
	(pc) =	sbr.rel .LBB2_1-.Ltmp0, $4  }
0xb: {  	_ =	strace $0x80000047;
	p0 =	sne.s32 s6, s9;
	s9 =	simm.s32 $0x1  }
0xc: {  	[sflag:s5] =	ssyncpa.u1 $0x0;
	s6 =	simm.s32 $0x2;
	s9 =	simm.s32 @!p0 $0x0  }
0xd: {  	s11 =	smov.u32 s2;
	[sflag:s6] =	ssyncpa.u1 $0x0;
	s7 =	sadd.s32 s9, s7  }
0xe: {  	vm0 =	vmmov $0xffff;
	[sflag:s10] =	ssyncpa.u1 $0x0;
	s10 =	simm.s32 $0x0;
	s9 =	sadd.s32 $0x1, s7  }
.LBB2_4:
0xf: {  	v2 =	vnsel vm1, $0x0, v2  }
0x10: {  	vm1 =	vgt.s32 v0, $0x0;
	v2 =	vmin.u32 v2, $0x4EFFF  }
0x11: {  	v0 =	vnsel vm1, $0x0, v0  }
0x12: {  	v0 =	vmin.u32 v0, $0x4EFFF  }
0x13: {  	[tilespmem:s18], [sflag:$0x1] =	stream.indirect_vreg.gather [hbm4b:s3+s10], $0x1, v1, vm0, $0x4038;
	[tilespmem:$0x4F00] =	vst v63  }
0x14: {  	(ifvalue) =	ssetifvalue $0x7FFFFFFF  }
0x15: {  	[tilespmem:s15], [sflag:$0x1] =	stream.indirect_vreg.gather [hbm4b:s3+s10], $0x1, v2, vm0, $0x4038;
	[tilespmem:$0x4F00] =	vst v63  }
0x16: {  	s29 =	sadd.s32 $0x10, s15;
	(ifvalue) =	ssetifvalue $0x7FFFFFFF  }
0x17: {  	[tilespmem:s29], [sflag:$0x1] =	stream.indirect_vreg.gather [hbm4b:s3+s10], $0x1, v0, vm0, $0x4038;
	[tilespmem:$0x4F00] =	vst v63  }
0x18: {  	_ =	swait.ge [sflag:s5], $0x13C0  }
0x19: {  	s30 =	sshrl.u32 s13, $0x3;
	[sflag:s5] =	ssyncset.done $0x0  }
0x1a: {  	s31 =	sand.u32 $0x7, s13;
	s15 =	sadd.s32 s8, s30;
	[sflag:s5] =	ssyncadd.s32 $0xFFFFEC40  }
0x1b: {  	[hbm4b:s15+s31] =	stream.linear.scatter [tilespmem:s14], [sflag:$0x3], $0x13C0, $0x38;
	[tilespmem:$0x4F00] =	vst v63  }
.LBB2_5:
0x1c: {  	s15 =	sadd.s32 $0x27800, s11  }
0x1d: {  	p1 =	sgt.s32 s15, $0x4EFFF  }
0x1e: {  	s15 =	smov.u32 @p1 s2;
	p1 =	sne.s32 s12, s9  }
.Ltmp1:
0x1f: {  	p0 =	slt.u32 s12, $0x2;
	(pc) =	sbr.rel @!p1 .LBB2_6-.Ltmp1, $4  }
0x20: {  	s14 =	simm.s32 @!p0 $0x3  }
0x21: {  	_ =	swait.ge @!p0 [sflag:s14], $0x13C0  }
0x22: {  	s16 =	sadd.s32 $0x1, s12;
	s13 =	smov.u32 s11;
	[sflag:s14] =	ssyncset.done @!p0 $0x0  }
0x23: {  	s12 =	smov.u32 s16;
	s11 =	smov.u32 s15;
	[sflag:s14] =	ssyncadd.s32 @!p0 $0xFFFFEC40  }
.LBB2_1:
0x24: {  	p0 =	sge.u32 s12, s7  }
0x25: {  	s14 =	sxor.u32 @!p0 $0xFFFFFFFF, s12  }
0x26: {  	s14 =	sand.u32 @!p0 $0x1, s14  }
0x27: {  	s14 =	smul.u32 @!p0 $0x4F00, s14  }
0x28: {  	s31 =	sadd.s32 $0xFFFFFFFF, s12;
	s15 =	sshrl.u32 @!p0 s11, $0x3  }
0x29: {  	s16 =	sand.u32 @!p0 $0x7, s11;
	s15 =	sadd.s32 @!p0 s4, s15;
	s14 =	sshrl.u32 @!p0 s14, $0x2  }
0x2a: {  	[tilespmem:s14], [sflag:$0x2] =	stream.linear.gather @!p0 [hbm4b:s15+s16], $0x13C0, $0x38;
	[tilespmem:$0x4F00] =	vst v63  }
0x2b: {  	p0 =	sge.u32 s31, s7  }
.Ltmp2:
0x2c: {  	_ = 	snop;
	(pc) =	sbr.rel @p0 .LBB2_5-.Ltmp2, $1  }
0x2d: {  	_ =	sdelay $0x3  }
0x2e: {  	s14 =	sand.u32 $0x1, s12  }
0x2f: {  	_ =	swait.ge [sflag:s6], $0x13C0;
	p0 =	seq.s32 s14, $0x1;
	s14 =	simm.s32 $0x13C0  }
0x30: {  	[sflag:s6] =	ssyncset.done $0x0;
	s14 =	simm.s32 @!p0 $0x0  }
0x31: {  	[sflag:s6] =	ssyncadd.s32 $0xFFFFEC40;
	(ifvalue) =	ssetifvalue $0x7FFFFFFF;
	v0 =	vld.msk [tilespmem:s14+$0x0 ss:$0x1], $0xffff;
	_ =	sdelay $0x4  }
0x32: {  	s15 =	sadd.s32 $0x10, s14;
	vm1 =	vgt.s32 v0, $0x0  }
0x33: {  	v2 =	vld.msk [tilespmem:s15+$0x0 ss:$0x1], $0xffff;
	v1 =	vnsel vm1, $0x0, v0  }
0x34: {  	v1 =	vmin.u32 v1, $0x4EFFF;
	_ =	sdelay $0x2  }
0x35: {  	s17 =	simm.s32 $0x20;
	s14 =	sadd.s32 $0x2780, s14;
	s16 =	sadd.s32 $0x10, s15  }
0x36: {  	s15 =	sadd.s32 $0x10, s14;
	s18 =	smov.u32 s14;
	v0 =	vld.msk [tilespmem:s16+$0x0 ss:$0x1], $0xffff;
	vm1 =	vgt.s32 v2, $0x0;
	(ifvalue) =	ssetifvalue $0x7FFFFFFF  }
.LBB2_3:
0x37: {  	[tilespmem:s18], [sflag:$0x1] =	stream.indirect_vreg.gather [hbm4b:s3+s10], $0x1, v1, vm0, $0x4038;
	[tilespmem:$0x4F00] =	vst v63  }
0x38: {  	s17 =	sadd.s32 $0x10, s17  }
0x39: {  	v2 =	vnsel vm1, $0x0, v2;
	p0 =	slt.u32 s17, $0x13B0  }
.Ltmp3:
0x3a: {  	s18 =	smov.u32 s15;
	v1 =	vmin.u32 v2, $0x4EFFF;
	(pc) =	sbr.rel @p0 .LBB2_3-.Ltmp3, $3  }
0x3b: {  	_ =	sdelay $0x1  }
0x3c: {  	s16 =	sadd.s32 $0x10, s16  }
0x3d: {  	vm1 =	vgt.s32 v0, $0x0;
	s15 =	sadd.s32 $0x10, s15;
	v2 =	vmov v0;
	(ifvalue) =	ssetifvalue $0x7FFFFFFF;
	v0 =	vld.msk [tilespmem:s16+$0x0 ss:$0x1], $0xffff  }
.Ltmp4:
0x3e: {  	_ = 	snop;
	(pc) =	sbr.rel .LBB2_4-.Ltmp4, $1  }
0x3f: {  	_ =	sdelay $0x3  }
.LBB2_6:
0x40: {  	_ =	sfence.sel $0x180000  }
0x41: {  	s2 =	simm.s32 $0x2;
	[bflag:$0x0] =	sbarrier.arrive $0xFFFF  }
0x42: {  	s30 =	simm.s32 $0x3;
	[sflag:s2] =	ssyncpa.u1 $0x1  }
0x43: {  	s31 =	simm.s32 $0x1;
	[sflag:s30] =	ssyncpa.u1 $0x1  }
0x44: {  	[sflag:s31] =	ssyncpa.u1 $0x1  }
0x45: {  	p0 =	sne.s32 s0, $0x0;
	_ =	strace $0x90000047  }
0x46: {  	s0 =	sadd.s32 @!p0 $0x100000, s1;
	[bflag:$0x2] =	sbarrier.arrive $0xFFFF  }
0x47: {  	[sflag:s0] =	ssyncadd.tile.s32 @!p0 $0x1;
	_ =	shalt  }
.Lfunc_end2:
_tile_overlayer_lowered:
.L_overlay_start_2:
0x48: {  	(tag) =	ssettag $0x2  }
0x49: {  	s0 =	rddreg [dreg:$0x0];
	s2 =	stileid.u32  }
0x4a: {  	s1 =	rddreg [dreg:$0x1];
	p0 =	sne.s32 s2, $0x0  }
0x4b: {  	s3 =	rddreg [dreg:$0x2];
	[bflag:$0x3] =	sbarrier.arrive $0xFFFF;
	s2 =	simm.s32 @!p0 $0x1C01  }
0x4c: {  	[timem:s3], [sflag:s2] =	dma.local @!p0 [hbm:s0], s1  }
0x4d: {  	s0 =	simm.s32 @!p0 $0x1  }
0x4e: {  	_ =	swait.ge @!p0 [sflag:s0], s1  }
0x4f: {  	s1 =	ssub.s32 @!p0 $0x0, s1;
	[sflag:s0] =	ssyncset.done @!p0 $0x0  }
0x50: {  	[sflag:s0] =	ssyncadd.s32 @!p0 s1  }
0x51: {  	[bflag:$0x3] =	sbarrier.arrive $0xFFFF  }
0x52: {  	_ =	shalt  }

// kernel: scatter_offload_async_start.1
scs
__scs_entry_jumppad:
0x0: {  	(pc) =	sbr.rel $0x88, $3  }
0x1: {  	(tag) =	ssettag $0x0;
	lr =	simm.s32 $0x1  }
0x2: {  	[smem:$0x3F6A] =	sst lr;
	_ =	strace $0xD0000000  }
0x3: {  	_ = 	snop  }
0x4: {  	_ = 	snop  }
0x5: {  	_ = 	snop  }
0x6: {  	_ = 	snop  }
0x7: {  	_ = 	snop  }
__scs_overlays_trampoline_lowered:
0x8: {  	[smem:$0x3F79] =	sst s0  }
0x9: {  	[smem:$0x3F7A] =	sst s1  }
0xa: {  	[smem:$0x3F7B] =	sst s2  }
0xb: {  	[smem:$0x3F7C] =	sst s3  }
0xc: {  	[smem:$0x3F7D] =	sst s4  }
0xd: {  	[smem:$0x3F7E] =	sst s5  }
0xe: {  	[smem:$0x3F7F] =	sst s6  }
0xf: {  	[smem:$0x3F80] =	sst s7  }
0x10: {  	[smem:$0x3F81] =	sst s8  }
0x11: {  	[smem:$0x3F82] =	sst s9;
	s0 =	simm.s32 @!p0 $0x0  }
0x12: {  	s1 =	sld [smem:$0x3F68];
	s0 =	simm.s32 @p0 $0x1  }
0x13: {  	[smem:$0x3F83] =	sst s0;
	s0 =	simm.s32 @!p1 $0x0  }
0x14: {  	s2 =	sld [smem:$0x3F67];
	s0 =	simm.s32 @p1 $0x1  }
0x15: {  	[smem:$0x3F84] =	sst s0;
	s0 =	simm.s32 @!p2 $0x0  }
0x16: {  	s3 =	sld [smem:$0x3FDB];
	s0 =	simm.s32 @p2 $0x1  }
0x17: {  	s4 =	simm.s32 $0x1BF5;
	[smem:$0x3F86] =	sst s0  }
0x18: {  	s0 =	sld [smem:$0x3F69];
	_ =	swait.ge [sflag:s4], $0x0  }
0x19: {  	s7 =	sld [smem:$0x3F6A]  }
0x1a: {  	s8 =	sadd.s32 $0xFFFFE003, lr  }
0x1b: {  	s9 =	sadd.s32 $0xFFFFFEF7, lr;
	s5 =	simm.s32 $0xFFFFFFFF;
	p2 =	slt.u32 s8, $0xFFFFF086  }
0x1c: {  	p1 =	slt.u32 s9, $0xF7A;
	s5 =	simm.s32 @!p2 $0x0  }
0x1d: {  	s5 =	simm.s32 @p1 $0x1;
	p0 =	seq.s32 s7, s2  }
0x1e: {  	s7 =	smul.u32 @!p0 $0xF7A, s2;
	p2 =	seq.s32 @!p0 s5, $0x0  }
0x1f: {  	s9 =	smul.u32 $0xF7A, s1;
	s8 =	simm.s32 @!p0 $0x1BF5;
	p2 =	por !p2, p0  }
0x20: {  	[sflag:s8] =	ssyncset.s32 @!p0 $0xFFFFF086;
	s6 =	sadd.s32 @!p0 s3, s7;
	s7 =	simm.s32 @!p0 $0x108  }
0x21: {  	s3 =	sadd.s32 s3, s9;
	s6 =	sadd.s32 @!p0 $0x88, s6;
	s7 =	simm.s32 @p2 $0x1082  }
0x22: {  	[simem:s7], [sflag:s8] =	dma.local @!p0 [hbm:s6], $0xF7A  }
0x23: {  	s9 =	sor.u32 $0xD0000000, s2;
	s6 =	simm.s32 $0x108;
	_ =	swait.ge @!p0 [sflag:s8], $0x0  }
0x24: {  	s3 =	sadd.s32 $0x88, s3;
	s6 =	simm.s32 @!p1 $0x1082;
	[sflag:s4] =	ssyncset.s32 $0xFFFFF086  }
0x25: {  	[simem:s6], [sflag:s4] =	dma.local [hbm:s3], $0xF7A  }
0x26: {  	[smem:$0x3F6A] =	sst s1;
	(tag) =	ssettag s2;
	_ =	strace s9  }
0x27: {  	s1 =	sld [smem:$0x3F7A]  }
0x28: {  	s2 =	sld [smem:$0x3F7B]  }
0x29: {  	s4 =	sld [smem:$0x3F7D]  }
0x2a: {  	p0 =	seq.s32 s5, $0x0;
	s5 =	sld [smem:$0x3F7E]  }
0x2b: {  	s6 =	sld [smem:$0x3F7F]  }
0x2c: {  	s7 =	sld [smem:$0x3F80]  }
0x2d: {  	s3 =	simm.s32 $0x108;
	s8 =	sld [smem:$0x3F81]  }
0x2e: {  	s3 =	simm.s32 @!p0 $0x1082;
	s9 =	sld [smem:$0x3F82]  }
0x2f: {  	lr =	sadd.s32 s0, s3;
	s0 =	sld [smem:$0x3F79]  }
0x30: {  	s3 =	sld [smem:$0x3F7C]  }
0x31: {  	[smem:$0x3F85] =	sst s10  }
0x32: {  	s10 =	sld [smem:$0x3F83];
	_ =	sdelay $0x3  }
0x33: {  	p0 =	seq.s32 s10, $0x1;
	s10 =	sld [smem:$0x3F85];
	_ =	sdelay $0x3  }
0x34: {  	[smem:$0x3F85] =	sst s10  }
0x35: {  	s10 =	sld [smem:$0x3F84];
	_ =	sdelay $0x3  }
0x36: {  	p1 =	seq.s32 s10, $0x1;
	s10 =	sld [smem:$0x3F85];
	_ =	sdelay $0x3  }
0x37: {  	[smem:$0x3F85] =	sst s10  }
0x38: {  	s10 =	sld [smem:$0x3F86]  }
0x39: {  	_ = 	snop;
	(pc) =	sbr.ind lr, $3  }
0x3a: {  	_ = 	snop  }
0x3b: {  	_ = 	snop  }
0x3c: {  	p2 =	seq.s32 s10, $0x1;
	s10 =	sld [smem:$0x3F85]  }
0x3d: {  	_ =	shalt  }
0x3e: {  	_ =	shalt  }
0x3f: {  	_ =	shalt  }
0x40: {  	_ =	shalt  }
0x41: {  	_ =	shalt  }
0x42: {  	_ =	shalt  }
0x43: {  	_ =	shalt  }
0x44: {  	_ =	shalt  }
0x45: {  	_ =	shalt  }
0x46: {  	_ =	shalt  }
0x47: {  	_ =	shalt  }
0x48: {  	_ =	shalt  }
0x49: {  	_ =	shalt  }
0x4a: {  	_ =	shalt  }
0x4b: {  	_ =	shalt  }
0x4c: {  	_ =	shalt  }
0x4d: {  	_ =	shalt  }
0x4e: {  	_ =	shalt  }
0x4f: {  	_ =	shalt  }
0x50: {  	_ =	shalt  }
0x51: {  	_ =	shalt  }
0x52: {  	_ =	shalt  }
0x53: {  	_ =	shalt  }
0x54: {  	_ =	shalt  }
0x55: {  	_ =	shalt  }
0x56: {  	_ =	shalt  }
0x57: {  	_ =	shalt  }
0x58: {  	_ =	shalt  }
0x59: {  	_ =	shalt  }
0x5a: {  	_ =	shalt  }
0x5b: {  	_ =	shalt  }
0x5c: {  	_ =	shalt  }
0x5d: {  	_ =	shalt  }
0x5e: {  	_ =	shalt  }
0x5f: {  	_ =	shalt  }
0x60: {  	_ =	shalt  }
0x61: {  	_ =	shalt  }
0x62: {  	_ =	shalt  }
0x63: {  	_ =	shalt  }
0x64: {  	_ =	shalt  }
0x65: {  	_ =	shalt  }
0x66: {  	_ =	shalt  }
0x67: {  	_ =	shalt  }
0x68: {  	_ =	shalt  }
0x69: {  	_ =	shalt  }
0x6a: {  	_ =	shalt  }
0x6b: {  	_ =	shalt  }
0x6c: {  	_ =	shalt  }
0x6d: {  	_ =	shalt  }
0x6e: {  	_ =	shalt  }
0x6f: {  	_ =	shalt  }
0x70: {  	_ =	shalt  }
0x71: {  	_ =	shalt  }
0x72: {  	_ =	shalt  }
0x73: {  	_ =	shalt  }
0x74: {  	_ =	shalt  }
0x75: {  	_ =	shalt  }
0x76: {  	_ =	shalt  }
0x77: {  	_ =	shalt  }
0x78: {  	_ =	shalt  }
0x79: {  	_ =	shalt  }
0x7a: {  	_ =	shalt  }
0x7b: {  	_ =	shalt  }
0x7c: {  	_ =	shalt  }
0x7d: {  	_ =	shalt  }
0x7e: {  	_ =	shalt  }
0x7f: {  	_ =	shalt  }
0x80: {  	_ =	shalt  }
0x81: {  	_ =	shalt  }
0x82: {  	_ =	shalt  }
0x83: {  	_ =	shalt  }
0x84: {  	_ =	shalt  }
0x85: {  	_ =	shalt  }
0x86: {  	_ =	shalt  }
0x87: {  	_ =	shalt  }
.Lfunc_end0:
.L_simem_size_0:
called_computation.1_lowered:
.L_overlay_start_0:
0x88: {  	s2 =	sld [smem:$0x3FD9]  }
0x89: {  	s3 =	sld [smem:$0x3FFE];
	_ =	sdelay $0x1  }
0x8a: {  	s1 =	srdreg.scid  }
0x8b: {  	s0 =	sand.u32 $0x1, s1  }
0x8c: {  	s17 =	sshll.u32 s0, $0xA;
	s2 =	sadd.s32 s3, s2  }
0x8d: {  	s2 =	sadd.s32 s2, s17  }
0x8e: {  	[smem:$0x3F91] =	sst s2  }
0x8f: {  	_ = 	snop  }
0x90: {  	(tm) =	ssettm $0x1  }
0x91: {  	s18 =	sld [smem:$0x3FFB];
	_ =	sdelay $0x3  }
0x92: {  	_ =	strace s18  }
0x93: {  	s2 =	sld [smem:$0x3FFC];
	_ =	sdelay $0x3  }
0x94: {  	_ =	strace s2  }
0x95: {  	s2 =	sld [smem:$0x3FFD];
	_ =	sdelay $0x3  }
0x96: {  	_ =	strace s2  }
0x97: {  	_ =	strace $0x8FFFFFFF  }
0x98: {  	s19 =	sld [smem:$0x3FDB];
	_ =	sdelay $0x1  }
0x99: {  	s20 =	simm.s32 $_scs_section_size  }
0x9a: {  	s4 =	simm.s32 $_size__tile_overlayer_lowered;
	s5 =	simm.s32 $_tile_overlayer_lowered  }
0x9b: {  	s6 =	simm.s32 $0x1BFF;
	s21 =	sshll.u32 s5, $0x1;
	s3 =	sadd.s32 s20, s19  }
0x9c: {  	s22 =	simm.s32 $0x0;
	s4 =	sshll.u32 s4, $0x1;
	s5 =	sadd.s32 s21, s3  }
0x9d: {  	[timem:s22], [sflag:s6] =	dma.local [hbm:s5], s4  }
0x9e: {  	_ =	swait.ge [sflag:s6], s4  }
0x9f: {  	s4 =	ssub.s32 $0x0, s4;
	[sflag:s6] =	ssyncset.done $0x0  }
0xa0: {  	[sflag:s6] =	ssyncadd.s32 s4;
	_ =	sdelay $0x1  }
0xa1: {  	s23 =	simm.s32 $0x1B8B  }
0xa2: {  	_ =	swait.ge [sflag:s23], $0x1  }
0xa3: {  	[sflag:s23] =	ssyncset.done $0x0  }
0xa4: {  	[sflag:s23] =	ssyncadd.s32 $0xFFFFFFFF  }
0xa5: {  	s4 =	sld [smem:$0x0]  }
0xa6: {  	s5 =	sand.u32 $0xFFFFFFFE, s1  }
0xa7: {  	p0 =	sne.s32 s1, s5  }
0xa8: {  	s5 =	sshll.u32 @p0 s5, $0xE  }
0xa9: {  	s5 =	sadd.s32 @p0 $0x11B8D, s5;
	s6 =	sshll.u32 @p0 s4, $0x11  }
0xaa: {  	s5 =	sor.u32 @p0 s6, s5  }
0xab: {  	[sflag:s5] =	ssyncadd.remote.s32 @p0 $0x1;
	_ =	sdelay $0x1  }
0xac: {  	s5 =	simm.s32 @p0 $0x1B8D  }
0xad: {  	_ =	swait.eq @p0 [sflag:s5], $0x1  }
0xae: {  	[sflag:s5] =	ssyncadd.s32 @p0 $0xFFFFFFFF  }
0xaf: {  	s6 =	sshll.u32 @!p0 s1, $0xE  }
0xb0: {  	s6 =	sor.u32 @!p0 $0x4000, s6;
	s5 =	simm.s32 @!p0 $0x1B8D  }
0xb1: {  	s7 =	sshll.u32 @!p0 s4, $0x11;
	s6 =	sadd.s32 @!p0 $0x11B8D, s6;
	_ =	swait.eq @!p0 [sflag:s5], $0x1  }
0xb2: {  	[sflag:s5] =	ssyncadd.s32 @!p0 $0xFFFFFFFF;
	s5 =	sor.u32 @!p0 s7, s6  }
0xb3: {  	s25 =	simm.s32 $0x1B8E;
	s24 =	sld [smem:$0x3FFE];
	[sflag:s5] =	ssyncadd.remote.s32 @!p0 $0x1  }
0xb4: {  	s26 =	simm.s32 $execute0_lowered;
	[smem:$0x3FD2] =	sst s25  }
0xb5: {  	s6 =	sshll.u32 s26, $0x1;
	_ =	strace $0x80000061;
	[dreg:$0x1] =	wrdreg $0xFFFFFFFF  }
0xb6: {  	s28 =	simm.s32 $_size_execute0_lowered;
	s3 =	sadd.s32 s3, s6;
	[dreg:$0x0] =	wrdreg $0x0  }
0xb7: {  	s6 =	sshll.u32 s28, $0x1;
	[dreg:$0x2] =	wrdreg s3  }
0xb8: {  	[dreg:$0x3] =	wrdreg s6  }
0xb9: {  	[dreg:$0x4] =	wrdreg $0xC0  }
0xba: {  	_ =	task [dreg:s22], $0x5FFFF  }
0xbb: {  	[dreg:$0x1] =	wrdreg $0xFFFFFFFF  }
0xbc: {  	[dreg:$0x0] =	wrdreg $0x60  }
0xbd: {  	[dreg:$0x2] =	wrdreg s24  }
0xbe: {  	[dreg:$0x3] =	wrdreg s1  }
0xbf: {  	[dreg:$0x4] =	wrdreg s4  }
0xc0: {  	[dreg:$0x5] =	wrdreg $0xA  }
0xc1: {  	_ =	task.clear_ibuf [dreg:s22], $0x6FFFF;
	_ =	strace $0x90000061  }
0xc2: {  	s29 =	simm.s32 $0xA;
	_ =	strace $0x80000063  }
0xc3: {  	_ =	swait.ge [sflag:s29], $0x1  }
0xc4: {  	[sflag:s29] =	ssyncadd.s32 $0xFFFFFFFF  }
0xc5: {  	_ =	strace $0x90000063  }
0xc6: {  	_ =	sfence  }
0xc7: {  	s30 =	sld [smem:$0x0];
	_ =	sdelay $0x2  }
0xc8: {  	s31 =	sshll.u32 s1, $0xD;
	s1 =	sshrl.u32 s1, $0x2  }
0xc9: {  	s4 =	sand.u32 $0x4000, s31;
	s1 =	sadd.s32 s1, s30  }
0xca: {  	s0 =	sor.u32 s4, s0;
	s1 =	sshll.u32 s1, $0x11  }
0xcb: {  	s0 =	sor.u32 s1, s0  }
0xcc: {  	s0 =	sadd.s32 $0x8F2B, s0  }
0xcd: {  	[sflag:s0] =	ssyncadd.remote.s32 $0x1  }
0xce: {  	_ =	sfence.sel $0xFFFF  }
0xcf: {  	[dreg:$0x0] =	wrdreg $0xFFFFFFFF;
	(pc) =	sbr.abs _section_cstart, $3  }
0xd0: {  	[dreg:$0x1] =	wrdreg $0xFFFFFFFF  }
0xd1: {  	_ =	task.clear_ibuf [dreg:s22], $0x2FFFF;
	_ =	strace $0x9FFFFFFF  }
0xd2: {  	(tm) =	ssettm $0x7FFFFFFF  }
0xd3: {  	_ =	shalt  }
tec
execute0_lowered:
.L_overlay_start_1:
0x0: {  	(tag) =	ssettag $0x1  }
0x1: {  	s7 =	rddreg [dreg:$0x0]  }
0x2: {  	s2 =	rddreg [dreg:$0x1];
	_ =	strace $0x80000062;
	s3 =	simm.s32 $0x1  }
0x3: {  	v0 =	vimm.s32 $0x0;
	[sflag:s3] =	ssyncpa.u1 $0x0  }
0x4: {  	[tilespmem:$0x48] =	vst v0  }
0x5: {  	[tilespmem:$0x58] =	vst v0  }
0x6: {  	[tilespmem:$0x68] =	vst v0  }
0x7: {  	[tilespmem:$0x78] =	vst v0  }
0x8: {  	[tilespmem:$0x88] =	vst v0  }
0x9: {  	[tilespmem:$0x98] =	vst v0  }
0xa: {  	[tilespmem:$0xA8] =	vst v0  }
0xb: {  	[tilespmem:$0xB8] =	vst v0  }
0xc: {  	[tilespmem:$0xC8] =	vst v0  }
0xd: {  	[tilespmem:$0xD8] =	vst v0  }
0xe: {  	[tilespmem:$0xE8] =	vst v0  }
0xf: {  	[tilespmem:$0xF8] =	vst v0  }
0x10: {  	[tilespmem:$0x108] =	vst v0  }
0x11: {  	[tilespmem:$0x118] =	vst v0  }
0x12: {  	[tilespmem:$0x128] =	vst v0  }
0x13: {  	[tilespmem:$0x138] =	vst v0  }
0x14: {  	[tilespmem:$0x148] =	vst v0  }
0x15: {  	[tilespmem:$0x158] =	vst v0  }
0x16: {  	[tilespmem:$0x168] =	vst v0  }
0x17: {  	[tilespmem:$0x178] =	vst v0  }
0x18: {  	[tilespmem:$0x188] =	vst v0  }
0x19: {  	[tilespmem:$0x198] =	vst v0  }
0x1a: {  	[tilespmem:$0x1A8] =	vst v0  }
0x1b: {  	[tilespmem:$0x1B8] =	vst v0  }
0x1c: {  	[tilespmem:$0x1C8] =	vst v0  }
0x1d: {  	[tilespmem:$0x1D8] =	vst v0  }
0x1e: {  	[tilespmem:$0x1E8] =	vst v0  }
0x1f: {  	[tilespmem:$0x1F8] =	vst v0  }
0x20: {  	[tilespmem:$0x208] =	vst v0  }
0x21: {  	[tilespmem:$0x218] =	vst v0  }
0x22: {  	[tilespmem:$0x228] =	vst v0  }
0x23: {  	[tilespmem:$0x238] =	vst v0  }
0x24: {  	[tilespmem:$0x248] =	vst v0  }
0x25: {  	[tilespmem:$0x258] =	vst v0  }
0x26: {  	[tilespmem:$0x268] =	vst v0  }
0x27: {  	[tilespmem:$0x278] =	vst v0  }
0x28: {  	[tilespmem:$0x288] =	vst v0  }
0x29: {  	[tilespmem:$0x298] =	vst v0  }
0x2a: {  	[tilespmem:$0x2A8] =	vst v0  }
0x2b: {  	[tilespmem:$0x2B8] =	vst v0  }
0x2c: {  	[tilespmem:$0x2C8] =	vst v0  }
0x2d: {  	[tilespmem:$0x2D8] =	vst v0  }
0x2e: {  	[tilespmem:$0x2E8] =	vst v0  }
0x2f: {  	[tilespmem:$0x2F8] =	vst v0  }
0x30: {  	[tilespmem:$0x308] =	vst v0  }
0x31: {  	[tilespmem:$0x318] =	vst v0  }
0x32: {  	[tilespmem:$0x328] =	vst v0  }
0x33: {  	[tilespmem:$0x338] =	vst v0  }
0x34: {  	[tilespmem:$0x348] =	vst v0  }
0x35: {  	[tilespmem:$0x358] =	vst v0  }
0x36: {  	[tilespmem:$0x368] =	vst v0  }
0x37: {  	[tilespmem:$0x378] =	vst v0  }
0x38: {  	[tilespmem:$0x388] =	vst v0  }
0x39: {  	[tilespmem:$0x398] =	vst v0  }
0x3a: {  	[tilespmem:$0x3A8] =	vst v0  }
0x3b: {  	[tilespmem:$0x3B8] =	vst v0  }
0x3c: {  	[tilespmem:$0x3C8] =	vst v0  }
0x3d: {  	[tilespmem:$0x3D8] =	vst v0  }
0x3e: {  	[tilespmem:$0x3E8] =	vst v0  }
0x3f: {  	[tilespmem:$0x3F8] =	vst v0  }
0x40: {  	[tilespmem:$0x408] =	vst v0  }
0x41: {  	[tilespmem:$0x418] =	vst v0  }
0x42: {  	[tilespmem:$0x428] =	vst v0  }
0x43: {  	[tilespmem:$0x438] =	vst v0  }
0x44: {  	[tilespmem:$0x448] =	vst v0  }
0x45: {  	[tilespmem:$0x458] =	vst v0  }
0x46: {  	[tilespmem:$0x468] =	vst v0  }
0x47: {  	[tilespmem:$0x478] =	vst v0  }
0x48: {  	[tilespmem:$0x488] =	vst v0  }
0x49: {  	[tilespmem:$0x498] =	vst v0  }
0x4a: {  	[tilespmem:$0x4A8] =	vst v0  }
0x4b: {  	[tilespmem:$0x4B8] =	vst v0  }
0x4c: {  	[tilespmem:$0x4C8] =	vst v0  }
0x4d: {  	[tilespmem:$0x4D8] =	vst v0  }
0x4e: {  	[tilespmem:$0x4E8] =	vst v0  }
0x4f: {  	[tilespmem:$0x4F8] =	vst v0  }
0x50: {  	[tilespmem:$0x508] =	vst v0  }
0x51: {  	[tilespmem:$0x518] =	vst v0  }
0x52: {  	[tilespmem:$0x528] =	vst v0  }
0x53: {  	[tilespmem:$0x538] =	vst v0  }
0x54: {  	[tilespmem:$0x548] =	vst v0  }
0x55: {  	[tilespmem:$0x558] =	vst v0  }
0x56: {  	[tilespmem:$0x568] =	vst v0  }
0x57: {  	[tilespmem:$0x578] =	vst v0  }
0x58: {  	[tilespmem:$0x588] =	vst v0  }
0x59: {  	[tilespmem:$0x598] =	vst v0  }
0x5a: {  	[tilespmem:$0x5A8] =	vst v0  }
0x5b: {  	[tilespmem:$0x5B8] =	vst v0  }
0x5c: {  	[tilespmem:$0x5C8] =	vst v0  }
0x5d: {  	[tilespmem:$0x5D8] =	vst v0  }
0x5e: {  	[tilespmem:$0x5E8] =	vst v0  }
0x5f: {  	[tilespmem:$0x5F8] =	vst v0  }
0x60: {  	[tilespmem:$0x608] =	vst v0  }
0x61: {  	[tilespmem:$0x618] =	vst v0  }
0x62: {  	[tilespmem:$0x628] =	vst v0  }
0x63: {  	[tilespmem:$0x638] =	vst v0  }
0x64: {  	[tilespmem:$0x648] =	vst v0  }
0x65: {  	[tilespmem:$0x658] =	vst v0  }
0x66: {  	[tilespmem:$0x668] =	vst v0  }
0x67: {  	[tilespmem:$0x678] =	vst v0  }
0x68: {  	[tilespmem:$0x688] =	vst v0  }
0x69: {  	[tilespmem:$0x698] =	vst v0  }
0x6a: {  	[tilespmem:$0x6A8] =	vst v0  }
0x6b: {  	[tilespmem:$0x6B8] =	vst v0  }
0x6c: {  	[tilespmem:$0x6C8] =	vst v0  }
0x6d: {  	[tilespmem:$0x6D8] =	vst v0  }
0x6e: {  	[tilespmem:$0x6E8] =	vst v0  }
0x6f: {  	[tilespmem:$0x6F8] =	vst v0  }
0x70: {  	[tilespmem:$0x708] =	vst v0  }
0x71: {  	[tilespmem:$0x718] =	vst v0  }
0x72: {  	[tilespmem:$0x728] =	vst v0  }
0x73: {  	[tilespmem:$0x738] =	vst v0  }
0x74: {  	[tilespmem:$0x748] =	vst v0  }
0x75: {  	[tilespmem:$0x758] =	vst v0  }
0x76: {  	[tilespmem:$0x768] =	vst v0  }
0x77: {  	[tilespmem:$0x778] =	vst v0  }
0x78: {  	[tilespmem:$0x788] =	vst v0  }
0x79: {  	[tilespmem:$0x798] =	vst v0  }
0x7a: {  	[tilespmem:$0x7A8] =	vst v0  }
0x7b: {  	[tilespmem:$0x7B8] =	vst v0  }
0x7c: {  	[tilespmem:$0x7C8] =	vst v0  }
0x7d: {  	[tilespmem:$0x7D8] =	vst v0  }
0x7e: {  	[tilespmem:$0x7E8] =	vst v0  }
0x7f: {  	[tilespmem:$0x7F8] =	vst v0  }
0x80: {  	[tilespmem:$0x808] =	vst v0  }
0x81: {  	[tilespmem:$0x818] =	vst v0  }
0x82: {  	[tilespmem:$0x828] =	vst v0  }
0x83: {  	[tilespmem:$0x838] =	vst v0  }
0x84: {  	[tilespmem:$0x848] =	vst v0  }
0x85: {  	[tilespmem:$0x858] =	vst v0  }
0x86: {  	[tilespmem:$0x868] =	vst v0  }
0x87: {  	[tilespmem:$0x878] =	vst v0  }
0x88: {  	[tilespmem:$0x888] =	vst v0  }
0x89: {  	[tilespmem:$0x898] =	vst v0  }
0x8a: {  	[tilespmem:$0x8A8] =	vst v0  }
0x8b: {  	[tilespmem:$0x8B8] =	vst v0  }
0x8c: {  	[tilespmem:$0x8C8] =	vst v0  }
0x8d: {  	[tilespmem:$0x8D8] =	vst v0  }
0x8e: {  	[tilespmem:$0x8E8] =	vst v0  }
0x8f: {  	[tilespmem:$0x8F8] =	vst v0  }
0x90: {  	[tilespmem:$0x908] =	vst v0  }
0x91: {  	[tilespmem:$0x918] =	vst v0  }
0x92: {  	[tilespmem:$0x928] =	vst v0  }
0x93: {  	[tilespmem:$0x938] =	vst v0  }
0x94: {  	[tilespmem:$0x948] =	vst v0  }
0x95: {  	[tilespmem:$0x958] =	vst v0  }
0x96: {  	[tilespmem:$0x968] =	vst v0  }
0x97: {  	[tilespmem:$0x978] =	vst v0  }
0x98: {  	[tilespmem:$0x988] =	vst v0  }
0x99: {  	[tilespmem:$0x998] =	vst v0  }
0x9a: {  	[tilespmem:$0x9A8] =	vst v0  }
0x9b: {  	[tilespmem:$0x9B8] =	vst v0  }
0x9c: {  	[tilespmem:$0x9C8] =	vst v0  }
0x9d: {  	[tilespmem:$0x9D8] =	vst v0  }
0x9e: {  	[tilespmem:$0x9E8] =	vst v0  }
0x9f: {  	[tilespmem:$0x9F8] =	vst v0  }
0xa0: {  	[tilespmem:$0xA08] =	vst v0  }
0xa1: {  	[tilespmem:$0xA18] =	vst v0  }
0xa2: {  	[tilespmem:$0xA28] =	vst v0  }
0xa3: {  	[tilespmem:$0xA38] =	vst v0  }
0xa4: {  	[tilespmem:$0xA48] =	vst v0  }
0xa5: {  	[tilespmem:$0xA58] =	vst v0  }
0xa6: {  	[tilespmem:$0xA68] =	vst v0  }
0xa7: {  	[tilespmem:$0xA78] =	vst v0  }
0xa8: {  	[tilespmem:$0xA88] =	vst v0  }
0xa9: {  	[tilespmem:$0xA98] =	vst v0  }
0xaa: {  	[tilespmem:$0xAA8] =	vst v0  }
0xab: {  	[tilespmem:$0xAB8] =	vst v0  }
0xac: {  	[tilespmem:$0xAC8] =	vst v0  }
0xad: {  	[tilespmem:$0xAD8] =	vst v0  }
0xae: {  	[tilespmem:$0xAE8] =	vst v0  }
0xaf: {  	[tilespmem:$0xAF8] =	vst v0  }
0xb0: {  	[tilespmem:$0xB08] =	vst v0  }
0xb1: {  	[tilespmem:$0xB18] =	vst v0  }
0xb2: {  	[tilespmem:$0xB28] =	vst v0  }
0xb3: {  	[tilespmem:$0xB38] =	vst v0  }
0xb4: {  	[tilespmem:$0xB48] =	vst v0  }
0xb5: {  	[tilespmem:$0xB58] =	vst v0  }
0xb6: {  	[tilespmem:$0xB68] =	vst v0  }
0xb7: {  	[tilespmem:$0xB78] =	vst v0  }
0xb8: {  	[tilespmem:$0xB88] =	vst v0  }
0xb9: {  	[tilespmem:$0xB98] =	vst v0  }
0xba: {  	[tilespmem:$0xBA8] =	vst v0  }
0xbb: {  	[tilespmem:$0xBB8] =	vst v0  }
0xbc: {  	[tilespmem:$0xBC8] =	vst v0  }
0xbd: {  	[tilespmem:$0xBD8] =	vst v0  }
0xbe: {  	[tilespmem:$0xBE8] =	vst v0  }
0xbf: {  	[tilespmem:$0xBF8] =	vst v0  }
0xc0: {  	[tilespmem:$0xC08] =	vst v0  }
0xc1: {  	[tilespmem:$0xC18] =	vst v0  }
0xc2: {  	[tilespmem:$0xC28] =	vst v0  }
0xc3: {  	[tilespmem:$0xC38] =	vst v0  }
0xc4: {  	[tilespmem:$0xC48] =	vst v0  }
0xc5: {  	[tilespmem:$0xC58] =	vst v0  }
0xc6: {  	[tilespmem:$0xC68] =	vst v0  }
0xc7: {  	[tilespmem:$0xC78] =	vst v0  }
0xc8: {  	[tilespmem:$0xC88] =	vst v0  }
0xc9: {  	[tilespmem:$0xC98] =	vst v0  }
0xca: {  	[tilespmem:$0xCA8] =	vst v0  }
0xcb: {  	[tilespmem:$0xCB8] =	vst v0  }
0xcc: {  	[tilespmem:$0xCC8] =	vst v0  }
0xcd: {  	[tilespmem:$0xCD8] =	vst v0  }
0xce: {  	[tilespmem:$0xCE8] =	vst v0  }
0xcf: {  	[tilespmem:$0xCF8] =	vst v0  }
0xd0: {  	[tilespmem:$0xD08] =	vst v0  }
0xd1: {  	[tilespmem:$0xD18] =	vst v0  }
0xd2: {  	[tilespmem:$0xD28] =	vst v0  }
0xd3: {  	[tilespmem:$0xD38] =	vst v0  }
0xd4: {  	[tilespmem:$0xD48] =	vst v0  }
0xd5: {  	[tilespmem:$0xD58] =	vst v0  }
0xd6: {  	[tilespmem:$0xD68] =	vst v0  }
0xd7: {  	[tilespmem:$0xD78] =	vst v0  }
0xd8: {  	[tilespmem:$0xD88] =	vst v0  }
0xd9: {  	[tilespmem:$0xD98] =	vst v0  }
0xda: {  	[tilespmem:$0xDA8] =	vst v0  }
0xdb: {  	[tilespmem:$0xDB8] =	vst v0  }
0xdc: {  	[tilespmem:$0xDC8] =	vst v0  }
0xdd: {  	[tilespmem:$0xDD8] =	vst v0  }
0xde: {  	[tilespmem:$0xDE8] =	vst v0  }
0xdf: {  	[tilespmem:$0xDF8] =	vst v0  }
0xe0: {  	[tilespmem:$0xE08] =	vst v0  }
0xe1: {  	[tilespmem:$0xE18] =	vst v0  }
0xe2: {  	[tilespmem:$0xE28] =	vst v0  }
0xe3: {  	[tilespmem:$0xE38] =	vst v0  }
0xe4: {  	[tilespmem:$0xE48] =	vst v0  }
0xe5: {  	[tilespmem:$0xE58] =	vst v0  }
0xe6: {  	[tilespmem:$0xE68] =	vst v0  }
0xe7: {  	[tilespmem:$0xE78] =	vst v0  }
0xe8: {  	[tilespmem:$0xE88] =	vst v0  }
0xe9: {  	[tilespmem:$0xE98] =	vst v0  }
0xea: {  	[tilespmem:$0xEA8] =	vst v0  }
0xeb: {  	[tilespmem:$0xEB8] =	vst v0  }
0xec: {  	[tilespmem:$0xEC8] =	vst v0  }
0xed: {  	[tilespmem:$0xED8] =	vst v0  }
0xee: {  	[tilespmem:$0xEE8] =	vst v0  }
0xef: {  	[tilespmem:$0xEF8] =	vst v0  }
0xf0: {  	[tilespmem:$0xF08] =	vst v0  }
0xf1: {  	[tilespmem:$0xF18] =	vst v0  }
0xf2: {  	[tilespmem:$0xF28] =	vst v0  }
0xf3: {  	[tilespmem:$0xF38] =	vst v0  }
0xf4: {  	[tilespmem:$0xF48] =	vst v0  }
0xf5: {  	[tilespmem:$0xF58] =	vst v0  }
0xf6: {  	[tilespmem:$0xF68] =	vst v0  }
0xf7: {  	[tilespmem:$0xF78] =	vst v0  }
0xf8: {  	[tilespmem:$0xF88] =	vst v0  }
0xf9: {  	[tilespmem:$0xF98] =	vst v0  }
0xfa: {  	[tilespmem:$0xFA8] =	vst v0  }
0xfb: {  	[tilespmem:$0xFB8] =	vst v0  }
0xfc: {  	[tilespmem:$0xFC8] =	vst v0  }
0xfd: {  	[tilespmem:$0xFD8] =	vst v0  }
0xfe: {  	[tilespmem:$0xFE8] =	vst v0  }
0xff: {  	[tilespmem:$0xFF8] =	vst v0  }
0x100: {  	[tilespmem:$0x1008] =	vst v0  }
0x101: {  	[tilespmem:$0x1018] =	vst v0  }
0x102: {  	[tilespmem:$0x1028] =	vst v0  }
0x103: {  	[tilespmem:$0x1168] =	vst v0  }
0x104: {  	[tilespmem:$0x1038] =	vst v0  }
0x105: {  	[tilespmem:$0x1048] =	vst v0  }
0x106: {  	[tilespmem:$0x1058] =	vst v0  }
0x107: {  	[tilespmem:$0x1068] =	vst v0  }
0x108: {  	[tilespmem:$0x1078] =	vst v0  }
0x109: {  	[tilespmem:$0x1088] =	vst v0  }
0x10a: {  	[tilespmem:$0x1098] =	vst v0  }
0x10b: {  	[tilespmem:$0x10A8] =	vst v0  }
0x10c: {  	[tilespmem:$0x10B8] =	vst v0  }
0x10d: {  	[tilespmem:$0x10C8] =	vst v0  }
0x10e: {  	[tilespmem:$0x10D8] =	vst v0  }
0x10f: {  	[tilespmem:$0x10E8] =	vst v0  }
0x110: {  	[tilespmem:$0x10F8] =	vst v0  }
0x111: {  	[tilespmem:$0x1108] =	vst v0  }
0x112: {  	[tilespmem:$0x1118] =	vst v0  }
0x113: {  	[tilespmem:$0x1128] =	vst v0  }
0x114: {  	[tilespmem:$0x1138] =	vst v0  }
0x115: {  	[tilespmem:$0x1148] =	vst v0  }
0x116: {  	[tilespmem:$0x1158] =	vst v0  }
0x117: {  	[tilespmem:$0x1178] =	vst v0  }
0x118: {  	[tilespmem:$0x1188] =	vst v0  }
0x119: {  	[tilespmem:$0x1198] =	vst v0  }
0x11a: {  	[tilespmem:$0x11A8] =	vst v0  }
0x11b: {  	[tilespmem:$0x11B8] =	vst v0  }
0x11c: {  	[tilespmem:$0x11C8] =	vst v0  }
0x11d: {  	[tilespmem:$0x11D8] =	vst v0  }
0x11e: {  	[tilespmem:$0x11E8] =	vst v0  }
0x11f: {  	[tilespmem:$0x11F8] =	vst v0  }
0x120: {  	[tilespmem:$0x1208] =	vst v0  }
0x121: {  	[tilespmem:$0x1218] =	vst v0  }
0x122: {  	[tilespmem:$0x1228] =	vst v0  }
0x123: {  	[tilespmem:$0x1238] =	vst v0  }
0x124: {  	[tilespmem:$0x1248] =	vst v0  }
0x125: {  	[tilespmem:$0x1258] =	vst v0  }
0x126: {  	[tilespmem:$0x1268] =	vst v0  }
0x127: {  	[tilespmem:$0x1278] =	vst v0  }
0x128: {  	[tilespmem:$0x1288] =	vst v0  }
0x129: {  	[tilespmem:$0x1298] =	vst v0  }
0x12a: {  	[tilespmem:$0x12A8] =	vst v0  }
0x12b: {  	[tilespmem:$0x12B8] =	vst v0  }
0x12c: {  	[tilespmem:$0x12C8] =	vst v0  }
0x12d: {  	[tilespmem:$0x12D8] =	vst v0  }
0x12e: {  	[tilespmem:$0x12E8] =	vst v0  }
0x12f: {  	[tilespmem:$0x12F8] =	vst v0  }
0x130: {  	[tilespmem:$0x1308] =	vst v0  }
0x131: {  	[tilespmem:$0x1318] =	vst v0  }
0x132: {  	[tilespmem:$0x1328] =	vst v0  }
0x133: {  	[tilespmem:$0x1338] =	vst v0  }
0x134: {  	[tilespmem:$0x1348] =	vst v0  }
0x135: {  	[tilespmem:$0x1358] =	vst v0  }
0x136: {  	[tilespmem:$0x1368] =	vst v0  }
0x137: {  	[tilespmem:$0x1378] =	vst v0  }
0x138: {  	[tilespmem:$0x1388] =	vst v0  }
0x139: {  	[tilespmem:$0x1398] =	vst v0  }
0x13a: {  	[tilespmem:$0x13A8] =	vst v0  }
0x13b: {  	[tilespmem:$0x13B8] =	vst v0  }
0x13c: {  	[tilespmem:$0x13C8] =	vst v0  }
0x13d: {  	[tilespmem:$0x13D8] =	vst v0  }
0x13e: {  	[tilespmem:$0x13E8] =	vst v0  }
0x13f: {  	[tilespmem:$0x13F8] =	vst v0  }
0x140: {  	[tilespmem:$0x1408] =	vst v0  }
0x141: {  	[tilespmem:$0x1418] =	vst v0  }
0x142: {  	[tilespmem:$0x1428] =	vst v0  }
0x143: {  	[tilespmem:$0x1438] =	vst v0  }
0x144: {  	[tilespmem:$0x1448] =	vst v0  }
0x145: {  	[tilespmem:$0x1458] =	vst v0  }
0x146: {  	[tilespmem:$0x1468] =	vst v0  }
0x147: {  	[tilespmem:$0x1478] =	vst v0  }
0x148: {  	[tilespmem:$0x1488] =	vst v0  }
0x149: {  	[tilespmem:$0x1498] =	vst v0  }
0x14a: {  	[tilespmem:$0x14A8] =	vst v0  }
0x14b: {  	[tilespmem:$0x14B8] =	vst v0  }
0x14c: {  	[tilespmem:$0x14C8] =	vst v0  }
0x14d: {  	[tilespmem:$0x14D8] =	vst v0  }
0x14e: {  	[tilespmem:$0x14E8] =	vst v0  }
0x14f: {  	[tilespmem:$0x14F8] =	vst v0  }
0x150: {  	[tilespmem:$0x1508] =	vst v0  }
0x151: {  	[tilespmem:$0x1518] =	vst v0  }
0x152: {  	[tilespmem:$0x1528] =	vst v0  }
0x153: {  	[tilespmem:$0x1538] =	vst v0  }
0x154: {  	[tilespmem:$0x1548] =	vst v0  }
0x155: {  	[tilespmem:$0x1558] =	vst v0  }
0x156: {  	[tilespmem:$0x1568] =	vst v0  }
0x157: {  	[tilespmem:$0x1578] =	vst v0  }
0x158: {  	[tilespmem:$0x1588] =	vst v0  }
0x159: {  	[tilespmem:$0x1598] =	vst v0  }
0x15a: {  	[tilespmem:$0x15A8] =	vst v0  }
0x15b: {  	[tilespmem:$0x15B8] =	vst v0  }
0x15c: {  	[tilespmem:$0x15C8] =	vst v0  }
0x15d: {  	[tilespmem:$0x15D8] =	vst v0  }
0x15e: {  	[tilespmem:$0x15E8] =	vst v0  }
0x15f: {  	[tilespmem:$0x15F8] =	vst v0  }
0x160: {  	[tilespmem:$0x1608] =	vst v0  }
0x161: {  	[tilespmem:$0x1618] =	vst v0  }
0x162: {  	[tilespmem:$0x1628] =	vst v0  }
0x163: {  	[tilespmem:$0x1638] =	vst v0  }
0x164: {  	[tilespmem:$0x1648] =	vst v0  }
0x165: {  	[tilespmem:$0x1658] =	vst v0  }
0x166: {  	[tilespmem:$0x1668] =	vst v0  }
0x167: {  	[tilespmem:$0x1678] =	vst v0  }
0x168: {  	[tilespmem:$0x1688] =	vst v0  }
0x169: {  	[tilespmem:$0x1698] =	vst v0  }
0x16a: {  	[tilespmem:$0x16A8] =	vst v0  }
0x16b: {  	[tilespmem:$0x16B8] =	vst v0  }
0x16c: {  	[tilespmem:$0x16C8] =	vst v0  }
0x16d: {  	[tilespmem:$0x16D8] =	vst v0  }
0x16e: {  	[tilespmem:$0x16E8] =	vst v0  }
0x16f: {  	[tilespmem:$0x16F8] =	vst v0  }
0x170: {  	[tilespmem:$0x1708] =	vst v0  }
0x171: {  	[tilespmem:$0x1718] =	vst v0  }
0x172: {  	[tilespmem:$0x1728] =	vst v0  }
0x173: {  	[tilespmem:$0x1738] =	vst v0  }
0x174: {  	[tilespmem:$0x1748] =	vst v0  }
0x175: {  	[tilespmem:$0x1758] =	vst v0  }
0x176: {  	[tilespmem:$0x1768] =	vst v0  }
0x177: {  	[tilespmem:$0x1778] =	vst v0  }
0x178: {  	[tilespmem:$0x1788] =	vst v0  }
0x179: {  	[tilespmem:$0x1798] =	vst v0  }
0x17a: {  	[tilespmem:$0x17A8] =	vst v0  }
0x17b: {  	[tilespmem:$0x17B8] =	vst v0  }
0x17c: {  	[tilespmem:$0x17C8] =	vst v0  }
0x17d: {  	[tilespmem:$0x17D8] =	vst v0  }
0x17e: {  	[tilespmem:$0x17E8] =	vst v0  }
0x17f: {  	[tilespmem:$0x17F8] =	vst v0  }
0x180: {  	[tilespmem:$0x1808] =	vst v0  }
0x181: {  	[tilespmem:$0x1818] =	vst v0  }
0x182: {  	[tilespmem:$0x1828] =	vst v0  }
0x183: {  	[tilespmem:$0x1838] =	vst v0  }
0x184: {  	[tilespmem:$0x1848] =	vst v0  }
0x185: {  	[tilespmem:$0x1858] =	vst v0  }
0x186: {  	[tilespmem:$0x1868] =	vst v0  }
0x187: {  	[tilespmem:$0x1878] =	vst v0  }
0x188: {  	[tilespmem:$0x1888] =	vst v0  }
0x189: {  	[tilespmem:$0x1898] =	vst v0  }
0x18a: {  	[tilespmem:$0x18A8] =	vst v0  }
0x18b: {  	[tilespmem:$0x18B8] =	vst v0  }
0x18c: {  	[tilespmem:$0x18C8] =	vst v0  }
0x18d: {  	[tilespmem:$0x18D8] =	vst v0  }
0x18e: {  	[tilespmem:$0x18E8] =	vst v0  }
0x18f: {  	[tilespmem:$0x18F8] =	vst v0  }
0x190: {  	[tilespmem:$0x1908] =	vst v0  }
0x191: {  	[tilespmem:$0x1918] =	vst v0  }
0x192: {  	[tilespmem:$0x1928] =	vst v0  }
0x193: {  	[tilespmem:$0x1938] =	vst v0  }
0x194: {  	[tilespmem:$0x1948] =	vst v0  }
0x195: {  	[tilespmem:$0x1958] =	vst v0  }
0x196: {  	[tilespmem:$0x1968] =	vst v0  }
0x197: {  	[tilespmem:$0x1978] =	vst v0  }
0x198: {  	[tilespmem:$0x1988] =	vst v0  }
0x199: {  	[tilespmem:$0x1998] =	vst v0  }
0x19a: {  	[tilespmem:$0x19A8] =	vst v0  }
0x19b: {  	[tilespmem:$0x19B8] =	vst v0  }
0x19c: {  	[tilespmem:$0x19C8] =	vst v0  }
0x19d: {  	[tilespmem:$0x19D8] =	vst v0  }
0x19e: {  	[tilespmem:$0x19E8] =	vst v0  }
0x19f: {  	[tilespmem:$0x19F8] =	vst v0  }
0x1a0: {  	[tilespmem:$0x1A08] =	vst v0  }
0x1a1: {  	[tilespmem:$0x1A18] =	vst v0  }
0x1a2: {  	[tilespmem:$0x1A28] =	vst v0  }
0x1a3: {  	[tilespmem:$0x1A38] =	vst v0  }
0x1a4: {  	[tilespmem:$0x1A48] =	vst v0  }
0x1a5: {  	[tilespmem:$0x1A58] =	vst v0  }
0x1a6: {  	[tilespmem:$0x1A68] =	vst v0  }
0x1a7: {  	[tilespmem:$0x1A78] =	vst v0  }
0x1a8: {  	[tilespmem:$0x1A88] =	vst v0  }
0x1a9: {  	[tilespmem:$0x1A98] =	vst v0  }
0x1aa: {  	[tilespmem:$0x1AA8] =	vst v0  }
0x1ab: {  	[tilespmem:$0x1AB8] =	vst v0  }
0x1ac: {  	[tilespmem:$0x1AC8] =	vst v0  }
0x1ad: {  	[tilespmem:$0x1AD8] =	vst v0  }
0x1ae: {  	[tilespmem:$0x1AE8] =	vst v0  }
0x1af: {  	[tilespmem:$0x1AF8] =	vst v0  }
0x1b0: {  	[tilespmem:$0x1B08] =	vst v0  }
0x1b1: {  	[tilespmem:$0x1B18] =	vst v0  }
0x1b2: {  	[tilespmem:$0x1B28] =	vst v0  }
0x1b3: {  	[tilespmem:$0x1B38] =	vst v0  }
0x1b4: {  	[tilespmem:$0x1B48] =	vst v0  }
0x1b5: {  	[tilespmem:$0x1B58] =	vst v0  }
0x1b6: {  	[tilespmem:$0x1B68] =	vst v0  }
0x1b7: {  	[tilespmem:$0x1B78] =	vst v0  }
0x1b8: {  	[tilespmem:$0x1B88] =	vst v0  }
0x1b9: {  	[tilespmem:$0x1B98] =	vst v0  }
0x1ba: {  	[tilespmem:$0x1BA8] =	vst v0  }
0x1bb: {  	[tilespmem:$0x1BB8] =	vst v0  }
0x1bc: {  	[tilespmem:$0x1BC8] =	vst v0  }
0x1bd: {  	[tilespmem:$0x1BD8] =	vst v0  }
0x1be: {  	[tilespmem:$0x1BE8] =	vst v0  }
0x1bf: {  	[tilespmem:$0x1BF8] =	vst v0  }
0x1c0: {  	[tilespmem:$0x1C08] =	vst v0  }
0x1c1: {  	[tilespmem:$0x1C18] =	vst v0  }
0x1c2: {  	[tilespmem:$0x1C28] =	vst v0  }
0x1c3: {  	[tilespmem:$0x1C38] =	vst v0  }
0x1c4: {  	[tilespmem:$0x1C48] =	vst v0  }
0x1c5: {  	[tilespmem:$0x1C58] =	vst v0  }
0x1c6: {  	[tilespmem:$0x1C68] =	vst v0  }
0x1c7: {  	[tilespmem:$0x1C78] =	vst v0  }
0x1c8: {  	[tilespmem:$0x1C88] =	vst v0  }
0x1c9: {  	[tilespmem:$0x1C98] =	vst v0  }
0x1ca: {  	[tilespmem:$0x1CA8] =	vst v0  }
0x1cb: {  	[tilespmem:$0x1CB8] =	vst v0  }
0x1cc: {  	[tilespmem:$0x1CC8] =	vst v0  }
0x1cd: {  	[tilespmem:$0x1CD8] =	vst v0  }
0x1ce: {  	[tilespmem:$0x1CE8] =	vst v0  }
0x1cf: {  	[tilespmem:$0x1CF8] =	vst v0  }
0x1d0: {  	[tilespmem:$0x1D08] =	vst v0  }
0x1d1: {  	[tilespmem:$0x1D18] =	vst v0  }
0x1d2: {  	[tilespmem:$0x1D28] =	vst v0  }
0x1d3: {  	[tilespmem:$0x1D38] =	vst v0  }
0x1d4: {  	[tilespmem:$0x1D48] =	vst v0  }
0x1d5: {  	[tilespmem:$0x1D58] =	vst v0  }
0x1d6: {  	[tilespmem:$0x1D68] =	vst v0  }
0x1d7: {  	[tilespmem:$0x1D78] =	vst v0  }
0x1d8: {  	[tilespmem:$0x1D88] =	vst v0  }
0x1d9: {  	[tilespmem:$0x1D98] =	vst v0  }
0x1da: {  	[tilespmem:$0x1DA8] =	vst v0  }
0x1db: {  	[tilespmem:$0x1DB8] =	vst v0  }
0x1dc: {  	[tilespmem:$0x1DC8] =	vst v0  }
0x1dd: {  	[tilespmem:$0x1DD8] =	vst v0  }
0x1de: {  	[tilespmem:$0x1DE8] =	vst v0  }
0x1df: {  	[tilespmem:$0x1DF8] =	vst v0  }
0x1e0: {  	[tilespmem:$0x1E08] =	vst v0  }
0x1e1: {  	[tilespmem:$0x1E18] =	vst v0  }
0x1e2: {  	[tilespmem:$0x1E28] =	vst v0  }
0x1e3: {  	[tilespmem:$0x1E38] =	vst v0  }
0x1e4: {  	[tilespmem:$0x1E48] =	vst v0  }
0x1e5: {  	[tilespmem:$0x1E58] =	vst v0  }
0x1e6: {  	[tilespmem:$0x1E68] =	vst v0  }
0x1e7: {  	[tilespmem:$0x1E78] =	vst v0  }
0x1e8: {  	[tilespmem:$0x1E88] =	vst v0  }
0x1e9: {  	[tilespmem:$0x1E98] =	vst v0  }
0x1ea: {  	[tilespmem:$0x1EA8] =	vst v0  }
0x1eb: {  	[tilespmem:$0x1EB8] =	vst v0  }
0x1ec: {  	[tilespmem:$0x1EC8] =	vst v0  }
0x1ed: {  	[tilespmem:$0x1ED8] =	vst v0  }
0x1ee: {  	[tilespmem:$0x1EE8] =	vst v0  }
0x1ef: {  	[tilespmem:$0x1EF8] =	vst v0  }
0x1f0: {  	[tilespmem:$0x1F08] =	vst v0  }
0x1f1: {  	[tilespmem:$0x1F18] =	vst v0  }
0x1f2: {  	[tilespmem:$0x1F28] =	vst v0  }
0x1f3: {  	[tilespmem:$0x1F38] =	vst v0  }
0x1f4: {  	[tilespmem:$0x1F48] =	vst v0  }
0x1f5: {  	[tilespmem:$0x1F58] =	vst v0  }
0x1f6: {  	[tilespmem:$0x1F68] =	vst v0  }
0x1f7: {  	[tilespmem:$0x1F78] =	vst v0  }
0x1f8: {  	[tilespmem:$0x1F88] =	vst v0  }
0x1f9: {  	[tilespmem:$0x1F98] =	vst v0  }
0x1fa: {  	[tilespmem:$0x1FA8] =	vst v0  }
0x1fb: {  	[tilespmem:$0x1FB8] =	vst v0  }
0x1fc: {  	[tilespmem:$0x1FC8] =	vst v0  }
0x1fd: {  	[tilespmem:$0x1FD8] =	vst v0  }
0x1fe: {  	[tilespmem:$0x1FE8] =	vst v0  }
0x1ff: {  	[tilespmem:$0x1FF8] =	vst v0  }
0x200: {  	[tilespmem:$0x2008] =	vst v0  }
0x201: {  	[tilespmem:$0x2018] =	vst v0  }
0x202: {  	[tilespmem:$0x2028] =	vst v0  }
0x203: {  	[tilespmem:$0x2038] =	vst v0  }
0x204: {  	[tilespmem:$0x2048] =	vst v0  }
0x205: {  	[tilespmem:$0x2058] =	vst v0  }
0x206: {  	[tilespmem:$0x2068] =	vst v0  }
0x207: {  	[tilespmem:$0x2078] =	vst v0  }
0x208: {  	[tilespmem:$0x2088] =	vst v0  }
0x209: {  	[tilespmem:$0x2098] =	vst v0  }
0x20a: {  	[tilespmem:$0x20A8] =	vst v0  }
0x20b: {  	[tilespmem:$0x20B8] =	vst v0  }
0x20c: {  	[tilespmem:$0x20C8] =	vst v0  }
0x20d: {  	[tilespmem:$0x20D8] =	vst v0  }
0x20e: {  	[tilespmem:$0x20E8] =	vst v0  }
0x20f: {  	[tilespmem:$0x20F8] =	vst v0  }
0x210: {  	[tilespmem:$0x2108] =	vst v0  }
0x211: {  	[tilespmem:$0x2118] =	vst v0  }
0x212: {  	[tilespmem:$0x2128] =	vst v0  }
0x213: {  	[tilespmem:$0x2138] =	vst v0  }
0x214: {  	[tilespmem:$0x2148] =	vst v0  }
0x215: {  	[tilespmem:$0x2158] =	vst v0  }
0x216: {  	[tilespmem:$0x2178] =	vst v0  }
0x217: {  	[tilespmem:$0x2228] =	vst v0  }
0x218: {  	[tilespmem:$0x3058] =	vst v0  }
0x219: {  	[tilespmem:$0x3048] =	vst v0  }
0x21a: {  	[tilespmem:$0x3038] =	vst v0  }
0x21b: {  	[tilespmem:$0x3028] =	vst v0  }
0x21c: {  	[tilespmem:$0x3018] =	vst v0  }
0x21d: {  	[tilespmem:$0x3008] =	vst v0  }
0x21e: {  	[tilespmem:$0x2FF8] =	vst v0  }
0x21f: {  	[tilespmem:$0x2FE8] =	vst v0  }
0x220: {  	[tilespmem:$0x2FD8] =	vst v0  }
0x221: {  	[tilespmem:$0x2FC8] =	vst v0  }
0x222: {  	[tilespmem:$0x2FB8] =	vst v0  }
0x223: {  	[tilespmem:$0x2FA8] =	vst v0  }
0x224: {  	[tilespmem:$0x2F98] =	vst v0  }
0x225: {  	[tilespmem:$0x2F88] =	vst v0  }
0x226: {  	[tilespmem:$0x2F78] =	vst v0  }
0x227: {  	[tilespmem:$0x2F68] =	vst v0  }
0x228: {  	[tilespmem:$0x2F58] =	vst v0  }
0x229: {  	[tilespmem:$0x2F48] =	vst v0  }
0x22a: {  	[tilespmem:$0x2F38] =	vst v0  }
0x22b: {  	[tilespmem:$0x2F28] =	vst v0  }
0x22c: {  	[tilespmem:$0x2F18] =	vst v0  }
0x22d: {  	[tilespmem:$0x2F08] =	vst v0  }
0x22e: {  	[tilespmem:$0x2EF8] =	vst v0  }
0x22f: {  	[tilespmem:$0x2EE8] =	vst v0  }
0x230: {  	[tilespmem:$0x2ED8] =	vst v0  }
0x231: {  	[tilespmem:$0x2EC8] =	vst v0  }
0x232: {  	[tilespmem:$0x2EB8] =	vst v0  }
0x233: {  	[tilespmem:$0x2EA8] =	vst v0  }
0x234: {  	[tilespmem:$0x2E98] =	vst v0  }
0x235: {  	[tilespmem:$0x2E88] =	vst v0  }
0x236: {  	[tilespmem:$0x2E78] =	vst v0  }
0x237: {  	[tilespmem:$0x2E68] =	vst v0  }
0x238: {  	[tilespmem:$0x2E58] =	vst v0  }
0x239: {  	[tilespmem:$0x2E48] =	vst v0  }
0x23a: {  	[tilespmem:$0x2E38] =	vst v0  }
0x23b: {  	[tilespmem:$0x2E28] =	vst v0  }
0x23c: {  	[tilespmem:$0x2E18] =	vst v0  }
0x23d: {  	[tilespmem:$0x2E08] =	vst v0  }
0x23e: {  	[tilespmem:$0x2DF8] =	vst v0  }
0x23f: {  	[tilespmem:$0x2DE8] =	vst v0  }
0x240: {  	[tilespmem:$0x2DD8] =	vst v0  }
0x241: {  	[tilespmem:$0x2DC8] =	vst v0  }
0x242: {  	[tilespmem:$0x2DB8] =	vst v0  }
0x243: {  	[tilespmem:$0x2DA8] =	vst v0  }
0x244: {  	[tilespmem:$0x2D98] =	vst v0  }
0x245: {  	[tilespmem:$0x2D88] =	vst v0  }
0x246: {  	[tilespmem:$0x2D78] =	vst v0  }
0x247: {  	[tilespmem:$0x2D68] =	vst v0  }
0x248: {  	[tilespmem:$0x2D58] =	vst v0  }
0x249: {  	[tilespmem:$0x2D48] =	vst v0  }
0x24a: {  	[tilespmem:$0x2D38] =	vst v0  }
0x24b: {  	[tilespmem:$0x2D28] =	vst v0  }
0x24c: {  	[tilespmem:$0x2D18] =	vst v0  }
0x24d: {  	[tilespmem:$0x2D08] =	vst v0  }
0x24e: {  	[tilespmem:$0x2CF8] =	vst v0  }
0x24f: {  	[tilespmem:$0x2CE8] =	vst v0  }
0x250: {  	[tilespmem:$0x2CD8] =	vst v0  }
0x251: {  	[tilespmem:$0x2CC8] =	vst v0  }
0x252: {  	[tilespmem:$0x2CB8] =	vst v0  }
0x253: {  	[tilespmem:$0x2CA8] =	vst v0  }
0x254: {  	[tilespmem:$0x2C98] =	vst v0  }
0x255: {  	[tilespmem:$0x2C88] =	vst v0  }
0x256: {  	[tilespmem:$0x2C78] =	vst v0  }
0x257: {  	[tilespmem:$0x2C68] =	vst v0  }
0x258: {  	[tilespmem:$0x2C58] =	vst v0  }
0x259: {  	[tilespmem:$0x2C48] =	vst v0  }
0x25a: {  	[tilespmem:$0x2C38] =	vst v0  }
0x25b: {  	[tilespmem:$0x2C28] =	vst v0  }
0x25c: {  	[tilespmem:$0x2C18] =	vst v0  }
0x25d: {  	[tilespmem:$0x2C08] =	vst v0  }
0x25e: {  	[tilespmem:$0x2BF8] =	vst v0  }
0x25f: {  	[tilespmem:$0x2BE8] =	vst v0  }
0x260: {  	[tilespmem:$0x2BD8] =	vst v0  }
0x261: {  	[tilespmem:$0x2BC8] =	vst v0  }
0x262: {  	[tilespmem:$0x2BB8] =	vst v0  }
0x263: {  	[tilespmem:$0x2BA8] =	vst v0  }
0x264: {  	[tilespmem:$0x2B98] =	vst v0  }
0x265: {  	[tilespmem:$0x2B88] =	vst v0  }
0x266: {  	[tilespmem:$0x2B78] =	vst v0  }
0x267: {  	[tilespmem:$0x2B68] =	vst v0  }
0x268: {  	[tilespmem:$0x2B58] =	vst v0  }
0x269: {  	[tilespmem:$0x2B48] =	vst v0  }
0x26a: {  	[tilespmem:$0x2B38] =	vst v0  }
0x26b: {  	[tilespmem:$0x2B28] =	vst v0  }
0x26c: {  	[tilespmem:$0x2B18] =	vst v0  }
0x26d: {  	[tilespmem:$0x2B08] =	vst v0  }
0x26e: {  	[tilespmem:$0x2AF8] =	vst v0  }
0x26f: {  	[tilespmem:$0x2AE8] =	vst v0  }
0x270: {  	[tilespmem:$0x2AD8] =	vst v0  }
0x271: {  	[tilespmem:$0x2AC8] =	vst v0  }
0x272: {  	[tilespmem:$0x2AB8] =	vst v0  }
0x273: {  	[tilespmem:$0x2AA8] =	vst v0  }
0x274: {  	[tilespmem:$0x2A98] =	vst v0  }
0x275: {  	[tilespmem:$0x2A88] =	vst v0  }
0x276: {  	[tilespmem:$0x2A78] =	vst v0  }
0x277: {  	[tilespmem:$0x2A68] =	vst v0  }
0x278: {  	[tilespmem:$0x2A58] =	vst v0  }
0x279: {  	[tilespmem:$0x2A48] =	vst v0  }
0x27a: {  	[tilespmem:$0x2A38] =	vst v0  }
0x27b: {  	[tilespmem:$0x2A28] =	vst v0  }
0x27c: {  	[tilespmem:$0x2A18] =	vst v0  }
0x27d: {  	[tilespmem:$0x2A08] =	vst v0  }
0x27e: {  	[tilespmem:$0x29F8] =	vst v0  }
0x27f: {  	[tilespmem:$0x29E8] =	vst v0  }
0x280: {  	[tilespmem:$0x29D8] =	vst v0  }
0x281: {  	[tilespmem:$0x29C8] =	vst v0  }
0x282: {  	[tilespmem:$0x29B8] =	vst v0  }
0x283: {  	[tilespmem:$0x29A8] =	vst v0  }
0x284: {  	[tilespmem:$0x2998] =	vst v0  }
0x285: {  	[tilespmem:$0x2988] =	vst v0  }
0x286: {  	[tilespmem:$0x2978] =	vst v0  }
0x287: {  	[tilespmem:$0x2968] =	vst v0  }
0x288: {  	[tilespmem:$0x2958] =	vst v0  }
0x289: {  	[tilespmem:$0x2948] =	vst v0  }
0x28a: {  	[tilespmem:$0x2938] =	vst v0  }
0x28b: {  	[tilespmem:$0x2928] =	vst v0  }
0x28c: {  	[tilespmem:$0x2918] =	vst v0  }
0x28d: {  	[tilespmem:$0x2908] =	vst v0  }
0x28e: {  	[tilespmem:$0x28F8] =	vst v0  }
0x28f: {  	[tilespmem:$0x28E8] =	vst v0  }
0x290: {  	[tilespmem:$0x28D8] =	vst v0  }
0x291: {  	[tilespmem:$0x28C8] =	vst v0  }
0x292: {  	[tilespmem:$0x28B8] =	vst v0  }
0x293: {  	[tilespmem:$0x28A8] =	vst v0  }
0x294: {  	[tilespmem:$0x2898] =	vst v0  }
0x295: {  	[tilespmem:$0x2888] =	vst v0  }
0x296: {  	[tilespmem:$0x2878] =	vst v0  }
0x297: {  	[tilespmem:$0x2868] =	vst v0  }
0x298: {  	[tilespmem:$0x2858] =	vst v0  }
0x299: {  	[tilespmem:$0x2848] =	vst v0  }
0x29a: {  	[tilespmem:$0x2838] =	vst v0  }
0x29b: {  	[tilespmem:$0x2828] =	vst v0  }
0x29c: {  	[tilespmem:$0x2818] =	vst v0  }
0x29d: {  	[tilespmem:$0x2808] =	vst v0  }
0x29e: {  	[tilespmem:$0x27F8] =	vst v0  }
0x29f: {  	[tilespmem:$0x27E8] =	vst v0  }
0x2a0: {  	[tilespmem:$0x27D8] =	vst v0  }
0x2a1: {  	[tilespmem:$0x27C8] =	vst v0  }
0x2a2: {  	[tilespmem:$0x27B8] =	vst v0  }
0x2a3: {  	[tilespmem:$0x27A8] =	vst v0  }
0x2a4: {  	[tilespmem:$0x2798] =	vst v0  }
0x2a5: {  	[tilespmem:$0x2788] =	vst v0  }
0x2a6: {  	[tilespmem:$0x2778] =	vst v0  }
0x2a7: {  	[tilespmem:$0x2768] =	vst v0  }
0x2a8: {  	[tilespmem:$0x2758] =	vst v0  }
0x2a9: {  	[tilespmem:$0x2748] =	vst v0  }
0x2aa: {  	[tilespmem:$0x2738] =	vst v0  }
0x2ab: {  	[tilespmem:$0x2728] =	vst v0  }
0x2ac: {  	[tilespmem:$0x2718] =	vst v0  }
0x2ad: {  	[tilespmem:$0x2708] =	vst v0  }
0x2ae: {  	[tilespmem:$0x26F8] =	vst v0  }
0x2af: {  	[tilespmem:$0x26E8] =	vst v0  }
0x2b0: {  	[tilespmem:$0x26D8] =	vst v0  }
0x2b1: {  	[tilespmem:$0x26C8] =	vst v0  }
0x2b2: {  	[tilespmem:$0x26B8] =	vst v0  }
0x2b3: {  	[tilespmem:$0x26A8] =	vst v0  }
0x2b4: {  	[tilespmem:$0x2698] =	vst v0  }
0x2b5: {  	[tilespmem:$0x2688] =	vst v0  }
0x2b6: {  	[tilespmem:$0x2678] =	vst v0  }
0x2b7: {  	[tilespmem:$0x2668] =	vst v0  }
0x2b8: {  	[tilespmem:$0x2658] =	vst v0  }
0x2b9: {  	[tilespmem:$0x2648] =	vst v0  }
0x2ba: {  	[tilespmem:$0x2638] =	vst v0  }
0x2bb: {  	[tilespmem:$0x2628] =	vst v0  }
0x2bc: {  	[tilespmem:$0x2618] =	vst v0  }
0x2bd: {  	[tilespmem:$0x2608] =	vst v0  }
0x2be: {  	[tilespmem:$0x25F8] =	vst v0  }
0x2bf: {  	[tilespmem:$0x25E8] =	vst v0  }
0x2c0: {  	[tilespmem:$0x25D8] =	vst v0  }
0x2c1: {  	[tilespmem:$0x25C8] =	vst v0  }
0x2c2: {  	[tilespmem:$0x25B8] =	vst v0  }
0x2c3: {  	[tilespmem:$0x25A8] =	vst v0  }
0x2c4: {  	[tilespmem:$0x2598] =	vst v0  }
0x2c5: {  	[tilespmem:$0x2588] =	vst v0  }
0x2c6: {  	[tilespmem:$0x2578] =	vst v0  }
0x2c7: {  	[tilespmem:$0x2568] =	vst v0  }
0x2c8: {  	[tilespmem:$0x2558] =	vst v0  }
0x2c9: {  	[tilespmem:$0x2548] =	vst v0  }
0x2ca: {  	[tilespmem:$0x2538] =	vst v0  }
0x2cb: {  	[tilespmem:$0x2528] =	vst v0  }
0x2cc: {  	[tilespmem:$0x2518] =	vst v0  }
0x2cd: {  	[tilespmem:$0x2508] =	vst v0  }
0x2ce: {  	[tilespmem:$0x24F8] =	vst v0  }
0x2cf: {  	[tilespmem:$0x24E8] =	vst v0  }
0x2d0: {  	[tilespmem:$0x24D8] =	vst v0  }
0x2d1: {  	[tilespmem:$0x24C8] =	vst v0  }
0x2d2: {  	[tilespmem:$0x24B8] =	vst v0  }
0x2d3: {  	[tilespmem:$0x24A8] =	vst v0  }
0x2d4: {  	[tilespmem:$0x2498] =	vst v0  }
0x2d5: {  	[tilespmem:$0x2488] =	vst v0  }
0x2d6: {  	[tilespmem:$0x2478] =	vst v0  }
0x2d7: {  	[tilespmem:$0x2468] =	vst v0  }
0x2d8: {  	[tilespmem:$0x2458] =	vst v0  }
0x2d9: {  	[tilespmem:$0x2448] =	vst v0  }
0x2da: {  	[tilespmem:$0x2438] =	vst v0  }
0x2db: {  	[tilespmem:$0x2428] =	vst v0  }
0x2dc: {  	[tilespmem:$0x2418] =	vst v0  }
0x2dd: {  	[tilespmem:$0x2408] =	vst v0  }
0x2de: {  	[tilespmem:$0x23F8] =	vst v0  }
0x2df: {  	[tilespmem:$0x23E8] =	vst v0  }
0x2e0: {  	[tilespmem:$0x23D8] =	vst v0  }
0x2e1: {  	[tilespmem:$0x23C8] =	vst v0  }
0x2e2: {  	[tilespmem:$0x23B8] =	vst v0  }
0x2e3: {  	[tilespmem:$0x23A8] =	vst v0  }
0x2e4: {  	[tilespmem:$0x2398] =	vst v0  }
0x2e5: {  	[tilespmem:$0x2388] =	vst v0  }
0x2e6: {  	[tilespmem:$0x2378] =	vst v0  }
0x2e7: {  	[tilespmem:$0x2368] =	vst v0  }
0x2e8: {  	[tilespmem:$0x2358] =	vst v0  }
0x2e9: {  	[tilespmem:$0x2348] =	vst v0  }
0x2ea: {  	[tilespmem:$0x2338] =	vst v0  }
0x2eb: {  	[tilespmem:$0x2328] =	vst v0  }
0x2ec: {  	[tilespmem:$0x2318] =	vst v0  }
0x2ed: {  	[tilespmem:$0x2308] =	vst v0  }
0x2ee: {  	[tilespmem:$0x22F8] =	vst v0  }
0x2ef: {  	[tilespmem:$0x22E8] =	vst v0  }
0x2f0: {  	[tilespmem:$0x22D8] =	vst v0  }
0x2f1: {  	[tilespmem:$0x22C8] =	vst v0  }
0x2f2: {  	[tilespmem:$0x22B8] =	vst v0  }
0x2f3: {  	[tilespmem:$0x22A8] =	vst v0  }
0x2f4: {  	[tilespmem:$0x2298] =	vst v0  }
0x2f5: {  	s10 =	stileid.u32;
	[tilespmem:$0x2288] =	vst v0  }
0x2f6: {  	s0 =	smul.u32 $0x1A, s10;
	[tilespmem:$0x2278] =	vst v0  }
0x2f7: {  	s1 =	smin.u32 s10, $0x6;
	[tilespmem:$0x2268] =	vst v0  }
0x2f8: {  	[tilespmem:$0x2258] =	vst v0;
	s0 =	sadd.s32 s1, s0  }
0x2f9: {  	p0 =	slt.u32 s10, $0x6;
	[tilespmem:$0x2248] =	vst v0;
	s1 =	simm.s32 $0x2880;
	s8 =	smul.u32 $0x180, s0  }
0x2fa: {  	s1 =	simm.s32 @!p0 $0x2700;
	[tilespmem:$0x2238] =	vst v0  }
0x2fb: {  	[tilespmem:$0x2208] =	vst v0;
	s0 =	sadd.s32 s1, s8  }
0x2fc: {  	[tilespmem:$0x2218] =	vst v0;
	s9 =	smin.u32 s0, $0x27800  }
0x2fd: {  	[tilespmem:$0x21F8] =	vst v0;
	s0 =	ssub.s32 s9, s8  }
0x2fe: {  	s5 =	simm.s32 $0x2;
	[tilespmem:$0x2188] =	vst v0;
	p0 =	sgt.s32 s0, $0x0  }
0x2ff: {  	s29 =	simm.s32 $0x9;
	s31 =	simm.s32 $0xA;
	[tilespmem:$0x21E8] =	vst v0;
	s0 =	simm.s32 @!p0 $0x0  }
0x300: {  	s13 =	simm.s32 $0xB;
	s18 =	simm.s32 $0x0;
	[tilespmem:$0x21D8] =	vst v0;
	s28 =	smulhi.u32 $0x2AAAAAAB, s0  }
0x301: {  	p1 =	por $0x0, $0x0;
	s19 =	simm.s32 $0xC;
	s23 =	simm.s32 $0x0;
	[tilespmem:$0x21C8] =	vst v0  }
0x302: {  	s20 =	simm.s32 $0x0;
	s22 =	simm.s32 $0x0;
	[tilespmem:$0x21B8] =	vst v0;
	s1 =	sshrl.u32 s28, $0x6  }
0x303: {  	s4 =	sadd.s32 $0x31000, s7;
	s6 =	sand.u32 $0x1, s2;
	s30 =	smul.u32 $0x180, s1;
	[tilespmem:$0x21A8] =	vst v0  }
0x304: {  	s11 =	sadd.s32 $0x7E8600, s7;
	[tilespmem:$0x2198] =	vst v0;
	[dreg:$0x4] =	wrdreg s6;
	s6 =	smul.u32 $0x4F00, s6  }
.Ltmp0:
0x305: {  	s16 =	sshll.u32 s10, $0x6;
	[tilespmem:$0x2168] =	vst v0;
	[sflag:s5] =	ssyncpa.u1 $0x0;
	v0 =	vimm.s32 $0xFFFFFFFF;
	(pc) =	sbr.rel .LBB2_1-.Ltmp0, $4  }
0x306: {  	[tilespmem:$0x6088] =	vst v0;
	[sflag:s29] =	ssyncpa.u1 $0x0;
	p0 =	sne.s32 s0, s30;
	s0 =	simm.s32 $0x1  }
0x307: {  	[sflag:s31] =	ssyncpa.u1 $0x0;
	s7 =	sadd.s32 s6, s7;
	s0 =	simm.s32 @!p0 $0x0  }
0x308: {  	[sflag:s13] =	ssyncpa.u1 $0x0;
	s15 =	sadd.s32 $0x6CA00, s7;
	s14 =	sadd.s32 s0, s1  }
0x309: {  	v0 =	vlaneseq.u32;
	s21 =	smov.u32 s8;
	p0 =	por $0x1, $0x1;
	s17 =	sadd.s32 $0x1, s14  }
.LBB2_22:
0x30a: {  	s0 =	sshrl.u32 s0, $0x2  }
.LBB2_24:
0x30b: {  	_ =	swait.ge [sflag:s19], s0  }
0x30c: {  	s30 =	ssub.s32 $0x0, s0;
	v1 =	vmov s25;
	vm0 =	veq.s32 v0, $0x0;
	[sflag:s19] =	ssyncset.done $0x0  }
0x30d: {  	vm15 =	veq.s32 v0, $0x2;
	v1 =	vsel vm0, s31, v1;
	[sflag:s19] =	ssyncadd.s32 s30  }
0x30e: {  	v1 =	vsel vm15, s23, v1;
	[sflag:s19] =	ssyncpa.u1 $0x1  }
0x30f: {  	[tilespmem:$0x6088] =	vst v1  }
.LBB2_25:
0x310: {  	s0 =	sadd.s32 $0x180, s21  }
0x311: {  	s1 =	smov.u32 s8;
	p2 =	slt.s32 s0, s9  }
0x312: {  	s1 =	smov.u32 @p2 s0;
	p2 =	sne.s32 s22, s17  }
.Ltmp1:
0x313: {  	_ = 	snop;
	(pc) =	sbr.rel @!p2 .LBB2_26-.Ltmp1, $4  }
0x314: {  	_ = 	snop  }
0x315: {  	s23 =	smov.u32 s20  }
0x316: {  	s31 =	sadd.s32 $0x1, s22;
	s20 =	smov.u32 s21;
	p0 =	por !p0, !p0  }
0x317: {  	p1 =	por !p1, !p1;
	s22 =	smov.u32 s31;
	s21 =	smov.u32 s1  }
.LBB2_1:
0x318: {  	p2 =	sge.u32 s22, s14  }
0x319: {  	s0 =	smulhi.u32 @!p2 $0xAAAAAAAB, s22  }
0x31a: {  	s1 =	smov.u32 s21;
	p3 =	sgt.s32 @!p2 s21, $0x27680  }
0x31b: {  	s2 =	sshra.s32 @!p2 s21, $0x1F;
	p3 =	por !p3, p2;
	s0 =	sshrl.u32 @!p2 s0, $0x1  }
0x31c: {  	s2 =	sand.u32 @!p2 s2, s21;
	s1 =	simm.s32 @p3 $0x27680;
	s0 =	smul.u32 @!p2 $0x3, s0  }
0x31d: {  	s1 =	ssub.s32 @!p2 s1, s2  }
0x31e: {  	s1 =	sadd.s32 @!p2 $0xFFFD8980, s1;
	s0 =	ssub.s32 @!p2 s22, s0  }
0x31f: {  	s2 =	sshll.u32 @!p2 s1, $0x2;
	p3 =	sgt.s32 @!p2 s1, $0x17F;
	s0 =	smul.u32 @!p2 $0x600, s0  }
0x320: {  	s5 =	sand.u32 @!p2 $0x7, s21;
	s1 =	ssub.s32 @!p2 $0x600, s2;
	p3 =	por !p3, p2  }
0x321: {  	s2 =	sshrl.u32 @!p2 s21, $0x3;
	s1 =	sshrl.u32 @!p2 s1, $0x2;
	s0 =	sshrl.u32 @!p2 s0, $0x2  }
0x322: {  	s2 =	sadd.s32 @!p2 s2, s7;
	s1 =	simm.s32 @!p3 $0x0;
	s0 =	sadd.s32 @!p2 $0x64C8, s0  }
0x323: {  	[tilespmem:s0], [sflag:$0xA] =	stream.linear.gather @!p2 [hbm4b:s2+s5], s1, $0x38;
	[tilespmem:$0x1EC48] =	vst v63  }
0x324: {  	s1 =	sadd.s32 $0xFFFFFFFF, s22  }
0x325: {  	p2 =	sge.u32 s1, s14  }
0x326: {  	p3 =	sgt.s32 @!p2 s20, $0x27680  }
0x327: {  	s0 =	smov.u32 s20;
	s2 =	sshra.s32 @!p2 s20, $0x1F;
	p3 =	por !p3, p2  }
0x328: {  	s2 =	sand.u32 @!p2 s2, s20;
	s0 =	simm.s32 @p3 $0x27680  }
0x329: {  	s0 =	ssub.s32 @!p2 s0, s2  }
0x32a: {  	s0 =	sadd.s32 @!p2 $0xFFFD8980, s0  }
0x32b: {  	s2 =	sshll.u32 @!p2 s0, $0x2  }
0x32c: {  	p3 =	sgt.s32 @!p2 s0, $0x17F;
	s0 =	ssub.s32 @!p2 $0x600, s2  }
0x32d: {  	p3 =	por !p3, p2;
	s0 =	sshrl.u32 @!p2 s0, $0x2  }
0x32e: {  	s5 =	simm.s32 @!p2 $0xA;
	s2 =	sand.u32 @!p2 $0x1, s1;
	s0 =	simm.s32 @!p3 $0x0  }
0x32f: {  	s2 =	smul.u32 @!p2 $0x600, s2;
	_ =	swait.ge @!p2 [sflag:s5], s0  }
0x330: {  	s6 =	ssub.s32 @!p2 $0x0, s0;
	[sflag:s5] =	ssyncset.done @!p2 $0x0  }
0x331: {  	s2 =	sshrl.u32 @!p2 s2, $0x2;
	[sflag:s5] =	ssyncadd.s32 @!p2 s6;
	s5 =	sshrl.u32 @!p2 s20, $0x3  }
0x332: {  	s2 =	sadd.s32 @!p2 $0x6948, s2;
	s6 =	sand.u32 @!p2 $0x7, s20;
	s5 =	sadd.s32 @!p2 s5, s15  }
0x333: {  	[tilespmem:s2], [sflag:$0xB] =	stream.linear.gather @!p2 [hbm4b:s5+s6], s0, $0x38;
	[tilespmem:$0x1EC48] =	vst v63  }
0x334: {  	s0 =	ssub.s32 @!p2 $0x27800, s20  }
0x335: {  	p3 =	slt.s32 @!p2 s0, $0x1  }
0x336: {  	p3 =	por p2, p3  }
.Ltmp2:
0x337: {  	_ = 	snop;
	(pc) =	sbr.rel @p3 .LBB2_7-.Ltmp2, $1  }
0x338: {  	_ =	sdelay $0x3  }
0x339: {  	s2 =	smulhi.u32 $0xAAAAAAAB, s1;
	_ =	sdelay $0x1  }
0x33a: {  	s2 =	sshrl.u32 s2, $0x1  }
0x33b: {  	s2 =	smul.u32 $0x3, s2;
	_ =	sdelay $0x1  }
0x33c: {  	s29 =	ssub.s32 s1, s2  }
0x33d: {  	s5 =	simm.s32 $0x1;
	s1 =	smul.u32 $0x600, s29  }
.Ltmp3:
0x33e: {  	s5 =	simm.s32 @!p0 $0x0;
	(pc) =	sbr.rel .LBB2_4-.Ltmp3, $4  }
0x33f: {  	s30 =	smul.u32 $0x30000, s5  }
0x340: {  	p3 =	slt.s32 @!p2 s0, $0x180;
	s1 =	sshrl.u32 s1, $0x2  }
0x341: {  	p2 =	por !p3, p2;
	s2 =	sshrl.u32 s30, $0x2;
	s31 =	sadd.s32 $0x64C8, s1  }
0x342: {  	s24 =	simm.s32 $0x0;
	s0 =	simm.s32 @p2 $0x180;
	s1 =	sadd.s32 $0x6C48, s2;
	v1 =	vmov s31  }
.LBB2_3:
0x343: {  	p2 =	sge.s32 s24, s0  }
.Ltmp4:
0x344: {  	_ = 	snop;
	(pc) =	sbr.rel @p2 .LBB2_7-.Ltmp4, $2  }
0x345: {  	_ =	sdelay $0x2  }
0x346: {  	s1 =	sadd.s32 $0x800, s1  }
.LBB2_4:
0x347: {  	p2 =	sle.s32 s0, s24  }
.Ltmp5:
0x348: {  	_ = 	snop;
	(pc) =	sbr.rel @p2 .LBB2_3-.Ltmp5, $2  }
0x349: {  	_ =	sdelay $0x2  }
0x34a: {  	s2 =	smov.u32 s24;
	s24 =	sadd.s32 $0x10, s24  }
0x34b: {  	s5 =	ssub.s32 s0, s2  }
0x34c: {  	p2 =	slt.s32 s5, $0x10  }
0x34d: {  	s5 =	simm.s32 @!p2 $0x10  }
0x34e: {  	v2 =	vmov s5  }
0x34f: {  	vm0 =	vgt.s32 v2, v0;
	_ =	sdelay $0x5  }
0x350: {  	v2 =	vld.idx.msk [tilespmem:v1+s2+$0x0 ss:$0x1], vm0;
	_ =	sdelay $0x2  }
0x351: {  	s6 =	smov.u32 s0;
	p2 =	slt.s32 s24, s0  }
0x352: {  	s25 =	simm.s32 $0x0;
	s6 =	smov.u32 @p2 s24;
	s5 =	smov.u32 s1  }
.LBB2_6:
0x353: {  	(v2sf) =	vpush v2, s25;
	_ =	sdelay $0xc  }
0x354: {  	s25 =	sadd.s32 $0x1, s25  }
0x355: {  	s31 =	sadd.s32 s25, s2  }
0x356: {  	p2 =	slt.s32 s31, s6;
	s10 =	spop (v2sf)  }
.Ltmp6:
0x357: {  	s10 =	sshll.u32 s10, $0x4;
	(pc) =	sbr.rel @p2 .LBB2_6-.Ltmp6, $4  }
0x358: {  	s10 =	sand.u32 $0x1FFFFFF0, s10  }
0x359: {  	s10 =	sadd.s32 s11, s10  }
0x35a: {  	[tilespmem:s5], [sflag:$0x9] =	stream.linear.gather [hbm4b:s10+s18], $0x20, $0x38;
	[tilespmem:$0x1EC48] =	vst v63  }
0x35b: {  	s5 =	sadd.s32 $0x80, s5  }
.Ltmp7:
0x35c: {  	_ = 	snop;
	(pc) =	sbr.rel .LBB2_3-.Ltmp7, $1  }
0x35d: {  	_ =	sdelay $0x3  }
.LBB2_7:
0x35e: {  	p2 =	slt.u32 s22, $0x2  }
.Ltmp8:
0x35f: {  	_ = 	snop;
	(pc) =	sbr.rel @p2 .LBB2_25-.Ltmp8, $1  }
0x360: {  	_ =	sdelay $0x3  }
0x361: {  	p2 =	sgt.s32 s23, $0x27680  }
0x362: {  	s0 =	smov.u32 s23;
	s1 =	sshra.s32 s23, $0x1F;
	s2 =	ssub.s32 $0x27800, s23  }
0x363: {  	s0 =	simm.s32 @!p2 $0x27680;
	s1 =	sand.u32 s1, s23;
	p2 =	slt.s32 s2, $0x180  }
0x364: {  	s0 =	ssub.s32 s0, s1;
	s2 =	simm.s32 @!p2 $0x180  }
0x365: {  	s0 =	sadd.s32 $0xFFFD8980, s0;
	s12 =	sshll.u32 s2, $0x5  }
0x366: {  	s26 =	simm.s32 $0x9;
	s24 =	sshll.u32 s0, $0x2;
	s1 =	sand.u32 $0x3FFFFFE0, s12  }
0x367: {  	p2 =	sgt.s32 s0, $0x17F;
	s25 =	ssub.s32 $0x600, s24;
	_ =	swait.ge [sflag:s26], s1  }
0x368: {  	s1 =	ssub.s32 $0x0, s1;
	[sflag:s26] =	ssyncset.done $0x0;
	s0 =	sshrl.u32 s25, $0x2  }
0x369: {  	[sflag:s26] =	ssyncadd.s32 s1;
	s0 =	simm.s32 @p2 $0x0  }
0x36a: {  	_ =	swait.ge [sflag:s13], s0  }
0x36b: {  	s0 =	ssub.s32 $0x0, s0;
	[sflag:s13] =	ssyncset.done $0x0  }
0x36c: {  	[sflag:s13] =	ssyncadd.s32 s0  }
0x36d: {  	v1 =	vld [tilespmem:$0x6088];
	_ =	sdelay $0x4  }
0x36e: {  	(v2sf) =	vpush v1, $0x0  }
0x36f: {  	(v2sf) =	vpush v1, $0x1  }
0x370: {  	(v2sf) =	vpush v1, $0x2;
	_ =	sdelay $0x3  }
0x371: {  	s0 =	sadd.s32 $0x180, s23  }
0x372: {  	s1 =	ssub.s32 $0x4F000, s23;
	p2 =	slt.s32 s9, s0  }
0x373: {  	s0 =	smov.u32 @p2 s9;
	p2 =	sgt.s32 s1, $0x0  }
0x374: {  	s28 =	ssub.s32 s0, s23;
	s1 =	simm.s32 @!p2 $0x0  }
0x375: {  	p2 =	slt.s32 s1, s28  }
0x376: {  	s28 =	smov.u32 @p2 s1  }
0x377: {  	s26 =	simm.s32 $0x1;
	p2 =	slt.s32 s28, $0x1  }
.Ltmp9:
0x378: {  	s26 =	simm.s32 @!p1 $0x0;
	(pc) =	sbr.rel @p2 .LBB2_12-.Ltmp9, $4  }
0x379: {  	s30 =	smul.u32 $0x600, s26  }
0x37a: {  	s0 =	spop (v2sf)  }
0x37b: {  	s31 =	sshrl.u32 s30, $0x2;
	s29 =	spop (v2sf)  }
0x37c: {  	s24 =	sadd.s32 $0x6948, s31;
	s23 =	spop (v2sf)  }
0x37d: {  	s1 =	smin.u32 s28, $0x10  }
0x37e: {  	v1 =	vmov s1  }
0x37f: {  	p3 =	sgt.s32 s28, $0x10;
	vm1 =	vgt.u32 v1, v0  }
.Ltmp10:
0x380: {  	_ = 	snop;
	(pc) =	sbr.rel @!p3 .LBB2_11-.Ltmp10, $2  }
0x381: {  	_ =	sdelay $0x2  }
0x382: {  	s2 =	simm.s32 $0x10;
	s25 =	sadd.s32 $0xFFFFFFF0, s28;
	s1 =	smov.u32 s24;
	vm0 =	vmmov vm1  }
.LBB2_10:
0x383: {  	s5 =	smin.u32 s25, $0x10;
	s2 =	sadd.s32 $0x10, s2;
	v1 =	vld.msk [tilespmem:s1+$0x0 ss:$0x1], vm1  }
0x384: {  	v2 =	vmov s5;
	p3 =	slt.s32 s2, s28  }
0x385: {  	vm1 =	vgt.u32 v2, v0  }
.Ltmp11:
0x386: {  	(pc) =	sbr.rel @p3 .LBB2_10-.Ltmp11, $3  }
0x387: {  	_ =	sdelay $0x1  }
0x388: {  	v1 =	vshll.u32 v1, $0x4  }
0x389: {  	s25 =	sadd.s32 $0xFFFFFFF0, s25;
	[tilespmem:s1+$0x0] =	vst.msk vm0, v1;
	s1 =	sadd.s32 $0x10, s1;
	vm0 =	vmmov vm1  }
.LBB2_11:
0x38a: {  	_ =	sdelay $0x4  }
0x38b: {  	v1 =	vld.msk [tilespmem:s1+$0x0 ss:$0x1], vm1;
	_ =	sdelay $0x4  }
0x38c: {  	v1 =	vshll.u32 v1, $0x4  }
0x38d: {  	[tilespmem:s1+$0x0] =	vst.msk vm0, v1  }
.LBB2_12:
0x38e: {  	s1 =	sand.u32 $0x1, s22  }
0x38f: {  	s1 =	smul.u32 $0x180, s1  }
0x390: {  	p3 =	sne.s32 s29, $0xFFFFFFFF  }
0x391: {  	v1 =	vld.msk @!p3 [tilespmem:s1+$0x6948], $0x1;
	_ =	sdelay $0x4  }
0x392: {  	(v2sf) =	vpush @!p3 v1, $0x0;
	_ =	sdelay $0xc  }
.Ltmp12:
0x393: {  	_ = 	snop;
	(pc) =	sbr.rel @p2 .LBB2_23-.Ltmp12, $4  }
0x394: {  	_ = 	snop  }
0x395: {  	s30 =	spop @!p3 (v2sf)  }
0x396: {  	s23 =	simm.s32 @!p3 $0x0;
	s25 =	smov.u32 s30  }
0x397: {  	[sflag:s19] =	ssyncpa.u1 $0x0;
	s30 =	smov.u32 @p3 s0;
	s25 =	smov.u32 @p3 s29  }
0x398: {  	v1 =	vld.msk [tilespmem:s24+$0x0], $0x1;
	_ =	sdelay $0x4  }
0x399: {  	(v2sf) =	vpush v1, $0x0;
	_ =	sdelay $0xe  }
0x39a: {  	s0 =	smul.u32 $0x30000, s26;
	s1 =	spop (v2sf)  }
0x39b: {  	s28 =	ssub.s32 $0x0, s28;
	p2 =	seq.s32 s30, s1  }
0x39c: {  	s31 =	sadd.s32 $0x1, s28;
	s0 =	sshrl.u32 s0, $0x2;
	p3 =	sgt.s32 @!p2 s30, $0x0  }
0x39d: {  	s26 =	sadd.s32 $0x6C58, s0;
	s0 =	smov.u32 s30;
	p3 =	por !p3, p2  }
0x39e: {  	s0 =	simm.s32 @p3 $0x0;
	p3 =	seq.s32 s31, $0x0  }
.Ltmp13:
0x39f: {  	_ = 	snop;
	(pc) =	sbr.rel @p3 .LBB2_15-.Ltmp13, $4  }
0x3a0: {  	_ = 	snop  }
0x3a1: {  	s29 =	simm.s32 $0x0;
	s2 =	simm.s32 @!p2 $0x1;
	s0 =	smin.u32 @!p2 s0, $0x270FC  }
0x3a2: {  	s6 =	simm.s32 @!p2 $0x3068;
	s2 =	smov.u32 @p2 s29;
	s10 =	sand.u32 @!p2 $0x3FFF8, s0  }
0x3a3: {  	s5 =	sand.u32 @!p2 $0x7, s0;
	s0 =	sadd.s32 $0x1, s24;
	s10 =	sadd.s32 @!p2 s4, s10  }
.LBB2_14:
0x3a4: {  	s12 =	smov.u32 s2  }
0x3a5: {  	[tilespmem:s6], [sflag:$0x2] =	stream.linear.gather @!p2 [hbm4b:s10+s5], $0x20, $0x38;
	[tilespmem:$0x1EC48] =	vst v63  }
0x3a6: {  	s31 =	sadd.s32 $0x1, s31;
	s5 =	smov.u32 s1;
	v1 =	vld.msk [tilespmem:s0+$0x0], $0x1  }
0x3a7: {  	p3 =	seq.s32 s31, $0x0;
	_ =	sdelay $0x3  }
0x3a8: {  	(v2sf) =	vpush v1, $0x0;
	_ =	sdelay $0xe  }
0x3a9: {  	s1 =	spop (v2sf)  }
0x3aa: {  	p2 =	seq.s32 s5, s1  }
0x3ab: {  	p4 =	sgt.s32 @!p2 s5, $0x0;
	s6 =	sshll.u32 @!p2 s2, $0x7;
	s2 =	sadd.s32 @!p2 $0x1, s2  }
.Ltmp14:
0x3ac: {  	p4 =	por !p4, p2;
	s6 =	sshra.s32 @!p2 s6, $0x2;
	(pc) =	sbr.rel @!p3 .LBB2_14-.Ltmp14, $4  }
0x3ad: {  	s2 =	smov.u32 @p2 s12;
	s5 =	simm.s32 @p4 $0x0;
	s6 =	sadd.s32 @!p2 $0x3068, s6  }
0x3ae: {  	s5 =	smin.u32 @!p2 s5, $0x270FC  }
0x3af: {  	s10 =	sand.u32 @!p2 $0x3FFF8, s5;
	s5 =	sand.u32 @!p2 $0x7, s5  }
0x3b0: {  	s0 =	sadd.s32 $0x1, s0;
	s10 =	sadd.s32 @!p2 s4, s10  }
.LBB2_15:
0x3b1: {  	[tilespmem:s6], [sflag:$0x2] =	stream.linear.gather @!p2 [hbm4b:s10+s5], $0x20, $0x38;
	[tilespmem:$0x1EC48] =	vst v63  }
.Ltmp15:
0x3b2: {  	s0 =	sshll.u32 s2, $0x5;
	(pc) =	sbr.rel .LBB2_16-.Ltmp15, $4  }
0x3b3: {  	s1 =	simm.s32 $0x2;
	s0 =	sand.u32 $0x3FFFFFE0, s0  }
0x3b4: {  	_ =	swait.ge [sflag:s1], s0  }
0x3b5: {  	s0 =	ssub.s32 $0x0, s0;
	[sflag:s1] =	ssyncset.done $0x0  }
0x3b6: {  	[sflag:s1] =	ssyncadd.s32 s0;
	s0 =	simm.s32 $0x0  }
.LBB2_17:
0x3b7: {  	v1 =	vld [tilespmem:s26+$0xFFFFFFF0];
	_ =	sdelay $0x4  }
0x3b8: {  	[tilespmem:s1+$0x48] =	vst.add.f32.msk $0xffff, v1  }
0x3b9: {  	v1 =	vld [tilespmem:s26+$0x0];
	_ =	sdelay $0x4  }
0x3ba: {  	[tilespmem:s1+$0x58] =	vst.add.f32.msk $0xffff, v1  }
.LBB2_21:
0x3bb: {  	s28 =	sadd.s32 $0x1, s28  }
0x3bc: {  	p2 =	seq.s32 s28, $0x0  }
.Ltmp16:
0x3bd: {  	_ = 	snop;
	(pc) =	sbr.rel @p2 .LBB2_22-.Ltmp16, $2  }
0x3be: {  	_ =	sdelay $0x2  }
0x3bf: {  	s26 =	sadd.s32 $0x80, s26;
	s24 =	sadd.s32 $0x1, s24;
	s30 =	smov.u32 s31  }
.LBB2_16:
0x3c0: {  	v1 =	vld.msk [tilespmem:s24+$0x0], $0x1;
	_ =	sdelay $0x4  }
0x3c1: {  	(v2sf) =	vpush v1, $0x0;
	_ =	sdelay $0xe  }
0x3c2: {  	s31 =	spop (v2sf)  }
0x3c3: {  	p2 =	sne.s32 s30, s31  }
.Ltmp17:
0x3c4: {  	_ = 	snop;
	(pc) =	sbr.rel @!p2 .LBB2_17-.Ltmp17, $3  }
0x3c5: {  	_ =	sdelay $0x1  }
0x3c6: {  	s1 =	sshll.u32 s23, $0x7  }
0x3c7: {  	s1 =	sshra.s32 s1, $0x2  }
0x3c8: {  	p2 =	seq.s32 s30, s25  }
.Ltmp18:
0x3c9: {  	_ = 	snop;
	(pc) =	sbr.rel @!p2 .LBB2_19-.Ltmp18, $1  }
0x3ca: {  	_ =	sdelay $0x3  }
.Ltmp19:
0x3cb: {  	s1 =	sadd.s32 $0x48, s1;
	(pc) =	sbr.rel .LBB2_20-.Ltmp19, $4  }
0x3cc: {  	[spmem:s16] =	stream.linear.scatter [tilespmem:s1], [sflag:$0x1], $0x20, $0x38;
	[tilespmem:$0x1EC48] =	vst v63  }
0x3cd: {  	_ =	swait.ge [sflag:s3], $0x20  }
0x3ce: {  	[sflag:s3] =	ssyncset.done $0x0  }
0x3cf: {  	[sflag:s3] =	ssyncadd.s32 $0xFFFFFFE0  }
.LBB2_19:
0x3d0: {  	s2 =	sshll.u32 s29, $0x7  }
0x3d1: {  	s2 =	sshra.s32 s2, $0x2  }
0x3d2: {  	v1 =	vld [tilespmem:s2+$0x3068];
	_ =	sdelay $0x4  }
0x3d3: {  	[tilespmem:s1+$0x48] =	vst.add.f32.msk $0xffff, v1  }
0x3d4: {  	v1 =	vld [tilespmem:s2+$0x3078];
	_ =	sdelay $0x2  }
0x3d5: {  	p2 =	sgt.u32 s30, $0x270FC  }
0x3d6: {  	s2 =	sand.u32 @!p2 $0x3FFF8, s30  }
0x3d7: {  	s5 =	sadd.s32 $0x48, s1;
	[tilespmem:s1+$0x58] =	vst.add.f32.msk $0xffff, v1;
	s1 =	sadd.s32 @!p2 s4, s2;
	s2 =	sand.u32 @!p2 $0x7, s30  }
0x3d8: {  	[hbm4b:s1+s2] =	stream.linear.scatter @!p2 [tilespmem:s5], [sflag:$0xC], $0x20, $0x38;
	[tilespmem:$0x1EC48] =	vst v63  }
0x3d9: {  	s1 =	simm.s32 $0x0  }
0x3da: {  	s1 =	simm.s32 @!p2 $0x80  }
0x3db: {  	s0 =	sadd.s32 s1, s0  }
.LBB2_20:
0x3dc: {  	s1 =	sadd.s32 $0x1, s23  }
0x3dd: {  	s2 =	smulhi.u32 $0xAAAAAAAB, s1;
	_ =	sdelay $0x1  }
0x3de: {  	v1 =	vld [tilespmem:s26+$0xFFFFFFF0];
	s2 =	sshrl.u32 s2, $0x8  }
0x3df: {  	s2 =	smul.u32 $0x180, s2;
	_ =	sdelay $0x1  }
0x3e0: {  	s23 =	ssub.s32 s1, s2  }
0x3e1: {  	s1 =	sshll.u32 s23, $0x5  }
0x3e2: {  	[tilespmem:s1+$0x48] =	vst v1  }
0x3e3: {  	v1 =	vld [tilespmem:s26+$0x0]  }
.Ltmp20:
0x3e4: {  	_ = 	snop;
	(pc) =	sbr.rel .LBB2_21-.Ltmp20, $2  }
0x3e5: {  	_ =	sdelay $0x2  }
0x3e6: {  	s29 =	sadd.s32 $0x1, s29;
	[tilespmem:s1+$0x58] =	vst v1  }
.LBB2_23:
.Ltmp21:
0x3e7: {  	(pc) =	sbr.rel .LBB2_24-.Ltmp21, $4  }
0x3e8: {  	_ = 	snop  }
0x3e9: {  	s0 =	simm.s32 $0x2  }
0x3ea: {  	_ =	swait.ge [sflag:s0], $0x0  }
0x3eb: {  	s31 =	smov.u32 s30;
	[sflag:s0] =	ssyncset.done $0x0;
	s0 =	simm.s32 $0x0  }
.LBB2_26:
0x3ec: {  	_ =	sfence.sel $0x180000  }
0x3ed: {  	s0 =	simm.s32 $0x9;
	[bflag:$0x0] =	sbarrier.arrive $0xFFFF  }
0x3ee: {  	s24 =	simm.s32 $0xA;
	[sflag:s0] =	ssyncpa.u1 $0x1  }
0x3ef: {  	s25 =	simm.s32 $0xB;
	[sflag:s24] =	ssyncpa.u1 $0x1  }
0x3f0: {  	s26 =	simm.s32 $0x2;
	[sflag:s25] =	ssyncpa.u1 $0x1  }
0x3f1: {  	[sflag:s26] =	ssyncpa.u1 $0x1  }
0x3f2: {  	v0 =	vld [tilespmem:$0x6088];
	_ =	sdelay $0x4  }
0x3f3: {  	(v2sf) =	vpush v0, $0x0  }
0x3f4: {  	(v2sf) =	vpush v0, $0x1;
	_ =	sdelay $0x1  }
0x3f5: {  	(v2sf) =	vpush v0, $0x2;
	_ =	sdelay $0xb  }
0x3f6: {  	s0 =	spop (v2sf)  }
0x3f7: {  	s1 =	spop (v2sf)  }
0x3f8: {  	s2 =	smov.u32 s0;
	p0 =	sne.s32 s0, s1  }
0x3f9: {  	s3 =	spop (v2sf);
	s2 =	simm.s32 @!p0 $0xFFFFFFFF  }
0x3fa: {  	v2 =	vimm.s32 $0x1;
	v3 =	vlaneseq.u32;
	p0 =	seq.s32 s3, $0xFFFFFFFF;
	v1 =	vmov s2  }
0x3fb: {  	s14 =	stileid.u32;
	v0 =	vperm.xlane v0, v2;
	p1 =	sne.s32 @!p0 s0, s1;
	v1 =	vperm.xlane v1, v3  }
0x3fc: {  	vm0 =	vcmask $0x3F04;
	s6 =	simm.s32 $0x6088;
	s0 =	simm.s32 @!p0 $0x1;
	p1 =	por !p1, p0  }
0x3fd: {  	s2 =	sshll.u32 s14, $0x1;
	s1 =	sshll.u32 @!p0 s3, $0x7;
	s0 =	simm.s32 @p1 $0x0;
	v0 =	vsel vm0, v1, v0  }
0x3fe: {  	s5 =	sor.u32 $0x400, s2;
	s1 =	sshra.s32 @!p0 s1, $0x2;
	s0 =	sor.u32 @!p0 s0, s2;
	[tilespmem:$0x6088] =	vst v0  }
0x3ff: {  	[spmem:s5] =	stream.linear.scatter [tilespmem:s6], [sflag:$0x1], $0x2, $0x38;
	[tilespmem:$0x1EC48] =	vst v63  }
0x400: {  	s1 =	sadd.s32 @!p0 $0x48, s1;
	s0 =	sshll.u32 @!p0 s0, $0x5  }
0x401: {  	[spmem:s0] =	stream.linear.scatter @!p0 [tilespmem:s1], [sflag:$0x1], $0x20, $0x38;
	[tilespmem:$0x1EC48] =	vst v63  }
0x402: {  	s0 =	simm.s32 @!p0 $0x22  }
0x403: {  	s28 =	simm.s32 $0x1;
	s0 =	simm.s32 @p0 $0x2  }
0x404: {  	_ =	swait.ge [sflag:s28], s0  }
0x405: {  	s0 =	ssub.s32 $0x0, s0;
	[sflag:s28] =	ssyncset.done $0x0  }
0x406: {  	p0 =	sne.s32 s14, $0x0;
	[sflag:s28] =	ssyncadd.s32 s0  }
.Ltmp22:
0x407: {  	_ =	sfence.stream.spmem;
	(pc) =	sbr.rel @p0 .LBB2_43-.Ltmp22, $4  }
0x408: {  	s29 =	simm.s32 $0x3;
	[bflag:$0x0] =	sbarrier.arrive $0xFFFF  }
0x409: {  	s30 =	simm.s32 $0x4;
	[sflag:s29] =	ssyncpa.u1 $0x1  }
0x40a: {  	s31 =	simm.s32 $0x3C;
	[sflag:s30] =	ssyncpa.u1 $0x1  }
0x40b: {  	s15 =	rddreg [dreg:$0x4];
	[sflag:s31] =	ssyncpa.u1 $0x1  }
0x40c: {  	_ =	sfence.stream.spmem;
	s0 =	simm.s32 $0x5  }
0x40d: {  	s1 =	simm.s32 $0x400;
	s2 =	simm.s32 $0x6098;
	[sflag:s0] =	ssyncpa.u1 $0x0  }
0x40e: {  	[tilespmem:s2], [sflag:$0x5] =	stream.linear.gather [spmem:s1], $0x20, $0x38;
	[tilespmem:$0x1EC48] =	vst v63  }
0x40f: {  	s26 =	simm.s32 $0x0;
	s28 =	simm.s32 $0x60B8  }
0x410: {  	[tilespmem:s28], [sflag:$0x5] =	stream.linear.gather [spmem:s26], $0x400, $0x38;
	[tilespmem:$0x1EC48] =	vst v63  }
0x411: {  	_ =	swait.ge [sflag:s0], $0x420  }
0x412: {  	[sflag:s0] =	ssyncset.done $0x0  }
0x413: {  	s29 =	simm.s32 $0x0;
	[sflag:s0] =	ssyncadd.s32 $0xFFFFFBE0  }
0x414: {  	v0 =	vld.msk [tilespmem:s29+$0x6098], $0x1;
	_ =	sdelay $0x1  }
0x415: {  	s30 =	simm.s32 $0x1  }
0x416: {  	v1 =	vld.msk [tilespmem:s30+$0x6098], $0x1;
	_ =	sdelay $0x1  }
0x417: {  	(v2sf) =	vpush v0, $0x0;
	_ =	sdelay $0x2  }
0x418: {  	(v2sf) =	vpush v1, $0x0;
	_ =	sdelay $0x2  }
0x419: {  	s31 =	simm.s32 $0x2  }
0x41a: {  	v0 =	vld.msk [tilespmem:s31+$0x6098], $0x1;
	_ =	sdelay $0x2  }
0x41b: {  	s1 =	simm.s32 $0xFFFFFFFF;
	s2 =	simm.s32 $0xFFFFFFFF;
	s0 =	simm.s32 $0xC  }
.LBB2_28:
0x41c: {  	s3 =	smov.u32 s2;
	s5 =	smov.u32 s1  }
0x41d: {  	s1 =	sshra.s32 s0, $0x2;
	p1 =	sne.s32 s0, $0x7C;
	s0 =	sadd.s32 $0x4, s0;
	(v2sf) =	vpush v0, $0x0  }
0x41e: {  	v0 =	vld.msk [tilespmem:s1+$0x6098], $0x1  }
.Ltmp23:
0x41f: {  	(pc) =	sbr.rel @p1 .LBB2_28-.Ltmp23, $4  }
0x420: {  	s2 =	spop (v2sf)  }
0x421: {  	p2 =	sne.s32 s5, $0xFFFFFFFF;
	s1 =	smov.u32 s2  }
0x422: {  	p3 =	seq.s32 s2, $0xFFFFFFFF;
	s1 =	smov.u32 @p2 s5  }
0x423: {  	s2 =	smov.u32 @p3 s3;
	s1 =	smov.u32 @p3 s5  }
0x424: {  	(v2sf) =	vpush v0, $0x0;
	_ =	sdelay $0x8  }
0x425: {  	s0 =	spop (v2sf)  }
0x426: {  	p1 =	sne.s32 s1, $0xFFFFFFFF;
	s3 =	smov.u32 s0  }
0x427: {  	s9 =	simm.s32 $0x6;
	p2 =	seq.s32 s0, $0xFFFFFFFF;
	s3 =	smov.u32 @p1 s1  }
0x428: {  	s10 =	simm.s32 $0x6068;
	s3 =	smov.u32 @p2 s1;
	s1 =	spop (v2sf)  }
0x429: {  	s0 =	smov.u32 @p2 s2;
	p1 =	sne.s32 s3, $0xFFFFFFFF;
	s5 =	smov.u32 s1  }
.Ltmp24:
0x42a: {  	p2 =	seq.s32 s1, $0xFFFFFFFF;
	s5 =	smov.u32 @p1 s3;
	(pc) =	sbr.rel .LBB2_30-.Ltmp24, $4  }
0x42b: {  	s11 =	simm.s32 $0x0;
	s5 =	smov.u32 @p2 s3;
	s7 =	spop (v2sf)  }
0x42c: {  	[sflag:s9] =	ssyncpa.u1 $0x0;
	p1 =	sne.s32 s5, $0xFFFFFFFF;
	s8 =	smov.u32 s7  }
0x42d: {  	s1 =	smov.u32 @p2 s0;
	p2 =	seq.s32 s7, $0xFFFFFFFF;
	s8 =	smov.u32 @p1 s5  }
0x42e: {  	s3 =	simm.s32 $0x0;
	s7 =	smov.u32 @p2 s1;
	s8 =	smov.u32 @p2 s5  }
.LBB2_36:
0x42f: {  	p1 =	sgt.u32 s12, $0x270FC  }
0x430: {  	p2 =	seq.s32 @!p1 s12, s8  }
0x431: {  	p1 =	por p1, p2  }
0x432: {  	p2 =	sne.s32 @!p1 s12, s7  }
0x433: {  	p1 =	por p1, !p2  }
0x434: {  	s0 =	sshll.u32 @p1 s11, $0x7  }
0x435: {  	s0 =	sand.u32 @!p1 $0x3FFF8, s12  }
0x436: {  	s1 =	sand.u32 @!p1 $0x7, s12;
	s0 =	sadd.s32 @!p1 s4, s0  }
0x437: {  	[tilespmem:s10], [sflag:$0x6] =	stream.linear.gather @!p1 [hbm4b:s0+s1], $0x20, $0x38;
	[tilespmem:$0x1EC48] =	vst v63  }
0x438: {  	_ =	swait.ge @!p1 [sflag:s9], $0x20  }
0x439: {  	[sflag:s9] =	ssyncset.done @!p1 $0x0  }
0x43a: {  	[sflag:s9] =	ssyncadd.s32 @!p1 $0xFFFFFFE0  }
0x43b: {  	v1 =	vld @!p1 [tilespmem:$0x6068];
	_ =	sdelay $0x2  }
0x43c: {  	s0 =	sshll.u32 @!p1 s11, $0x7  }
0x43d: {  	s1 =	sshrl.u32 @!p1 s0, $0x2  }
0x43e: {  	[tilespmem:s1+$0x60B8] =	vst.add.f32.msk @!p1 $0xffff, v1  }
0x43f: {  	v1 =	vld @!p1 [tilespmem:$0x6078];
	_ =	sdelay $0x4  }
0x440: {  	[tilespmem:s1+$0x60C8] =	vst.add.f32.msk @!p1 $0xffff, v1  }
0x441: {  	s0 =	sshrl.u32 s0, $0x2;
	[tilespmem:s3+$0x6098] =	vst.msk $0x1, v0  }
0x442: {  	v0 =	vld [tilespmem:s0+$0x60B8];
	_ =	sdelay $0x2  }
0x443: {  	s31 =	sshll.u32 s3, $0x7  }
0x444: {  	s1 =	sshra.s32 s31, $0x2  }
0x445: {  	[tilespmem:s1+$0x60B8] =	vst v0  }
0x446: {  	v0 =	vld [tilespmem:s0+$0x60C8];
	_ =	sdelay $0x4  }
0x447: {  	s3 =	sadd.s32 $0x1, s3;
	[tilespmem:s1+$0x60C8] =	vst v0  }
.LBB2_37:
0x448: {  	s11 =	sadd.s32 $0x1, s11  }
0x449: {  	p1 =	sne.s32 s11, $0x20  }
.Ltmp25:
0x44a: {  	_ = 	snop;
	(pc) =	sbr.rel @!p1 .LBB2_38-.Ltmp25, $1  }
0x44b: {  	_ =	sdelay $0x3  }
.LBB2_30:
0x44c: {  	v0 =	vld.msk [tilespmem:s11+$0x6098], $0x1;
	_ =	sdelay $0x4  }
0x44d: {  	(v2sf) =	vpush v0, $0x0;
	_ =	sdelay $0xe  }
0x44e: {  	s12 =	spop (v2sf)  }
0x44f: {  	p1 =	seq.s32 s12, $0xFFFFFFFF  }
.Ltmp26:
0x450: {  	_ = 	snop;
	(pc) =	sbr.rel @p1 .LBB2_37-.Ltmp26, $1  }
0x451: {  	_ =	sdelay $0x3  }
0x452: {  	p1 =	slt.s32 s3, $0x1  }
.Ltmp27:
0x453: {  	_ = 	snop;
	(pc) =	sbr.rel @p1 .LBB2_36-.Ltmp27, $1  }
0x454: {  	_ =	sdelay $0x3  }
0x455: {  	s0 =	simm.s32 $0x6098;
	p1 =	por $0x0, $0x0  }
0x456: {  	v1 =	vld.msk @!p1 [tilespmem:s0+$0x0], $0x1;
	_ =	sdelay $0x4  }
0x457: {  	(v2sf) =	vpush @!p1 v1, $0x0;
	_ =	sdelay $0xd  }
0x458: {  	p3 =	sne.s32 s3, $0x1  }
.Ltmp28:
0x459: {  	s1 =	spop @!p1 (v2sf);
	(pc) =	sbr.rel @!p3 .LBB2_34-.Ltmp28, $4  }
0x45a: {  	p2 =	seq.s32 @!p1 s12, s1  }
0x45b: {  	s13 =	simm.s32 $0x0;
	p2 =	por !p2, p1  }
0x45c: {  	s2 =	simm.s32 $0xFFFFFFFF;
	s13 =	simm.s32 @p2 $0xFFFFFFFF  }
0x45d: {  	s1 =	simm.s32 $0x1;
	s13 =	smov.u32 @p1 s2  }
.LBB2_33:
0x45e: {  	s2 =	smov.u32 s13;
	p1 =	sne.s32 s13, $0xFFFFFFFF  }
0x45f: {  	s0 =	sadd.s32 $0x1, s0;
	s13 =	smov.u32 s1;
	s1 =	sadd.s32 $0x1, s1  }
0x460: {  	p2 =	sne.s32 s3, s1;
	v1 =	vld.msk @!p1 [tilespmem:s0+$0x0], $0x1;
	_ =	sdelay $0x4  }
0x461: {  	(v2sf) =	vpush @!p1 v1, $0x0;
	_ =	sdelay $0xe  }
.Ltmp29:
0x462: {  	s5 =	spop @!p1 (v2sf);
	(pc) =	sbr.rel @p2 .LBB2_33-.Ltmp29, $4  }
0x463: {  	p3 =	seq.s32 @!p1 s12, s5  }
0x464: {  	p3 =	por !p3, p1  }
0x465: {  	s13 =	simm.s32 @p3 $0xFFFFFFFF  }
0x466: {  	s13 =	smov.u32 @p1 s2  }
.LBB2_34:
0x467: {  	p1 =	seq.s32 s13, $0xFFFFFFFF  }
.Ltmp30:
0x468: {  	_ = 	snop;
	(pc) =	sbr.rel @p1 .LBB2_36-.Ltmp30, $1  }
0x469: {  	_ =	sdelay $0x3  }
0x46a: {  	s0 =	sshll.u32 s11, $0x5  }
0x46b: {  	s0 =	sand.u32 $0x3FFFFFE0, s0  }
0x46c: {  	v0 =	vld [tilespmem:s0+$0x60B8];
	_ =	sdelay $0x2  }
0x46d: {  	s1 =	sshll.u32 s13, $0x7  }
0x46e: {  	s1 =	sshra.s32 s1, $0x2  }
0x46f: {  	[tilespmem:s1+$0x60B8] =	vst.add.f32.msk $0xffff, v0  }
0x470: {  	v0 =	vld [tilespmem:s0+$0x60C8]  }
.Ltmp31:
0x471: {  	_ = 	snop;
	(pc) =	sbr.rel .LBB2_37-.Ltmp31, $2  }
0x472: {  	_ =	sdelay $0x2  }
0x473: {  	[tilespmem:s1+$0x60C8] =	vst.add.f32.msk $0xffff, v0  }
.LBB2_38:
0x474: {  	s0 =	simm.s32 $0x6;
	p1 =	seq.s32 s3, $0x0  }
0x475: {  	[sflag:s0] =	ssyncpa.u1 $0x1;
	v0 =	vimm.s32 @p1 $0xFFFFFFFF  }
0x476: {  	s9 =	sadd.s32 $0xFFFFFFFF, s3;
	[tilespmem:$0x64B8] =	vst @p1 v0  }
0x477: {  	v0 =	vld.msk @!p1 [tilespmem:s9+$0x6098], $0x1;
	_ =	sdelay $0x1  }
0x478: {  	v1 =	vld.msk @!p1 [tilespmem:$0x6098], $0x1;
	_ =	sdelay $0x2  }
0x479: {  	p2 =	seq.s32 @!p1 s9, $0x0;
	v0 =	vbroadcast @!p1 v0, $0x0  }
0x47a: {  	vm0 =	vmmov @!p1 $0x1;
	p2 =	por !p2, p1  }
0x47b: {  	v1 =	vnsel @!p1 vm0, $0xFFFFFFFF, v1;
	vm0 =	vcmask @!p1 $0x308;
	v0 =	vpsel !p2, $0xFFFFFFFF, v0  }
0x47c: {  	p2 =	sne.s32 @!p1 s8, s7;
	v0 =	vsel @!p1 vm0, v1, v0  }
0x47d: {  	s0 =	simm.s32 @!p1 $0x60B8;
	s1 =	simm.s32 @!p1 $0x0;
	p3 =	por !p2, p1;
	[tilespmem:$0x64B8] =	vst @!p1 v0  }
0x47e: {  	[spmem:s1] =	stream.linear.scatter @!p1 [tilespmem:s0], [sflag:$0x1], $0x20, $0x38;
	[tilespmem:$0x1EC48] =	vst v63  }
0x47f: {  	s0 =	sshll.u32 @!p3 s9, $0x7  }
0x480: {  	s0 =	sshra.s32 @!p3 s0, $0x2  }
0x481: {  	s1 =	simm.s32 @!p3 $0x20;
	s0 =	sadd.s32 @!p3 $0x60B8, s0  }
0x482: {  	[spmem:s1] =	stream.linear.scatter @!p3 [tilespmem:s0], [sflag:$0x1], $0x20, $0x38;
	[tilespmem:$0x1EC48] =	vst v63  }
0x483: {  	s0 =	simm.s32 @!p3 $0x1  }
0x484: {  	_ =	swait.ge @!p3 [sflag:s0], $0x40  }
0x485: {  	p1 =	por p2, p1;
	[sflag:s0] =	ssyncset.done @!p3 $0x0  }
0x486: {  	[sflag:s0] =	ssyncadd.s32 @!p3 $0xFFFFFFC0;
	s0 =	simm.s32 @!p1 $0x1  }
0x487: {  	_ =	swait.ge @!p1 [sflag:s0], $0x20  }
0x488: {  	s29 =	simm.s32 $0x64B8;
	[sflag:s0] =	ssyncset.done @!p1 $0x0  }
0x489: {  	s30 =	simm.s32 $0x400;
	s31 =	simm.s32 $0x1;
	[sflag:s0] =	ssyncadd.s32 @!p1 $0xFFFFFFE0  }
0x48a: {  	[spmem:s30] =	stream.linear.scatter [tilespmem:s29], [sflag:$0x1], $0x10, $0x38;
	[tilespmem:$0x1EC48] =	vst v63  }
0x48b: {  	_ =	swait.ge [sflag:s31], $0x10  }
0x48c: {  	[sflag:s31] =	ssyncset.done $0x0  }
0x48d: {  	p1 =	seq.s32 s15, $0x0;
	s8 =	rddreg [dreg:$0x1];
	[sflag:s31] =	ssyncadd.s32 $0xFFFFFFF0  }
0x48e: {  	s1 =	sshll.u32 @p1 s8, $0xE;
	s7 =	rddreg [dreg:$0x2]  }
0x48f: {  	s0 =	sadd.s32 @p1 $0x15C3C, s1;
	s1 =	sshll.u32 @p1 s7, $0x11  }
0x490: {  	_ =	sfence.stream.spmem;
	s0 =	sor.u32 @p1 s1, s0  }
0x491: {  	[sflag:s0] =	ssyncadd.remote.s32 @p1 $0x1;
	s0 =	simm.s32 @p1 $0x4  }
0x492: {  	s2 =	simm.s32 @!p1 $0x3C;
	s1 =	sand.u32 $0xFFFFFFFE, s8;
	_ =	swait.ge @p1 [sflag:s0], $0xA  }
0x493: {  	s5 =	simm.s32 @!p1 $0x0;
	s1 =	sadd.s32 @!p1 $0x4, s1;
	[sflag:s0] =	ssyncset.done @p1 $0x0  }
0x494: {  	s6 =	simm.s32 @!p1 $0x40;
	[sflag:s0] =	ssyncadd.s32 @p1 $0xFFFFFFF6;
	s0 =	sshll.u32 @!p1 s1, $0x1A  }
0x495: {  	s1 =	sshll.u32 @!p1 s1, $0xD;
	s0 =	sor.u32 @!p1 s0, s7;
	_ =	swait.eq @!p1 [sflag:s2], $0x1  }
0x496: {  	s1 =	sor.u32 @!p1 $0x1C04, s1;
	s2 =	simm.s32 @!p1 $0x1C03;
	s0 =	sor.u32 @!p1 $0x80004000, s0  }
0x497: {  	[spmem:s6], [sflag:s1] =	dma.general @!p1 [spmem:s5], [sflag:s2], length:$0x8, [dreg:$0x0], stride_count:$0x0, ici_dest:s0, dma_misc:DstOpCode:WRITE  }
0x498: {  	p2 =	slt.s32 s9, $0x2;
	s5 =	simm.s32 @!p1 $0x80;
	s6 =	simm.s32 @!p1 $0x82  }
0x499: {  	[spmem:s6], [sflag:s1] =	dma.general @!p1 [spmem:s5], [sflag:s2], length:$0x2, [dreg:$0x0], stride_count:$0x0, ici_dest:s0, dma_misc:DstOpCode:WRITE  }
.Ltmp32:
0x49a: {  	s0 =	simm.s32 @!p1 $0x3;
	(pc) =	sbr.rel @p2 .LBB2_42-.Ltmp32, $4  }
0x49b: {  	s1 =	sshll.u32 @!p1 s8, $0xE;
	_ =	swait.ge @!p1 [sflag:s0], $0xA  }
0x49c: {  	s2 =	sshll.u32 @!p1 s7, $0x11;
	s1 =	sadd.s32 @!p1 $0x11C3C, s1;
	[sflag:s0] =	ssyncset.done @!p1 $0x0  }
0x49d: {  	[sflag:s0] =	ssyncadd.s32 @!p1 $0xFFFFFFF6;
	s0 =	sor.u32 @!p1 s2, s1  }
0x49e: {  	[sflag:s0] =	ssyncadd.remote.s32 @!p1 $0xFFFFFFFF;
	s0 =	simm.s32 $0x0  }
0x49f: {  	s0 =	simm.s32 $0x6099  }
0x4a0: {  	v0 =	vld.msk [tilespmem:s0+$0x0], $0x1;
	_ =	sdelay $0x4  }
0x4a1: {  	(v2sf) =	vpush v0, $0x0;
	_ =	sdelay $0xc  }
0x4a2: {  	s1 =	sadd.s32 $0xFFFFFFFE, s3  }
0x4a3: {  	s1 =	sadd.s32 $0xFFFFFFFF, s1  }
0x4a4: {  	p2 =	sne.s32 s1, $0x0;
	s2 =	spop (v2sf)  }
.Ltmp33:
0x4a5: {  	p1 =	sgt.u32 s2, $0x270FC;
	(pc) =	sbr.rel @!p2 .LBB2_41-.Ltmp33, $4  }
0x4a6: {  	s6 =	simm.s32 $0x0;
	s3 =	sand.u32 @!p1 $0x3FFF8, s2  }
0x4a7: {  	s0 =	simm.s32 $0x60D8;
	s2 =	sand.u32 @!p1 $0x7, s2;
	s3 =	sadd.s32 @!p1 s4, s3  }
0x4a8: {  	[hbm4b:s3+s2] =	stream.linear.scatter @!p1 [tilespmem:s0], [sflag:$0x5], $0x20, $0x38;
	[tilespmem:$0x1EC48] =	vst v63  }
0x4a9: {  	s6 =	simm.s32 @!p1 $0x80;
	s2 =	simm.s32 $0x0;
	s3 =	simm.s32 $0x609A  }
.LBB2_40:
0x4aa: {  	v0 =	vld.msk [tilespmem:s3+$0x0], $0x1;
	s1 =	sadd.s32 $0xFFFFFFFF, s1;
	s2 =	sadd.s32 s2, s6  }
0x4ab: {  	p1 =	sne.s32 s1, $0x0;
	_ =	sdelay $0x3  }
0x4ac: {  	(v2sf) =	vpush v0, $0x0;
	_ =	sdelay $0xe  }
.Ltmp34:
0x4ad: {  	s5 =	spop (v2sf);
	(pc) =	sbr.rel @p1 .LBB2_40-.Ltmp34, $4  }
0x4ae: {  	s6 =	simm.s32 $0x0;
	p2 =	sgt.u32 s5, $0x270FC  }
0x4af: {  	s0 =	sadd.s32 $0x20, s0;
	s6 =	simm.s32 @!p2 $0x80;
	s7 =	sand.u32 @!p2 $0x3FFF8, s5  }
0x4b0: {  	s3 =	sadd.s32 $0x1, s3;
	s5 =	sand.u32 @!p2 $0x7, s5;
	s7 =	sadd.s32 @!p2 s4, s7  }
0x4b1: {  	[hbm4b:s7+s5] =	stream.linear.scatter @!p2 [tilespmem:s0], [sflag:$0x5], $0x20, $0x38;
	[tilespmem:$0x1EC48] =	vst v63  }
.LBB2_41:
0x4b2: {  	s0 =	sadd.s32 s2, s6  }
0x4b3: {  	s0 =	sshrl.u32 s0, $0x2  }
.LBB2_42:
0x4b4: {  	s1 =	simm.s32 $0x5  }
0x4b5: {  	_ =	swait.ge [sflag:s1], s0  }
0x4b6: {  	s31 =	ssub.s32 $0x0, s0;
	[sflag:s1] =	ssyncset.done $0x0  }
0x4b7: {  	[sflag:s1] =	ssyncadd.s32 s31  }
0x4b8: {  	[sflag:s1] =	ssyncpa.u1 $0x1  }
.LBB2_43:
0x4b9: {  	s0 =	sor.u32 s15, s14  }
0x4ba: {  	p1 =	sne.s32 s0, $0x0  }
.Ltmp35:
0x4bb: {  	_ = 	snop;
	(pc) =	sbr.rel @p1 .LBB2_58-.Ltmp35, $3  }
0x4bc: {  	_ =	sdelay $0x1  }
0x4bd: {  	[bflag:$0x0] =	sbarrier.arrive $0xFFFF  }
0x4be: {  	_ =	sfence  }
0x4bf: {  	s0 =	simm.s32 $0x7  }
0x4c0: {  	s1 =	simm.s32 $0x400;
	s2 =	simm.s32 $0x6098;
	[sflag:s0] =	ssyncpa.u1 $0x0  }
0x4c1: {  	[tilespmem:s2], [sflag:$0x7] =	stream.linear.gather [spmem:s1], $0x20, $0x38;
	[tilespmem:$0x1EC48] =	vst v63  }
0x4c2: {  	s30 =	simm.s32 $0x60B8;
	s1 =	simm.s32 $0x0  }
0x4c3: {  	[tilespmem:s30], [sflag:$0x7] =	stream.linear.gather [spmem:s1], $0x400, $0x38;
	[tilespmem:$0x1EC48] =	vst v63  }
.Ltmp36:
0x4c4: {  	_ = 	snop;
	(pc) =	sbr.rel .LBB2_45-.Ltmp36, $4  }
0x4c5: {  	_ =	swait.ge [sflag:s0], $0x420  }
0x4c6: {  	[sflag:s0] =	ssyncset.done $0x0  }
0x4c7: {  	s31 =	simm.s32 $0x8;
	[sflag:s0] =	ssyncadd.s32 $0xFFFFFBE0  }
0x4c8: {  	s2 =	simm.s32 $0x0;
	[sflag:s31] =	ssyncpa.u1 $0x0  }
.LBB2_51:
0x4c9: {  	p1 =	slt.u32 s3, $0x270FD  }
0x4ca: {  	s0 =	sand.u32 @p1 $0x3FFF8, s3  }
0x4cb: {  	s3 =	sand.u32 @p1 $0x7, s3;
	s5 =	simm.s32 @p1 $0x6068;
	s0 =	sadd.s32 @p1 s4, s0  }
0x4cc: {  	[tilespmem:s5], [sflag:$0x8] =	stream.linear.gather @p1 [hbm4b:s0+s3], $0x20, $0x38;
	[tilespmem:$0x1EC48] =	vst v63  }
0x4cd: {  	s0 =	simm.s32 @p1 $0x8  }
0x4ce: {  	_ =	swait.ge @p1 [sflag:s0], $0x20  }
0x4cf: {  	[sflag:s0] =	ssyncset.done @p1 $0x0  }
0x4d0: {  	[sflag:s0] =	ssyncadd.s32 @p1 $0xFFFFFFE0  }
0x4d1: {  	v1 =	vld @p1 [tilespmem:$0x6068];
	_ =	sdelay $0x2  }
0x4d2: {  	s0 =	sshll.u32 @p1 s2, $0x7  }
0x4d3: {  	s3 =	sshrl.u32 @p1 s0, $0x2  }
0x4d4: {  	[tilespmem:s3+$0x60B8] =	vst.add.f32.msk @p1 $0xffff, v1  }
0x4d5: {  	v1 =	vld @p1 [tilespmem:$0x6078];
	_ =	sdelay $0x3  }
0x4d6: {  	s5 =	sshll.u32 @!p1 s2, $0x7  }
0x4d7: {  	s5 =	smov.u32 @p1 s0;
	[tilespmem:s3+$0x60C8] =	vst.add.f32.msk @p1 $0xffff, v1  }
0x4d8: {  	s0 =	sshrl.u32 s5, $0x2;
	[tilespmem:s1+$0x6098] =	vst.msk $0x1, v0  }
0x4d9: {  	v0 =	vld [tilespmem:s0+$0x60B8];
	_ =	sdelay $0x2  }
0x4da: {  	s31 =	sshll.u32 s1, $0x7  }
0x4db: {  	s3 =	sshra.s32 s31, $0x2  }
0x4dc: {  	[tilespmem:s3+$0x60B8] =	vst v0  }
0x4dd: {  	v0 =	vld [tilespmem:s0+$0x60C8];
	_ =	sdelay $0x4  }
0x4de: {  	s1 =	sadd.s32 $0x1, s1;
	[tilespmem:s3+$0x60C8] =	vst v0  }
.LBB2_52:
0x4df: {  	s2 =	sadd.s32 $0x1, s2  }
0x4e0: {  	p1 =	sne.s32 s2, $0x20  }
.Ltmp37:
0x4e1: {  	_ = 	snop;
	(pc) =	sbr.rel @!p1 .LBB2_53-.Ltmp37, $1  }
0x4e2: {  	_ =	sdelay $0x3  }
.LBB2_45:
0x4e3: {  	v0 =	vld.msk [tilespmem:s2+$0x6098], $0x1;
	_ =	sdelay $0x4  }
0x4e4: {  	(v2sf) =	vpush v0, $0x0;
	_ =	sdelay $0xe  }
0x4e5: {  	s3 =	spop (v2sf)  }
0x4e6: {  	p1 =	seq.s32 s3, $0xFFFFFFFF  }
.Ltmp38:
0x4e7: {  	_ = 	snop;
	(pc) =	sbr.rel @p1 .LBB2_52-.Ltmp38, $1  }
0x4e8: {  	_ =	sdelay $0x3  }
0x4e9: {  	p1 =	slt.s32 s1, $0x1  }
.Ltmp39:
0x4ea: {  	_ = 	snop;
	(pc) =	sbr.rel @p1 .LBB2_51-.Ltmp39, $1  }
0x4eb: {  	_ =	sdelay $0x3  }
0x4ec: {  	s0 =	simm.s32 $0x6098;
	p1 =	por $0x0, $0x0  }
0x4ed: {  	v1 =	vld.msk @!p1 [tilespmem:s0+$0x0], $0x1;
	_ =	sdelay $0x4  }
0x4ee: {  	(v2sf) =	vpush @!p1 v1, $0x0;
	_ =	sdelay $0xd  }
0x4ef: {  	p3 =	sne.s32 s1, $0x1  }
.Ltmp40:
0x4f0: {  	s5 =	spop @!p1 (v2sf);
	(pc) =	sbr.rel @!p3 .LBB2_49-.Ltmp40, $4  }
0x4f1: {  	p2 =	seq.s32 @!p1 s3, s5  }
0x4f2: {  	s5 =	simm.s32 $0x0;
	p2 =	por !p2, p1  }
0x4f3: {  	s7 =	simm.s32 $0xFFFFFFFF;
	s5 =	simm.s32 @p2 $0xFFFFFFFF  }
0x4f4: {  	s6 =	simm.s32 $0x1;
	s5 =	smov.u32 @p1 s7  }
.LBB2_48:
0x4f5: {  	s7 =	smov.u32 s5;
	p1 =	sne.s32 s5, $0xFFFFFFFF  }
0x4f6: {  	s0 =	sadd.s32 $0x1, s0;
	s5 =	smov.u32 s6;
	s6 =	sadd.s32 $0x1, s6  }
0x4f7: {  	p2 =	sne.s32 s1, s6;
	v1 =	vld.msk @!p1 [tilespmem:s0+$0x0], $0x1;
	_ =	sdelay $0x4  }
0x4f8: {  	(v2sf) =	vpush @!p1 v1, $0x0;
	_ =	sdelay $0xe  }
.Ltmp41:
0x4f9: {  	s8 =	spop @!p1 (v2sf);
	(pc) =	sbr.rel @p2 .LBB2_48-.Ltmp41, $4  }
0x4fa: {  	p3 =	seq.s32 @!p1 s3, s8  }
0x4fb: {  	p3 =	por !p3, p1  }
0x4fc: {  	s5 =	simm.s32 @p3 $0xFFFFFFFF  }
0x4fd: {  	s5 =	smov.u32 @p1 s7  }
.LBB2_49:
0x4fe: {  	p1 =	seq.s32 s5, $0xFFFFFFFF  }
.Ltmp42:
0x4ff: {  	_ = 	snop;
	(pc) =	sbr.rel @p1 .LBB2_51-.Ltmp42, $1  }
0x500: {  	_ =	sdelay $0x3  }
0x501: {  	s0 =	sshll.u32 s2, $0x5  }
0x502: {  	s0 =	sand.u32 $0x3FFFFFE0, s0  }
0x503: {  	v0 =	vld [tilespmem:s0+$0x60B8];
	_ =	sdelay $0x2  }
0x504: {  	s3 =	sshll.u32 s5, $0x7  }
0x505: {  	s3 =	sshra.s32 s3, $0x2  }
0x506: {  	[tilespmem:s3+$0x60B8] =	vst.add.f32.msk $0xffff, v0  }
0x507: {  	v0 =	vld [tilespmem:s0+$0x60C8]  }
.Ltmp43:
0x508: {  	_ = 	snop;
	(pc) =	sbr.rel .LBB2_52-.Ltmp43, $2  }
0x509: {  	_ =	sdelay $0x2  }
0x50a: {  	[tilespmem:s3+$0x60C8] =	vst.add.f32.msk $0xffff, v0  }
.LBB2_53:
0x50b: {  	p1 =	slt.s32 s1, $0x1  }
.Ltmp44:
0x50c: {  	_ = 	snop;
	(pc) =	sbr.rel @p1 .LBB2_57-.Ltmp44, $3  }
0x50d: {  	_ =	sdelay $0x1  }
0x50e: {  	s0 =	simm.s32 $0x8  }
0x50f: {  	s2 =	simm.s32 $0x0;
	[sflag:s0] =	ssyncpa.u1 $0x1  }
0x510: {  	s0 =	simm.s32 $0x6098  }
0x511: {  	v0 =	vld.msk [tilespmem:s0+$0x0], $0x1;
	_ =	sdelay $0x4  }
0x512: {  	(v2sf) =	vpush v0, $0x0;
	_ =	sdelay $0xe  }
0x513: {  	s1 =	sadd.s32 $0xFFFFFFFF, s1;
	s3 =	spop (v2sf)  }
0x514: {  	p2 =	sne.s32 s1, $0x0;
	p1 =	sgt.u32 s3, $0x270FC  }
.Ltmp45:
0x515: {  	s5 =	sand.u32 @!p1 $0x3FFF8, s3;
	(pc) =	sbr.rel @!p2 .LBB2_56-.Ltmp45, $4  }
0x516: {  	s0 =	simm.s32 $0x60B8;
	s3 =	sand.u32 @!p1 $0x7, s3;
	s5 =	sadd.s32 @!p1 s4, s5  }
0x517: {  	[hbm4b:s5+s3] =	stream.linear.scatter @!p1 [tilespmem:s0], [sflag:$0x7], $0x20, $0x38;
	[tilespmem:$0x1EC48] =	vst v63  }
0x518: {  	s5 =	simm.s32 $0x0  }
0x519: {  	s3 =	simm.s32 $0x6099;
	s5 =	simm.s32 @!p1 $0x80  }
.LBB2_55:
0x51a: {  	v0 =	vld.msk [tilespmem:s3+$0x0], $0x1;
	s1 =	sadd.s32 $0xFFFFFFFF, s1;
	s2 =	sadd.s32 s2, s5  }
0x51b: {  	p1 =	sne.s32 s1, $0x0;
	_ =	sdelay $0x3  }
0x51c: {  	(v2sf) =	vpush v0, $0x0;
	_ =	sdelay $0xe  }
.Ltmp46:
0x51d: {  	s6 =	spop (v2sf);
	(pc) =	sbr.rel @p1 .LBB2_55-.Ltmp46, $4  }
0x51e: {  	s5 =	simm.s32 $0x0;
	p2 =	sgt.u32 s6, $0x270FC  }
0x51f: {  	s0 =	sadd.s32 $0x20, s0;
	s5 =	simm.s32 @!p2 $0x80;
	s7 =	sand.u32 @!p2 $0x3FFF8, s6  }
0x520: {  	s3 =	sadd.s32 $0x1, s3;
	s6 =	sand.u32 @!p2 $0x7, s6;
	s7 =	sadd.s32 @!p2 s4, s7  }
0x521: {  	[hbm4b:s7+s6] =	stream.linear.scatter @!p2 [tilespmem:s0], [sflag:$0x7], $0x20, $0x38;
	[tilespmem:$0x1EC48] =	vst v63  }
.LBB2_56:
0x522: {  	s0 =	sadd.s32 s2, s5  }
0x523: {  	s2 =	sshrl.u32 s0, $0x2  }
.LBB2_57:
0x524: {  	s0 =	simm.s32 $0x7  }
0x525: {  	_ =	swait.ge [sflag:s0], s2  }
0x526: {  	s1 =	ssub.s32 $0x0, s2;
	[sflag:s0] =	ssyncset.done $0x0  }
0x527: {  	[sflag:s0] =	ssyncadd.s32 s1  }
0x528: {  	[sflag:s0] =	ssyncpa.u1 $0x1  }
.LBB2_58:
0x529: {  	_ =	sfence;
	s0 =	simm.s32 $0x1  }
0x52a: {  	[sflag:s0] =	ssyncpa.u1 $0x1  }
0x52b: {  	_ =	strace $0x90000062  }
0x52c: {  	[bflag:$0x2] =	sbarrier.arrive $0xFFFF  }
0x52d: {  	s0 =	rddreg [dreg:$0x3]  }
0x52e: {  	s0 =	sadd.s32 @!p0 $0x100000, s0  }
0x52f: {  	[sflag:s0] =	ssyncadd.tile.s32 @!p0 $0x1;
	_ =	shalt  }
.Lfunc_end2:
_tile_overlayer_lowered:
.L_overlay_start_2:
0x530: {  	(tag) =	ssettag $0x2  }
0x531: {  	s0 =	rddreg [dreg:$0x0];
	s2 =	stileid.u32  }
0x532: {  	s1 =	rddreg [dreg:$0x1];
	p0 =	sne.s32 s2, $0x0  }
0x533: {  	s3 =	rddreg [dreg:$0x2];
	[bflag:$0x3] =	sbarrier.arrive $0xFFFF;
	s2 =	simm.s32 @!p0 $0x1C01  }
0x534: {  	[timem:s3], [sflag:s2] =	dma.local @!p0 [hbm:s0], s1  }
0x535: {  	s0 =	simm.s32 @!p0 $0x1  }
0x536: {  	_ =	swait.ge @!p0 [sflag:s0], s1  }
0x537: {  	s1 =	ssub.s32 @!p0 $0x0, s1;
	[sflag:s0] =	ssyncset.done @!p0 $0x0  }
0x538: {  	[sflag:s0] =	ssyncadd.s32 @!p0 s1  }
0x539: {  	[bflag:$0x3] =	sbarrier.arrive $0xFFFF  }
0x53a: {  	_ =	shalt  }

// kernel: scatter_offload_async_start.2
scs
__scs_entry_jumppad:
0x0: {  	(pc) =	sbr.rel $0x88, $3  }
0x1: {  	(tag) =	ssettag $0x0;
	lr =	simm.s32 $0x1  }
0x2: {  	[smem:$0x3F6A] =	sst lr;
	_ =	strace $0xD0000000  }
0x3: {  	_ = 	snop  }
0x4: {  	_ = 	snop  }
0x5: {  	_ = 	snop  }
0x6: {  	_ = 	snop  }
0x7: {  	_ = 	snop  }
__scs_overlays_trampoline_lowered:
0x8: {  	[smem:$0x3F79] =	sst s0  }
0x9: {  	[smem:$0x3F7A] =	sst s1  }
0xa: {  	[smem:$0x3F7B] =	sst s2  }
0xb: {  	[smem:$0x3F7C] =	sst s3  }
0xc: {  	[smem:$0x3F7D] =	sst s4  }
0xd: {  	[smem:$0x3F7E] =	sst s5  }
0xe: {  	[smem:$0x3F7F] =	sst s6  }
0xf: {  	[smem:$0x3F80] =	sst s7  }
0x10: {  	[smem:$0x3F81] =	sst s8  }
0x11: {  	[smem:$0x3F82] =	sst s9;
	s0 =	simm.s32 @!p0 $0x0  }
0x12: {  	s1 =	sld [smem:$0x3F68];
	s0 =	simm.s32 @p0 $0x1  }
0x13: {  	[smem:$0x3F83] =	sst s0;
	s0 =	simm.s32 @!p1 $0x0  }
0x14: {  	s2 =	sld [smem:$0x3F67];
	s0 =	simm.s32 @p1 $0x1  }
0x15: {  	[smem:$0x3F84] =	sst s0;
	s0 =	simm.s32 @!p2 $0x0  }
0x16: {  	s3 =	sld [smem:$0x3FDB];
	s0 =	simm.s32 @p2 $0x1  }
0x17: {  	s4 =	simm.s32 $0x1BF5;
	[smem:$0x3F86] =	sst s0  }
0x18: {  	s0 =	sld [smem:$0x3F69];
	_ =	swait.ge [sflag:s4], $0x0  }
0x19: {  	s7 =	sld [smem:$0x3F6A]  }
0x1a: {  	s8 =	sadd.s32 $0xFFFFE003, lr  }
0x1b: {  	s9 =	sadd.s32 $0xFFFFFEF7, lr;
	s5 =	simm.s32 $0xFFFFFFFF;
	p2 =	slt.u32 s8, $0xFFFFF086  }
0x1c: {  	p1 =	slt.u32 s9, $0xF7A;
	s5 =	simm.s32 @!p2 $0x0  }
0x1d: {  	s5 =	simm.s32 @p1 $0x1;
	p0 =	seq.s32 s7, s2  }
0x1e: {  	s7 =	smul.u32 @!p0 $0xF7A, s2;
	p2 =	seq.s32 @!p0 s5, $0x0  }
0x1f: {  	s9 =	smul.u32 $0xF7A, s1;
	s8 =	simm.s32 @!p0 $0x1BF5;
	p2 =	por !p2, p0  }
0x20: {  	[sflag:s8] =	ssyncset.s32 @!p0 $0xFFFFF086;
	s6 =	sadd.s32 @!p0 s3, s7;
	s7 =	simm.s32 @!p0 $0x108  }
0x21: {  	s3 =	sadd.s32 s3, s9;
	s6 =	sadd.s32 @!p0 $0x88, s6;
	s7 =	simm.s32 @p2 $0x1082  }
0x22: {  	[simem:s7], [sflag:s8] =	dma.local @!p0 [hbm:s6], $0xF7A  }
0x23: {  	s9 =	sor.u32 $0xD0000000, s2;
	s6 =	simm.s32 $0x108;
	_ =	swait.ge @!p0 [sflag:s8], $0x0  }
0x24: {  	s3 =	sadd.s32 $0x88, s3;
	s6 =	simm.s32 @!p1 $0x1082;
	[sflag:s4] =	ssyncset.s32 $0xFFFFF086  }
0x25: {  	[simem:s6], [sflag:s4] =	dma.local [hbm:s3], $0xF7A  }
0x26: {  	[smem:$0x3F6A] =	sst s1;
	(tag) =	ssettag s2;
	_ =	strace s9  }
0x27: {  	s1 =	sld [smem:$0x3F7A]  }
0x28: {  	s2 =	sld [smem:$0x3F7B]  }
0x29: {  	s4 =	sld [smem:$0x3F7D]  }
0x2a: {  	p0 =	seq.s32 s5, $0x0;
	s5 =	sld [smem:$0x3F7E]  }
0x2b: {  	s6 =	sld [smem:$0x3F7F]  }
0x2c: {  	s7 =	sld [smem:$0x3F80]  }
0x2d: {  	s3 =	simm.s32 $0x108;
	s8 =	sld [smem:$0x3F81]  }
0x2e: {  	s3 =	simm.s32 @!p0 $0x1082;
	s9 =	sld [smem:$0x3F82]  }
0x2f: {  	lr =	sadd.s32 s0, s3;
	s0 =	sld [smem:$0x3F79]  }
0x30: {  	s3 =	sld [smem:$0x3F7C]  }
0x31: {  	[smem:$0x3F85] =	sst s10  }
0x32: {  	s10 =	sld [smem:$0x3F83];
	_ =	sdelay $0x3  }
0x33: {  	p0 =	seq.s32 s10, $0x1;
	s10 =	sld [smem:$0x3F85];
	_ =	sdelay $0x3  }
0x34: {  	[smem:$0x3F85] =	sst s10  }
0x35: {  	s10 =	sld [smem:$0x3F84];
	_ =	sdelay $0x3  }
0x36: {  	p1 =	seq.s32 s10, $0x1;
	s10 =	sld [smem:$0x3F85];
	_ =	sdelay $0x3  }
0x37: {  	[smem:$0x3F85] =	sst s10  }
0x38: {  	s10 =	sld [smem:$0x3F86]  }
0x39: {  	_ = 	snop;
	(pc) =	sbr.ind lr, $3  }
0x3a: {  	_ = 	snop  }
0x3b: {  	_ = 	snop  }
0x3c: {  	p2 =	seq.s32 s10, $0x1;
	s10 =	sld [smem:$0x3F85]  }
0x3d: {  	_ =	shalt  }
0x3e: {  	_ =	shalt  }
0x3f: {  	_ =	shalt  }
0x40: {  	_ =	shalt  }
0x41: {  	_ =	shalt  }
0x42: {  	_ =	shalt  }
0x43: {  	_ =	shalt  }
0x44: {  	_ =	shalt  }
0x45: {  	_ =	shalt  }
0x46: {  	_ =	shalt  }
0x47: {  	_ =	shalt  }
0x48: {  	_ =	shalt  }
0x49: {  	_ =	shalt  }
0x4a: {  	_ =	shalt  }
0x4b: {  	_ =	shalt  }
0x4c: {  	_ =	shalt  }
0x4d: {  	_ =	shalt  }
0x4e: {  	_ =	shalt  }
0x4f: {  	_ =	shalt  }
0x50: {  	_ =	shalt  }
0x51: {  	_ =	shalt  }
0x52: {  	_ =	shalt  }
0x53: {  	_ =	shalt  }
0x54: {  	_ =	shalt  }
0x55: {  	_ =	shalt  }
0x56: {  	_ =	shalt  }
0x57: {  	_ =	shalt  }
0x58: {  	_ =	shalt  }
0x59: {  	_ =	shalt  }
0x5a: {  	_ =	shalt  }
0x5b: {  	_ =	shalt  }
0x5c: {  	_ =	shalt  }
0x5d: {  	_ =	shalt  }
0x5e: {  	_ =	shalt  }
0x5f: {  	_ =	shalt  }
0x60: {  	_ =	shalt  }
0x61: {  	_ =	shalt  }
0x62: {  	_ =	shalt  }
0x63: {  	_ =	shalt  }
0x64: {  	_ =	shalt  }
0x65: {  	_ =	shalt  }
0x66: {  	_ =	shalt  }
0x67: {  	_ =	shalt  }
0x68: {  	_ =	shalt  }
0x69: {  	_ =	shalt  }
0x6a: {  	_ =	shalt  }
0x6b: {  	_ =	shalt  }
0x6c: {  	_ =	shalt  }
0x6d: {  	_ =	shalt  }
0x6e: {  	_ =	shalt  }
0x6f: {  	_ =	shalt  }
0x70: {  	_ =	shalt  }
0x71: {  	_ =	shalt  }
0x72: {  	_ =	shalt  }
0x73: {  	_ =	shalt  }
0x74: {  	_ =	shalt  }
0x75: {  	_ =	shalt  }
0x76: {  	_ =	shalt  }
0x77: {  	_ =	shalt  }
0x78: {  	_ =	shalt  }
0x79: {  	_ =	shalt  }
0x7a: {  	_ =	shalt  }
0x7b: {  	_ =	shalt  }
0x7c: {  	_ =	shalt  }
0x7d: {  	_ =	shalt  }
0x7e: {  	_ =	shalt  }
0x7f: {  	_ =	shalt  }
0x80: {  	_ =	shalt  }
0x81: {  	_ =	shalt  }
0x82: {  	_ =	shalt  }
0x83: {  	_ =	shalt  }
0x84: {  	_ =	shalt  }
0x85: {  	_ =	shalt  }
0x86: {  	_ =	shalt  }
0x87: {  	_ =	shalt  }
.Lfunc_end0:
.L_simem_size_0:
called_computation.2_lowered:
.L_overlay_start_0:
0x88: {  	s2 =	sld [smem:$0x3FD9]  }
0x89: {  	s3 =	sld [smem:$0x3FFE];
	_ =	sdelay $0x1  }
0x8a: {  	s1 =	srdreg.scid  }
0x8b: {  	s0 =	sand.u32 $0x1, s1  }
0x8c: {  	s15 =	sshll.u32 s0, $0xA;
	s2 =	sadd.s32 s3, s2  }
0x8d: {  	s2 =	sadd.s32 s2, s15  }
0x8e: {  	[smem:$0x3F91] =	sst s2  }
0x8f: {  	_ = 	snop  }
0x90: {  	(tm) =	ssettm $0x1  }
0x91: {  	s16 =	sld [smem:$0x3FFB];
	_ =	sdelay $0x3  }
0x92: {  	_ =	strace s16  }
0x93: {  	s2 =	sld [smem:$0x3FFC];
	_ =	sdelay $0x3  }
0x94: {  	_ =	strace s2  }
0x95: {  	s2 =	sld [smem:$0x3FFD];
	_ =	sdelay $0x3  }
0x96: {  	_ =	strace s2  }
0x97: {  	_ =	strace $0x8FFFFFFF  }
0x98: {  	s17 =	sld [smem:$0x3FDB];
	_ =	sdelay $0x1  }
0x99: {  	s18 =	simm.s32 $_scs_section_size  }
0x9a: {  	s4 =	simm.s32 $_size__tile_overlayer_lowered;
	s5 =	simm.s32 $_tile_overlayer_lowered  }
0x9b: {  	s21 =	simm.s32 $0x1BFF;
	s20 =	sshll.u32 s5, $0x1;
	s2 =	sadd.s32 s18, s17  }
0x9c: {  	s6 =	simm.s32 $0x0;
	s19 =	sshll.u32 s4, $0x1;
	s4 =	sadd.s32 s20, s2  }
0x9d: {  	[timem:s6], [sflag:s21] =	dma.local [hbm:s4], s19  }
0x9e: {  	_ =	swait.ge [sflag:s21], s19  }
0x9f: {  	s3 =	ssub.s32 $0x0, s19;
	[sflag:s21] =	ssyncset.done $0x0  }
0xa0: {  	[sflag:s21] =	ssyncadd.s32 s3;
	_ =	sdelay $0x1  }
0xa1: {  	s22 =	simm.s32 $0x1B8B  }
0xa2: {  	_ =	swait.ge [sflag:s22], $0x1  }
0xa3: {  	[sflag:s22] =	ssyncset.done $0x0  }
0xa4: {  	s23 =	sld [smem:$0x3FFE];
	[sflag:s22] =	ssyncadd.s32 $0xFFFFFFFF  }
0xa5: {  	s25 =	simm.s32 $0x1B8E;
	s24 =	sld [smem:$0x0]  }
0xa6: {  	s26 =	simm.s32 $execute0_lowered;
	[smem:$0x3FD2] =	sst s25  }
0xa7: {  	s5 =	sshll.u32 s26, $0x1;
	_ =	strace $0x8000004C;
	[dreg:$0x1] =	wrdreg $0xFFFFFFFF  }
0xa8: {  	s28 =	simm.s32 $_size_execute0_lowered;
	s2 =	sadd.s32 s2, s5;
	[dreg:$0x0] =	wrdreg $0x0  }
0xa9: {  	s5 =	sshll.u32 s28, $0x1;
	[dreg:$0x2] =	wrdreg s2  }
0xaa: {  	[dreg:$0x3] =	wrdreg s5  }
0xab: {  	[dreg:$0x4] =	wrdreg $0xC0  }
0xac: {  	_ =	task [dreg:s6], $0x5FFFF  }
0xad: {  	[dreg:$0x1] =	wrdreg $0xFFFFFFFF  }
0xae: {  	[dreg:$0x0] =	wrdreg $0x60  }
0xaf: {  	[dreg:$0x2] =	wrdreg s23  }
0xb0: {  	[dreg:$0x3] =	wrdreg s1  }
0xb1: {  	[dreg:$0x4] =	wrdreg s24  }
0xb2: {  	[dreg:$0x5] =	wrdreg $0xA  }
0xb3: {  	_ =	task.clear_ibuf [dreg:s6], $0x6FFFF;
	_ =	strace $0x9000004C  }
0xb4: {  	s29 =	simm.s32 $0xA;
	_ =	strace $0x8000004E  }
0xb5: {  	_ =	swait.ge [sflag:s29], $0x1  }
0xb6: {  	[sflag:s29] =	ssyncadd.s32 $0xFFFFFFFF  }
0xb7: {  	_ =	strace $0x9000004E  }
0xb8: {  	_ =	sfence  }
0xb9: {  	s30 =	sld [smem:$0x0];
	_ =	sdelay $0x2  }
0xba: {  	s31 =	sshll.u32 s1, $0xD;
	s1 =	sshrl.u32 s1, $0x2  }
0xbb: {  	s3 =	sand.u32 $0x4000, s31;
	s1 =	sadd.s32 s1, s30  }
0xbc: {  	s0 =	sor.u32 s3, s0;
	s1 =	sshll.u32 s1, $0x11  }
0xbd: {  	s0 =	sor.u32 s1, s0  }
0xbe: {  	s0 =	sadd.s32 $0x8F2B, s0  }
0xbf: {  	[sflag:s0] =	ssyncadd.remote.s32 $0x1  }
0xc0: {  	_ =	sfence.sel $0xFFFF  }
0xc1: {  	[dreg:$0x0] =	wrdreg $0xFFFFFFFF;
	(pc) =	sbr.abs _section_cstart, $3  }
0xc2: {  	[dreg:$0x1] =	wrdreg $0xFFFFFFFF  }
0xc3: {  	_ =	task.clear_ibuf [dreg:s6], $0x2FFFF;
	_ =	strace $0x9FFFFFFF  }
0xc4: {  	(tm) =	ssettm $0x7FFFFFFF  }
0xc5: {  	_ =	shalt  }
tec
execute0_lowered:
.L_overlay_start_1:
0x0: {  	(tag) =	ssettag $0x1  }
0x1: {  	s14 =	rddreg [dreg:$0x0]  }
0x2: {  	s2 =	rddreg [dreg:$0x1];
	_ =	strace $0x8000004D;
	s0 =	simm.s32 $0x1  }
0x3: {  	v0 =	vimm.s32 $0x0;
	[sflag:s0] =	ssyncpa.u1 $0x0;
	s0 =	simm.s32 $0x108  }
0x4: {  	[tilespmem:s0+$0x70] =	vst v0  }
0x5: {  	[tilespmem:s0+$0x60] =	vst v0  }
0x6: {  	[tilespmem:s0+$0x50] =	vst v0  }
0x7: {  	[tilespmem:s0+$0x40] =	vst v0  }
0x8: {  	[tilespmem:s0+$0x30] =	vst v0  }
0x9: {  	s3 =	simm.s32 $0x40;
	s1 =	sadd.s32 $0x76800, s14;
	[tilespmem:s0+$0x20] =	vst v0  }
0xa: {  	s15 =	sadd.s32 $0x6CA00, s14;
	s6 =	sadd.s32 $0x5B4C00, s14;
	s5 =	sand.u32 $0x1, s2;
	[tilespmem:s0+$0x10] =	vst v0  }
.LBB2_1:
0xb: {  	s3 =	sadd.s32 $0x40, s3;
	[tilespmem:s0+$0x0] =	vst v0;
	s0 =	sadd.s32 $0x80, s0  }
0xc: {  	p0 =	slt.u32 s3, $0x3C40;
	[tilespmem:s0+$0x70] =	vst v0  }
0xd: {  	[tilespmem:s0+$0x60] =	vst v0  }
.Ltmp0:
0xe: {  	[tilespmem:s0+$0x50] =	vst v0;
	(pc) =	sbr.rel @p0 .LBB2_1-.Ltmp0, $4  }
0xf: {  	[tilespmem:s0+$0x40] =	vst v0  }
0x10: {  	[tilespmem:s0+$0x30] =	vst v0  }
0x11: {  	[tilespmem:s0+$0x20] =	vst v0  }
0x12: {  	[tilespmem:s0+$0x10] =	vst v0  }
0x13: {  	s9 =	stileid.u32  }
0x14: {  	s2 =	smul.u32 $0x2A, s9  }
0x15: {  	s3 =	smin.u32 s9, $0x3  }
0x16: {  	s2 =	sadd.s32 s3, s2  }
0x17: {  	p0 =	slt.u32 s9, $0x3;
	s7 =	smul.u32 $0xF0, s2;
	s2 =	simm.s32 $0x2850  }
0x18: {  	s2 =	simm.s32 @!p0 $0x2760  }
0x19: {  	s2 =	sadd.s32 s2, s7  }
0x1a: {  	s8 =	smin.u32 s2, $0x27800  }
0x1b: {  	s2 =	ssub.s32 s8, s7  }
0x1c: {  	p0 =	sgt.s32 s2, $0x0  }
0x1d: {  	s29 =	simm.s32 $0x2;
	s10 =	simm.s32 $0x9;
	s2 =	simm.s32 @!p0 $0x0  }
0x1e: {  	s4 =	simm.s32 $0xA;
	s11 =	simm.s32 $0xB;
	s28 =	smulhi.u32 $0x88888889, s2  }
0x1f: {  	[dreg:$0x4] =	wrdreg s5;
	s31 =	smul.u32 $0x4F00, s5;
	s12 =	simm.s32 $0x1  }
0x20: {  	s22 =	simm.s32 $0x0;
	s18 =	simm.s32 $0xC;
	s30 =	sshrl.u32 s28, $0x7  }
0x21: {  	s20 =	simm.s32 $0x0;
	s21 =	simm.s32 $0x0;
	s3 =	smul.u32 $0xF0, s30  }
.Ltmp1:
0x22: {  	[tilespmem:s0+$0x0] =	vst v0;
	v0 =	vimm.s32 $0xFFFFFFFF;
	[sflag:s29] =	ssyncpa.u1 $0x0;
	s16 =	sshll.u32 s9, $0x8;
	(pc) =	sbr.rel .LBB2_3-.Ltmp1, $4  }
0x23: {  	[tilespmem:$0xF208] =	vst v0;
	[sflag:s10] =	ssyncpa.u1 $0x0;
	p0 =	sne.s32 s2, s3;
	s2 =	simm.s32 $0x1  }
0x24: {  	s14 =	sadd.s32 s31, s14;
	[sflag:s4] =	ssyncpa.u1 $0x0;
	s2 =	simm.s32 @!p0 $0x0  }
0x25: {  	s15 =	sadd.s32 s31, s15;
	[sflag:s11] =	ssyncpa.u1 $0x0;
	s13 =	sadd.s32 s2, s30  }
0x26: {  	v0 =	vlaneseq.u32;
	s19 =	smov.u32 s7;
	p0 =	por $0x0, $0x0;
	s17 =	sadd.s32 $0x1, s13  }
.LBB2_18:
0x27: {  	s0 =	sshrl.u32 s31, $0x2  }
.LBB2_20:
0x28: {  	_ =	swait.ge [sflag:s18], s0  }
0x29: {  	s31 =	ssub.s32 $0x0, s0;
	v1 =	vmov s24;
	vm0 =	veq.s32 v0, $0x0;
	[sflag:s18] =	ssyncset.done $0x0  }
0x2a: {  	vm15 =	veq.s32 v0, $0x2;
	v1 =	vsel vm0, s30, v1;
	[sflag:s18] =	ssyncadd.s32 s31  }
0x2b: {  	v1 =	vsel vm15, s22, v1;
	[sflag:s18] =	ssyncpa.u1 $0x1  }
0x2c: {  	[tilespmem:$0xF208] =	vst v1  }
.LBB2_21:
0x2d: {  	s0 =	sadd.s32 $0xF0, s19  }
0x2e: {  	s2 =	smov.u32 s7;
	p1 =	slt.s32 s0, s8  }
0x2f: {  	s2 =	smov.u32 @p1 s0;
	p1 =	sne.s32 s21, s17  }
.Ltmp2:
0x30: {  	_ = 	snop;
	(pc) =	sbr.rel @!p1 .LBB2_22-.Ltmp2, $3  }
0x31: {  	_ =	sdelay $0x1  }
0x32: {  	s22 =	smov.u32 s20;
	s31 =	sadd.s32 $0x1, s21;
	s20 =	smov.u32 s19  }
0x33: {  	p0 =	por !p0, !p0;
	s21 =	smov.u32 s31;
	s19 =	smov.u32 s2  }
.LBB2_3:
0x34: {  	p1 =	sge.u32 s21, s13  }
0x35: {  	s0 =	smulhi.u32 @!p1 $0xAAAAAAAB, s21  }
0x36: {  	s2 =	smov.u32 s19;
	p2 =	sgt.s32 @!p1 s19, $0x27710  }
0x37: {  	s3 =	sshra.s32 @!p1 s19, $0x1F;
	p2 =	por !p2, p1;
	s0 =	sshrl.u32 @!p1 s0, $0x1  }
0x38: {  	s3 =	sand.u32 @!p1 s3, s19;
	s2 =	simm.s32 @p2 $0x27710;
	s0 =	smul.u32 @!p1 $0x3, s0  }
0x39: {  	s2 =	ssub.s32 @!p1 s2, s3  }
0x3a: {  	s2 =	sadd.s32 @!p1 $0xFFFD88F0, s2;
	s0 =	ssub.s32 @!p1 s21, s0  }
0x3b: {  	s3 =	sshll.u32 @!p1 s2, $0x2;
	p2 =	sgt.s32 @!p1 s2, $0xEF;
	s0 =	smul.u32 @!p1 $0x3C0, s0  }
0x3c: {  	s4 =	sand.u32 @!p1 $0x7, s19;
	s2 =	ssub.s32 @!p1 $0x3C0, s3;
	p2 =	por !p2, p1  }
0x3d: {  	s3 =	sshrl.u32 @!p1 s19, $0x3;
	s2 =	sshrl.u32 @!p1 s2, $0x2;
	s0 =	sshrl.u32 @!p1 s0, $0x2  }
0x3e: {  	s3 =	sadd.s32 @!p1 s3, s14;
	s2 =	simm.s32 @!p2 $0x0;
	s0 =	sadd.s32 @!p1 $0x10248, s0  }
0x3f: {  	[tilespmem:s0], [sflag:$0xA] =	stream.linear.gather @!p1 [hbm4b:s3+s4], s2, $0x38;
	[tilespmem:$0x1F6F8] =	vst v63  }
0x40: {  	s0 =	sadd.s32 $0xFFFFFFFF, s21  }
0x41: {  	p1 =	sge.u32 s0, s13  }
0x42: {  	p2 =	sgt.s32 @!p1 s20, $0x27710  }
0x43: {  	s2 =	smov.u32 s20;
	s3 =	sshra.s32 @!p1 s20, $0x1F;
	p2 =	por !p2, p1  }
0x44: {  	s3 =	sand.u32 @!p1 s3, s20;
	s2 =	simm.s32 @p2 $0x27710  }
0x45: {  	s2 =	ssub.s32 @!p1 s2, s3  }
0x46: {  	s2 =	sadd.s32 @!p1 $0xFFFD88F0, s2  }
0x47: {  	s4 =	sand.u32 @!p1 $0x1, s0;
	s3 =	sshll.u32 @!p1 s2, $0x2  }
0x48: {  	p2 =	sgt.s32 @!p1 s2, $0xEF;
	s2 =	ssub.s32 @!p1 $0x3C0, s3;
	s3 =	smulhi.u32 @!p1 $0xAAAAAAAB, s0  }
0x49: {  	s23 =	smul.u32 @!p1 $0x3C0, s4;
	p2 =	por !p2, p1;
	s2 =	sshrl.u32 @!p1 s2, $0x2  }
0x4a: {  	s5 =	simm.s32 @!p1 $0xA;
	s2 =	simm.s32 @!p2 $0x0;
	s3 =	sshrl.u32 @!p1 s3, $0x1  }
0x4b: {  	s23 =	sshrl.u32 @!p1 s23, $0x2;
	_ =	swait.ge @!p1 [sflag:s5], s2;
	s3 =	smul.u32 @!p1 $0x3, s3  }
0x4c: {  	s23 =	sadd.s32 @!p1 $0x10518, s23;
	s24 =	ssub.s32 @!p1 $0x0, s2;
	[sflag:s5] =	ssyncset.done @!p1 $0x0  }
0x4d: {  	[sflag:s5] =	ssyncadd.s32 @!p1 s24;
	s5 =	sshrl.u32 @!p1 s20, $0x3;
	s0 =	ssub.s32 @!p1 s0, s3  }
0x4e: {  	s24 =	sand.u32 @!p1 $0x7, s20;
	s5 =	sadd.s32 @!p1 s5, s15;
	s0 =	smul.u32 @!p1 $0x3C0, s0  }
0x4f: {  	[tilespmem:s23], [sflag:$0xB] =	stream.linear.gather @!p1 [hbm4b:s5+s24], s2, $0x38;
	[tilespmem:$0x1F6F8] =	vst v63  }
0x50: {  	s3 =	ssub.s32 @!p1 $0x27800, s20;
	s2 =	smul.u32 @!p1 $0x1E000, s4  }
0x51: {  	p2 =	slt.s32 @!p1 s3, $0xF0  }
0x52: {  	p2 =	por !p2, p1;
	s0 =	sshrl.u32 @!p1 s0, $0x2;
	s2 =	sshrl.u32 @!p1 s2, $0x2  }
0x53: {  	s3 =	simm.s32 @p2 $0xF0;
	s0 =	sadd.s32 @!p1 $0x10248, s0;
	s2 =	sor.u32 @!p1 $0x106F8, s2  }
0x54: {  	[tilespmem:s2], [sflag:$0x9] =	stream.indirect.gather @!p1 [hbm4b:s6+s3], $0x80, s0, s3, $0xb8;
	[tilespmem:$0x1F6F8] =	vst v63  }
0x55: {  	p1 =	slt.u32 s21, $0x2  }
.Ltmp3:
0x56: {  	_ = 	snop;
	(pc) =	sbr.rel @p1 .LBB2_21-.Ltmp3, $1  }
0x57: {  	_ =	sdelay $0x3  }
0x58: {  	p1 =	sgt.s32 s22, $0x27710  }
0x59: {  	s0 =	smov.u32 s22;
	s2 =	sshra.s32 s22, $0x1F;
	s3 =	ssub.s32 $0x27800, s22  }
0x5a: {  	s0 =	simm.s32 @!p1 $0x27710;
	s2 =	sand.u32 s2, s22;
	p1 =	slt.s32 s3, $0xF0  }
0x5b: {  	s0 =	ssub.s32 s0, s2;
	s3 =	simm.s32 @!p1 $0xF0  }
0x5c: {  	s0 =	sadd.s32 $0xFFFD88F0, s0;
	s25 =	sshll.u32 s3, $0x7  }
0x5d: {  	s26 =	sshll.u32 s0, $0x2;
	s2 =	sand.u32 $0x3FFFFF80, s25  }
0x5e: {  	p1 =	sgt.s32 s0, $0xEF;
	s29 =	ssub.s32 $0x3C0, s26;
	_ =	swait.ge [sflag:s10], s2  }
0x5f: {  	s2 =	ssub.s32 $0x0, s2;
	[sflag:s10] =	ssyncset.done $0x0;
	s0 =	sshrl.u32 s29, $0x2  }
0x60: {  	[sflag:s10] =	ssyncadd.s32 s2;
	s0 =	simm.s32 @p1 $0x0  }
0x61: {  	_ =	swait.ge [sflag:s11], s0  }
0x62: {  	s0 =	ssub.s32 $0x0, s0;
	[sflag:s11] =	ssyncset.done $0x0  }
0x63: {  	[sflag:s11] =	ssyncadd.s32 s0  }
0x64: {  	v1 =	vld [tilespmem:$0xF208];
	_ =	sdelay $0x4  }
0x65: {  	(v2sf) =	vpush v1, $0x0  }
0x66: {  	(v2sf) =	vpush v1, $0x1  }
0x67: {  	(v2sf) =	vpush v1, $0x2;
	_ =	sdelay $0x3  }
0x68: {  	s0 =	sadd.s32 $0xF0, s22  }
0x69: {  	s2 =	ssub.s32 $0x4F000, s22;
	p1 =	slt.s32 s8, s0  }
0x6a: {  	s0 =	smov.u32 @p1 s8;
	p1 =	sgt.s32 s2, $0x0  }
0x6b: {  	s26 =	ssub.s32 s0, s22;
	s2 =	simm.s32 @!p1 $0x0  }
0x6c: {  	p1 =	slt.s32 s2, s26  }
0x6d: {  	s26 =	smov.u32 @p1 s2  }
0x6e: {  	s25 =	simm.s32 $0x1;
	p1 =	slt.s32 s26, $0x1  }
.Ltmp4:
0x6f: {  	s25 =	simm.s32 @!p0 $0x0;
	(pc) =	sbr.rel @p1 .LBB2_8-.Ltmp4, $4  }
0x70: {  	s31 =	smul.u32 $0x3C0, s25  }
0x71: {  	s28 =	spop (v2sf)  }
0x72: {  	s0 =	sshrl.u32 s31, $0x2;
	s30 =	spop (v2sf)  }
0x73: {  	s23 =	sadd.s32 $0x10518, s0;
	s22 =	spop (v2sf)  }
0x74: {  	s0 =	smin.u32 s26, $0x10  }
0x75: {  	v1 =	vmov s0  }
0x76: {  	p2 =	sgt.s32 s26, $0x10;
	vm1 =	vgt.u32 v1, v0  }
.Ltmp5:
0x77: {  	_ = 	snop;
	(pc) =	sbr.rel @!p2 .LBB2_7-.Ltmp5, $2  }
0x78: {  	_ =	sdelay $0x2  }
0x79: {  	s4 =	simm.s32 $0x10;
	s24 =	sadd.s32 $0xFFFFFFF0, s26;
	s0 =	smov.u32 s23;
	vm0 =	vmmov vm1  }
.LBB2_6:
0x7a: {  	s2 =	smin.u32 s24, $0x10;
	s4 =	sadd.s32 $0x10, s4;
	v1 =	vld.msk [tilespmem:s0+$0x0 ss:$0x1], vm1  }
0x7b: {  	v2 =	vmov s2;
	p2 =	slt.s32 s4, s26  }
0x7c: {  	vm1 =	vgt.u32 v2, v0  }
.Ltmp6:
0x7d: {  	(pc) =	sbr.rel @p2 .LBB2_6-.Ltmp6, $3  }
0x7e: {  	_ =	sdelay $0x1  }
0x7f: {  	v1 =	vshll.u32 v1, $0x4  }
0x80: {  	s24 =	sadd.s32 $0xFFFFFFF0, s24;
	[tilespmem:s0+$0x0] =	vst.msk vm0, v1;
	s0 =	sadd.s32 $0x10, s0;
	vm0 =	vmmov vm1  }
.LBB2_7:
0x81: {  	_ =	sdelay $0x4  }
0x82: {  	v1 =	vld.msk [tilespmem:s0+$0x0 ss:$0x1], vm1;
	_ =	sdelay $0x4  }
0x83: {  	v1 =	vshll.u32 v1, $0x4  }
0x84: {  	[tilespmem:s0+$0x0] =	vst.msk vm0, v1  }
.LBB2_8:
0x85: {  	s0 =	sand.u32 $0x1, s21  }
0x86: {  	s0 =	smul.u32 $0xF0, s0  }
0x87: {  	p2 =	sne.s32 s30, $0xFFFFFFFF  }
0x88: {  	v1 =	vld.msk @!p2 [tilespmem:s0+$0x10518], $0x1;
	_ =	sdelay $0x4  }
0x89: {  	(v2sf) =	vpush @!p2 v1, $0x0;
	_ =	sdelay $0xc  }
.Ltmp7:
0x8a: {  	_ = 	snop;
	(pc) =	sbr.rel @p1 .LBB2_19-.Ltmp7, $4  }
0x8b: {  	_ = 	snop  }
0x8c: {  	s29 =	spop @!p2 (v2sf)  }
0x8d: {  	s22 =	simm.s32 @!p2 $0x0;
	s24 =	smov.u32 s29  }
0x8e: {  	[sflag:s18] =	ssyncpa.u1 $0x0;
	s29 =	smov.u32 @p2 s28;
	s24 =	smov.u32 @p2 s30  }
0x8f: {  	v1 =	vld.msk [tilespmem:s23+$0x0], $0x1;
	_ =	sdelay $0x4  }
0x90: {  	(v2sf) =	vpush v1, $0x0;
	_ =	sdelay $0xe  }
0x91: {  	s2 =	smul.u32 $0x1E000, s25;
	s0 =	spop (v2sf)  }
0x92: {  	s26 =	ssub.s32 $0x0, s26;
	p1 =	seq.s32 s29, s0  }
0x93: {  	s30 =	sadd.s32 $0x1, s26;
	s2 =	sshrl.u32 s2, $0x2;
	p2 =	sgt.s32 @!p1 s29, $0x0  }
0x94: {  	s25 =	sor.u32 $0x10738, s2;
	s2 =	smov.u32 s29;
	p2 =	por !p2, p1  }
0x95: {  	s2 =	simm.s32 @p2 $0x0;
	p2 =	seq.s32 s30, $0x0  }
.Ltmp8:
0x96: {  	_ = 	snop;
	(pc) =	sbr.rel @p2 .LBB2_11-.Ltmp8, $4  }
0x97: {  	_ = 	snop  }
0x98: {  	s28 =	simm.s32 $0x0;
	s31 =	sadd.s32 $0x1, s23;
	s2 =	smin.u32 @!p1 s2, $0x270F0  }
0x99: {  	s4 =	simm.s32 @!p1 $0x1;
	s5 =	simm.s32 @!p1 $0x7988;
	s3 =	sand.u32 @!p1 $0x3FFF8, s2  }
0x9a: {  	s4 =	smov.u32 @p1 s28;
	s2 =	sand.u32 @!p1 $0x7, s2;
	s3 =	sadd.s32 @!p1 s1, s3  }
.LBB2_10:
0x9b: {  	s9 =	smov.u32 s4  }
0x9c: {  	[tilespmem:s5], [sflag:$0x2] =	stream.linear.gather @!p1 [hbm4b:s3+s2], $0x80, $0x38;
	[tilespmem:$0x1F6F8] =	vst v63  }
0x9d: {  	s30 =	sadd.s32 $0x1, s30;
	s2 =	smov.u32 s0;
	v1 =	vld.msk [tilespmem:s31+$0x0], $0x1  }
0x9e: {  	p2 =	seq.s32 s30, $0x0;
	_ =	sdelay $0x3  }
0x9f: {  	(v2sf) =	vpush v1, $0x0;
	_ =	sdelay $0xe  }
0xa0: {  	s0 =	spop (v2sf)  }
0xa1: {  	p1 =	seq.s32 s2, s0  }
0xa2: {  	p3 =	sgt.s32 @!p1 s2, $0x0;
	s3 =	sshll.u32 @!p1 s4, $0x9;
	s4 =	sadd.s32 @!p1 $0x1, s4  }
.Ltmp9:
0xa3: {  	p3 =	por !p3, p1;
	s3 =	sshra.s32 @!p1 s3, $0x2;
	(pc) =	sbr.rel @!p2 .LBB2_10-.Ltmp9, $4  }
0xa4: {  	s4 =	smov.u32 @p1 s9;
	s2 =	simm.s32 @p3 $0x0;
	s5 =	sadd.s32 @!p1 $0x7988, s3  }
0xa5: {  	s2 =	smin.u32 @!p1 s2, $0x270F0  }
0xa6: {  	s3 =	sand.u32 @!p1 $0x3FFF8, s2;
	s2 =	sand.u32 @!p1 $0x7, s2  }
0xa7: {  	s31 =	sadd.s32 $0x1, s31;
	s3 =	sadd.s32 @!p1 s1, s3  }
.LBB2_11:
0xa8: {  	[tilespmem:s5], [sflag:$0x2] =	stream.linear.gather @!p1 [hbm4b:s3+s2], $0x80, $0x38;
	[tilespmem:$0x1F6F8] =	vst v63  }
.Ltmp10:
0xa9: {  	s0 =	sshll.u32 s4, $0x7;
	(pc) =	sbr.rel .LBB2_12-.Ltmp10, $4  }
0xaa: {  	s30 =	simm.s32 $0x2;
	s0 =	sand.u32 $0x3FFFFF80, s0  }
0xab: {  	_ =	swait.ge [sflag:s30], s0  }
0xac: {  	s0 =	ssub.s32 $0x0, s0;
	[sflag:s30] =	ssyncset.done $0x0  }
0xad: {  	s31 =	simm.s32 $0x0;
	[sflag:s30] =	ssyncadd.s32 s0  }
.LBB2_13:
0xae: {  	v1 =	vld [tilespmem:s25+$0xFFFFFFC0];
	_ =	sdelay $0x3  }
0xaf: {  	s0 =	sshra.s32 s0, $0x2  }
0xb0: {  	[tilespmem:s0+$0x108] =	vst.add.f32.msk $0xffff, v1  }
0xb1: {  	v1 =	vld [tilespmem:s25+$0xFFFFFFD0];
	_ =	sdelay $0x4  }
0xb2: {  	[tilespmem:s0+$0x118] =	vst.add.f32.msk $0xffff, v1  }
0xb3: {  	v1 =	vld [tilespmem:s25+$0xFFFFFFE0];
	_ =	sdelay $0x4  }
0xb4: {  	[tilespmem:s0+$0x128] =	vst.add.f32.msk $0xffff, v1  }
0xb5: {  	v1 =	vld [tilespmem:s25+$0xFFFFFFF0];
	_ =	sdelay $0x4  }
0xb6: {  	[tilespmem:s0+$0x138] =	vst.add.f32.msk $0xffff, v1  }
0xb7: {  	v1 =	vld [tilespmem:s25+$0x0];
	_ =	sdelay $0x4  }
0xb8: {  	[tilespmem:s0+$0x148] =	vst.add.f32.msk $0xffff, v1  }
0xb9: {  	v1 =	vld [tilespmem:s25+$0x10];
	_ =	sdelay $0x4  }
0xba: {  	[tilespmem:s0+$0x158] =	vst.add.f32.msk $0xffff, v1  }
0xbb: {  	v1 =	vld [tilespmem:s25+$0x20];
	_ =	sdelay $0x4  }
0xbc: {  	[tilespmem:s0+$0x168] =	vst.add.f32.msk $0xffff, v1  }
0xbd: {  	v1 =	vld [tilespmem:s25+$0x30];
	_ =	sdelay $0x4  }
0xbe: {  	[tilespmem:s0+$0x178] =	vst.add.f32.msk $0xffff, v1  }
.LBB2_17:
0xbf: {  	s26 =	sadd.s32 $0x1, s26  }
0xc0: {  	p1 =	seq.s32 s26, $0x0  }
.Ltmp11:
0xc1: {  	_ = 	snop;
	(pc) =	sbr.rel @p1 .LBB2_18-.Ltmp11, $2  }
0xc2: {  	_ =	sdelay $0x2  }
0xc3: {  	s23 =	sadd.s32 $0x1, s23;
	s25 =	sadd.s32 $0x80, s25;
	s29 =	smov.u32 s30  }
.LBB2_12:
0xc4: {  	v1 =	vld.msk [tilespmem:s23+$0x0], $0x1;
	_ =	sdelay $0x4  }
0xc5: {  	(v2sf) =	vpush v1, $0x0;
	_ =	sdelay $0xe  }
0xc6: {  	s30 =	spop (v2sf)  }
0xc7: {  	p1 =	sne.s32 s29, s30  }
.Ltmp12:
0xc8: {  	_ = 	snop;
	(pc) =	sbr.rel @!p1 .LBB2_13-.Ltmp12, $2  }
0xc9: {  	_ =	sdelay $0x2  }
0xca: {  	s0 =	sshll.u32 s22, $0x9  }
0xcb: {  	p1 =	seq.s32 s29, s24  }
.Ltmp13:
0xcc: {  	_ = 	snop;
	(pc) =	sbr.rel @!p1 .LBB2_15-.Ltmp13, $1  }
0xcd: {  	_ =	sdelay $0x3  }
0xce: {  	s0 =	sshra.s32 s0, $0x2  }
.Ltmp14:
0xcf: {  	s0 =	sadd.s32 $0x108, s0;
	(pc) =	sbr.rel .LBB2_16-.Ltmp14, $4  }
0xd0: {  	[spmem:s16] =	stream.linear.scatter [tilespmem:s0], [sflag:$0x1], $0x80, $0x38;
	[tilespmem:$0x1F6F8] =	vst v63  }
0xd1: {  	_ =	swait.ge [sflag:s12], $0x80  }
0xd2: {  	[sflag:s12] =	ssyncset.done $0x0  }
0xd3: {  	[sflag:s12] =	ssyncadd.s32 $0xFFFFFF80  }
.LBB2_15:
0xd4: {  	s2 =	sshll.u32 s28, $0x9  }
0xd5: {  	s2 =	sshra.s32 s2, $0x2  }
0xd6: {  	v1 =	vld [tilespmem:s2+$0x7988];
	_ =	sdelay $0x3  }
0xd7: {  	s0 =	sshra.s32 s0, $0x2  }
0xd8: {  	[tilespmem:s0+$0x108] =	vst.add.f32.msk $0xffff, v1  }
0xd9: {  	v1 =	vld [tilespmem:s2+$0x7998];
	_ =	sdelay $0x4  }
0xda: {  	[tilespmem:s0+$0x118] =	vst.add.f32.msk $0xffff, v1  }
0xdb: {  	v1 =	vld [tilespmem:s2+$0x79A8];
	_ =	sdelay $0x4  }
0xdc: {  	[tilespmem:s0+$0x128] =	vst.add.f32.msk $0xffff, v1  }
0xdd: {  	v1 =	vld [tilespmem:s2+$0x79B8];
	_ =	sdelay $0x4  }
0xde: {  	[tilespmem:s0+$0x138] =	vst.add.f32.msk $0xffff, v1  }
0xdf: {  	v1 =	vld [tilespmem:s2+$0x79C8];
	_ =	sdelay $0x4  }
0xe0: {  	[tilespmem:s0+$0x148] =	vst.add.f32.msk $0xffff, v1  }
0xe1: {  	v1 =	vld [tilespmem:s2+$0x79D8];
	_ =	sdelay $0x4  }
0xe2: {  	[tilespmem:s0+$0x158] =	vst.add.f32.msk $0xffff, v1  }
0xe3: {  	v1 =	vld [tilespmem:s2+$0x79E8];
	_ =	sdelay $0x4  }
0xe4: {  	[tilespmem:s0+$0x168] =	vst.add.f32.msk $0xffff, v1  }
0xe5: {  	v1 =	vld [tilespmem:s2+$0x79F8];
	_ =	sdelay $0x2  }
0xe6: {  	p1 =	sgt.u32 s29, $0x270F0  }
0xe7: {  	s2 =	sand.u32 @!p1 $0x3FFF8, s29  }
0xe8: {  	s3 =	sadd.s32 $0x108, s0;
	[tilespmem:s0+$0x178] =	vst.add.f32.msk $0xffff, v1;
	s0 =	sadd.s32 @!p1 s1, s2;
	s2 =	sand.u32 @!p1 $0x7, s29  }
0xe9: {  	[hbm4b:s0+s2] =	stream.linear.scatter @!p1 [tilespmem:s3], [sflag:$0xC], $0x80, $0x38;
	[tilespmem:$0x1F6F8] =	vst v63  }
0xea: {  	s0 =	simm.s32 $0x0  }
0xeb: {  	s0 =	simm.s32 @!p1 $0x200  }
0xec: {  	s31 =	sadd.s32 s0, s31  }
.LBB2_16:
0xed: {  	s0 =	sadd.s32 $0x1, s22  }
0xee: {  	s2 =	smulhi.u32 $0x88888889, s0;
	_ =	sdelay $0x1  }
0xef: {  	v1 =	vld [tilespmem:s25+$0xFFFFFFC0];
	s2 =	sshrl.u32 s2, $0x7  }
0xf0: {  	s2 =	smul.u32 $0xF0, s2;
	_ =	sdelay $0x1  }
0xf1: {  	s22 =	ssub.s32 s0, s2  }
0xf2: {  	s0 =	sshll.u32 s22, $0x7  }
0xf3: {  	[tilespmem:s0+$0x108] =	vst v1  }
0xf4: {  	v1 =	vld [tilespmem:s25+$0xFFFFFFD0];
	_ =	sdelay $0x4  }
0xf5: {  	[tilespmem:s0+$0x118] =	vst v1  }
0xf6: {  	v1 =	vld [tilespmem:s25+$0xFFFFFFE0];
	_ =	sdelay $0x4  }
0xf7: {  	[tilespmem:s0+$0x128] =	vst v1  }
0xf8: {  	v1 =	vld [tilespmem:s25+$0xFFFFFFF0];
	_ =	sdelay $0x4  }
0xf9: {  	[tilespmem:s0+$0x138] =	vst v1  }
0xfa: {  	v1 =	vld [tilespmem:s25+$0x0];
	_ =	sdelay $0x4  }
0xfb: {  	[tilespmem:s0+$0x148] =	vst v1  }
0xfc: {  	v1 =	vld [tilespmem:s25+$0x10];
	_ =	sdelay $0x4  }
0xfd: {  	[tilespmem:s0+$0x158] =	vst v1  }
0xfe: {  	v1 =	vld [tilespmem:s25+$0x20];
	_ =	sdelay $0x4  }
0xff: {  	[tilespmem:s0+$0x168] =	vst v1  }
0x100: {  	v1 =	vld [tilespmem:s25+$0x30]  }
.Ltmp15:
0x101: {  	_ = 	snop;
	(pc) =	sbr.rel .LBB2_17-.Ltmp15, $2  }
0x102: {  	_ =	sdelay $0x2  }
0x103: {  	s28 =	sadd.s32 $0x1, s28;
	[tilespmem:s0+$0x178] =	vst v1  }
.LBB2_19:
.Ltmp16:
0x104: {  	(pc) =	sbr.rel .LBB2_20-.Ltmp16, $4  }
0x105: {  	_ = 	snop  }
0x106: {  	s0 =	simm.s32 $0x2  }
0x107: {  	_ =	swait.ge [sflag:s0], $0x0  }
0x108: {  	s30 =	smov.u32 s29;
	[sflag:s0] =	ssyncset.done $0x0;
	s0 =	simm.s32 $0x0  }
.LBB2_22:
0x109: {  	_ =	sfence.sel $0x180000  }
0x10a: {  	s0 =	simm.s32 $0x9;
	[bflag:$0x0] =	sbarrier.arrive $0xFFFF  }
0x10b: {  	s24 =	simm.s32 $0xA;
	[sflag:s0] =	ssyncpa.u1 $0x1  }
0x10c: {  	s25 =	simm.s32 $0xB;
	[sflag:s24] =	ssyncpa.u1 $0x1  }
0x10d: {  	s26 =	simm.s32 $0x2;
	[sflag:s25] =	ssyncpa.u1 $0x1  }
0x10e: {  	[sflag:s26] =	ssyncpa.u1 $0x1  }
0x10f: {  	v0 =	vld [tilespmem:$0xF208];
	_ =	sdelay $0x4  }
0x110: {  	(v2sf) =	vpush v0, $0x0  }
0x111: {  	(v2sf) =	vpush v0, $0x1;
	_ =	sdelay $0x1  }
0x112: {  	(v2sf) =	vpush v0, $0x2;
	_ =	sdelay $0xb  }
0x113: {  	s0 =	spop (v2sf)  }
0x114: {  	s2 =	spop (v2sf)  }
0x115: {  	s3 =	smov.u32 s0;
	p0 =	sne.s32 s0, s2  }
0x116: {  	s4 =	spop (v2sf);
	s3 =	simm.s32 @!p0 $0xFFFFFFFF  }
0x117: {  	v2 =	vimm.s32 $0x1;
	v3 =	vlaneseq.u32;
	p0 =	seq.s32 s4, $0xFFFFFFFF;
	v1 =	vmov s3  }
0x118: {  	s16 =	stileid.u32;
	v0 =	vperm.xlane v0, v2;
	p1 =	sne.s32 @!p0 s0, s2;
	v1 =	vperm.xlane v1, v3  }
0x119: {  	vm0 =	vcmask $0x3F04;
	s6 =	simm.s32 $0xF208;
	s0 =	simm.s32 @!p0 $0x1;
	p1 =	por !p1, p0  }
0x11a: {  	s3 =	sshll.u32 s16, $0x1;
	s2 =	sshll.u32 @!p0 s4, $0x9;
	s0 =	simm.s32 @p1 $0x0;
	v0 =	vsel vm0, v1, v0  }
0x11b: {  	s5 =	sor.u32 $0x1000, s3;
	s2 =	sshra.s32 @!p0 s2, $0x2;
	s0 =	sor.u32 @!p0 s0, s3;
	[tilespmem:$0xF208] =	vst v0  }
0x11c: {  	[spmem:s5] =	stream.linear.scatter [tilespmem:s6], [sflag:$0x1], $0x2, $0x38;
	[tilespmem:$0x1F6F8] =	vst v63  }
0x11d: {  	s2 =	sadd.s32 @!p0 $0x108, s2;
	s0 =	sshll.u32 @!p0 s0, $0x7  }
0x11e: {  	[spmem:s0] =	stream.linear.scatter @!p0 [tilespmem:s2], [sflag:$0x1], $0x80, $0x38;
	[tilespmem:$0x1F6F8] =	vst v63  }
0x11f: {  	s0 =	simm.s32 @!p0 $0x82  }
0x120: {  	s28 =	simm.s32 $0x1;
	s0 =	simm.s32 @p0 $0x2  }
0x121: {  	_ =	swait.ge [sflag:s28], s0  }
0x122: {  	s0 =	ssub.s32 $0x0, s0;
	[sflag:s28] =	ssyncset.done $0x0  }
0x123: {  	p0 =	sne.s32 s16, $0x0;
	[sflag:s28] =	ssyncadd.s32 s0  }
.Ltmp17:
0x124: {  	_ =	sfence.stream.spmem;
	(pc) =	sbr.rel @p0 .LBB2_39-.Ltmp17, $4  }
0x125: {  	s29 =	simm.s32 $0x3;
	[bflag:$0x0] =	sbarrier.arrive $0xFFFF  }
0x126: {  	s30 =	simm.s32 $0x4;
	[sflag:s29] =	ssyncpa.u1 $0x1  }
0x127: {  	s31 =	simm.s32 $0x3C;
	[sflag:s30] =	ssyncpa.u1 $0x1  }
0x128: {  	s15 =	rddreg [dreg:$0x4];
	[sflag:s31] =	ssyncpa.u1 $0x1  }
0x129: {  	_ =	sfence.stream.spmem;
	s0 =	simm.s32 $0x5  }
0x12a: {  	s2 =	simm.s32 $0x1000;
	s3 =	simm.s32 $0xF218;
	[sflag:s0] =	ssyncpa.u1 $0x0  }
0x12b: {  	[tilespmem:s3], [sflag:$0x5] =	stream.linear.gather [spmem:s2], $0x20, $0x38;
	[tilespmem:$0x1F6F8] =	vst v63  }
0x12c: {  	s26 =	simm.s32 $0x0;
	s28 =	simm.s32 $0xF238  }
0x12d: {  	[tilespmem:s28], [sflag:$0x5] =	stream.linear.gather [spmem:s26], $0x1000, $0x38;
	[tilespmem:$0x1F6F8] =	vst v63  }
0x12e: {  	_ =	swait.ge [sflag:s0], $0x1020  }
0x12f: {  	[sflag:s0] =	ssyncset.done $0x0  }
0x130: {  	s29 =	simm.s32 $0x0;
	[sflag:s0] =	ssyncadd.s32 $0xFFFFEFE0  }
0x131: {  	v0 =	vld.msk [tilespmem:s29+$0xF218], $0x1;
	_ =	sdelay $0x1  }
0x132: {  	s30 =	simm.s32 $0x1  }
0x133: {  	v1 =	vld.msk [tilespmem:s30+$0xF218], $0x1;
	_ =	sdelay $0x1  }
0x134: {  	(v2sf) =	vpush v0, $0x0;
	_ =	sdelay $0x2  }
0x135: {  	(v2sf) =	vpush v1, $0x0;
	_ =	sdelay $0x2  }
0x136: {  	s31 =	simm.s32 $0x2  }
0x137: {  	v0 =	vld.msk [tilespmem:s31+$0xF218], $0x1;
	_ =	sdelay $0x2  }
0x138: {  	s4 =	simm.s32 $0xFFFFFFFF;
	s5 =	simm.s32 $0xFFFFFFFF;
	s0 =	simm.s32 $0xC  }
.LBB2_24:
0x139: {  	s2 =	smov.u32 s5;
	s3 =	smov.u32 s4  }
0x13a: {  	s4 =	sshra.s32 s0, $0x2;
	p1 =	sne.s32 s0, $0x7C;
	s0 =	sadd.s32 $0x4, s0;
	(v2sf) =	vpush v0, $0x0  }
0x13b: {  	v0 =	vld.msk [tilespmem:s4+$0xF218], $0x1  }
.Ltmp18:
0x13c: {  	(pc) =	sbr.rel @p1 .LBB2_24-.Ltmp18, $4  }
0x13d: {  	s5 =	spop (v2sf)  }
0x13e: {  	p2 =	sne.s32 s3, $0xFFFFFFFF;
	s4 =	smov.u32 s5  }
0x13f: {  	p3 =	seq.s32 s5, $0xFFFFFFFF;
	s4 =	smov.u32 @p2 s3  }
0x140: {  	s5 =	smov.u32 @p3 s2;
	s4 =	smov.u32 @p3 s3  }
0x141: {  	(v2sf) =	vpush v0, $0x0;
	_ =	sdelay $0x8  }
0x142: {  	s0 =	spop (v2sf)  }
0x143: {  	p1 =	sne.s32 s4, $0xFFFFFFFF;
	s2 =	smov.u32 s0  }
0x144: {  	s9 =	simm.s32 $0x6;
	p2 =	seq.s32 s0, $0xFFFFFFFF;
	s2 =	smov.u32 @p1 s4  }
0x145: {  	s6 =	simm.s32 $0x0;
	s2 =	smov.u32 @p2 s4;
	s3 =	spop (v2sf)  }
0x146: {  	s0 =	smov.u32 @p2 s5;
	p1 =	sne.s32 s2, $0xFFFFFFFF;
	s4 =	smov.u32 s3  }
.Ltmp19:
0x147: {  	p2 =	seq.s32 s3, $0xFFFFFFFF;
	s4 =	smov.u32 @p1 s2;
	(pc) =	sbr.rel .LBB2_26-.Ltmp19, $4  }
0x148: {  	s10 =	simm.s32 $0xF188;
	s4 =	smov.u32 @p2 s2;
	s7 =	spop (v2sf)  }
0x149: {  	s11 =	simm.s32 $0x0;
	p1 =	sne.s32 s4, $0xFFFFFFFF;
	s8 =	smov.u32 s7  }
0x14a: {  	s3 =	smov.u32 @p2 s0;
	p2 =	seq.s32 s7, $0xFFFFFFFF;
	s8 =	smov.u32 @p1 s4  }
0x14b: {  	[sflag:s9] =	ssyncpa.u1 $0x0;
	s7 =	smov.u32 @p2 s3;
	s8 =	smov.u32 @p2 s4  }
.LBB2_32:
0x14c: {  	p1 =	sgt.u32 s12, $0x270F0  }
0x14d: {  	p2 =	seq.s32 @!p1 s12, s8  }
0x14e: {  	p1 =	por p1, p2  }
0x14f: {  	p2 =	sne.s32 @!p1 s12, s7  }
0x150: {  	p1 =	por p1, !p2  }
0x151: {  	s0 =	sshll.u32 @p1 s11, $0x9  }
0x152: {  	s0 =	sand.u32 @!p1 $0x3FFF8, s12  }
0x153: {  	s2 =	sand.u32 @!p1 $0x7, s12;
	s0 =	sadd.s32 @!p1 s1, s0  }
0x154: {  	[tilespmem:s10], [sflag:$0x6] =	stream.linear.gather @!p1 [hbm4b:s0+s2], $0x80, $0x38;
	[tilespmem:$0x1F6F8] =	vst v63  }
0x155: {  	_ =	swait.ge @!p1 [sflag:s9], $0x80  }
0x156: {  	[sflag:s9] =	ssyncset.done @!p1 $0x0  }
0x157: {  	[sflag:s9] =	ssyncadd.s32 @!p1 $0xFFFFFF80  }
0x158: {  	v1 =	vld @!p1 [tilespmem:$0xF188];
	_ =	sdelay $0x2  }
0x159: {  	s0 =	sshll.u32 @!p1 s11, $0x9  }
0x15a: {  	s2 =	sshrl.u32 @!p1 s0, $0x2  }
0x15b: {  	[tilespmem:s2+$0xF238] =	vst.add.f32.msk @!p1 $0xffff, v1  }
0x15c: {  	v1 =	vld @!p1 [tilespmem:$0xF198];
	_ =	sdelay $0x4  }
0x15d: {  	[tilespmem:s2+$0xF248] =	vst.add.f32.msk @!p1 $0xffff, v1  }
0x15e: {  	v1 =	vld @!p1 [tilespmem:$0xF1A8];
	_ =	sdelay $0x4  }
0x15f: {  	[tilespmem:s2+$0xF258] =	vst.add.f32.msk @!p1 $0xffff, v1  }
0x160: {  	v1 =	vld @!p1 [tilespmem:$0xF1B8];
	_ =	sdelay $0x4  }
0x161: {  	[tilespmem:s2+$0xF268] =	vst.add.f32.msk @!p1 $0xffff, v1  }
0x162: {  	v1 =	vld @!p1 [tilespmem:$0xF1C8];
	_ =	sdelay $0x4  }
0x163: {  	[tilespmem:s2+$0xF278] =	vst.add.f32.msk @!p1 $0xffff, v1  }
0x164: {  	v1 =	vld @!p1 [tilespmem:$0xF1D8];
	_ =	sdelay $0x4  }
0x165: {  	[tilespmem:s2+$0xF288] =	vst.add.f32.msk @!p1 $0xffff, v1  }
0x166: {  	v1 =	vld @!p1 [tilespmem:$0xF1E8];
	_ =	sdelay $0x4  }
0x167: {  	[tilespmem:s2+$0xF298] =	vst.add.f32.msk @!p1 $0xffff, v1  }
0x168: {  	v1 =	vld @!p1 [tilespmem:$0xF1F8];
	_ =	sdelay $0x4  }
0x169: {  	[tilespmem:s2+$0xF2A8] =	vst.add.f32.msk @!p1 $0xffff, v1  }
0x16a: {  	s0 =	sshrl.u32 s0, $0x2;
	[tilespmem:s6+$0xF218] =	vst.msk $0x1, v0  }
0x16b: {  	v0 =	vld [tilespmem:s0+$0xF238];
	_ =	sdelay $0x2  }
0x16c: {  	s31 =	sshll.u32 s6, $0x9  }
0x16d: {  	s2 =	sshra.s32 s31, $0x2  }
0x16e: {  	[tilespmem:s2+$0xF238] =	vst v0  }
0x16f: {  	v0 =	vld [tilespmem:s0+$0xF248];
	_ =	sdelay $0x4  }
0x170: {  	[tilespmem:s2+$0xF248] =	vst v0  }
0x171: {  	v0 =	vld [tilespmem:s0+$0xF258];
	_ =	sdelay $0x4  }
0x172: {  	[tilespmem:s2+$0xF258] =	vst v0  }
0x173: {  	v0 =	vld [tilespmem:s0+$0xF268];
	_ =	sdelay $0x4  }
0x174: {  	[tilespmem:s2+$0xF268] =	vst v0  }
0x175: {  	v0 =	vld [tilespmem:s0+$0xF278];
	_ =	sdelay $0x4  }
0x176: {  	[tilespmem:s2+$0xF278] =	vst v0  }
0x177: {  	v0 =	vld [tilespmem:s0+$0xF288];
	_ =	sdelay $0x4  }
0x178: {  	[tilespmem:s2+$0xF288] =	vst v0  }
0x179: {  	v0 =	vld [tilespmem:s0+$0xF298];
	_ =	sdelay $0x4  }
0x17a: {  	[tilespmem:s2+$0xF298] =	vst v0  }
0x17b: {  	v0 =	vld [tilespmem:s0+$0xF2A8];
	_ =	sdelay $0x4  }
0x17c: {  	s6 =	sadd.s32 $0x1, s6;
	[tilespmem:s2+$0xF2A8] =	vst v0  }
.LBB2_33:
0x17d: {  	s11 =	sadd.s32 $0x1, s11  }
0x17e: {  	p1 =	sne.s32 s11, $0x20  }
.Ltmp20:
0x17f: {  	_ = 	snop;
	(pc) =	sbr.rel @!p1 .LBB2_34-.Ltmp20, $1  }
0x180: {  	_ =	sdelay $0x3  }
.LBB2_26:
0x181: {  	v0 =	vld.msk [tilespmem:s11+$0xF218], $0x1;
	_ =	sdelay $0x4  }
0x182: {  	(v2sf) =	vpush v0, $0x0;
	_ =	sdelay $0xe  }
0x183: {  	s12 =	spop (v2sf)  }
0x184: {  	p1 =	seq.s32 s12, $0xFFFFFFFF  }
.Ltmp21:
0x185: {  	_ = 	snop;
	(pc) =	sbr.rel @p1 .LBB2_33-.Ltmp21, $1  }
0x186: {  	_ =	sdelay $0x3  }
0x187: {  	p1 =	slt.s32 s6, $0x1  }
.Ltmp22:
0x188: {  	_ = 	snop;
	(pc) =	sbr.rel @p1 .LBB2_32-.Ltmp22, $1  }
0x189: {  	_ =	sdelay $0x3  }
0x18a: {  	s13 =	simm.s32 $0xF218;
	p1 =	por $0x0, $0x0  }
0x18b: {  	v1 =	vld.msk @!p1 [tilespmem:s13+$0x0], $0x1;
	_ =	sdelay $0x4  }
0x18c: {  	(v2sf) =	vpush @!p1 v1, $0x0;
	_ =	sdelay $0xd  }
0x18d: {  	p3 =	sne.s32 s6, $0x1  }
.Ltmp23:
0x18e: {  	s0 =	spop @!p1 (v2sf);
	(pc) =	sbr.rel @!p3 .LBB2_30-.Ltmp23, $4  }
0x18f: {  	p2 =	seq.s32 @!p1 s12, s0  }
0x190: {  	s14 =	simm.s32 $0x0;
	p2 =	por !p2, p1  }
0x191: {  	s2 =	simm.s32 $0xFFFFFFFF;
	s14 =	simm.s32 @p2 $0xFFFFFFFF  }
0x192: {  	s0 =	simm.s32 $0x1;
	s14 =	smov.u32 @p1 s2  }
.LBB2_29:
0x193: {  	s2 =	smov.u32 s14;
	p1 =	sne.s32 s14, $0xFFFFFFFF  }
0x194: {  	s13 =	sadd.s32 $0x1, s13;
	s14 =	smov.u32 s0;
	s0 =	sadd.s32 $0x1, s0  }
0x195: {  	p2 =	sne.s32 s6, s0;
	v1 =	vld.msk @!p1 [tilespmem:s13+$0x0], $0x1;
	_ =	sdelay $0x4  }
0x196: {  	(v2sf) =	vpush @!p1 v1, $0x0;
	_ =	sdelay $0xe  }
.Ltmp24:
0x197: {  	s3 =	spop @!p1 (v2sf);
	(pc) =	sbr.rel @p2 .LBB2_29-.Ltmp24, $4  }
0x198: {  	p3 =	seq.s32 @!p1 s12, s3  }
0x199: {  	p3 =	por !p3, p1  }
0x19a: {  	s14 =	simm.s32 @p3 $0xFFFFFFFF  }
0x19b: {  	s14 =	smov.u32 @p1 s2  }
.LBB2_30:
0x19c: {  	p1 =	seq.s32 s14, $0xFFFFFFFF  }
.Ltmp25:
0x19d: {  	_ = 	snop;
	(pc) =	sbr.rel @p1 .LBB2_32-.Ltmp25, $1  }
0x19e: {  	_ =	sdelay $0x3  }
0x19f: {  	s0 =	sshll.u32 s11, $0x7  }
0x1a0: {  	s0 =	sand.u32 $0x3FFFFF80, s0  }
0x1a1: {  	v0 =	vld [tilespmem:s0+$0xF238];
	_ =	sdelay $0x2  }
0x1a2: {  	s2 =	sshll.u32 s14, $0x9  }
0x1a3: {  	s2 =	sshra.s32 s2, $0x2  }
0x1a4: {  	[tilespmem:s2+$0xF238] =	vst.add.f32.msk $0xffff, v0  }
0x1a5: {  	v0 =	vld [tilespmem:s0+$0xF248];
	_ =	sdelay $0x4  }
0x1a6: {  	[tilespmem:s2+$0xF248] =	vst.add.f32.msk $0xffff, v0  }
0x1a7: {  	v0 =	vld [tilespmem:s0+$0xF258];
	_ =	sdelay $0x4  }
0x1a8: {  	[tilespmem:s2+$0xF258] =	vst.add.f32.msk $0xffff, v0  }
0x1a9: {  	v0 =	vld [tilespmem:s0+$0xF268];
	_ =	sdelay $0x4  }
0x1aa: {  	[tilespmem:s2+$0xF268] =	vst.add.f32.msk $0xffff, v0  }
0x1ab: {  	v0 =	vld [tilespmem:s0+$0xF278];
	_ =	sdelay $0x4  }
0x1ac: {  	[tilespmem:s2+$0xF278] =	vst.add.f32.msk $0xffff, v0  }
0x1ad: {  	v0 =	vld [tilespmem:s0+$0xF288];
	_ =	sdelay $0x4  }
0x1ae: {  	[tilespmem:s2+$0xF288] =	vst.add.f32.msk $0xffff, v0  }
0x1af: {  	v0 =	vld [tilespmem:s0+$0xF298];
	_ =	sdelay $0x4  }
0x1b0: {  	[tilespmem:s2+$0xF298] =	vst.add.f32.msk $0xffff, v0  }
0x1b1: {  	v0 =	vld [tilespmem:s0+$0xF2A8]  }
.Ltmp26:
0x1b2: {  	_ = 	snop;
	(pc) =	sbr.rel .LBB2_33-.Ltmp26, $2  }
0x1b3: {  	_ =	sdelay $0x2  }
0x1b4: {  	[tilespmem:s2+$0xF2A8] =	vst.add.f32.msk $0xffff, v0  }
.LBB2_34:
0x1b5: {  	s0 =	simm.s32 $0x6;
	p1 =	seq.s32 s6, $0x0  }
0x1b6: {  	[sflag:s0] =	ssyncpa.u1 $0x1;
	v0 =	vimm.s32 @p1 $0xFFFFFFFF  }
0x1b7: {  	s9 =	sadd.s32 $0xFFFFFFFF, s6;
	[tilespmem:$0x10238] =	vst @p1 v0  }
0x1b8: {  	v0 =	vld.msk @!p1 [tilespmem:s9+$0xF218], $0x1;
	_ =	sdelay $0x1  }
0x1b9: {  	v1 =	vld.msk @!p1 [tilespmem:$0xF218], $0x1;
	_ =	sdelay $0x2  }
0x1ba: {  	p2 =	seq.s32 @!p1 s9, $0x0;
	v0 =	vbroadcast @!p1 v0, $0x0  }
0x1bb: {  	vm0 =	vmmov @!p1 $0x1;
	p2 =	por !p2, p1  }
0x1bc: {  	v1 =	vnsel @!p1 vm0, $0xFFFFFFFF, v1;
	vm0 =	vcmask @!p1 $0x308;
	v0 =	vpsel !p2, $0xFFFFFFFF, v0  }
0x1bd: {  	p2 =	sne.s32 @!p1 s8, s7;
	v0 =	vsel @!p1 vm0, v1, v0  }
0x1be: {  	s0 =	simm.s32 @!p1 $0xF238;
	s2 =	simm.s32 @!p1 $0x0;
	p3 =	por !p2, p1;
	[tilespmem:$0x10238] =	vst @!p1 v0  }
0x1bf: {  	[spmem:s2] =	stream.linear.scatter @!p1 [tilespmem:s0], [sflag:$0x1], $0x80, $0x38;
	[tilespmem:$0x1F6F8] =	vst v63  }
0x1c0: {  	s0 =	sshll.u32 @!p3 s9, $0x9  }
0x1c1: {  	s0 =	sshra.s32 @!p3 s0, $0x2  }
0x1c2: {  	s2 =	simm.s32 @!p3 $0x80;
	s0 =	sadd.s32 @!p3 $0xF238, s0  }
0x1c3: {  	[spmem:s2] =	stream.linear.scatter @!p3 [tilespmem:s0], [sflag:$0x1], $0x80, $0x38;
	[tilespmem:$0x1F6F8] =	vst v63  }
0x1c4: {  	s0 =	simm.s32 @!p3 $0x1  }
0x1c5: {  	_ =	swait.ge @!p3 [sflag:s0], $0x100  }
0x1c6: {  	p1 =	por p2, p1;
	[sflag:s0] =	ssyncset.done @!p3 $0x0  }
0x1c7: {  	[sflag:s0] =	ssyncadd.s32 @!p3 $0xFFFFFF00;
	s0 =	simm.s32 @!p1 $0x1  }
0x1c8: {  	_ =	swait.ge @!p1 [sflag:s0], $0x80  }
0x1c9: {  	s29 =	simm.s32 $0x10238;
	[sflag:s0] =	ssyncset.done @!p1 $0x0  }
0x1ca: {  	s30 =	simm.s32 $0x1000;
	s31 =	simm.s32 $0x1;
	[sflag:s0] =	ssyncadd.s32 @!p1 $0xFFFFFF80  }
0x1cb: {  	[spmem:s30] =	stream.linear.scatter [tilespmem:s29], [sflag:$0x1], $0x10, $0x38;
	[tilespmem:$0x1F6F8] =	vst v63  }
0x1cc: {  	_ =	swait.ge [sflag:s31], $0x10  }
0x1cd: {  	[sflag:s31] =	ssyncset.done $0x0  }
0x1ce: {  	p1 =	seq.s32 s15, $0x0;
	s8 =	rddreg [dreg:$0x1];
	[sflag:s31] =	ssyncadd.s32 $0xFFFFFFF0  }
0x1cf: {  	s2 =	sshll.u32 @p1 s8, $0xE;
	s7 =	rddreg [dreg:$0x2]  }
0x1d0: {  	s0 =	sadd.s32 @p1 $0x15C3C, s2;
	s2 =	sshll.u32 @p1 s7, $0x11  }
0x1d1: {  	_ =	sfence.stream.spmem;
	s0 =	sor.u32 @p1 s2, s0  }
0x1d2: {  	[sflag:s0] =	ssyncadd.remote.s32 @p1 $0x1;
	s0 =	simm.s32 @p1 $0x4  }
0x1d3: {  	s3 =	simm.s32 @!p1 $0x3C;
	s2 =	sand.u32 $0xFFFFFFFE, s8;
	_ =	swait.ge @p1 [sflag:s0], $0x22  }
0x1d4: {  	s4 =	simm.s32 @!p1 $0x0;
	s2 =	sadd.s32 @!p1 $0x4, s2;
	[sflag:s0] =	ssyncset.done @p1 $0x0  }
0x1d5: {  	s5 =	simm.s32 @!p1 $0x100;
	[sflag:s0] =	ssyncadd.s32 @p1 $0xFFFFFFDE;
	s0 =	sshll.u32 @!p1 s2, $0x1A  }
0x1d6: {  	s2 =	sshll.u32 @!p1 s2, $0xD;
	s0 =	sor.u32 @!p1 s0, s7;
	_ =	swait.eq @!p1 [sflag:s3], $0x1  }
0x1d7: {  	s2 =	sor.u32 @!p1 $0x1C04, s2;
	s3 =	simm.s32 @!p1 $0x1C03;
	s0 =	sor.u32 @!p1 $0x80004000, s0  }
0x1d8: {  	[spmem:s5], [sflag:s2] =	dma.general @!p1 [spmem:s4], [sflag:s3], length:$0x20, [dreg:$0x0], stride_count:$0x0, ici_dest:s0, dma_misc:DstOpCode:WRITE  }
0x1d9: {  	p2 =	slt.s32 s9, $0x2;
	s4 =	simm.s32 @!p1 $0x200;
	s5 =	simm.s32 @!p1 $0x202  }
0x1da: {  	[spmem:s5], [sflag:s2] =	dma.general @!p1 [spmem:s4], [sflag:s3], length:$0x2, [dreg:$0x0], stride_count:$0x0, ici_dest:s0, dma_misc:DstOpCode:WRITE  }
.Ltmp27:
0x1db: {  	s0 =	simm.s32 @!p1 $0x3;
	(pc) =	sbr.rel @p2 .LBB2_38-.Ltmp27, $4  }
0x1dc: {  	s2 =	sshll.u32 @!p1 s8, $0xE;
	_ =	swait.ge @!p1 [sflag:s0], $0x22  }
0x1dd: {  	s3 =	sshll.u32 @!p1 s7, $0x11;
	s2 =	sadd.s32 @!p1 $0x11C3C, s2;
	[sflag:s0] =	ssyncset.done @!p1 $0x0  }
0x1de: {  	[sflag:s0] =	ssyncadd.s32 @!p1 $0xFFFFFFDE;
	s0 =	sor.u32 @!p1 s3, s2  }
0x1df: {  	[sflag:s0] =	ssyncadd.remote.s32 @!p1 $0xFFFFFFFF;
	s0 =	simm.s32 $0x0  }
0x1e0: {  	s0 =	simm.s32 $0xF219  }
0x1e1: {  	v0 =	vld.msk [tilespmem:s0+$0x0], $0x1;
	_ =	sdelay $0x4  }
0x1e2: {  	(v2sf) =	vpush v0, $0x0;
	_ =	sdelay $0xb  }
0x1e3: {  	s31 =	sadd.s32 $0xFFFFFFFE, s6  }
0x1e4: {  	s0 =	sadd.s32 $0xFFFFFFFF, s31  }
0x1e5: {  	p2 =	sne.s32 s0, $0x0  }
.Ltmp28:
0x1e6: {  	s2 =	spop (v2sf);
	(pc) =	sbr.rel @!p2 .LBB2_37-.Ltmp28, $4  }
0x1e7: {  	s4 =	simm.s32 $0xF2B8;
	s7 =	simm.s32 $0x0;
	p1 =	sgt.u32 s2, $0x270F0  }
0x1e8: {  	s5 =	simm.s32 $0x0;
	s6 =	simm.s32 $0xF21A;
	s3 =	sand.u32 @!p1 $0x3FFF8, s2  }
0x1e9: {  	s2 =	sand.u32 @!p1 $0x7, s2;
	s7 =	simm.s32 @!p1 $0x200;
	s3 =	sadd.s32 @!p1 s1, s3  }
0x1ea: {  	[hbm4b:s3+s2] =	stream.linear.scatter @!p1 [tilespmem:s4], [sflag:$0x5], $0x80, $0x38;
	[tilespmem:$0x1F6F8] =	vst v63  }
.LBB2_36:
0x1eb: {  	v0 =	vld.msk [tilespmem:s6+$0x0], $0x1;
	s0 =	sadd.s32 $0xFFFFFFFF, s0;
	s5 =	sadd.s32 s5, s7  }
0x1ec: {  	p1 =	sne.s32 s0, $0x0;
	_ =	sdelay $0x3  }
0x1ed: {  	(v2sf) =	vpush v0, $0x0;
	_ =	sdelay $0xe  }
.Ltmp29:
0x1ee: {  	s2 =	spop (v2sf);
	(pc) =	sbr.rel @p1 .LBB2_36-.Ltmp29, $4  }
0x1ef: {  	s7 =	simm.s32 $0x0;
	p2 =	sgt.u32 s2, $0x270F0  }
0x1f0: {  	s4 =	sadd.s32 $0x80, s4;
	s7 =	simm.s32 @!p2 $0x200;
	s3 =	sand.u32 @!p2 $0x3FFF8, s2  }
0x1f1: {  	s6 =	sadd.s32 $0x1, s6;
	s2 =	sand.u32 @!p2 $0x7, s2;
	s3 =	sadd.s32 @!p2 s1, s3  }
0x1f2: {  	[hbm4b:s3+s2] =	stream.linear.scatter @!p2 [tilespmem:s4], [sflag:$0x5], $0x80, $0x38;
	[tilespmem:$0x1F6F8] =	vst v63  }
.LBB2_37:
0x1f3: {  	s0 =	sadd.s32 s5, s7  }
0x1f4: {  	s0 =	sshrl.u32 s0, $0x2  }
.LBB2_38:
0x1f5: {  	s2 =	simm.s32 $0x5  }
0x1f6: {  	_ =	swait.ge [sflag:s2], s0  }
0x1f7: {  	s31 =	ssub.s32 $0x0, s0;
	[sflag:s2] =	ssyncset.done $0x0  }
0x1f8: {  	[sflag:s2] =	ssyncadd.s32 s31  }
0x1f9: {  	[sflag:s2] =	ssyncpa.u1 $0x1  }
.LBB2_39:
0x1fa: {  	s0 =	sor.u32 s15, s16  }
0x1fb: {  	p1 =	sne.s32 s0, $0x0  }
.Ltmp30:
0x1fc: {  	_ = 	snop;
	(pc) =	sbr.rel @p1 .LBB2_54-.Ltmp30, $3  }
0x1fd: {  	_ =	sdelay $0x1  }
0x1fe: {  	[bflag:$0x0] =	sbarrier.arrive $0xFFFF  }
0x1ff: {  	_ =	sfence  }
0x200: {  	s0 =	simm.s32 $0x7  }
0x201: {  	s2 =	simm.s32 $0x1000;
	s3 =	simm.s32 $0xF218;
	[sflag:s0] =	ssyncpa.u1 $0x0  }
0x202: {  	[tilespmem:s3], [sflag:$0x7] =	stream.linear.gather [spmem:s2], $0x20, $0x38;
	[tilespmem:$0x1F6F8] =	vst v63  }
0x203: {  	s30 =	simm.s32 $0xF238;
	s2 =	simm.s32 $0x0  }
0x204: {  	[tilespmem:s30], [sflag:$0x7] =	stream.linear.gather [spmem:s2], $0x1000, $0x38;
	[tilespmem:$0x1F6F8] =	vst v63  }
.Ltmp31:
0x205: {  	_ = 	snop;
	(pc) =	sbr.rel .LBB2_41-.Ltmp31, $4  }
0x206: {  	_ =	swait.ge [sflag:s0], $0x1020  }
0x207: {  	[sflag:s0] =	ssyncset.done $0x0  }
0x208: {  	s31 =	simm.s32 $0x8;
	[sflag:s0] =	ssyncadd.s32 $0xFFFFEFE0  }
0x209: {  	s3 =	simm.s32 $0x0;
	[sflag:s31] =	ssyncpa.u1 $0x0  }
.LBB2_47:
0x20a: {  	p1 =	slt.u32 s4, $0x270F1  }
0x20b: {  	s0 =	sand.u32 @p1 $0x3FFF8, s4  }
0x20c: {  	s4 =	sand.u32 @p1 $0x7, s4;
	s5 =	simm.s32 @p1 $0xF188;
	s0 =	sadd.s32 @p1 s1, s0  }
0x20d: {  	[tilespmem:s5], [sflag:$0x8] =	stream.linear.gather @p1 [hbm4b:s0+s4], $0x80, $0x38;
	[tilespmem:$0x1F6F8] =	vst v63  }
0x20e: {  	s0 =	simm.s32 @p1 $0x8  }
0x20f: {  	_ =	swait.ge @p1 [sflag:s0], $0x80  }
0x210: {  	[sflag:s0] =	ssyncset.done @p1 $0x0  }
0x211: {  	[sflag:s0] =	ssyncadd.s32 @p1 $0xFFFFFF80  }
0x212: {  	v1 =	vld @p1 [tilespmem:$0xF188];
	_ =	sdelay $0x2  }
0x213: {  	s0 =	sshll.u32 @p1 s3, $0x9  }
0x214: {  	s4 =	sshrl.u32 @p1 s0, $0x2  }
0x215: {  	[tilespmem:s4+$0xF238] =	vst.add.f32.msk @p1 $0xffff, v1  }
0x216: {  	v1 =	vld @p1 [tilespmem:$0xF198];
	_ =	sdelay $0x4  }
0x217: {  	[tilespmem:s4+$0xF248] =	vst.add.f32.msk @p1 $0xffff, v1  }
0x218: {  	v1 =	vld @p1 [tilespmem:$0xF1A8];
	_ =	sdelay $0x4  }
0x219: {  	[tilespmem:s4+$0xF258] =	vst.add.f32.msk @p1 $0xffff, v1  }
0x21a: {  	v1 =	vld @p1 [tilespmem:$0xF1B8];
	_ =	sdelay $0x4  }
0x21b: {  	[tilespmem:s4+$0xF268] =	vst.add.f32.msk @p1 $0xffff, v1  }
0x21c: {  	v1 =	vld @p1 [tilespmem:$0xF1C8];
	_ =	sdelay $0x4  }
0x21d: {  	[tilespmem:s4+$0xF278] =	vst.add.f32.msk @p1 $0xffff, v1  }
0x21e: {  	v1 =	vld @p1 [tilespmem:$0xF1D8];
	_ =	sdelay $0x4  }
0x21f: {  	[tilespmem:s4+$0xF288] =	vst.add.f32.msk @p1 $0xffff, v1  }
0x220: {  	v1 =	vld @p1 [tilespmem:$0xF1E8];
	_ =	sdelay $0x4  }
0x221: {  	[tilespmem:s4+$0xF298] =	vst.add.f32.msk @p1 $0xffff, v1  }
0x222: {  	v1 =	vld @p1 [tilespmem:$0xF1F8];
	_ =	sdelay $0x3  }
0x223: {  	s5 =	sshll.u32 @!p1 s3, $0x9  }
0x224: {  	s5 =	smov.u32 @p1 s0;
	[tilespmem:s4+$0xF2A8] =	vst.add.f32.msk @p1 $0xffff, v1  }
0x225: {  	s0 =	sshrl.u32 s5, $0x2;
	[tilespmem:s2+$0xF218] =	vst.msk $0x1, v0  }
0x226: {  	v0 =	vld [tilespmem:s0+$0xF238];
	_ =	sdelay $0x2  }
0x227: {  	s31 =	sshll.u32 s2, $0x9  }
0x228: {  	s4 =	sshra.s32 s31, $0x2  }
0x229: {  	[tilespmem:s4+$0xF238] =	vst v0  }
0x22a: {  	v0 =	vld [tilespmem:s0+$0xF248];
	_ =	sdelay $0x4  }
0x22b: {  	[tilespmem:s4+$0xF248] =	vst v0  }
0x22c: {  	v0 =	vld [tilespmem:s0+$0xF258];
	_ =	sdelay $0x4  }
0x22d: {  	[tilespmem:s4+$0xF258] =	vst v0  }
0x22e: {  	v0 =	vld [tilespmem:s0+$0xF268];
	_ =	sdelay $0x4  }
0x22f: {  	[tilespmem:s4+$0xF268] =	vst v0  }
0x230: {  	v0 =	vld [tilespmem:s0+$0xF278];
	_ =	sdelay $0x4  }
0x231: {  	[tilespmem:s4+$0xF278] =	vst v0  }
0x232: {  	v0 =	vld [tilespmem:s0+$0xF288];
	_ =	sdelay $0x4  }
0x233: {  	[tilespmem:s4+$0xF288] =	vst v0  }
0x234: {  	v0 =	vld [tilespmem:s0+$0xF298];
	_ =	sdelay $0x4  }
0x235: {  	[tilespmem:s4+$0xF298] =	vst v0  }
0x236: {  	v0 =	vld [tilespmem:s0+$0xF2A8];
	_ =	sdelay $0x4  }
0x237: {  	s2 =	sadd.s32 $0x1, s2;
	[tilespmem:s4+$0xF2A8] =	vst v0  }
.LBB2_48:
0x238: {  	s3 =	sadd.s32 $0x1, s3  }
0x239: {  	p1 =	sne.s32 s3, $0x20  }
.Ltmp32:
0x23a: {  	_ = 	snop;
	(pc) =	sbr.rel @!p1 .LBB2_49-.Ltmp32, $1  }
0x23b: {  	_ =	sdelay $0x3  }
.LBB2_41:
0x23c: {  	v0 =	vld.msk [tilespmem:s3+$0xF218], $0x1;
	_ =	sdelay $0x4  }
0x23d: {  	(v2sf) =	vpush v0, $0x0;
	_ =	sdelay $0xe  }
0x23e: {  	s4 =	spop (v2sf)  }
0x23f: {  	p1 =	seq.s32 s4, $0xFFFFFFFF  }
.Ltmp33:
0x240: {  	_ = 	snop;
	(pc) =	sbr.rel @p1 .LBB2_48-.Ltmp33, $1  }
0x241: {  	_ =	sdelay $0x3  }
0x242: {  	p1 =	slt.s32 s2, $0x1  }
.Ltmp34:
0x243: {  	_ = 	snop;
	(pc) =	sbr.rel @p1 .LBB2_47-.Ltmp34, $1  }
0x244: {  	_ =	sdelay $0x3  }
0x245: {  	s5 =	simm.s32 $0xF218;
	p1 =	por $0x0, $0x0  }
0x246: {  	v1 =	vld.msk @!p1 [tilespmem:s5+$0x0], $0x1;
	_ =	sdelay $0x4  }
0x247: {  	(v2sf) =	vpush @!p1 v1, $0x0;
	_ =	sdelay $0xd  }
0x248: {  	p3 =	sne.s32 s2, $0x1  }
.Ltmp35:
0x249: {  	s0 =	spop @!p1 (v2sf);
	(pc) =	sbr.rel @!p3 .LBB2_45-.Ltmp35, $4  }
0x24a: {  	p2 =	seq.s32 @!p1 s4, s0  }
0x24b: {  	s6 =	simm.s32 $0x0;
	p2 =	por !p2, p1  }
0x24c: {  	s7 =	simm.s32 $0xFFFFFFFF;
	s6 =	simm.s32 @p2 $0xFFFFFFFF  }
0x24d: {  	s0 =	simm.s32 $0x1;
	s6 =	smov.u32 @p1 s7  }
.LBB2_44:
0x24e: {  	s7 =	smov.u32 s6;
	p1 =	sne.s32 s6, $0xFFFFFFFF  }
0x24f: {  	s5 =	sadd.s32 $0x1, s5;
	s6 =	smov.u32 s0;
	s0 =	sadd.s32 $0x1, s0  }
0x250: {  	p2 =	sne.s32 s2, s0;
	v1 =	vld.msk @!p1 [tilespmem:s5+$0x0], $0x1;
	_ =	sdelay $0x4  }
0x251: {  	(v2sf) =	vpush @!p1 v1, $0x0;
	_ =	sdelay $0xe  }
.Ltmp36:
0x252: {  	s8 =	spop @!p1 (v2sf);
	(pc) =	sbr.rel @p2 .LBB2_44-.Ltmp36, $4  }
0x253: {  	p3 =	seq.s32 @!p1 s4, s8  }
0x254: {  	p3 =	por !p3, p1  }
0x255: {  	s6 =	simm.s32 @p3 $0xFFFFFFFF  }
0x256: {  	s6 =	smov.u32 @p1 s7  }
.LBB2_45:
0x257: {  	p1 =	seq.s32 s6, $0xFFFFFFFF  }
.Ltmp37:
0x258: {  	_ = 	snop;
	(pc) =	sbr.rel @p1 .LBB2_47-.Ltmp37, $1  }
0x259: {  	_ =	sdelay $0x3  }
0x25a: {  	s0 =	sshll.u32 s3, $0x7  }
0x25b: {  	s0 =	sand.u32 $0x3FFFFF80, s0  }
0x25c: {  	v0 =	vld [tilespmem:s0+$0xF238];
	_ =	sdelay $0x2  }
0x25d: {  	s4 =	sshll.u32 s6, $0x9  }
0x25e: {  	s4 =	sshra.s32 s4, $0x2  }
0x25f: {  	[tilespmem:s4+$0xF238] =	vst.add.f32.msk $0xffff, v0  }
0x260: {  	v0 =	vld [tilespmem:s0+$0xF248];
	_ =	sdelay $0x4  }
0x261: {  	[tilespmem:s4+$0xF248] =	vst.add.f32.msk $0xffff, v0  }
0x262: {  	v0 =	vld [tilespmem:s0+$0xF258];
	_ =	sdelay $0x4  }
0x263: {  	[tilespmem:s4+$0xF258] =	vst.add.f32.msk $0xffff, v0  }
0x264: {  	v0 =	vld [tilespmem:s0+$0xF268];
	_ =	sdelay $0x4  }
0x265: {  	[tilespmem:s4+$0xF268] =	vst.add.f32.msk $0xffff, v0  }
0x266: {  	v0 =	vld [tilespmem:s0+$0xF278];
	_ =	sdelay $0x4  }
0x267: {  	[tilespmem:s4+$0xF278] =	vst.add.f32.msk $0xffff, v0  }
0x268: {  	v0 =	vld [tilespmem:s0+$0xF288];
	_ =	sdelay $0x4  }
0x269: {  	[tilespmem:s4+$0xF288] =	vst.add.f32.msk $0xffff, v0  }
0x26a: {  	v0 =	vld [tilespmem:s0+$0xF298];
	_ =	sdelay $0x4  }
0x26b: {  	[tilespmem:s4+$0xF298] =	vst.add.f32.msk $0xffff, v0  }
0x26c: {  	v0 =	vld [tilespmem:s0+$0xF2A8]  }
.Ltmp38:
0x26d: {  	_ = 	snop;
	(pc) =	sbr.rel .LBB2_48-.Ltmp38, $2  }
0x26e: {  	_ =	sdelay $0x2  }
0x26f: {  	[tilespmem:s4+$0xF2A8] =	vst.add.f32.msk $0xffff, v0  }
.LBB2_49:
0x270: {  	p1 =	slt.s32 s2, $0x1  }
.Ltmp39:
0x271: {  	_ = 	snop;
	(pc) =	sbr.rel @p1 .LBB2_53-.Ltmp39, $3  }
0x272: {  	_ =	sdelay $0x1  }
0x273: {  	s0 =	simm.s32 $0x8  }
0x274: {  	s3 =	simm.s32 $0x0;
	[sflag:s0] =	ssyncpa.u1 $0x1  }
0x275: {  	s0 =	simm.s32 $0xF218  }
0x276: {  	v0 =	vld.msk [tilespmem:s0+$0x0], $0x1;
	_ =	sdelay $0x4  }
0x277: {  	(v2sf) =	vpush v0, $0x0;
	_ =	sdelay $0xe  }
0x278: {  	s0 =	sadd.s32 $0xFFFFFFFF, s2;
	s5 =	spop (v2sf)  }
0x279: {  	p2 =	sne.s32 s0, $0x0;
	p1 =	sgt.u32 s5, $0x270F0  }
.Ltmp40:
0x27a: {  	s6 =	sand.u32 @!p1 $0x3FFF8, s5;
	(pc) =	sbr.rel @!p2 .LBB2_52-.Ltmp40, $4  }
0x27b: {  	s4 =	simm.s32 $0xF238;
	s5 =	sand.u32 @!p1 $0x7, s5;
	s2 =	sadd.s32 @!p1 s1, s6  }
0x27c: {  	[hbm4b:s2+s5] =	stream.linear.scatter @!p1 [tilespmem:s4], [sflag:$0x7], $0x80, $0x38;
	[tilespmem:$0x1F6F8] =	vst v63  }
0x27d: {  	s5 =	simm.s32 $0x0  }
0x27e: {  	s2 =	simm.s32 $0xF219;
	s5 =	simm.s32 @!p1 $0x200  }
.LBB2_51:
0x27f: {  	v0 =	vld.msk [tilespmem:s2+$0x0], $0x1;
	s0 =	sadd.s32 $0xFFFFFFFF, s0;
	s3 =	sadd.s32 s3, s5  }
0x280: {  	p1 =	sne.s32 s0, $0x0;
	_ =	sdelay $0x3  }
0x281: {  	(v2sf) =	vpush v0, $0x0;
	_ =	sdelay $0xe  }
.Ltmp41:
0x282: {  	s6 =	spop (v2sf);
	(pc) =	sbr.rel @p1 .LBB2_51-.Ltmp41, $4  }
0x283: {  	s5 =	simm.s32 $0x0;
	p2 =	sgt.u32 s6, $0x270F0  }
0x284: {  	s4 =	sadd.s32 $0x80, s4;
	s5 =	simm.s32 @!p2 $0x200;
	s7 =	sand.u32 @!p2 $0x3FFF8, s6  }
0x285: {  	s2 =	sadd.s32 $0x1, s2;
	s6 =	sand.u32 @!p2 $0x7, s6;
	s7 =	sadd.s32 @!p2 s1, s7  }
0x286: {  	[hbm4b:s7+s6] =	stream.linear.scatter @!p2 [tilespmem:s4], [sflag:$0x7], $0x80, $0x38;
	[tilespmem:$0x1F6F8] =	vst v63  }
.LBB2_52:
0x287: {  	s0 =	sadd.s32 s3, s5  }
0x288: {  	s3 =	sshrl.u32 s0, $0x2  }
.LBB2_53:
0x289: {  	s0 =	simm.s32 $0x7  }
0x28a: {  	_ =	swait.ge [sflag:s0], s3  }
0x28b: {  	s1 =	ssub.s32 $0x0, s3;
	[sflag:s0] =	ssyncset.done $0x0  }
0x28c: {  	[sflag:s0] =	ssyncadd.s32 s1  }
0x28d: {  	[sflag:s0] =	ssyncpa.u1 $0x1  }
.LBB2_54:
0x28e: {  	_ =	sfence;
	s0 =	simm.s32 $0x1  }
0x28f: {  	[sflag:s0] =	ssyncpa.u1 $0x1  }
0x290: {  	_ =	strace $0x9000004D  }
0x291: {  	[bflag:$0x2] =	sbarrier.arrive $0xFFFF  }
0x292: {  	s0 =	rddreg [dreg:$0x3]  }
0x293: {  	s0 =	sadd.s32 @!p0 $0x100000, s0  }
0x294: {  	[sflag:s0] =	ssyncadd.tile.s32 @!p0 $0x1;
	_ =	shalt  }
.Lfunc_end2:
_tile_overlayer_lowered:
.L_overlay_start_2:
0x295: {  	(tag) =	ssettag $0x2  }
0x296: {  	s0 =	rddreg [dreg:$0x0];
	s2 =	stileid.u32  }
0x297: {  	s1 =	rddreg [dreg:$0x1];
	p0 =	sne.s32 s2, $0x0  }
0x298: {  	s3 =	rddreg [dreg:$0x2];
	[bflag:$0x3] =	sbarrier.arrive $0xFFFF;
	s2 =	simm.s32 @!p0 $0x1C01  }
0x299: {  	[timem:s3], [sflag:s2] =	dma.local @!p0 [hbm:s0], s1  }
0x29a: {  	s0 =	simm.s32 @!p0 $0x1  }
0x29b: {  	_ =	swait.ge @!p0 [sflag:s0], s1  }
0x29c: {  	s1 =	ssub.s32 @!p0 $0x0, s1;
	[sflag:s0] =	ssyncset.done @!p0 $0x0  }
0x29d: {  	[sflag:s0] =	ssyncadd.s32 @!p0 s1  }
0x29e: {  	[bflag:$0x3] =	sbarrier.arrive $0xFFFF  }
0x29f: {  	_ =	shalt  }

// kernel: scatter_offload_async_start.3
scs
__scs_entry_jumppad:
0x0: {  	(pc) =	sbr.rel $0x88, $3  }
0x1: {  	(tag) =	ssettag $0x0;
	lr =	simm.s32 $0x1  }
0x2: {  	[smem:$0x3F6A] =	sst lr;
	_ =	strace $0xD0000000  }
0x3: {  	_ = 	snop  }
0x4: {  	_ = 	snop  }
0x5: {  	_ = 	snop  }
0x6: {  	_ = 	snop  }
0x7: {  	_ = 	snop  }
__scs_overlays_trampoline_lowered:
0x8: {  	[smem:$0x3F79] =	sst s0  }
0x9: {  	[smem:$0x3F7A] =	sst s1  }
0xa: {  	[smem:$0x3F7B] =	sst s2  }
0xb: {  	[smem:$0x3F7C] =	sst s3  }
0xc: {  	[smem:$0x3F7D] =	sst s4  }
0xd: {  	[smem:$0x3F7E] =	sst s5  }
0xe: {  	[smem:$0x3F7F] =	sst s6  }
0xf: {  	[smem:$0x3F80] =	sst s7  }
0x10: {  	[smem:$0x3F81] =	sst s8  }
0x11: {  	[smem:$0x3F82] =	sst s9;
	s0 =	simm.s32 @!p0 $0x0  }
0x12: {  	s1 =	sld [smem:$0x3F68];
	s0 =	simm.s32 @p0 $0x1  }
0x13: {  	[smem:$0x3F83] =	sst s0;
	s0 =	simm.s32 @!p1 $0x0  }
0x14: {  	s2 =	sld [smem:$0x3F67];
	s0 =	simm.s32 @p1 $0x1  }
0x15: {  	[smem:$0x3F84] =	sst s0;
	s0 =	simm.s32 @!p2 $0x0  }
0x16: {  	s3 =	sld [smem:$0x3FDB];
	s0 =	simm.s32 @p2 $0x1  }
0x17: {  	s4 =	simm.s32 $0x1BF5;
	[smem:$0x3F86] =	sst s0  }
0x18: {  	s0 =	sld [smem:$0x3F69];
	_ =	swait.ge [sflag:s4], $0x0  }
0x19: {  	s7 =	sld [smem:$0x3F6A]  }
0x1a: {  	s8 =	sadd.s32 $0xFFFFE003, lr  }
0x1b: {  	s9 =	sadd.s32 $0xFFFFFEF7, lr;
	s5 =	simm.s32 $0xFFFFFFFF;
	p2 =	slt.u32 s8, $0xFFFFF086  }
0x1c: {  	p1 =	slt.u32 s9, $0xF7A;
	s5 =	simm.s32 @!p2 $0x0  }
0x1d: {  	s5 =	simm.s32 @p1 $0x1;
	p0 =	seq.s32 s7, s2  }
0x1e: {  	s7 =	smul.u32 @!p0 $0xF7A, s2;
	p2 =	seq.s32 @!p0 s5, $0x0  }
0x1f: {  	s9 =	smul.u32 $0xF7A, s1;
	s8 =	simm.s32 @!p0 $0x1BF5;
	p2 =	por !p2, p0  }
0x20: {  	[sflag:s8] =	ssyncset.s32 @!p0 $0xFFFFF086;
	s6 =	sadd.s32 @!p0 s3, s7;
	s7 =	simm.s32 @!p0 $0x108  }
0x21: {  	s3 =	sadd.s32 s3, s9;
	s6 =	sadd.s32 @!p0 $0x88, s6;
	s7 =	simm.s32 @p2 $0x1082  }
0x22: {  	[simem:s7], [sflag:s8] =	dma.local @!p0 [hbm:s6], $0xF7A  }
0x23: {  	s9 =	sor.u32 $0xD0000000, s2;
	s6 =	simm.s32 $0x108;
	_ =	swait.ge @!p0 [sflag:s8], $0x0  }
0x24: {  	s3 =	sadd.s32 $0x88, s3;
	s6 =	simm.s32 @!p1 $0x1082;
	[sflag:s4] =	ssyncset.s32 $0xFFFFF086  }
0x25: {  	[simem:s6], [sflag:s4] =	dma.local [hbm:s3], $0xF7A  }
0x26: {  	[smem:$0x3F6A] =	sst s1;
	(tag) =	ssettag s2;
	_ =	strace s9  }
0x27: {  	s1 =	sld [smem:$0x3F7A]  }
0x28: {  	s2 =	sld [smem:$0x3F7B]  }
0x29: {  	s4 =	sld [smem:$0x3F7D]  }
0x2a: {  	p0 =	seq.s32 s5, $0x0;
	s5 =	sld [smem:$0x3F7E]  }
0x2b: {  	s6 =	sld [smem:$0x3F7F]  }
0x2c: {  	s7 =	sld [smem:$0x3F80]  }
0x2d: {  	s3 =	simm.s32 $0x108;
	s8 =	sld [smem:$0x3F81]  }
0x2e: {  	s3 =	simm.s32 @!p0 $0x1082;
	s9 =	sld [smem:$0x3F82]  }
0x2f: {  	lr =	sadd.s32 s0, s3;
	s0 =	sld [smem:$0x3F79]  }
0x30: {  	s3 =	sld [smem:$0x3F7C]  }
0x31: {  	[smem:$0x3F85] =	sst s10  }
0x32: {  	s10 =	sld [smem:$0x3F83];
	_ =	sdelay $0x3  }
0x33: {  	p0 =	seq.s32 s10, $0x1;
	s10 =	sld [smem:$0x3F85];
	_ =	sdelay $0x3  }
0x34: {  	[smem:$0x3F85] =	sst s10  }
0x35: {  	s10 =	sld [smem:$0x3F84];
	_ =	sdelay $0x3  }
0x36: {  	p1 =	seq.s32 s10, $0x1;
	s10 =	sld [smem:$0x3F85];
	_ =	sdelay $0x3  }
0x37: {  	[smem:$0x3F85] =	sst s10  }
0x38: {  	s10 =	sld [smem:$0x3F86]  }
0x39: {  	_ = 	snop;
	(pc) =	sbr.ind lr, $3  }
0x3a: {  	_ = 	snop  }
0x3b: {  	_ = 	snop  }
0x3c: {  	p2 =	seq.s32 s10, $0x1;
	s10 =	sld [smem:$0x3F85]  }
0x3d: {  	_ =	shalt  }
0x3e: {  	_ =	shalt  }
0x3f: {  	_ =	shalt  }
0x40: {  	_ =	shalt  }
0x41: {  	_ =	shalt  }
0x42: {  	_ =	shalt  }
0x43: {  	_ =	shalt  }
0x44: {  	_ =	shalt  }
0x45: {  	_ =	shalt  }
0x46: {  	_ =	shalt  }
0x47: {  	_ =	shalt  }
0x48: {  	_ =	shalt  }
0x49: {  	_ =	shalt  }
0x4a: {  	_ =	shalt  }
0x4b: {  	_ =	shalt  }
0x4c: {  	_ =	shalt  }
0x4d: {  	_ =	shalt  }
0x4e: {  	_ =	shalt  }
0x4f: {  	_ =	shalt  }
0x50: {  	_ =	shalt  }
0x51: {  	_ =	shalt  }
0x52: {  	_ =	shalt  }
0x53: {  	_ =	shalt  }
0x54: {  	_ =	shalt  }
0x55: {  	_ =	shalt  }
0x56: {  	_ =	shalt  }
0x57: {  	_ =	shalt  }
0x58: {  	_ =	shalt  }
0x59: {  	_ =	shalt  }
0x5a: {  	_ =	shalt  }
0x5b: {  	_ =	shalt  }
0x5c: {  	_ =	shalt  }
0x5d: {  	_ =	shalt  }
0x5e: {  	_ =	shalt  }
0x5f: {  	_ =	shalt  }
0x60: {  	_ =	shalt  }
0x61: {  	_ =	shalt  }
0x62: {  	_ =	shalt  }
0x63: {  	_ =	shalt  }
0x64: {  	_ =	shalt  }
0x65: {  	_ =	shalt  }
0x66: {  	_ =	shalt  }
0x67: {  	_ =	shalt  }
0x68: {  	_ =	shalt  }
0x69: {  	_ =	shalt  }
0x6a: {  	_ =	shalt  }
0x6b: {  	_ =	shalt  }
0x6c: {  	_ =	shalt  }
0x6d: {  	_ =	shalt  }
0x6e: {  	_ =	shalt  }
0x6f: {  	_ =	shalt  }
0x70: {  	_ =	shalt  }
0x71: {  	_ =	shalt  }
0x72: {  	_ =	shalt  }
0x73: {  	_ =	shalt  }
0x74: {  	_ =	shalt  }
0x75: {  	_ =	shalt  }
0x76: {  	_ =	shalt  }
0x77: {  	_ =	shalt  }
0x78: {  	_ =	shalt  }
0x79: {  	_ =	shalt  }
0x7a: {  	_ =	shalt  }
0x7b: {  	_ =	shalt  }
0x7c: {  	_ =	shalt  }
0x7d: {  	_ =	shalt  }
0x7e: {  	_ =	shalt  }
0x7f: {  	_ =	shalt  }
0x80: {  	_ =	shalt  }
0x81: {  	_ =	shalt  }
0x82: {  	_ =	shalt  }
0x83: {  	_ =	shalt  }
0x84: {  	_ =	shalt  }
0x85: {  	_ =	shalt  }
0x86: {  	_ =	shalt  }
0x87: {  	_ =	shalt  }
.Lfunc_end0:
.L_simem_size_0:
called_computation.3_lowered:
.L_overlay_start_0:
0x88: {  	s2 =	sld [smem:$0x3FD9]  }
0x89: {  	s3 =	sld [smem:$0x3FFE];
	_ =	sdelay $0x1  }
0x8a: {  	s1 =	srdreg.scid  }
0x8b: {  	s0 =	sand.u32 $0x1, s1  }
0x8c: {  	s17 =	sshll.u32 s0, $0xA;
	s2 =	sadd.s32 s3, s2  }
0x8d: {  	s2 =	sadd.s32 s2, s17  }
0x8e: {  	[smem:$0x3F91] =	sst s2  }
0x8f: {  	_ = 	snop  }
0x90: {  	(tm) =	ssettm $0x1  }
0x91: {  	s18 =	sld [smem:$0x3FFB];
	_ =	sdelay $0x3  }
0x92: {  	_ =	strace s18  }
0x93: {  	s2 =	sld [smem:$0x3FFC];
	_ =	sdelay $0x3  }
0x94: {  	_ =	strace s2  }
0x95: {  	s2 =	sld [smem:$0x3FFD];
	_ =	sdelay $0x3  }
0x96: {  	_ =	strace s2  }
0x97: {  	_ =	strace $0x8FFFFFFF  }
0x98: {  	s19 =	sld [smem:$0x3FDB];
	_ =	sdelay $0x1  }
0x99: {  	s20 =	simm.s32 $_scs_section_size  }
0x9a: {  	s4 =	simm.s32 $_size__tile_overlayer_lowered;
	s5 =	simm.s32 $_tile_overlayer_lowered  }
0x9b: {  	s6 =	simm.s32 $0x1BFF;
	s21 =	sshll.u32 s5, $0x1;
	s3 =	sadd.s32 s20, s19  }
0x9c: {  	s22 =	simm.s32 $0x0;
	s4 =	sshll.u32 s4, $0x1;
	s5 =	sadd.s32 s21, s3  }
0x9d: {  	[timem:s22], [sflag:s6] =	dma.local [hbm:s5], s4  }
0x9e: {  	_ =	swait.ge [sflag:s6], s4  }
0x9f: {  	s4 =	ssub.s32 $0x0, s4;
	[sflag:s6] =	ssyncset.done $0x0  }
0xa0: {  	[sflag:s6] =	ssyncadd.s32 s4;
	_ =	sdelay $0x1  }
0xa1: {  	s23 =	simm.s32 $0x1B8B  }
0xa2: {  	_ =	swait.ge [sflag:s23], $0x1  }
0xa3: {  	[sflag:s23] =	ssyncset.done $0x0  }
0xa4: {  	[sflag:s23] =	ssyncadd.s32 $0xFFFFFFFF  }
0xa5: {  	s4 =	sld [smem:$0x0]  }
0xa6: {  	s5 =	sand.u32 $0xFFFFFFFE, s1  }
0xa7: {  	p0 =	sne.s32 s1, s5  }
0xa8: {  	s5 =	sshll.u32 @p0 s5, $0xE  }
0xa9: {  	s5 =	sadd.s32 @p0 $0x11B8D, s5;
	s6 =	sshll.u32 @p0 s4, $0x11  }
0xaa: {  	s5 =	sor.u32 @p0 s6, s5  }
0xab: {  	[sflag:s5] =	ssyncadd.remote.s32 @p0 $0x1;
	_ =	sdelay $0x1  }
0xac: {  	s5 =	simm.s32 @p0 $0x1B8D  }
0xad: {  	_ =	swait.eq @p0 [sflag:s5], $0x1  }
0xae: {  	[sflag:s5] =	ssyncadd.s32 @p0 $0xFFFFFFFF  }
0xaf: {  	s6 =	sshll.u32 @!p0 s1, $0xE  }
0xb0: {  	s6 =	sor.u32 @!p0 $0x4000, s6;
	s5 =	simm.s32 @!p0 $0x1B8D  }
0xb1: {  	s7 =	sshll.u32 @!p0 s4, $0x11;
	s6 =	sadd.s32 @!p0 $0x11B8D, s6;
	_ =	swait.eq @!p0 [sflag:s5], $0x1  }
0xb2: {  	[sflag:s5] =	ssyncadd.s32 @!p0 $0xFFFFFFFF;
	s5 =	sor.u32 @!p0 s7, s6  }
0xb3: {  	s25 =	simm.s32 $0x1B8E;
	s24 =	sld [smem:$0x3FFE];
	[sflag:s5] =	ssyncadd.remote.s32 @!p0 $0x1  }
0xb4: {  	s26 =	simm.s32 $execute0_lowered;
	[smem:$0x3FD2] =	sst s25  }
0xb5: {  	s6 =	sshll.u32 s26, $0x1;
	_ =	strace $0x8000005E;
	[dreg:$0x1] =	wrdreg $0xFFFFFFFF  }
0xb6: {  	s28 =	simm.s32 $_size_execute0_lowered;
	s3 =	sadd.s32 s3, s6;
	[dreg:$0x0] =	wrdreg $0x0  }
0xb7: {  	s6 =	sshll.u32 s28, $0x1;
	[dreg:$0x2] =	wrdreg s3  }
0xb8: {  	[dreg:$0x3] =	wrdreg s6  }
0xb9: {  	[dreg:$0x4] =	wrdreg $0xC0  }
0xba: {  	_ =	task [dreg:s22], $0x5FFFF  }
0xbb: {  	[dreg:$0x1] =	wrdreg $0xFFFFFFFF  }
0xbc: {  	[dreg:$0x0] =	wrdreg $0x60  }
0xbd: {  	[dreg:$0x2] =	wrdreg s24  }
0xbe: {  	[dreg:$0x3] =	wrdreg s1  }
0xbf: {  	[dreg:$0x4] =	wrdreg s4  }
0xc0: {  	[dreg:$0x5] =	wrdreg $0x9  }
0xc1: {  	_ =	task.clear_ibuf [dreg:s22], $0x6FFFF;
	_ =	strace $0x9000005E  }
0xc2: {  	s29 =	simm.s32 $0x9;
	_ =	strace $0x80000060  }
0xc3: {  	_ =	swait.ge [sflag:s29], $0x1  }
0xc4: {  	[sflag:s29] =	ssyncadd.s32 $0xFFFFFFFF  }
0xc5: {  	_ =	strace $0x90000060  }
0xc6: {  	_ =	sfence  }
0xc7: {  	s30 =	sld [smem:$0x0];
	_ =	sdelay $0x2  }
0xc8: {  	s31 =	sshll.u32 s1, $0xD;
	s1 =	sshrl.u32 s1, $0x2  }
0xc9: {  	s4 =	sand.u32 $0x4000, s31;
	s1 =	sadd.s32 s1, s30  }
0xca: {  	s0 =	sor.u32 s4, s0;
	s1 =	sshll.u32 s1, $0x11  }
0xcb: {  	s0 =	sor.u32 s1, s0  }
0xcc: {  	s0 =	sadd.s32 $0x8F2B, s0  }
0xcd: {  	[sflag:s0] =	ssyncadd.remote.s32 $0x1  }
0xce: {  	_ =	sfence.sel $0xFFFF  }
0xcf: {  	[dreg:$0x0] =	wrdreg $0xFFFFFFFF;
	(pc) =	sbr.abs _section_cstart, $3  }
0xd0: {  	[dreg:$0x1] =	wrdreg $0xFFFFFFFF  }
0xd1: {  	_ =	task.clear_ibuf [dreg:s22], $0x2FFFF;
	_ =	strace $0x9FFFFFFF  }
0xd2: {  	(tm) =	ssettm $0x7FFFFFFF  }
0xd3: {  	_ =	shalt  }
tec
execute0_lowered:
.L_overlay_start_1:
0x0: {  	(tag) =	ssettag $0x1  }
0x1: {  	s7 =	rddreg [dreg:$0x0]  }
0x2: {  	s2 =	rddreg [dreg:$0x1];
	_ =	strace $0x8000005F;
	s3 =	simm.s32 $0x1  }
0x3: {  	v0 =	vimm.s32 $0x0;
	[sflag:s3] =	ssyncpa.u1 $0x0  }
0x4: {  	[tilespmem:$0x48] =	vst v0  }
0x5: {  	[tilespmem:$0x58] =	vst v0  }
0x6: {  	[tilespmem:$0x68] =	vst v0  }
0x7: {  	[tilespmem:$0x78] =	vst v0  }
0x8: {  	[tilespmem:$0x88] =	vst v0  }
0x9: {  	[tilespmem:$0x98] =	vst v0  }
0xa: {  	[tilespmem:$0xA8] =	vst v0  }
0xb: {  	[tilespmem:$0xB8] =	vst v0  }
0xc: {  	[tilespmem:$0xC8] =	vst v0  }
0xd: {  	[tilespmem:$0xD8] =	vst v0  }
0xe: {  	[tilespmem:$0xE8] =	vst v0  }
0xf: {  	[tilespmem:$0xF8] =	vst v0  }
0x10: {  	[tilespmem:$0x108] =	vst v0  }
0x11: {  	[tilespmem:$0x118] =	vst v0  }
0x12: {  	[tilespmem:$0x128] =	vst v0  }
0x13: {  	[tilespmem:$0x138] =	vst v0  }
0x14: {  	[tilespmem:$0x148] =	vst v0  }
0x15: {  	[tilespmem:$0x158] =	vst v0  }
0x16: {  	[tilespmem:$0x168] =	vst v0  }
0x17: {  	[tilespmem:$0x178] =	vst v0  }
0x18: {  	[tilespmem:$0x188] =	vst v0  }
0x19: {  	[tilespmem:$0x198] =	vst v0  }
0x1a: {  	[tilespmem:$0x1A8] =	vst v0  }
0x1b: {  	[tilespmem:$0x1B8] =	vst v0  }
0x1c: {  	[tilespmem:$0x1C8] =	vst v0  }
0x1d: {  	[tilespmem:$0x1D8] =	vst v0  }
0x1e: {  	[tilespmem:$0x1E8] =	vst v0  }
0x1f: {  	[tilespmem:$0x1F8] =	vst v0  }
0x20: {  	[tilespmem:$0x208] =	vst v0  }
0x21: {  	[tilespmem:$0x218] =	vst v0  }
0x22: {  	[tilespmem:$0x228] =	vst v0  }
0x23: {  	[tilespmem:$0x238] =	vst v0  }
0x24: {  	[tilespmem:$0x248] =	vst v0  }
0x25: {  	[tilespmem:$0x258] =	vst v0  }
0x26: {  	[tilespmem:$0x268] =	vst v0  }
0x27: {  	[tilespmem:$0x278] =	vst v0  }
0x28: {  	[tilespmem:$0x288] =	vst v0  }
0x29: {  	[tilespmem:$0x298] =	vst v0  }
0x2a: {  	[tilespmem:$0x2A8] =	vst v0  }
0x2b: {  	[tilespmem:$0x2B8] =	vst v0  }
0x2c: {  	[tilespmem:$0x2C8] =	vst v0  }
0x2d: {  	[tilespmem:$0x2D8] =	vst v0  }
0x2e: {  	[tilespmem:$0x2E8] =	vst v0  }
0x2f: {  	[tilespmem:$0x2F8] =	vst v0  }
0x30: {  	[tilespmem:$0x308] =	vst v0  }
0x31: {  	[tilespmem:$0x318] =	vst v0  }
0x32: {  	[tilespmem:$0x328] =	vst v0  }
0x33: {  	[tilespmem:$0x338] =	vst v0  }
0x34: {  	[tilespmem:$0x348] =	vst v0  }
0x35: {  	[tilespmem:$0x358] =	vst v0  }
0x36: {  	[tilespmem:$0x368] =	vst v0  }
0x37: {  	[tilespmem:$0x378] =	vst v0  }
0x38: {  	[tilespmem:$0x388] =	vst v0  }
0x39: {  	[tilespmem:$0x398] =	vst v0  }
0x3a: {  	[tilespmem:$0x3A8] =	vst v0  }
0x3b: {  	[tilespmem:$0x3B8] =	vst v0  }
0x3c: {  	[tilespmem:$0x3C8] =	vst v0  }
0x3d: {  	[tilespmem:$0x3D8] =	vst v0  }
0x3e: {  	[tilespmem:$0x3E8] =	vst v0  }
0x3f: {  	[tilespmem:$0x3F8] =	vst v0  }
0x40: {  	[tilespmem:$0x408] =	vst v0  }
0x41: {  	[tilespmem:$0x418] =	vst v0  }
0x42: {  	[tilespmem:$0x428] =	vst v0  }
0x43: {  	[tilespmem:$0x438] =	vst v0  }
0x44: {  	[tilespmem:$0x448] =	vst v0  }
0x45: {  	[tilespmem:$0x458] =	vst v0  }
0x46: {  	[tilespmem:$0x468] =	vst v0  }
0x47: {  	[tilespmem:$0x478] =	vst v0  }
0x48: {  	[tilespmem:$0x488] =	vst v0  }
0x49: {  	[tilespmem:$0x498] =	vst v0  }
0x4a: {  	[tilespmem:$0x4A8] =	vst v0  }
0x4b: {  	[tilespmem:$0x4B8] =	vst v0  }
0x4c: {  	[tilespmem:$0x4C8] =	vst v0  }
0x4d: {  	[tilespmem:$0x4D8] =	vst v0  }
0x4e: {  	[tilespmem:$0x4E8] =	vst v0  }
0x4f: {  	[tilespmem:$0x4F8] =	vst v0  }
0x50: {  	[tilespmem:$0x508] =	vst v0  }
0x51: {  	[tilespmem:$0x518] =	vst v0  }
0x52: {  	[tilespmem:$0x528] =	vst v0  }
0x53: {  	[tilespmem:$0x538] =	vst v0  }
0x54: {  	[tilespmem:$0x548] =	vst v0  }
0x55: {  	[tilespmem:$0x558] =	vst v0  }
0x56: {  	[tilespmem:$0x568] =	vst v0  }
0x57: {  	[tilespmem:$0x578] =	vst v0  }
0x58: {  	[tilespmem:$0x588] =	vst v0  }
0x59: {  	[tilespmem:$0x598] =	vst v0  }
0x5a: {  	[tilespmem:$0x5A8] =	vst v0  }
0x5b: {  	[tilespmem:$0x5B8] =	vst v0  }
0x5c: {  	[tilespmem:$0x5C8] =	vst v0  }
0x5d: {  	[tilespmem:$0x5D8] =	vst v0  }
0x5e: {  	[tilespmem:$0x5E8] =	vst v0  }
0x5f: {  	[tilespmem:$0x5F8] =	vst v0  }
0x60: {  	[tilespmem:$0x608] =	vst v0  }
0x61: {  	[tilespmem:$0x618] =	vst v0  }
0x62: {  	[tilespmem:$0x628] =	vst v0  }
0x63: {  	[tilespmem:$0x638] =	vst v0  }
0x64: {  	[tilespmem:$0x648] =	vst v0  }
0x65: {  	[tilespmem:$0x658] =	vst v0  }
0x66: {  	[tilespmem:$0x668] =	vst v0  }
0x67: {  	[tilespmem:$0x678] =	vst v0  }
0x68: {  	[tilespmem:$0x688] =	vst v0  }
0x69: {  	[tilespmem:$0x698] =	vst v0  }
0x6a: {  	[tilespmem:$0x6A8] =	vst v0  }
0x6b: {  	[tilespmem:$0x6B8] =	vst v0  }
0x6c: {  	[tilespmem:$0x6C8] =	vst v0  }
0x6d: {  	[tilespmem:$0x6D8] =	vst v0  }
0x6e: {  	[tilespmem:$0x6E8] =	vst v0  }
0x6f: {  	[tilespmem:$0x6F8] =	vst v0  }
0x70: {  	[tilespmem:$0x708] =	vst v0  }
0x71: {  	[tilespmem:$0x718] =	vst v0  }
0x72: {  	[tilespmem:$0x728] =	vst v0  }
0x73: {  	[tilespmem:$0x738] =	vst v0  }
0x74: {  	[tilespmem:$0x748] =	vst v0  }
0x75: {  	[tilespmem:$0x758] =	vst v0  }
0x76: {  	[tilespmem:$0x768] =	vst v0  }
0x77: {  	[tilespmem:$0x778] =	vst v0  }
0x78: {  	[tilespmem:$0x788] =	vst v0  }
0x79: {  	[tilespmem:$0x798] =	vst v0  }
0x7a: {  	[tilespmem:$0x7A8] =	vst v0  }
0x7b: {  	[tilespmem:$0x7B8] =	vst v0  }
0x7c: {  	[tilespmem:$0x7C8] =	vst v0  }
0x7d: {  	[tilespmem:$0x7D8] =	vst v0  }
0x7e: {  	[tilespmem:$0x7E8] =	vst v0  }
0x7f: {  	[tilespmem:$0x7F8] =	vst v0  }
0x80: {  	[tilespmem:$0x808] =	vst v0  }
0x81: {  	[tilespmem:$0x818] =	vst v0  }
0x82: {  	[tilespmem:$0x828] =	vst v0  }
0x83: {  	[tilespmem:$0x838] =	vst v0  }
0x84: {  	[tilespmem:$0x848] =	vst v0  }
0x85: {  	[tilespmem:$0x858] =	vst v0  }
0x86: {  	[tilespmem:$0x868] =	vst v0  }
0x87: {  	[tilespmem:$0x878] =	vst v0  }
0x88: {  	[tilespmem:$0x888] =	vst v0  }
0x89: {  	[tilespmem:$0x898] =	vst v0  }
0x8a: {  	[tilespmem:$0x8A8] =	vst v0  }
0x8b: {  	[tilespmem:$0x8B8] =	vst v0  }
0x8c: {  	[tilespmem:$0x8C8] =	vst v0  }
0x8d: {  	[tilespmem:$0x8D8] =	vst v0  }
0x8e: {  	[tilespmem:$0x8E8] =	vst v0  }
0x8f: {  	[tilespmem:$0x8F8] =	vst v0  }
0x90: {  	[tilespmem:$0x908] =	vst v0  }
0x91: {  	[tilespmem:$0x918] =	vst v0  }
0x92: {  	[tilespmem:$0x928] =	vst v0  }
0x93: {  	[tilespmem:$0x938] =	vst v0  }
0x94: {  	[tilespmem:$0x948] =	vst v0  }
0x95: {  	[tilespmem:$0x958] =	vst v0  }
0x96: {  	[tilespmem:$0x968] =	vst v0  }
0x97: {  	[tilespmem:$0x978] =	vst v0  }
0x98: {  	[tilespmem:$0x988] =	vst v0  }
0x99: {  	[tilespmem:$0x998] =	vst v0  }
0x9a: {  	[tilespmem:$0x9A8] =	vst v0  }
0x9b: {  	[tilespmem:$0x9B8] =	vst v0  }
0x9c: {  	[tilespmem:$0x9C8] =	vst v0  }
0x9d: {  	[tilespmem:$0x9D8] =	vst v0  }
0x9e: {  	[tilespmem:$0x9E8] =	vst v0  }
0x9f: {  	[tilespmem:$0x9F8] =	vst v0  }
0xa0: {  	[tilespmem:$0xA08] =	vst v0  }
0xa1: {  	[tilespmem:$0xA18] =	vst v0  }
0xa2: {  	[tilespmem:$0xA28] =	vst v0  }
0xa3: {  	[tilespmem:$0xA38] =	vst v0  }
0xa4: {  	[tilespmem:$0xA48] =	vst v0  }
0xa5: {  	[tilespmem:$0xA58] =	vst v0  }
0xa6: {  	[tilespmem:$0xA68] =	vst v0  }
0xa7: {  	[tilespmem:$0xA78] =	vst v0  }
0xa8: {  	[tilespmem:$0xA88] =	vst v0  }
0xa9: {  	[tilespmem:$0xA98] =	vst v0  }
0xaa: {  	[tilespmem:$0xAA8] =	vst v0  }
0xab: {  	[tilespmem:$0xAB8] =	vst v0  }
0xac: {  	[tilespmem:$0xAC8] =	vst v0  }
0xad: {  	[tilespmem:$0xAD8] =	vst v0  }
0xae: {  	[tilespmem:$0xAE8] =	vst v0  }
0xaf: {  	[tilespmem:$0xAF8] =	vst v0  }
0xb0: {  	[tilespmem:$0xB08] =	vst v0  }
0xb1: {  	[tilespmem:$0xB18] =	vst v0  }
0xb2: {  	[tilespmem:$0xB28] =	vst v0  }
0xb3: {  	[tilespmem:$0xB38] =	vst v0  }
0xb4: {  	[tilespmem:$0xB48] =	vst v0  }
0xb5: {  	[tilespmem:$0xB58] =	vst v0  }
0xb6: {  	[tilespmem:$0xB68] =	vst v0  }
0xb7: {  	[tilespmem:$0xB78] =	vst v0  }
0xb8: {  	[tilespmem:$0xB88] =	vst v0  }
0xb9: {  	[tilespmem:$0xB98] =	vst v0  }
0xba: {  	[tilespmem:$0xBA8] =	vst v0  }
0xbb: {  	[tilespmem:$0xBB8] =	vst v0  }
0xbc: {  	[tilespmem:$0xBC8] =	vst v0  }
0xbd: {  	[tilespmem:$0xBD8] =	vst v0  }
0xbe: {  	[tilespmem:$0xBE8] =	vst v0  }
0xbf: {  	[tilespmem:$0xBF8] =	vst v0  }
0xc0: {  	[tilespmem:$0xC08] =	vst v0  }
0xc1: {  	[tilespmem:$0xC18] =	vst v0  }
0xc2: {  	[tilespmem:$0xC28] =	vst v0  }
0xc3: {  	[tilespmem:$0xC38] =	vst v0  }
0xc4: {  	[tilespmem:$0xC48] =	vst v0  }
0xc5: {  	[tilespmem:$0xC58] =	vst v0  }
0xc6: {  	[tilespmem:$0xC68] =	vst v0  }
0xc7: {  	[tilespmem:$0xC78] =	vst v0  }
0xc8: {  	[tilespmem:$0xC88] =	vst v0  }
0xc9: {  	[tilespmem:$0xC98] =	vst v0  }
0xca: {  	[tilespmem:$0xCA8] =	vst v0  }
0xcb: {  	[tilespmem:$0xCB8] =	vst v0  }
0xcc: {  	[tilespmem:$0xCC8] =	vst v0  }
0xcd: {  	[tilespmem:$0xCD8] =	vst v0  }
0xce: {  	[tilespmem:$0xCE8] =	vst v0  }
0xcf: {  	[tilespmem:$0xCF8] =	vst v0  }
0xd0: {  	[tilespmem:$0xD08] =	vst v0  }
0xd1: {  	[tilespmem:$0xD18] =	vst v0  }
0xd2: {  	[tilespmem:$0xD28] =	vst v0  }
0xd3: {  	[tilespmem:$0xD38] =	vst v0  }
0xd4: {  	[tilespmem:$0xD48] =	vst v0  }
0xd5: {  	[tilespmem:$0xD58] =	vst v0  }
0xd6: {  	[tilespmem:$0xD68] =	vst v0  }
0xd7: {  	[tilespmem:$0xD78] =	vst v0  }
0xd8: {  	[tilespmem:$0xD88] =	vst v0  }
0xd9: {  	[tilespmem:$0xD98] =	vst v0  }
0xda: {  	[tilespmem:$0xDA8] =	vst v0  }
0xdb: {  	[tilespmem:$0xDB8] =	vst v0  }
0xdc: {  	[tilespmem:$0xDC8] =	vst v0  }
0xdd: {  	[tilespmem:$0xDD8] =	vst v0  }
0xde: {  	[tilespmem:$0xDE8] =	vst v0  }
0xdf: {  	[tilespmem:$0xDF8] =	vst v0  }
0xe0: {  	[tilespmem:$0xE08] =	vst v0  }
0xe1: {  	[tilespmem:$0xE18] =	vst v0  }
0xe2: {  	[tilespmem:$0xE28] =	vst v0  }
0xe3: {  	[tilespmem:$0xE38] =	vst v0  }
0xe4: {  	[tilespmem:$0xE48] =	vst v0  }
0xe5: {  	[tilespmem:$0xE58] =	vst v0  }
0xe6: {  	[tilespmem:$0xE68] =	vst v0  }
0xe7: {  	[tilespmem:$0xE78] =	vst v0  }
0xe8: {  	[tilespmem:$0xE88] =	vst v0  }
0xe9: {  	[tilespmem:$0xE98] =	vst v0  }
0xea: {  	[tilespmem:$0xEA8] =	vst v0  }
0xeb: {  	[tilespmem:$0xEB8] =	vst v0  }
0xec: {  	[tilespmem:$0xEC8] =	vst v0  }
0xed: {  	[tilespmem:$0xED8] =	vst v0  }
0xee: {  	[tilespmem:$0xEE8] =	vst v0  }
0xef: {  	[tilespmem:$0xEF8] =	vst v0  }
0xf0: {  	[tilespmem:$0xF08] =	vst v0  }
0xf1: {  	[tilespmem:$0xF18] =	vst v0  }
0xf2: {  	[tilespmem:$0xF28] =	vst v0  }
0xf3: {  	[tilespmem:$0xF38] =	vst v0  }
0xf4: {  	[tilespmem:$0xF48] =	vst v0  }
0xf5: {  	[tilespmem:$0xF58] =	vst v0  }
0xf6: {  	[tilespmem:$0xF68] =	vst v0  }
0xf7: {  	[tilespmem:$0xF78] =	vst v0  }
0xf8: {  	[tilespmem:$0xF88] =	vst v0  }
0xf9: {  	[tilespmem:$0xF98] =	vst v0  }
0xfa: {  	[tilespmem:$0xFA8] =	vst v0  }
0xfb: {  	[tilespmem:$0xFB8] =	vst v0  }
0xfc: {  	[tilespmem:$0xFC8] =	vst v0  }
0xfd: {  	[tilespmem:$0xFD8] =	vst v0  }
0xfe: {  	[tilespmem:$0xFE8] =	vst v0  }
0xff: {  	[tilespmem:$0xFF8] =	vst v0  }
0x100: {  	[tilespmem:$0x1008] =	vst v0  }
0x101: {  	[tilespmem:$0x1018] =	vst v0  }
0x102: {  	[tilespmem:$0x1028] =	vst v0  }
0x103: {  	[tilespmem:$0x1168] =	vst v0  }
0x104: {  	[tilespmem:$0x1038] =	vst v0  }
0x105: {  	[tilespmem:$0x1048] =	vst v0  }
0x106: {  	[tilespmem:$0x1058] =	vst v0  }
0x107: {  	[tilespmem:$0x1068] =	vst v0  }
0x108: {  	[tilespmem:$0x1078] =	vst v0  }
0x109: {  	[tilespmem:$0x1088] =	vst v0  }
0x10a: {  	[tilespmem:$0x1098] =	vst v0  }
0x10b: {  	[tilespmem:$0x10A8] =	vst v0  }
0x10c: {  	[tilespmem:$0x10B8] =	vst v0  }
0x10d: {  	[tilespmem:$0x10C8] =	vst v0  }
0x10e: {  	[tilespmem:$0x10D8] =	vst v0  }
0x10f: {  	[tilespmem:$0x10E8] =	vst v0  }
0x110: {  	[tilespmem:$0x10F8] =	vst v0  }
0x111: {  	[tilespmem:$0x1108] =	vst v0  }
0x112: {  	[tilespmem:$0x1118] =	vst v0  }
0x113: {  	[tilespmem:$0x1128] =	vst v0  }
0x114: {  	[tilespmem:$0x1138] =	vst v0  }
0x115: {  	[tilespmem:$0x1148] =	vst v0  }
0x116: {  	[tilespmem:$0x1158] =	vst v0  }
0x117: {  	[tilespmem:$0x1178] =	vst v0  }
0x118: {  	[tilespmem:$0x1188] =	vst v0  }
0x119: {  	[tilespmem:$0x1198] =	vst v0  }
0x11a: {  	[tilespmem:$0x11A8] =	vst v0  }
0x11b: {  	[tilespmem:$0x11B8] =	vst v0  }
0x11c: {  	[tilespmem:$0x11C8] =	vst v0  }
0x11d: {  	[tilespmem:$0x11D8] =	vst v0  }
0x11e: {  	[tilespmem:$0x11E8] =	vst v0  }
0x11f: {  	[tilespmem:$0x11F8] =	vst v0  }
0x120: {  	[tilespmem:$0x1208] =	vst v0  }
0x121: {  	[tilespmem:$0x1218] =	vst v0  }
0x122: {  	[tilespmem:$0x1228] =	vst v0  }
0x123: {  	[tilespmem:$0x1238] =	vst v0  }
0x124: {  	[tilespmem:$0x1248] =	vst v0  }
0x125: {  	[tilespmem:$0x1258] =	vst v0  }
0x126: {  	[tilespmem:$0x1268] =	vst v0  }
0x127: {  	[tilespmem:$0x1278] =	vst v0  }
0x128: {  	[tilespmem:$0x1288] =	vst v0  }
0x129: {  	[tilespmem:$0x1298] =	vst v0  }
0x12a: {  	[tilespmem:$0x12A8] =	vst v0  }
0x12b: {  	[tilespmem:$0x12B8] =	vst v0  }
0x12c: {  	[tilespmem:$0x12C8] =	vst v0  }
0x12d: {  	[tilespmem:$0x12D8] =	vst v0  }
0x12e: {  	[tilespmem:$0x12E8] =	vst v0  }
0x12f: {  	[tilespmem:$0x12F8] =	vst v0  }
0x130: {  	[tilespmem:$0x1308] =	vst v0  }
0x131: {  	[tilespmem:$0x1318] =	vst v0  }
0x132: {  	[tilespmem:$0x1328] =	vst v0  }
0x133: {  	[tilespmem:$0x1338] =	vst v0  }
0x134: {  	[tilespmem:$0x1348] =	vst v0  }
0x135: {  	[tilespmem:$0x1358] =	vst v0  }
0x136: {  	[tilespmem:$0x1368] =	vst v0  }
0x137: {  	[tilespmem:$0x1378] =	vst v0  }
0x138: {  	[tilespmem:$0x1388] =	vst v0  }
0x139: {  	[tilespmem:$0x1398] =	vst v0  }
0x13a: {  	[tilespmem:$0x13A8] =	vst v0  }
0x13b: {  	[tilespmem:$0x13B8] =	vst v0  }
0x13c: {  	[tilespmem:$0x13C8] =	vst v0  }
0x13d: {  	[tilespmem:$0x13D8] =	vst v0  }
0x13e: {  	[tilespmem:$0x13E8] =	vst v0  }
0x13f: {  	[tilespmem:$0x13F8] =	vst v0  }
0x140: {  	[tilespmem:$0x1408] =	vst v0  }
0x141: {  	[tilespmem:$0x1418] =	vst v0  }
0x142: {  	[tilespmem:$0x1428] =	vst v0  }
0x143: {  	[tilespmem:$0x1438] =	vst v0  }
0x144: {  	[tilespmem:$0x1448] =	vst v0  }
0x145: {  	[tilespmem:$0x1458] =	vst v0  }
0x146: {  	[tilespmem:$0x1468] =	vst v0  }
0x147: {  	[tilespmem:$0x1478] =	vst v0  }
0x148: {  	[tilespmem:$0x1488] =	vst v0  }
0x149: {  	[tilespmem:$0x1498] =	vst v0  }
0x14a: {  	[tilespmem:$0x14A8] =	vst v0  }
0x14b: {  	[tilespmem:$0x14B8] =	vst v0  }
0x14c: {  	[tilespmem:$0x14C8] =	vst v0  }
0x14d: {  	[tilespmem:$0x14D8] =	vst v0  }
0x14e: {  	[tilespmem:$0x14E8] =	vst v0  }
0x14f: {  	[tilespmem:$0x14F8] =	vst v0  }
0x150: {  	[tilespmem:$0x1508] =	vst v0  }
0x151: {  	[tilespmem:$0x1518] =	vst v0  }
0x152: {  	[tilespmem:$0x1528] =	vst v0  }
0x153: {  	[tilespmem:$0x1538] =	vst v0  }
0x154: {  	[tilespmem:$0x1548] =	vst v0  }
0x155: {  	[tilespmem:$0x1558] =	vst v0  }
0x156: {  	[tilespmem:$0x1568] =	vst v0  }
0x157: {  	[tilespmem:$0x1578] =	vst v0  }
0x158: {  	[tilespmem:$0x1588] =	vst v0  }
0x159: {  	[tilespmem:$0x1598] =	vst v0  }
0x15a: {  	[tilespmem:$0x15A8] =	vst v0  }
0x15b: {  	[tilespmem:$0x15B8] =	vst v0  }
0x15c: {  	[tilespmem:$0x15C8] =	vst v0  }
0x15d: {  	[tilespmem:$0x15D8] =	vst v0  }
0x15e: {  	[tilespmem:$0x15E8] =	vst v0  }
0x15f: {  	[tilespmem:$0x15F8] =	vst v0  }
0x160: {  	[tilespmem:$0x1608] =	vst v0  }
0x161: {  	[tilespmem:$0x1618] =	vst v0  }
0x162: {  	[tilespmem:$0x1628] =	vst v0  }
0x163: {  	[tilespmem:$0x1638] =	vst v0  }
0x164: {  	[tilespmem:$0x1648] =	vst v0  }
0x165: {  	[tilespmem:$0x1658] =	vst v0  }
0x166: {  	[tilespmem:$0x1668] =	vst v0  }
0x167: {  	[tilespmem:$0x1678] =	vst v0  }
0x168: {  	[tilespmem:$0x1688] =	vst v0  }
0x169: {  	[tilespmem:$0x1698] =	vst v0  }
0x16a: {  	[tilespmem:$0x16A8] =	vst v0  }
0x16b: {  	[tilespmem:$0x16B8] =	vst v0  }
0x16c: {  	[tilespmem:$0x16C8] =	vst v0  }
0x16d: {  	[tilespmem:$0x16D8] =	vst v0  }
0x16e: {  	[tilespmem:$0x16E8] =	vst v0  }
0x16f: {  	[tilespmem:$0x16F8] =	vst v0  }
0x170: {  	[tilespmem:$0x1708] =	vst v0  }
0x171: {  	[tilespmem:$0x1718] =	vst v0  }
0x172: {  	[tilespmem:$0x1728] =	vst v0  }
0x173: {  	[tilespmem:$0x1738] =	vst v0  }
0x174: {  	[tilespmem:$0x1748] =	vst v0  }
0x175: {  	[tilespmem:$0x1758] =	vst v0  }
0x176: {  	[tilespmem:$0x1768] =	vst v0  }
0x177: {  	[tilespmem:$0x1778] =	vst v0  }
0x178: {  	[tilespmem:$0x1788] =	vst v0  }
0x179: {  	[tilespmem:$0x1798] =	vst v0  }
0x17a: {  	[tilespmem:$0x17A8] =	vst v0  }
0x17b: {  	[tilespmem:$0x17B8] =	vst v0  }
0x17c: {  	[tilespmem:$0x17C8] =	vst v0  }
0x17d: {  	[tilespmem:$0x17D8] =	vst v0  }
0x17e: {  	[tilespmem:$0x17E8] =	vst v0  }
0x17f: {  	[tilespmem:$0x17F8] =	vst v0  }
0x180: {  	[tilespmem:$0x1808] =	vst v0  }
0x181: {  	[tilespmem:$0x1818] =	vst v0  }
0x182: {  	[tilespmem:$0x1828] =	vst v0  }
0x183: {  	[tilespmem:$0x1838] =	vst v0  }
0x184: {  	[tilespmem:$0x1848] =	vst v0  }
0x185: {  	[tilespmem:$0x1858] =	vst v0  }
0x186: {  	[tilespmem:$0x1868] =	vst v0  }
0x187: {  	[tilespmem:$0x1878] =	vst v0  }
0x188: {  	[tilespmem:$0x1888] =	vst v0  }
0x189: {  	[tilespmem:$0x1898] =	vst v0  }
0x18a: {  	[tilespmem:$0x18A8] =	vst v0  }
0x18b: {  	[tilespmem:$0x18B8] =	vst v0  }
0x18c: {  	[tilespmem:$0x18C8] =	vst v0  }
0x18d: {  	[tilespmem:$0x18D8] =	vst v0  }
0x18e: {  	[tilespmem:$0x18E8] =	vst v0  }
0x18f: {  	[tilespmem:$0x18F8] =	vst v0  }
0x190: {  	[tilespmem:$0x1908] =	vst v0  }
0x191: {  	[tilespmem:$0x1918] =	vst v0  }
0x192: {  	[tilespmem:$0x1928] =	vst v0  }
0x193: {  	[tilespmem:$0x1938] =	vst v0  }
0x194: {  	[tilespmem:$0x1948] =	vst v0  }
0x195: {  	[tilespmem:$0x1958] =	vst v0  }
0x196: {  	[tilespmem:$0x1968] =	vst v0  }
0x197: {  	[tilespmem:$0x1978] =	vst v0  }
0x198: {  	[tilespmem:$0x1988] =	vst v0  }
0x199: {  	[tilespmem:$0x1998] =	vst v0  }
0x19a: {  	[tilespmem:$0x19A8] =	vst v0  }
0x19b: {  	[tilespmem:$0x19B8] =	vst v0  }
0x19c: {  	[tilespmem:$0x19C8] =	vst v0  }
0x19d: {  	[tilespmem:$0x19D8] =	vst v0  }
0x19e: {  	[tilespmem:$0x19E8] =	vst v0  }
0x19f: {  	[tilespmem:$0x19F8] =	vst v0  }
0x1a0: {  	[tilespmem:$0x1A08] =	vst v0  }
0x1a1: {  	[tilespmem:$0x1A18] =	vst v0  }
0x1a2: {  	[tilespmem:$0x1A28] =	vst v0  }
0x1a3: {  	[tilespmem:$0x1A38] =	vst v0  }
0x1a4: {  	[tilespmem:$0x1A48] =	vst v0  }
0x1a5: {  	[tilespmem:$0x1A58] =	vst v0  }
0x1a6: {  	[tilespmem:$0x1A68] =	vst v0  }
0x1a7: {  	[tilespmem:$0x1A78] =	vst v0  }
0x1a8: {  	[tilespmem:$0x1A88] =	vst v0  }
0x1a9: {  	[tilespmem:$0x1A98] =	vst v0  }
0x1aa: {  	[tilespmem:$0x1AA8] =	vst v0  }
0x1ab: {  	[tilespmem:$0x1AB8] =	vst v0  }
0x1ac: {  	[tilespmem:$0x1AC8] =	vst v0  }
0x1ad: {  	[tilespmem:$0x1AD8] =	vst v0  }
0x1ae: {  	[tilespmem:$0x1AE8] =	vst v0  }
0x1af: {  	[tilespmem:$0x1AF8] =	vst v0  }
0x1b0: {  	[tilespmem:$0x1B08] =	vst v0  }
0x1b1: {  	[tilespmem:$0x1B18] =	vst v0  }
0x1b2: {  	[tilespmem:$0x1B28] =	vst v0  }
0x1b3: {  	[tilespmem:$0x1B38] =	vst v0  }
0x1b4: {  	[tilespmem:$0x1B48] =	vst v0  }
0x1b5: {  	[tilespmem:$0x1B58] =	vst v0  }
0x1b6: {  	[tilespmem:$0x1B68] =	vst v0  }
0x1b7: {  	[tilespmem:$0x1B78] =	vst v0  }
0x1b8: {  	[tilespmem:$0x1B88] =	vst v0  }
0x1b9: {  	[tilespmem:$0x1B98] =	vst v0  }
0x1ba: {  	[tilespmem:$0x1BA8] =	vst v0  }
0x1bb: {  	[tilespmem:$0x1BB8] =	vst v0  }
0x1bc: {  	[tilespmem:$0x1BC8] =	vst v0  }
0x1bd: {  	[tilespmem:$0x1BD8] =	vst v0  }
0x1be: {  	[tilespmem:$0x1BE8] =	vst v0  }
0x1bf: {  	[tilespmem:$0x1BF8] =	vst v0  }
0x1c0: {  	[tilespmem:$0x1C08] =	vst v0  }
0x1c1: {  	[tilespmem:$0x1C18] =	vst v0  }
0x1c2: {  	[tilespmem:$0x1C28] =	vst v0  }
0x1c3: {  	[tilespmem:$0x1C38] =	vst v0  }
0x1c4: {  	[tilespmem:$0x1C48] =	vst v0  }
0x1c5: {  	[tilespmem:$0x1C58] =	vst v0  }
0x1c6: {  	[tilespmem:$0x1C68] =	vst v0  }
0x1c7: {  	[tilespmem:$0x1C78] =	vst v0  }
0x1c8: {  	[tilespmem:$0x1C88] =	vst v0  }
0x1c9: {  	[tilespmem:$0x1C98] =	vst v0  }
0x1ca: {  	[tilespmem:$0x1CA8] =	vst v0  }
0x1cb: {  	[tilespmem:$0x1CB8] =	vst v0  }
0x1cc: {  	[tilespmem:$0x1CC8] =	vst v0  }
0x1cd: {  	[tilespmem:$0x1CD8] =	vst v0  }
0x1ce: {  	[tilespmem:$0x1CE8] =	vst v0  }
0x1cf: {  	[tilespmem:$0x1CF8] =	vst v0  }
0x1d0: {  	[tilespmem:$0x1D08] =	vst v0  }
0x1d1: {  	[tilespmem:$0x1D18] =	vst v0  }
0x1d2: {  	[tilespmem:$0x1D28] =	vst v0  }
0x1d3: {  	[tilespmem:$0x1D38] =	vst v0  }
0x1d4: {  	[tilespmem:$0x1D48] =	vst v0  }
0x1d5: {  	[tilespmem:$0x1D58] =	vst v0  }
0x1d6: {  	[tilespmem:$0x1D68] =	vst v0  }
0x1d7: {  	[tilespmem:$0x1D78] =	vst v0  }
0x1d8: {  	[tilespmem:$0x1D88] =	vst v0  }
0x1d9: {  	[tilespmem:$0x1D98] =	vst v0  }
0x1da: {  	[tilespmem:$0x1DA8] =	vst v0  }
0x1db: {  	[tilespmem:$0x1DB8] =	vst v0  }
0x1dc: {  	[tilespmem:$0x1DC8] =	vst v0  }
0x1dd: {  	[tilespmem:$0x1DD8] =	vst v0  }
0x1de: {  	[tilespmem:$0x1DE8] =	vst v0  }
0x1df: {  	[tilespmem:$0x1DF8] =	vst v0  }
0x1e0: {  	[tilespmem:$0x1E08] =	vst v0  }
0x1e1: {  	[tilespmem:$0x1E18] =	vst v0  }
0x1e2: {  	[tilespmem:$0x1E28] =	vst v0  }
0x1e3: {  	[tilespmem:$0x1E38] =	vst v0  }
0x1e4: {  	[tilespmem:$0x1E48] =	vst v0  }
0x1e5: {  	[tilespmem:$0x1E58] =	vst v0  }
0x1e6: {  	[tilespmem:$0x1E68] =	vst v0  }
0x1e7: {  	[tilespmem:$0x1E78] =	vst v0  }
0x1e8: {  	[tilespmem:$0x1E88] =	vst v0  }
0x1e9: {  	[tilespmem:$0x1E98] =	vst v0  }
0x1ea: {  	[tilespmem:$0x1EA8] =	vst v0  }
0x1eb: {  	[tilespmem:$0x1EB8] =	vst v0  }
0x1ec: {  	[tilespmem:$0x1EC8] =	vst v0  }
0x1ed: {  	[tilespmem:$0x1ED8] =	vst v0  }
0x1ee: {  	[tilespmem:$0x1EE8] =	vst v0  }
0x1ef: {  	[tilespmem:$0x1EF8] =	vst v0  }
0x1f0: {  	[tilespmem:$0x1F08] =	vst v0  }
0x1f1: {  	[tilespmem:$0x1F18] =	vst v0  }
0x1f2: {  	[tilespmem:$0x1F28] =	vst v0  }
0x1f3: {  	[tilespmem:$0x1F38] =	vst v0  }
0x1f4: {  	[tilespmem:$0x1F48] =	vst v0  }
0x1f5: {  	[tilespmem:$0x1F58] =	vst v0  }
0x1f6: {  	[tilespmem:$0x1F68] =	vst v0  }
0x1f7: {  	[tilespmem:$0x1F78] =	vst v0  }
0x1f8: {  	[tilespmem:$0x1F88] =	vst v0  }
0x1f9: {  	[tilespmem:$0x1F98] =	vst v0  }
0x1fa: {  	[tilespmem:$0x1FA8] =	vst v0  }
0x1fb: {  	[tilespmem:$0x1FB8] =	vst v0  }
0x1fc: {  	[tilespmem:$0x1FC8] =	vst v0  }
0x1fd: {  	[tilespmem:$0x1FD8] =	vst v0  }
0x1fe: {  	[tilespmem:$0x1FE8] =	vst v0  }
0x1ff: {  	[tilespmem:$0x1FF8] =	vst v0  }
0x200: {  	[tilespmem:$0x2008] =	vst v0  }
0x201: {  	[tilespmem:$0x2018] =	vst v0  }
0x202: {  	[tilespmem:$0x2028] =	vst v0  }
0x203: {  	[tilespmem:$0x2038] =	vst v0  }
0x204: {  	[tilespmem:$0x2048] =	vst v0  }
0x205: {  	[tilespmem:$0x2058] =	vst v0  }
0x206: {  	[tilespmem:$0x2068] =	vst v0  }
0x207: {  	[tilespmem:$0x2078] =	vst v0  }
0x208: {  	[tilespmem:$0x2088] =	vst v0  }
0x209: {  	[tilespmem:$0x2098] =	vst v0  }
0x20a: {  	[tilespmem:$0x20A8] =	vst v0  }
0x20b: {  	[tilespmem:$0x20B8] =	vst v0  }
0x20c: {  	[tilespmem:$0x20C8] =	vst v0  }
0x20d: {  	[tilespmem:$0x20D8] =	vst v0  }
0x20e: {  	[tilespmem:$0x20E8] =	vst v0  }
0x20f: {  	[tilespmem:$0x20F8] =	vst v0  }
0x210: {  	[tilespmem:$0x2108] =	vst v0  }
0x211: {  	[tilespmem:$0x2118] =	vst v0  }
0x212: {  	[tilespmem:$0x2128] =	vst v0  }
0x213: {  	[tilespmem:$0x2138] =	vst v0  }
0x214: {  	[tilespmem:$0x2148] =	vst v0  }
0x215: {  	[tilespmem:$0x2158] =	vst v0  }
0x216: {  	[tilespmem:$0x2178] =	vst v0  }
0x217: {  	[tilespmem:$0x2228] =	vst v0  }
0x218: {  	[tilespmem:$0x3058] =	vst v0  }
0x219: {  	[tilespmem:$0x3048] =	vst v0  }
0x21a: {  	[tilespmem:$0x3038] =	vst v0  }
0x21b: {  	[tilespmem:$0x3028] =	vst v0  }
0x21c: {  	[tilespmem:$0x3018] =	vst v0  }
0x21d: {  	[tilespmem:$0x3008] =	vst v0  }
0x21e: {  	[tilespmem:$0x2FF8] =	vst v0  }
0x21f: {  	[tilespmem:$0x2FE8] =	vst v0  }
0x220: {  	[tilespmem:$0x2FD8] =	vst v0  }
0x221: {  	[tilespmem:$0x2FC8] =	vst v0  }
0x222: {  	[tilespmem:$0x2FB8] =	vst v0  }
0x223: {  	[tilespmem:$0x2FA8] =	vst v0  }
0x224: {  	[tilespmem:$0x2F98] =	vst v0  }
0x225: {  	[tilespmem:$0x2F88] =	vst v0  }
0x226: {  	[tilespmem:$0x2F78] =	vst v0  }
0x227: {  	[tilespmem:$0x2F68] =	vst v0  }
0x228: {  	[tilespmem:$0x2F58] =	vst v0  }
0x229: {  	[tilespmem:$0x2F48] =	vst v0  }
0x22a: {  	[tilespmem:$0x2F38] =	vst v0  }
0x22b: {  	[tilespmem:$0x2F28] =	vst v0  }
0x22c: {  	[tilespmem:$0x2F18] =	vst v0  }
0x22d: {  	[tilespmem:$0x2F08] =	vst v0  }
0x22e: {  	[tilespmem:$0x2EF8] =	vst v0  }
0x22f: {  	[tilespmem:$0x2EE8] =	vst v0  }
0x230: {  	[tilespmem:$0x2ED8] =	vst v0  }
0x231: {  	[tilespmem:$0x2EC8] =	vst v0  }
0x232: {  	[tilespmem:$0x2EB8] =	vst v0  }
0x233: {  	[tilespmem:$0x2EA8] =	vst v0  }
0x234: {  	[tilespmem:$0x2E98] =	vst v0  }
0x235: {  	[tilespmem:$0x2E88] =	vst v0  }
0x236: {  	[tilespmem:$0x2E78] =	vst v0  }
0x237: {  	[tilespmem:$0x2E68] =	vst v0  }
0x238: {  	[tilespmem:$0x2E58] =	vst v0  }
0x239: {  	[tilespmem:$0x2E48] =	vst v0  }
0x23a: {  	[tilespmem:$0x2E38] =	vst v0  }
0x23b: {  	[tilespmem:$0x2E28] =	vst v0  }
0x23c: {  	[tilespmem:$0x2E18] =	vst v0  }
0x23d: {  	[tilespmem:$0x2E08] =	vst v0  }
0x23e: {  	[tilespmem:$0x2DF8] =	vst v0  }
0x23f: {  	[tilespmem:$0x2DE8] =	vst v0  }
0x240: {  	[tilespmem:$0x2DD8] =	vst v0  }
0x241: {  	[tilespmem:$0x2DC8] =	vst v0  }
0x242: {  	[tilespmem:$0x2DB8] =	vst v0  }
0x243: {  	[tilespmem:$0x2DA8] =	vst v0  }
0x244: {  	[tilespmem:$0x2D98] =	vst v0  }
0x245: {  	[tilespmem:$0x2D88] =	vst v0  }
0x246: {  	[tilespmem:$0x2D78] =	vst v0  }
0x247: {  	[tilespmem:$0x2D68] =	vst v0  }
0x248: {  	[tilespmem:$0x2D58] =	vst v0  }
0x249: {  	[tilespmem:$0x2D48] =	vst v0  }
0x24a: {  	[tilespmem:$0x2D38] =	vst v0  }
0x24b: {  	[tilespmem:$0x2D28] =	vst v0  }
0x24c: {  	[tilespmem:$0x2D18] =	vst v0  }
0x24d: {  	[tilespmem:$0x2D08] =	vst v0  }
0x24e: {  	[tilespmem:$0x2CF8] =	vst v0  }
0x24f: {  	[tilespmem:$0x2CE8] =	vst v0  }
0x250: {  	[tilespmem:$0x2CD8] =	vst v0  }
0x251: {  	[tilespmem:$0x2CC8] =	vst v0  }
0x252: {  	[tilespmem:$0x2CB8] =	vst v0  }
0x253: {  	[tilespmem:$0x2CA8] =	vst v0  }
0x254: {  	[tilespmem:$0x2C98] =	vst v0  }
0x255: {  	[tilespmem:$0x2C88] =	vst v0  }
0x256: {  	[tilespmem:$0x2C78] =	vst v0  }
0x257: {  	[tilespmem:$0x2C68] =	vst v0  }
0x258: {  	[tilespmem:$0x2C58] =	vst v0  }
0x259: {  	[tilespmem:$0x2C48] =	vst v0  }
0x25a: {  	[tilespmem:$0x2C38] =	vst v0  }
0x25b: {  	[tilespmem:$0x2C28] =	vst v0  }
0x25c: {  	[tilespmem:$0x2C18] =	vst v0  }
0x25d: {  	[tilespmem:$0x2C08] =	vst v0  }
0x25e: {  	[tilespmem:$0x2BF8] =	vst v0  }
0x25f: {  	[tilespmem:$0x2BE8] =	vst v0  }
0x260: {  	[tilespmem:$0x2BD8] =	vst v0  }
0x261: {  	[tilespmem:$0x2BC8] =	vst v0  }
0x262: {  	[tilespmem:$0x2BB8] =	vst v0  }
0x263: {  	[tilespmem:$0x2BA8] =	vst v0  }
0x264: {  	[tilespmem:$0x2B98] =	vst v0  }
0x265: {  	[tilespmem:$0x2B88] =	vst v0  }
0x266: {  	[tilespmem:$0x2B78] =	vst v0  }
0x267: {  	[tilespmem:$0x2B68] =	vst v0  }
0x268: {  	[tilespmem:$0x2B58] =	vst v0  }
0x269: {  	[tilespmem:$0x2B48] =	vst v0  }
0x26a: {  	[tilespmem:$0x2B38] =	vst v0  }
0x26b: {  	[tilespmem:$0x2B28] =	vst v0  }
0x26c: {  	[tilespmem:$0x2B18] =	vst v0  }
0x26d: {  	[tilespmem:$0x2B08] =	vst v0  }
0x26e: {  	[tilespmem:$0x2AF8] =	vst v0  }
0x26f: {  	[tilespmem:$0x2AE8] =	vst v0  }
0x270: {  	[tilespmem:$0x2AD8] =	vst v0  }
0x271: {  	[tilespmem:$0x2AC8] =	vst v0  }
0x272: {  	[tilespmem:$0x2AB8] =	vst v0  }
0x273: {  	[tilespmem:$0x2AA8] =	vst v0  }
0x274: {  	[tilespmem:$0x2A98] =	vst v0  }
0x275: {  	[tilespmem:$0x2A88] =	vst v0  }
0x276: {  	[tilespmem:$0x2A78] =	vst v0  }
0x277: {  	[tilespmem:$0x2A68] =	vst v0  }
0x278: {  	[tilespmem:$0x2A58] =	vst v0  }
0x279: {  	[tilespmem:$0x2A48] =	vst v0  }
0x27a: {  	[tilespmem:$0x2A38] =	vst v0  }
0x27b: {  	[tilespmem:$0x2A28] =	vst v0  }
0x27c: {  	[tilespmem:$0x2A18] =	vst v0  }
0x27d: {  	[tilespmem:$0x2A08] =	vst v0  }
0x27e: {  	[tilespmem:$0x29F8] =	vst v0  }
0x27f: {  	[tilespmem:$0x29E8] =	vst v0  }
0x280: {  	[tilespmem:$0x29D8] =	vst v0  }
0x281: {  	[tilespmem:$0x29C8] =	vst v0  }
0x282: {  	[tilespmem:$0x29B8] =	vst v0  }
0x283: {  	[tilespmem:$0x29A8] =	vst v0  }
0x284: {  	[tilespmem:$0x2998] =	vst v0  }
0x285: {  	[tilespmem:$0x2988] =	vst v0  }
0x286: {  	[tilespmem:$0x2978] =	vst v0  }
0x287: {  	[tilespmem:$0x2968] =	vst v0  }
0x288: {  	[tilespmem:$0x2958] =	vst v0  }
0x289: {  	[tilespmem:$0x2948] =	vst v0  }
0x28a: {  	[tilespmem:$0x2938] =	vst v0  }
0x28b: {  	[tilespmem:$0x2928] =	vst v0  }
0x28c: {  	[tilespmem:$0x2918] =	vst v0  }
0x28d: {  	[tilespmem:$0x2908] =	vst v0  }
0x28e: {  	[tilespmem:$0x28F8] =	vst v0  }
0x28f: {  	[tilespmem:$0x28E8] =	vst v0  }
0x290: {  	[tilespmem:$0x28D8] =	vst v0  }
0x291: {  	[tilespmem:$0x28C8] =	vst v0  }
0x292: {  	[tilespmem:$0x28B8] =	vst v0  }
0x293: {  	[tilespmem:$0x28A8] =	vst v0  }
0x294: {  	[tilespmem:$0x2898] =	vst v0  }
0x295: {  	[tilespmem:$0x2888] =	vst v0  }
0x296: {  	[tilespmem:$0x2878] =	vst v0  }
0x297: {  	[tilespmem:$0x2868] =	vst v0  }
0x298: {  	[tilespmem:$0x2858] =	vst v0  }
0x299: {  	[tilespmem:$0x2848] =	vst v0  }
0x29a: {  	[tilespmem:$0x2838] =	vst v0  }
0x29b: {  	[tilespmem:$0x2828] =	vst v0  }
0x29c: {  	[tilespmem:$0x2818] =	vst v0  }
0x29d: {  	[tilespmem:$0x2808] =	vst v0  }
0x29e: {  	[tilespmem:$0x27F8] =	vst v0  }
0x29f: {  	[tilespmem:$0x27E8] =	vst v0  }
0x2a0: {  	[tilespmem:$0x27D8] =	vst v0  }
0x2a1: {  	[tilespmem:$0x27C8] =	vst v0  }
0x2a2: {  	[tilespmem:$0x27B8] =	vst v0  }
0x2a3: {  	[tilespmem:$0x27A8] =	vst v0  }
0x2a4: {  	[tilespmem:$0x2798] =	vst v0  }
0x2a5: {  	[tilespmem:$0x2788] =	vst v0  }
0x2a6: {  	[tilespmem:$0x2778] =	vst v0  }
0x2a7: {  	[tilespmem:$0x2768] =	vst v0  }
0x2a8: {  	[tilespmem:$0x2758] =	vst v0  }
0x2a9: {  	[tilespmem:$0x2748] =	vst v0  }
0x2aa: {  	[tilespmem:$0x2738] =	vst v0  }
0x2ab: {  	[tilespmem:$0x2728] =	vst v0  }
0x2ac: {  	[tilespmem:$0x2718] =	vst v0  }
0x2ad: {  	[tilespmem:$0x2708] =	vst v0  }
0x2ae: {  	[tilespmem:$0x26F8] =	vst v0  }
0x2af: {  	[tilespmem:$0x26E8] =	vst v0  }
0x2b0: {  	[tilespmem:$0x26D8] =	vst v0  }
0x2b1: {  	[tilespmem:$0x26C8] =	vst v0  }
0x2b2: {  	[tilespmem:$0x26B8] =	vst v0  }
0x2b3: {  	[tilespmem:$0x26A8] =	vst v0  }
0x2b4: {  	[tilespmem:$0x2698] =	vst v0  }
0x2b5: {  	[tilespmem:$0x2688] =	vst v0  }
0x2b6: {  	[tilespmem:$0x2678] =	vst v0  }
0x2b7: {  	[tilespmem:$0x2668] =	vst v0  }
0x2b8: {  	[tilespmem:$0x2658] =	vst v0  }
0x2b9: {  	[tilespmem:$0x2648] =	vst v0  }
0x2ba: {  	[tilespmem:$0x2638] =	vst v0  }
0x2bb: {  	[tilespmem:$0x2628] =	vst v0  }
0x2bc: {  	[tilespmem:$0x2618] =	vst v0  }
0x2bd: {  	[tilespmem:$0x2608] =	vst v0  }
0x2be: {  	[tilespmem:$0x25F8] =	vst v0  }
0x2bf: {  	[tilespmem:$0x25E8] =	vst v0  }
0x2c0: {  	[tilespmem:$0x25D8] =	vst v0  }
0x2c1: {  	[tilespmem:$0x25C8] =	vst v0  }
0x2c2: {  	[tilespmem:$0x25B8] =	vst v0  }
0x2c3: {  	[tilespmem:$0x25A8] =	vst v0  }
0x2c4: {  	[tilespmem:$0x2598] =	vst v0  }
0x2c5: {  	[tilespmem:$0x2588] =	vst v0  }
0x2c6: {  	[tilespmem:$0x2578] =	vst v0  }
0x2c7: {  	[tilespmem:$0x2568] =	vst v0  }
0x2c8: {  	[tilespmem:$0x2558] =	vst v0  }
0x2c9: {  	[tilespmem:$0x2548] =	vst v0  }
0x2ca: {  	[tilespmem:$0x2538] =	vst v0  }
0x2cb: {  	[tilespmem:$0x2528] =	vst v0  }
0x2cc: {  	[tilespmem:$0x2518] =	vst v0  }
0x2cd: {  	[tilespmem:$0x2508] =	vst v0  }
0x2ce: {  	[tilespmem:$0x24F8] =	vst v0  }
0x2cf: {  	[tilespmem:$0x24E8] =	vst v0  }
0x2d0: {  	[tilespmem:$0x24D8] =	vst v0  }
0x2d1: {  	[tilespmem:$0x24C8] =	vst v0  }
0x2d2: {  	[tilespmem:$0x24B8] =	vst v0  }
0x2d3: {  	[tilespmem:$0x24A8] =	vst v0  }
0x2d4: {  	[tilespmem:$0x2498] =	vst v0  }
0x2d5: {  	[tilespmem:$0x2488] =	vst v0  }
0x2d6: {  	[tilespmem:$0x2478] =	vst v0  }
0x2d7: {  	[tilespmem:$0x2468] =	vst v0  }
0x2d8: {  	[tilespmem:$0x2458] =	vst v0  }
0x2d9: {  	[tilespmem:$0x2448] =	vst v0  }
0x2da: {  	[tilespmem:$0x2438] =	vst v0  }
0x2db: {  	[tilespmem:$0x2428] =	vst v0  }
0x2dc: {  	[tilespmem:$0x2418] =	vst v0  }
0x2dd: {  	[tilespmem:$0x2408] =	vst v0  }
0x2de: {  	[tilespmem:$0x23F8] =	vst v0  }
0x2df: {  	[tilespmem:$0x23E8] =	vst v0  }
0x2e0: {  	[tilespmem:$0x23D8] =	vst v0  }
0x2e1: {  	[tilespmem:$0x23C8] =	vst v0  }
0x2e2: {  	[tilespmem:$0x23B8] =	vst v0  }
0x2e3: {  	[tilespmem:$0x23A8] =	vst v0  }
0x2e4: {  	[tilespmem:$0x2398] =	vst v0  }
0x2e5: {  	[tilespmem:$0x2388] =	vst v0  }
0x2e6: {  	[tilespmem:$0x2378] =	vst v0  }
0x2e7: {  	[tilespmem:$0x2368] =	vst v0  }
0x2e8: {  	[tilespmem:$0x2358] =	vst v0  }
0x2e9: {  	[tilespmem:$0x2348] =	vst v0  }
0x2ea: {  	[tilespmem:$0x2338] =	vst v0  }
0x2eb: {  	[tilespmem:$0x2328] =	vst v0  }
0x2ec: {  	[tilespmem:$0x2318] =	vst v0  }
0x2ed: {  	[tilespmem:$0x2308] =	vst v0  }
0x2ee: {  	[tilespmem:$0x22F8] =	vst v0  }
0x2ef: {  	[tilespmem:$0x22E8] =	vst v0  }
0x2f0: {  	[tilespmem:$0x22D8] =	vst v0  }
0x2f1: {  	[tilespmem:$0x22C8] =	vst v0  }
0x2f2: {  	[tilespmem:$0x22B8] =	vst v0  }
0x2f3: {  	[tilespmem:$0x22A8] =	vst v0  }
0x2f4: {  	[tilespmem:$0x2298] =	vst v0  }
0x2f5: {  	s10 =	stileid.u32;
	[tilespmem:$0x2288] =	vst v0  }
0x2f6: {  	s0 =	smul.u32 $0x1A, s10;
	[tilespmem:$0x2278] =	vst v0  }
0x2f7: {  	s1 =	smin.u32 s10, $0x6;
	[tilespmem:$0x2268] =	vst v0  }
0x2f8: {  	[tilespmem:$0x2258] =	vst v0;
	s0 =	sadd.s32 s1, s0  }
0x2f9: {  	p0 =	slt.u32 s10, $0x6;
	[tilespmem:$0x2248] =	vst v0;
	s1 =	simm.s32 $0x2880;
	s8 =	smul.u32 $0x180, s0  }
0x2fa: {  	s1 =	simm.s32 @!p0 $0x2700;
	[tilespmem:$0x2238] =	vst v0  }
0x2fb: {  	[tilespmem:$0x2208] =	vst v0;
	s0 =	sadd.s32 s1, s8  }
0x2fc: {  	[tilespmem:$0x2218] =	vst v0;
	s9 =	smin.u32 s0, $0x27800  }
0x2fd: {  	[tilespmem:$0x21F8] =	vst v0;
	s0 =	ssub.s32 s9, s8  }
0x2fe: {  	s5 =	simm.s32 $0x2;
	[tilespmem:$0x2188] =	vst v0;
	p0 =	sgt.s32 s0, $0x0  }
0x2ff: {  	s29 =	simm.s32 $0x9;
	s31 =	simm.s32 $0xA;
	[tilespmem:$0x21E8] =	vst v0;
	s0 =	simm.s32 @!p0 $0x0  }
0x300: {  	s13 =	simm.s32 $0xB;
	s18 =	simm.s32 $0x0;
	[tilespmem:$0x21D8] =	vst v0;
	s28 =	smulhi.u32 $0x2AAAAAAB, s0  }
0x301: {  	p1 =	por $0x0, $0x0;
	s19 =	simm.s32 $0xC;
	s23 =	simm.s32 $0x0;
	[tilespmem:$0x21C8] =	vst v0  }
0x302: {  	s20 =	simm.s32 $0x0;
	s22 =	simm.s32 $0x0;
	[tilespmem:$0x21B8] =	vst v0;
	s1 =	sshrl.u32 s28, $0x6  }
0x303: {  	s4 =	sadd.s32 $0x9E00, s7;
	s6 =	sand.u32 $0x1, s2;
	s30 =	smul.u32 $0x180, s1;
	[tilespmem:$0x21A8] =	vst v0  }
0x304: {  	s11 =	sadd.s32 $0x1BC600, s7;
	[tilespmem:$0x2198] =	vst v0;
	[dreg:$0x4] =	wrdreg s6;
	s6 =	smul.u32 $0x4F00, s6  }
.Ltmp0:
0x305: {  	s16 =	sshll.u32 s10, $0x6;
	[tilespmem:$0x2168] =	vst v0;
	[sflag:s5] =	ssyncpa.u1 $0x0;
	v0 =	vimm.s32 $0xFFFFFFFF;
	(pc) =	sbr.rel .LBB2_1-.Ltmp0, $4  }
0x306: {  	[tilespmem:$0x6088] =	vst v0;
	[sflag:s29] =	ssyncpa.u1 $0x0;
	p0 =	sne.s32 s0, s30;
	s0 =	simm.s32 $0x1  }
0x307: {  	[sflag:s31] =	ssyncpa.u1 $0x0;
	s7 =	sadd.s32 s6, s7;
	s0 =	simm.s32 @!p0 $0x0  }
0x308: {  	[sflag:s13] =	ssyncpa.u1 $0x0;
	s15 =	sadd.s32 $0x6CA00, s7;
	s14 =	sadd.s32 s0, s1  }
0x309: {  	v0 =	vlaneseq.u32;
	s21 =	smov.u32 s8;
	p0 =	por $0x1, $0x1;
	s17 =	sadd.s32 $0x1, s14  }
.LBB2_22:
0x30a: {  	s0 =	sshrl.u32 s0, $0x2  }
.LBB2_24:
0x30b: {  	_ =	swait.ge [sflag:s19], s0  }
0x30c: {  	s30 =	ssub.s32 $0x0, s0;
	v1 =	vmov s25;
	vm0 =	veq.s32 v0, $0x0;
	[sflag:s19] =	ssyncset.done $0x0  }
0x30d: {  	vm15 =	veq.s32 v0, $0x2;
	v1 =	vsel vm0, s31, v1;
	[sflag:s19] =	ssyncadd.s32 s30  }
0x30e: {  	v1 =	vsel vm15, s23, v1;
	[sflag:s19] =	ssyncpa.u1 $0x1  }
0x30f: {  	[tilespmem:$0x6088] =	vst v1  }
.LBB2_25:
0x310: {  	s0 =	sadd.s32 $0x180, s21  }
0x311: {  	s1 =	smov.u32 s8;
	p2 =	slt.s32 s0, s9  }
0x312: {  	s1 =	smov.u32 @p2 s0;
	p2 =	sne.s32 s22, s17  }
.Ltmp1:
0x313: {  	_ = 	snop;
	(pc) =	sbr.rel @!p2 .LBB2_26-.Ltmp1, $4  }
0x314: {  	_ = 	snop  }
0x315: {  	s23 =	smov.u32 s20  }
0x316: {  	s31 =	sadd.s32 $0x1, s22;
	s20 =	smov.u32 s21;
	p0 =	por !p0, !p0  }
0x317: {  	p1 =	por !p1, !p1;
	s22 =	smov.u32 s31;
	s21 =	smov.u32 s1  }
.LBB2_1:
0x318: {  	p2 =	sge.u32 s22, s14  }
0x319: {  	s0 =	smulhi.u32 @!p2 $0xAAAAAAAB, s22  }
0x31a: {  	s1 =	smov.u32 s21;
	p3 =	sgt.s32 @!p2 s21, $0x27680  }
0x31b: {  	s2 =	sshra.s32 @!p2 s21, $0x1F;
	p3 =	por !p3, p2;
	s0 =	sshrl.u32 @!p2 s0, $0x1  }
0x31c: {  	s2 =	sand.u32 @!p2 s2, s21;
	s1 =	simm.s32 @p3 $0x27680;
	s0 =	smul.u32 @!p2 $0x3, s0  }
0x31d: {  	s1 =	ssub.s32 @!p2 s1, s2  }
0x31e: {  	s1 =	sadd.s32 @!p2 $0xFFFD8980, s1;
	s0 =	ssub.s32 @!p2 s22, s0  }
0x31f: {  	s2 =	sshll.u32 @!p2 s1, $0x2;
	p3 =	sgt.s32 @!p2 s1, $0x17F;
	s0 =	smul.u32 @!p2 $0x600, s0  }
0x320: {  	s5 =	sand.u32 @!p2 $0x7, s21;
	s1 =	ssub.s32 @!p2 $0x600, s2;
	p3 =	por !p3, p2  }
0x321: {  	s2 =	sshrl.u32 @!p2 s21, $0x3;
	s1 =	sshrl.u32 @!p2 s1, $0x2;
	s0 =	sshrl.u32 @!p2 s0, $0x2  }
0x322: {  	s2 =	sadd.s32 @!p2 s2, s7;
	s1 =	simm.s32 @!p3 $0x0;
	s0 =	sadd.s32 @!p2 $0x64C8, s0  }
0x323: {  	[tilespmem:s0], [sflag:$0xA] =	stream.linear.gather @!p2 [hbm4b:s2+s5], s1, $0x38;
	[tilespmem:$0x1EC48] =	vst v63  }
0x324: {  	s1 =	sadd.s32 $0xFFFFFFFF, s22  }
0x325: {  	p2 =	sge.u32 s1, s14  }
0x326: {  	p3 =	sgt.s32 @!p2 s20, $0x27680  }
0x327: {  	s0 =	smov.u32 s20;
	s2 =	sshra.s32 @!p2 s20, $0x1F;
	p3 =	por !p3, p2  }
0x328: {  	s2 =	sand.u32 @!p2 s2, s20;
	s0 =	simm.s32 @p3 $0x27680  }
0x329: {  	s0 =	ssub.s32 @!p2 s0, s2  }
0x32a: {  	s0 =	sadd.s32 @!p2 $0xFFFD8980, s0  }
0x32b: {  	s2 =	sshll.u32 @!p2 s0, $0x2  }
0x32c: {  	p3 =	sgt.s32 @!p2 s0, $0x17F;
	s0 =	ssub.s32 @!p2 $0x600, s2  }
0x32d: {  	p3 =	por !p3, p2;
	s0 =	sshrl.u32 @!p2 s0, $0x2  }
0x32e: {  	s5 =	simm.s32 @!p2 $0xA;
	s2 =	sand.u32 @!p2 $0x1, s1;
	s0 =	simm.s32 @!p3 $0x0  }
0x32f: {  	s2 =	smul.u32 @!p2 $0x600, s2;
	_ =	swait.ge @!p2 [sflag:s5], s0  }
0x330: {  	s6 =	ssub.s32 @!p2 $0x0, s0;
	[sflag:s5] =	ssyncset.done @!p2 $0x0  }
0x331: {  	s2 =	sshrl.u32 @!p2 s2, $0x2;
	[sflag:s5] =	ssyncadd.s32 @!p2 s6;
	s5 =	sshrl.u32 @!p2 s20, $0x3  }
0x332: {  	s2 =	sadd.s32 @!p2 $0x6948, s2;
	s6 =	sand.u32 @!p2 $0x7, s20;
	s5 =	sadd.s32 @!p2 s5, s15  }
0x333: {  	[tilespmem:s2], [sflag:$0xB] =	stream.linear.gather @!p2 [hbm4b:s5+s6], s0, $0x38;
	[tilespmem:$0x1EC48] =	vst v63  }
0x334: {  	s0 =	ssub.s32 @!p2 $0x27800, s20  }
0x335: {  	p3 =	slt.s32 @!p2 s0, $0x1  }
0x336: {  	p3 =	por p2, p3  }
.Ltmp2:
0x337: {  	_ = 	snop;
	(pc) =	sbr.rel @p3 .LBB2_7-.Ltmp2, $1  }
0x338: {  	_ =	sdelay $0x3  }
0x339: {  	s2 =	smulhi.u32 $0xAAAAAAAB, s1;
	_ =	sdelay $0x1  }
0x33a: {  	s2 =	sshrl.u32 s2, $0x1  }
0x33b: {  	s2 =	smul.u32 $0x3, s2;
	_ =	sdelay $0x1  }
0x33c: {  	s29 =	ssub.s32 s1, s2  }
0x33d: {  	s5 =	simm.s32 $0x1;
	s1 =	smul.u32 $0x600, s29  }
.Ltmp3:
0x33e: {  	s5 =	simm.s32 @!p0 $0x0;
	(pc) =	sbr.rel .LBB2_4-.Ltmp3, $4  }
0x33f: {  	s30 =	smul.u32 $0x30000, s5  }
0x340: {  	p3 =	slt.s32 @!p2 s0, $0x180;
	s1 =	sshrl.u32 s1, $0x2  }
0x341: {  	p2 =	por !p3, p2;
	s2 =	sshrl.u32 s30, $0x2;
	s31 =	sadd.s32 $0x64C8, s1  }
0x342: {  	s24 =	simm.s32 $0x0;
	s0 =	simm.s32 @p2 $0x180;
	s1 =	sadd.s32 $0x6C48, s2;
	v1 =	vmov s31  }
.LBB2_3:
0x343: {  	p2 =	sge.s32 s24, s0  }
.Ltmp4:
0x344: {  	_ = 	snop;
	(pc) =	sbr.rel @p2 .LBB2_7-.Ltmp4, $2  }
0x345: {  	_ =	sdelay $0x2  }
0x346: {  	s1 =	sadd.s32 $0x800, s1  }
.LBB2_4:
0x347: {  	p2 =	sle.s32 s0, s24  }
.Ltmp5:
0x348: {  	_ = 	snop;
	(pc) =	sbr.rel @p2 .LBB2_3-.Ltmp5, $2  }
0x349: {  	_ =	sdelay $0x2  }
0x34a: {  	s2 =	smov.u32 s24;
	s24 =	sadd.s32 $0x10, s24  }
0x34b: {  	s5 =	ssub.s32 s0, s2  }
0x34c: {  	p2 =	slt.s32 s5, $0x10  }
0x34d: {  	s5 =	simm.s32 @!p2 $0x10  }
0x34e: {  	v2 =	vmov s5  }
0x34f: {  	vm0 =	vgt.s32 v2, v0;
	_ =	sdelay $0x5  }
0x350: {  	v2 =	vld.idx.msk [tilespmem:v1+s2+$0x0 ss:$0x1], vm0;
	_ =	sdelay $0x2  }
0x351: {  	s6 =	smov.u32 s0;
	p2 =	slt.s32 s24, s0  }
0x352: {  	s25 =	simm.s32 $0x0;
	s6 =	smov.u32 @p2 s24;
	s5 =	smov.u32 s1  }
.LBB2_6:
0x353: {  	(v2sf) =	vpush v2, s25;
	_ =	sdelay $0xc  }
0x354: {  	s25 =	sadd.s32 $0x1, s25  }
0x355: {  	s31 =	sadd.s32 s25, s2  }
0x356: {  	p2 =	slt.s32 s31, s6;
	s10 =	spop (v2sf)  }
.Ltmp6:
0x357: {  	s10 =	sshll.u32 s10, $0x4;
	(pc) =	sbr.rel @p2 .LBB2_6-.Ltmp6, $4  }
0x358: {  	s10 =	sand.u32 $0x1FFFFFF0, s10  }
0x359: {  	s10 =	sadd.s32 s11, s10  }
0x35a: {  	[tilespmem:s5], [sflag:$0x9] =	stream.linear.gather [hbm4b:s10+s18], $0x20, $0x38;
	[tilespmem:$0x1EC48] =	vst v63  }
0x35b: {  	s5 =	sadd.s32 $0x80, s5  }
.Ltmp7:
0x35c: {  	_ = 	snop;
	(pc) =	sbr.rel .LBB2_3-.Ltmp7, $1  }
0x35d: {  	_ =	sdelay $0x3  }
.LBB2_7:
0x35e: {  	p2 =	slt.u32 s22, $0x2  }
.Ltmp8:
0x35f: {  	_ = 	snop;
	(pc) =	sbr.rel @p2 .LBB2_25-.Ltmp8, $1  }
0x360: {  	_ =	sdelay $0x3  }
0x361: {  	p2 =	sgt.s32 s23, $0x27680  }
0x362: {  	s0 =	smov.u32 s23;
	s1 =	sshra.s32 s23, $0x1F;
	s2 =	ssub.s32 $0x27800, s23  }
0x363: {  	s0 =	simm.s32 @!p2 $0x27680;
	s1 =	sand.u32 s1, s23;
	p2 =	slt.s32 s2, $0x180  }
0x364: {  	s0 =	ssub.s32 s0, s1;
	s2 =	simm.s32 @!p2 $0x180  }
0x365: {  	s0 =	sadd.s32 $0xFFFD8980, s0;
	s12 =	sshll.u32 s2, $0x5  }
0x366: {  	s26 =	simm.s32 $0x9;
	s24 =	sshll.u32 s0, $0x2;
	s1 =	sand.u32 $0x3FFFFFE0, s12  }
0x367: {  	p2 =	sgt.s32 s0, $0x17F;
	s25 =	ssub.s32 $0x600, s24;
	_ =	swait.ge [sflag:s26], s1  }
0x368: {  	s1 =	ssub.s32 $0x0, s1;
	[sflag:s26] =	ssyncset.done $0x0;
	s0 =	sshrl.u32 s25, $0x2  }
0x369: {  	[sflag:s26] =	ssyncadd.s32 s1;
	s0 =	simm.s32 @p2 $0x0  }
0x36a: {  	_ =	swait.ge [sflag:s13], s0  }
0x36b: {  	s0 =	ssub.s32 $0x0, s0;
	[sflag:s13] =	ssyncset.done $0x0  }
0x36c: {  	[sflag:s13] =	ssyncadd.s32 s0  }
0x36d: {  	v1 =	vld [tilespmem:$0x6088];
	_ =	sdelay $0x4  }
0x36e: {  	(v2sf) =	vpush v1, $0x0  }
0x36f: {  	(v2sf) =	vpush v1, $0x1  }
0x370: {  	(v2sf) =	vpush v1, $0x2;
	_ =	sdelay $0x3  }
0x371: {  	s0 =	sadd.s32 $0x180, s23  }
0x372: {  	s1 =	ssub.s32 $0x4F000, s23;
	p2 =	slt.s32 s9, s0  }
0x373: {  	s0 =	smov.u32 @p2 s9;
	p2 =	sgt.s32 s1, $0x0  }
0x374: {  	s28 =	ssub.s32 s0, s23;
	s1 =	simm.s32 @!p2 $0x0  }
0x375: {  	p2 =	slt.s32 s1, s28  }
0x376: {  	s28 =	smov.u32 @p2 s1  }
0x377: {  	s26 =	simm.s32 $0x1;
	p2 =	slt.s32 s28, $0x1  }
.Ltmp9:
0x378: {  	s26 =	simm.s32 @!p1 $0x0;
	(pc) =	sbr.rel @p2 .LBB2_12-.Ltmp9, $4  }
0x379: {  	s30 =	smul.u32 $0x600, s26  }
0x37a: {  	s0 =	spop (v2sf)  }
0x37b: {  	s31 =	sshrl.u32 s30, $0x2;
	s29 =	spop (v2sf)  }
0x37c: {  	s24 =	sadd.s32 $0x6948, s31;
	s23 =	spop (v2sf)  }
0x37d: {  	s1 =	smin.u32 s28, $0x10  }
0x37e: {  	v1 =	vmov s1  }
0x37f: {  	p3 =	sgt.s32 s28, $0x10;
	vm1 =	vgt.u32 v1, v0  }
.Ltmp10:
0x380: {  	_ = 	snop;
	(pc) =	sbr.rel @!p3 .LBB2_11-.Ltmp10, $2  }
0x381: {  	_ =	sdelay $0x2  }
0x382: {  	s2 =	simm.s32 $0x10;
	s25 =	sadd.s32 $0xFFFFFFF0, s28;
	s1 =	smov.u32 s24;
	vm0 =	vmmov vm1  }
.LBB2_10:
0x383: {  	s5 =	smin.u32 s25, $0x10;
	s2 =	sadd.s32 $0x10, s2;
	v1 =	vld.msk [tilespmem:s1+$0x0 ss:$0x1], vm1  }
0x384: {  	v2 =	vmov s5;
	p3 =	slt.s32 s2, s28  }
0x385: {  	vm1 =	vgt.u32 v2, v0  }
.Ltmp11:
0x386: {  	(pc) =	sbr.rel @p3 .LBB2_10-.Ltmp11, $3  }
0x387: {  	_ =	sdelay $0x1  }
0x388: {  	v1 =	vshll.u32 v1, $0x4  }
0x389: {  	s25 =	sadd.s32 $0xFFFFFFF0, s25;
	[tilespmem:s1+$0x0] =	vst.msk vm0, v1;
	s1 =	sadd.s32 $0x10, s1;
	vm0 =	vmmov vm1  }
.LBB2_11:
0x38a: {  	_ =	sdelay $0x4  }
0x38b: {  	v1 =	vld.msk [tilespmem:s1+$0x0 ss:$0x1], vm1;
	_ =	sdelay $0x4  }
0x38c: {  	v1 =	vshll.u32 v1, $0x4  }
0x38d: {  	[tilespmem:s1+$0x0] =	vst.msk vm0, v1  }
.LBB2_12:
0x38e: {  	s1 =	sand.u32 $0x1, s22  }
0x38f: {  	s1 =	smul.u32 $0x180, s1  }
0x390: {  	p3 =	sne.s32 s29, $0xFFFFFFFF  }
0x391: {  	v1 =	vld.msk @!p3 [tilespmem:s1+$0x6948], $0x1;
	_ =	sdelay $0x4  }
0x392: {  	(v2sf) =	vpush @!p3 v1, $0x0;
	_ =	sdelay $0xc  }
.Ltmp12:
0x393: {  	_ = 	snop;
	(pc) =	sbr.rel @p2 .LBB2_23-.Ltmp12, $4  }
0x394: {  	_ = 	snop  }
0x395: {  	s30 =	spop @!p3 (v2sf)  }
0x396: {  	s23 =	simm.s32 @!p3 $0x0;
	s25 =	smov.u32 s30  }
0x397: {  	[sflag:s19] =	ssyncpa.u1 $0x0;
	s30 =	smov.u32 @p3 s0;
	s25 =	smov.u32 @p3 s29  }
0x398: {  	v1 =	vld.msk [tilespmem:s24+$0x0], $0x1;
	_ =	sdelay $0x4  }
0x399: {  	(v2sf) =	vpush v1, $0x0;
	_ =	sdelay $0xe  }
0x39a: {  	s0 =	smul.u32 $0x30000, s26;
	s1 =	spop (v2sf)  }
0x39b: {  	s28 =	ssub.s32 $0x0, s28;
	p2 =	seq.s32 s30, s1  }
0x39c: {  	s31 =	sadd.s32 $0x1, s28;
	s0 =	sshrl.u32 s0, $0x2;
	p3 =	sgt.s32 @!p2 s30, $0x0  }
0x39d: {  	s26 =	sadd.s32 $0x6C58, s0;
	s0 =	smov.u32 s30;
	p3 =	por !p3, p2  }
0x39e: {  	s0 =	simm.s32 @p3 $0x0;
	p3 =	seq.s32 s31, $0x0  }
.Ltmp13:
0x39f: {  	_ = 	snop;
	(pc) =	sbr.rel @p3 .LBB2_15-.Ltmp13, $4  }
0x3a0: {  	_ = 	snop  }
0x3a1: {  	s29 =	simm.s32 $0x0;
	s2 =	simm.s32 @!p2 $0x1;
	s0 =	smin.u32 @!p2 s0, $0x270FC  }
0x3a2: {  	s6 =	simm.s32 @!p2 $0x3068;
	s2 =	smov.u32 @p2 s29;
	s10 =	sand.u32 @!p2 $0x3FFF8, s0  }
0x3a3: {  	s5 =	sand.u32 @!p2 $0x7, s0;
	s0 =	sadd.s32 $0x1, s24;
	s10 =	sadd.s32 @!p2 s4, s10  }
.LBB2_14:
0x3a4: {  	s12 =	smov.u32 s2  }
0x3a5: {  	[tilespmem:s6], [sflag:$0x2] =	stream.linear.gather @!p2 [hbm4b:s10+s5], $0x20, $0x38;
	[tilespmem:$0x1EC48] =	vst v63  }
0x3a6: {  	s31 =	sadd.s32 $0x1, s31;
	s5 =	smov.u32 s1;
	v1 =	vld.msk [tilespmem:s0+$0x0], $0x1  }
0x3a7: {  	p3 =	seq.s32 s31, $0x0;
	_ =	sdelay $0x3  }
0x3a8: {  	(v2sf) =	vpush v1, $0x0;
	_ =	sdelay $0xe  }
0x3a9: {  	s1 =	spop (v2sf)  }
0x3aa: {  	p2 =	seq.s32 s5, s1  }
0x3ab: {  	p4 =	sgt.s32 @!p2 s5, $0x0;
	s6 =	sshll.u32 @!p2 s2, $0x7;
	s2 =	sadd.s32 @!p2 $0x1, s2  }
.Ltmp14:
0x3ac: {  	p4 =	por !p4, p2;
	s6 =	sshra.s32 @!p2 s6, $0x2;
	(pc) =	sbr.rel @!p3 .LBB2_14-.Ltmp14, $4  }
0x3ad: {  	s2 =	smov.u32 @p2 s12;
	s5 =	simm.s32 @p4 $0x0;
	s6 =	sadd.s32 @!p2 $0x3068, s6  }
0x3ae: {  	s5 =	smin.u32 @!p2 s5, $0x270FC  }
0x3af: {  	s10 =	sand.u32 @!p2 $0x3FFF8, s5;
	s5 =	sand.u32 @!p2 $0x7, s5  }
0x3b0: {  	s0 =	sadd.s32 $0x1, s0;
	s10 =	sadd.s32 @!p2 s4, s10  }
.LBB2_15:
0x3b1: {  	[tilespmem:s6], [sflag:$0x2] =	stream.linear.gather @!p2 [hbm4b:s10+s5], $0x20, $0x38;
	[tilespmem:$0x1EC48] =	vst v63  }
.Ltmp15:
0x3b2: {  	s0 =	sshll.u32 s2, $0x5;
	(pc) =	sbr.rel .LBB2_16-.Ltmp15, $4  }
0x3b3: {  	s1 =	simm.s32 $0x2;
	s0 =	sand.u32 $0x3FFFFFE0, s0  }
0x3b4: {  	_ =	swait.ge [sflag:s1], s0  }
0x3b5: {  	s0 =	ssub.s32 $0x0, s0;
	[sflag:s1] =	ssyncset.done $0x0  }
0x3b6: {  	[sflag:s1] =	ssyncadd.s32 s0;
	s0 =	simm.s32 $0x0  }
.LBB2_17:
0x3b7: {  	v1 =	vld [tilespmem:s26+$0xFFFFFFF0];
	_ =	sdelay $0x4  }
0x3b8: {  	[tilespmem:s1+$0x48] =	vst.add.f32.msk $0xffff, v1  }
0x3b9: {  	v1 =	vld [tilespmem:s26+$0x0];
	_ =	sdelay $0x4  }
0x3ba: {  	[tilespmem:s1+$0x58] =	vst.add.f32.msk $0xffff, v1  }
.LBB2_21:
0x3bb: {  	s28 =	sadd.s32 $0x1, s28  }
0x3bc: {  	p2 =	seq.s32 s28, $0x0  }
.Ltmp16:
0x3bd: {  	_ = 	snop;
	(pc) =	sbr.rel @p2 .LBB2_22-.Ltmp16, $2  }
0x3be: {  	_ =	sdelay $0x2  }
0x3bf: {  	s26 =	sadd.s32 $0x80, s26;
	s24 =	sadd.s32 $0x1, s24;
	s30 =	smov.u32 s31  }
.LBB2_16:
0x3c0: {  	v1 =	vld.msk [tilespmem:s24+$0x0], $0x1;
	_ =	sdelay $0x4  }
0x3c1: {  	(v2sf) =	vpush v1, $0x0;
	_ =	sdelay $0xe  }
0x3c2: {  	s31 =	spop (v2sf)  }
0x3c3: {  	p2 =	sne.s32 s30, s31  }
.Ltmp17:
0x3c4: {  	_ = 	snop;
	(pc) =	sbr.rel @!p2 .LBB2_17-.Ltmp17, $3  }
0x3c5: {  	_ =	sdelay $0x1  }
0x3c6: {  	s1 =	sshll.u32 s23, $0x7  }
0x3c7: {  	s1 =	sshra.s32 s1, $0x2  }
0x3c8: {  	p2 =	seq.s32 s30, s25  }
.Ltmp18:
0x3c9: {  	_ = 	snop;
	(pc) =	sbr.rel @!p2 .LBB2_19-.Ltmp18, $1  }
0x3ca: {  	_ =	sdelay $0x3  }
.Ltmp19:
0x3cb: {  	s1 =	sadd.s32 $0x48, s1;
	(pc) =	sbr.rel .LBB2_20-.Ltmp19, $4  }
0x3cc: {  	[spmem:s16] =	stream.linear.scatter [tilespmem:s1], [sflag:$0x1], $0x20, $0x38;
	[tilespmem:$0x1EC48] =	vst v63  }
0x3cd: {  	_ =	swait.ge [sflag:s3], $0x20  }
0x3ce: {  	[sflag:s3] =	ssyncset.done $0x0  }
0x3cf: {  	[sflag:s3] =	ssyncadd.s32 $0xFFFFFFE0  }
.LBB2_19:
0x3d0: {  	s2 =	sshll.u32 s29, $0x7  }
0x3d1: {  	s2 =	sshra.s32 s2, $0x2  }
0x3d2: {  	v1 =	vld [tilespmem:s2+$0x3068];
	_ =	sdelay $0x4  }
0x3d3: {  	[tilespmem:s1+$0x48] =	vst.add.f32.msk $0xffff, v1  }
0x3d4: {  	v1 =	vld [tilespmem:s2+$0x3078];
	_ =	sdelay $0x2  }
0x3d5: {  	p2 =	sgt.u32 s30, $0x270FC  }
0x3d6: {  	s2 =	sand.u32 @!p2 $0x3FFF8, s30  }
0x3d7: {  	s5 =	sadd.s32 $0x48, s1;
	[tilespmem:s1+$0x58] =	vst.add.f32.msk $0xffff, v1;
	s1 =	sadd.s32 @!p2 s4, s2;
	s2 =	sand.u32 @!p2 $0x7, s30  }
0x3d8: {  	[hbm4b:s1+s2] =	stream.linear.scatter @!p2 [tilespmem:s5], [sflag:$0xC], $0x20, $0x38;
	[tilespmem:$0x1EC48] =	vst v63  }
0x3d9: {  	s1 =	simm.s32 $0x0  }
0x3da: {  	s1 =	simm.s32 @!p2 $0x80  }
0x3db: {  	s0 =	sadd.s32 s1, s0  }
.LBB2_20:
0x3dc: {  	s1 =	sadd.s32 $0x1, s23  }
0x3dd: {  	s2 =	smulhi.u32 $0xAAAAAAAB, s1;
	_ =	sdelay $0x1  }
0x3de: {  	v1 =	vld [tilespmem:s26+$0xFFFFFFF0];
	s2 =	sshrl.u32 s2, $0x8  }
0x3df: {  	s2 =	smul.u32 $0x180, s2;
	_ =	sdelay $0x1  }
0x3e0: {  	s23 =	ssub.s32 s1, s2  }
0x3e1: {  	s1 =	sshll.u32 s23, $0x5  }
0x3e2: {  	[tilespmem:s1+$0x48] =	vst v1  }
0x3e3: {  	v1 =	vld [tilespmem:s26+$0x0]  }
.Ltmp20:
0x3e4: {  	_ = 	snop;
	(pc) =	sbr.rel .LBB2_21-.Ltmp20, $2  }
0x3e5: {  	_ =	sdelay $0x2  }
0x3e6: {  	s29 =	sadd.s32 $0x1, s29;
	[tilespmem:s1+$0x58] =	vst v1  }
.LBB2_23:
.Ltmp21:
0x3e7: {  	(pc) =	sbr.rel .LBB2_24-.Ltmp21, $4  }
0x3e8: {  	_ = 	snop  }
0x3e9: {  	s0 =	simm.s32 $0x2  }
0x3ea: {  	_ =	swait.ge [sflag:s0], $0x0  }
0x3eb: {  	s31 =	smov.u32 s30;
	[sflag:s0] =	ssyncset.done $0x0;
	s0 =	simm.s32 $0x0  }
.LBB2_26:
0x3ec: {  	_ =	sfence.sel $0x180000  }
0x3ed: {  	s0 =	simm.s32 $0x9;
	[bflag:$0x0] =	sbarrier.arrive $0xFFFF  }
0x3ee: {  	s24 =	simm.s32 $0xA;
	[sflag:s0] =	ssyncpa.u1 $0x1  }
0x3ef: {  	s25 =	simm.s32 $0xB;
	[sflag:s24] =	ssyncpa.u1 $0x1  }
0x3f0: {  	s26 =	simm.s32 $0x2;
	[sflag:s25] =	ssyncpa.u1 $0x1  }
0x3f1: {  	[sflag:s26] =	ssyncpa.u1 $0x1  }
0x3f2: {  	v0 =	vld [tilespmem:$0x6088];
	_ =	sdelay $0x4  }
0x3f3: {  	(v2sf) =	vpush v0, $0x0  }
0x3f4: {  	(v2sf) =	vpush v0, $0x1;
	_ =	sdelay $0x1  }
0x3f5: {  	(v2sf) =	vpush v0, $0x2;
	_ =	sdelay $0xb  }
0x3f6: {  	s0 =	spop (v2sf)  }
0x3f7: {  	s1 =	spop (v2sf)  }
0x3f8: {  	s2 =	smov.u32 s0;
	p0 =	sne.s32 s0, s1  }
0x3f9: {  	s3 =	spop (v2sf);
	s2 =	simm.s32 @!p0 $0xFFFFFFFF  }
0x3fa: {  	v2 =	vimm.s32 $0x1;
	v3 =	vlaneseq.u32;
	p0 =	seq.s32 s3, $0xFFFFFFFF;
	v1 =	vmov s2  }
0x3fb: {  	s14 =	stileid.u32;
	v0 =	vperm.xlane v0, v2;
	p1 =	sne.s32 @!p0 s0, s1;
	v1 =	vperm.xlane v1, v3  }
0x3fc: {  	vm0 =	vcmask $0x3F04;
	s6 =	simm.s32 $0x6088;
	s0 =	simm.s32 @!p0 $0x1;
	p1 =	por !p1, p0  }
0x3fd: {  	s2 =	sshll.u32 s14, $0x1;
	s1 =	sshll.u32 @!p0 s3, $0x7;
	s0 =	simm.s32 @p1 $0x0;
	v0 =	vsel vm0, v1, v0  }
0x3fe: {  	s5 =	sor.u32 $0x400, s2;
	s1 =	sshra.s32 @!p0 s1, $0x2;
	s0 =	sor.u32 @!p0 s0, s2;
	[tilespmem:$0x6088] =	vst v0  }
0x3ff: {  	[spmem:s5] =	stream.linear.scatter [tilespmem:s6], [sflag:$0x1], $0x2, $0x38;
	[tilespmem:$0x1EC48] =	vst v63  }
0x400: {  	s1 =	sadd.s32 @!p0 $0x48, s1;
	s0 =	sshll.u32 @!p0 s0, $0x5  }
0x401: {  	[spmem:s0] =	stream.linear.scatter @!p0 [tilespmem:s1], [sflag:$0x1], $0x20, $0x38;
	[tilespmem:$0x1EC48] =	vst v63  }
0x402: {  	s0 =	simm.s32 @!p0 $0x22  }
0x403: {  	s28 =	simm.s32 $0x1;
	s0 =	simm.s32 @p0 $0x2  }
0x404: {  	_ =	swait.ge [sflag:s28], s0  }
0x405: {  	s0 =	ssub.s32 $0x0, s0;
	[sflag:s28] =	ssyncset.done $0x0  }
0x406: {  	p0 =	sne.s32 s14, $0x0;
	[sflag:s28] =	ssyncadd.s32 s0  }
.Ltmp22:
0x407: {  	_ =	sfence.stream.spmem;
	(pc) =	sbr.rel @p0 .LBB2_43-.Ltmp22, $4  }
0x408: {  	s29 =	simm.s32 $0x3;
	[bflag:$0x0] =	sbarrier.arrive $0xFFFF  }
0x409: {  	s30 =	simm.s32 $0x4;
	[sflag:s29] =	ssyncpa.u1 $0x1  }
0x40a: {  	s31 =	simm.s32 $0x3C;
	[sflag:s30] =	ssyncpa.u1 $0x1  }
0x40b: {  	s15 =	rddreg [dreg:$0x4];
	[sflag:s31] =	ssyncpa.u1 $0x1  }
0x40c: {  	_ =	sfence.stream.spmem;
	s0 =	simm.s32 $0x5  }
0x40d: {  	s1 =	simm.s32 $0x400;
	s2 =	simm.s32 $0x6098;
	[sflag:s0] =	ssyncpa.u1 $0x0  }
0x40e: {  	[tilespmem:s2], [sflag:$0x5] =	stream.linear.gather [spmem:s1], $0x20, $0x38;
	[tilespmem:$0x1EC48] =	vst v63  }
0x40f: {  	s26 =	simm.s32 $0x0;
	s28 =	simm.s32 $0x60B8  }
0x410: {  	[tilespmem:s28], [sflag:$0x5] =	stream.linear.gather [spmem:s26], $0x400, $0x38;
	[tilespmem:$0x1EC48] =	vst v63  }
0x411: {  	_ =	swait.ge [sflag:s0], $0x420  }
0x412: {  	[sflag:s0] =	ssyncset.done $0x0  }
0x413: {  	s29 =	simm.s32 $0x0;
	[sflag:s0] =	ssyncadd.s32 $0xFFFFFBE0  }
0x414: {  	v0 =	vld.msk [tilespmem:s29+$0x6098], $0x1;
	_ =	sdelay $0x1  }
0x415: {  	s30 =	simm.s32 $0x1  }
0x416: {  	v1 =	vld.msk [tilespmem:s30+$0x6098], $0x1;
	_ =	sdelay $0x1  }
0x417: {  	(v2sf) =	vpush v0, $0x0;
	_ =	sdelay $0x2  }
0x418: {  	(v2sf) =	vpush v1, $0x0;
	_ =	sdelay $0x2  }
0x419: {  	s31 =	simm.s32 $0x2  }
0x41a: {  	v0 =	vld.msk [tilespmem:s31+$0x6098], $0x1;
	_ =	sdelay $0x2  }
0x41b: {  	s1 =	simm.s32 $0xFFFFFFFF;
	s2 =	simm.s32 $0xFFFFFFFF;
	s0 =	simm.s32 $0xC  }
.LBB2_28:
0x41c: {  	s3 =	smov.u32 s2;
	s5 =	smov.u32 s1  }
0x41d: {  	s1 =	sshra.s32 s0, $0x2;
	p1 =	sne.s32 s0, $0x7C;
	s0 =	sadd.s32 $0x4, s0;
	(v2sf) =	vpush v0, $0x0  }
0x41e: {  	v0 =	vld.msk [tilespmem:s1+$0x6098], $0x1  }
.Ltmp23:
0x41f: {  	(pc) =	sbr.rel @p1 .LBB2_28-.Ltmp23, $4  }
0x420: {  	s2 =	spop (v2sf)  }
0x421: {  	p2 =	sne.s32 s5, $0xFFFFFFFF;
	s1 =	smov.u32 s2  }
0x422: {  	p3 =	seq.s32 s2, $0xFFFFFFFF;
	s1 =	smov.u32 @p2 s5  }
0x423: {  	s2 =	smov.u32 @p3 s3;
	s1 =	smov.u32 @p3 s5  }
0x424: {  	(v2sf) =	vpush v0, $0x0;
	_ =	sdelay $0x8  }
0x425: {  	s0 =	spop (v2sf)  }
0x426: {  	p1 =	sne.s32 s1, $0xFFFFFFFF;
	s3 =	smov.u32 s0  }
0x427: {  	s9 =	simm.s32 $0x6;
	p2 =	seq.s32 s0, $0xFFFFFFFF;
	s3 =	smov.u32 @p1 s1  }
0x428: {  	s10 =	simm.s32 $0x6068;
	s3 =	smov.u32 @p2 s1;
	s1 =	spop (v2sf)  }
0x429: {  	s0 =	smov.u32 @p2 s2;
	p1 =	sne.s32 s3, $0xFFFFFFFF;
	s5 =	smov.u32 s1  }
.Ltmp24:
0x42a: {  	p2 =	seq.s32 s1, $0xFFFFFFFF;
	s5 =	smov.u32 @p1 s3;
	(pc) =	sbr.rel .LBB2_30-.Ltmp24, $4  }
0x42b: {  	s11 =	simm.s32 $0x0;
	s5 =	smov.u32 @p2 s3;
	s7 =	spop (v2sf)  }
0x42c: {  	[sflag:s9] =	ssyncpa.u1 $0x0;
	p1 =	sne.s32 s5, $0xFFFFFFFF;
	s8 =	smov.u32 s7  }
0x42d: {  	s1 =	smov.u32 @p2 s0;
	p2 =	seq.s32 s7, $0xFFFFFFFF;
	s8 =	smov.u32 @p1 s5  }
0x42e: {  	s3 =	simm.s32 $0x0;
	s7 =	smov.u32 @p2 s1;
	s8 =	smov.u32 @p2 s5  }
.LBB2_36:
0x42f: {  	p1 =	sgt.u32 s12, $0x270FC  }
0x430: {  	p2 =	seq.s32 @!p1 s12, s8  }
0x431: {  	p1 =	por p1, p2  }
0x432: {  	p2 =	sne.s32 @!p1 s12, s7  }
0x433: {  	p1 =	por p1, !p2  }
0x434: {  	s0 =	sshll.u32 @p1 s11, $0x7  }
0x435: {  	s0 =	sand.u32 @!p1 $0x3FFF8, s12  }
0x436: {  	s1 =	sand.u32 @!p1 $0x7, s12;
	s0 =	sadd.s32 @!p1 s4, s0  }
0x437: {  	[tilespmem:s10], [sflag:$0x6] =	stream.linear.gather @!p1 [hbm4b:s0+s1], $0x20, $0x38;
	[tilespmem:$0x1EC48] =	vst v63  }
0x438: {  	_ =	swait.ge @!p1 [sflag:s9], $0x20  }
0x439: {  	[sflag:s9] =	ssyncset.done @!p1 $0x0  }
0x43a: {  	[sflag:s9] =	ssyncadd.s32 @!p1 $0xFFFFFFE0  }
0x43b: {  	v1 =	vld @!p1 [tilespmem:$0x6068];
	_ =	sdelay $0x2  }
0x43c: {  	s0 =	sshll.u32 @!p1 s11, $0x7  }
0x43d: {  	s1 =	sshrl.u32 @!p1 s0, $0x2  }
0x43e: {  	[tilespmem:s1+$0x60B8] =	vst.add.f32.msk @!p1 $0xffff, v1  }
0x43f: {  	v1 =	vld @!p1 [tilespmem:$0x6078];
	_ =	sdelay $0x4  }
0x440: {  	[tilespmem:s1+$0x60C8] =	vst.add.f32.msk @!p1 $0xffff, v1  }
0x441: {  	s0 =	sshrl.u32 s0, $0x2;
	[tilespmem:s3+$0x6098] =	vst.msk $0x1, v0  }
0x442: {  	v0 =	vld [tilespmem:s0+$0x60B8];
	_ =	sdelay $0x2  }
0x443: {  	s31 =	sshll.u32 s3, $0x7  }
0x444: {  	s1 =	sshra.s32 s31, $0x2  }
0x445: {  	[tilespmem:s1+$0x60B8] =	vst v0  }
0x446: {  	v0 =	vld [tilespmem:s0+$0x60C8];
	_ =	sdelay $0x4  }
0x447: {  	s3 =	sadd.s32 $0x1, s3;
	[tilespmem:s1+$0x60C8] =	vst v0  }
.LBB2_37:
0x448: {  	s11 =	sadd.s32 $0x1, s11  }
0x449: {  	p1 =	sne.s32 s11, $0x20  }
.Ltmp25:
0x44a: {  	_ = 	snop;
	(pc) =	sbr.rel @!p1 .LBB2_38-.Ltmp25, $1  }
0x44b: {  	_ =	sdelay $0x3  }
.LBB2_30:
0x44c: {  	v0 =	vld.msk [tilespmem:s11+$0x6098], $0x1;
	_ =	sdelay $0x4  }
0x44d: {  	(v2sf) =	vpush v0, $0x0;
	_ =	sdelay $0xe  }
0x44e: {  	s12 =	spop (v2sf)  }
0x44f: {  	p1 =	seq.s32 s12, $0xFFFFFFFF  }
.Ltmp26:
0x450: {  	_ = 	snop;
	(pc) =	sbr.rel @p1 .LBB2_37-.Ltmp26, $1  }
0x451: {  	_ =	sdelay $0x3  }
0x452: {  	p1 =	slt.s32 s3, $0x1  }
.Ltmp27:
0x453: {  	_ = 	snop;
	(pc) =	sbr.rel @p1 .LBB2_36-.Ltmp27, $1  }
0x454: {  	_ =	sdelay $0x3  }
0x455: {  	s0 =	simm.s32 $0x6098;
	p1 =	por $0x0, $0x0  }
0x456: {  	v1 =	vld.msk @!p1 [tilespmem:s0+$0x0], $0x1;
	_ =	sdelay $0x4  }
0x457: {  	(v2sf) =	vpush @!p1 v1, $0x0;
	_ =	sdelay $0xd  }
0x458: {  	p3 =	sne.s32 s3, $0x1  }
.Ltmp28:
0x459: {  	s1 =	spop @!p1 (v2sf);
	(pc) =	sbr.rel @!p3 .LBB2_34-.Ltmp28, $4  }
0x45a: {  	p2 =	seq.s32 @!p1 s12, s1  }
0x45b: {  	s13 =	simm.s32 $0x0;
	p2 =	por !p2, p1  }
0x45c: {  	s2 =	simm.s32 $0xFFFFFFFF;
	s13 =	simm.s32 @p2 $0xFFFFFFFF  }
0x45d: {  	s1 =	simm.s32 $0x1;
	s13 =	smov.u32 @p1 s2  }
.LBB2_33:
0x45e: {  	s2 =	smov.u32 s13;
	p1 =	sne.s32 s13, $0xFFFFFFFF  }
0x45f: {  	s0 =	sadd.s32 $0x1, s0;
	s13 =	smov.u32 s1;
	s1 =	sadd.s32 $0x1, s1  }
0x460: {  	p2 =	sne.s32 s3, s1;
	v1 =	vld.msk @!p1 [tilespmem:s0+$0x0], $0x1;
	_ =	sdelay $0x4  }
0x461: {  	(v2sf) =	vpush @!p1 v1, $0x0;
	_ =	sdelay $0xe  }
.Ltmp29:
0x462: {  	s5 =	spop @!p1 (v2sf);
	(pc) =	sbr.rel @p2 .LBB2_33-.Ltmp29, $4  }
0x463: {  	p3 =	seq.s32 @!p1 s12, s5  }
0x464: {  	p3 =	por !p3, p1  }
0x465: {  	s13 =	simm.s32 @p3 $0xFFFFFFFF  }
0x466: {  	s13 =	smov.u32 @p1 s2  }
.LBB2_34:
0x467: {  	p1 =	seq.s32 s13, $0xFFFFFFFF  }
.Ltmp30:
0x468: {  	_ = 	snop;
	(pc) =	sbr.rel @p1 .LBB2_36-.Ltmp30, $1  }
0x469: {  	_ =	sdelay $0x3  }
0x46a: {  	s0 =	sshll.u32 s11, $0x5  }
0x46b: {  	s0 =	sand.u32 $0x3FFFFFE0, s0  }
0x46c: {  	v0 =	vld [tilespmem:s0+$0x60B8];
	_ =	sdelay $0x2  }
0x46d: {  	s1 =	sshll.u32 s13, $0x7  }
0x46e: {  	s1 =	sshra.s32 s1, $0x2  }
0x46f: {  	[tilespmem:s1+$0x60B8] =	vst.add.f32.msk $0xffff, v0  }
0x470: {  	v0 =	vld [tilespmem:s0+$0x60C8]  }
.Ltmp31:
0x471: {  	_ = 	snop;
	(pc) =	sbr.rel .LBB2_37-.Ltmp31, $2  }
0x472: {  	_ =	sdelay $0x2  }
0x473: {  	[tilespmem:s1+$0x60C8] =	vst.add.f32.msk $0xffff, v0  }
.LBB2_38:
0x474: {  	s0 =	simm.s32 $0x6;
	p1 =	seq.s32 s3, $0x0  }
0x475: {  	[sflag:s0] =	ssyncpa.u1 $0x1;
	v0 =	vimm.s32 @p1 $0xFFFFFFFF  }
0x476: {  	s9 =	sadd.s32 $0xFFFFFFFF, s3;
	[tilespmem:$0x64B8] =	vst @p1 v0  }
0x477: {  	v0 =	vld.msk @!p1 [tilespmem:s9+$0x6098], $0x1;
	_ =	sdelay $0x1  }
0x478: {  	v1 =	vld.msk @!p1 [tilespmem:$0x6098], $0x1;
	_ =	sdelay $0x2  }
0x479: {  	p2 =	seq.s32 @!p1 s9, $0x0;
	v0 =	vbroadcast @!p1 v0, $0x0  }
0x47a: {  	vm0 =	vmmov @!p1 $0x1;
	p2 =	por !p2, p1  }
0x47b: {  	v1 =	vnsel @!p1 vm0, $0xFFFFFFFF, v1;
	vm0 =	vcmask @!p1 $0x308;
	v0 =	vpsel !p2, $0xFFFFFFFF, v0  }
0x47c: {  	p2 =	sne.s32 @!p1 s8, s7;
	v0 =	vsel @!p1 vm0, v1, v0  }
0x47d: {  	s0 =	simm.s32 @!p1 $0x60B8;
	s1 =	simm.s32 @!p1 $0x0;
	p3 =	por !p2, p1;
	[tilespmem:$0x64B8] =	vst @!p1 v0  }
0x47e: {  	[spmem:s1] =	stream.linear.scatter @!p1 [tilespmem:s0], [sflag:$0x1], $0x20, $0x38;
	[tilespmem:$0x1EC48] =	vst v63  }
0x47f: {  	s0 =	sshll.u32 @!p3 s9, $0x7  }
0x480: {  	s0 =	sshra.s32 @!p3 s0, $0x2  }
0x481: {  	s1 =	simm.s32 @!p3 $0x20;
	s0 =	sadd.s32 @!p3 $0x60B8, s0  }
0x482: {  	[spmem:s1] =	stream.linear.scatter @!p3 [tilespmem:s0], [sflag:$0x1], $0x20, $0x38;
	[tilespmem:$0x1EC48] =	vst v63  }
0x483: {  	s0 =	simm.s32 @!p3 $0x1  }
0x484: {  	_ =	swait.ge @!p3 [sflag:s0], $0x40  }
0x485: {  	p1 =	por p2, p1;
	[sflag:s0] =	ssyncset.done @!p3 $0x0  }
0x486: {  	[sflag:s0] =	ssyncadd.s32 @!p3 $0xFFFFFFC0;
	s0 =	simm.s32 @!p1 $0x1  }
0x487: {  	_ =	swait.ge @!p1 [sflag:s0], $0x20  }
0x488: {  	s29 =	simm.s32 $0x64B8;
	[sflag:s0] =	ssyncset.done @!p1 $0x0  }
0x489: {  	s30 =	simm.s32 $0x400;
	s31 =	simm.s32 $0x1;
	[sflag:s0] =	ssyncadd.s32 @!p1 $0xFFFFFFE0  }
0x48a: {  	[spmem:s30] =	stream.linear.scatter [tilespmem:s29], [sflag:$0x1], $0x10, $0x38;
	[tilespmem:$0x1EC48] =	vst v63  }
0x48b: {  	_ =	swait.ge [sflag:s31], $0x10  }
0x48c: {  	[sflag:s31] =	ssyncset.done $0x0  }
0x48d: {  	p1 =	seq.s32 s15, $0x0;
	s8 =	rddreg [dreg:$0x1];
	[sflag:s31] =	ssyncadd.s32 $0xFFFFFFF0  }
0x48e: {  	s1 =	sshll.u32 @p1 s8, $0xE;
	s7 =	rddreg [dreg:$0x2]  }
0x48f: {  	s0 =	sadd.s32 @p1 $0x15C3C, s1;
	s1 =	sshll.u32 @p1 s7, $0x11  }
0x490: {  	_ =	sfence.stream.spmem;
	s0 =	sor.u32 @p1 s1, s0  }
0x491: {  	[sflag:s0] =	ssyncadd.remote.s32 @p1 $0x1;
	s0 =	simm.s32 @p1 $0x4  }
0x492: {  	s2 =	simm.s32 @!p1 $0x3C;
	s1 =	sand.u32 $0xFFFFFFFE, s8;
	_ =	swait.ge @p1 [sflag:s0], $0xA  }
0x493: {  	s5 =	simm.s32 @!p1 $0x0;
	s1 =	sadd.s32 @!p1 $0x4, s1;
	[sflag:s0] =	ssyncset.done @p1 $0x0  }
0x494: {  	s6 =	simm.s32 @!p1 $0x40;
	[sflag:s0] =	ssyncadd.s32 @p1 $0xFFFFFFF6;
	s0 =	sshll.u32 @!p1 s1, $0x1A  }
0x495: {  	s1 =	sshll.u32 @!p1 s1, $0xD;
	s0 =	sor.u32 @!p1 s0, s7;
	_ =	swait.eq @!p1 [sflag:s2], $0x1  }
0x496: {  	s1 =	sor.u32 @!p1 $0x1C04, s1;
	s2 =	simm.s32 @!p1 $0x1C03;
	s0 =	sor.u32 @!p1 $0x80004000, s0  }
0x497: {  	[spmem:s6], [sflag:s1] =	dma.general @!p1 [spmem:s5], [sflag:s2], length:$0x8, [dreg:$0x0], stride_count:$0x0, ici_dest:s0, dma_misc:DstOpCode:WRITE  }
0x498: {  	p2 =	slt.s32 s9, $0x2;
	s5 =	simm.s32 @!p1 $0x80;
	s6 =	simm.s32 @!p1 $0x82  }
0x499: {  	[spmem:s6], [sflag:s1] =	dma.general @!p1 [spmem:s5], [sflag:s2], length:$0x2, [dreg:$0x0], stride_count:$0x0, ici_dest:s0, dma_misc:DstOpCode:WRITE  }
.Ltmp32:
0x49a: {  	s0 =	simm.s32 @!p1 $0x3;
	(pc) =	sbr.rel @p2 .LBB2_42-.Ltmp32, $4  }
0x49b: {  	s1 =	sshll.u32 @!p1 s8, $0xE;
	_ =	swait.ge @!p1 [sflag:s0], $0xA  }
0x49c: {  	s2 =	sshll.u32 @!p1 s7, $0x11;
	s1 =	sadd.s32 @!p1 $0x11C3C, s1;
	[sflag:s0] =	ssyncset.done @!p1 $0x0  }
0x49d: {  	[sflag:s0] =	ssyncadd.s32 @!p1 $0xFFFFFFF6;
	s0 =	sor.u32 @!p1 s2, s1  }
0x49e: {  	[sflag:s0] =	ssyncadd.remote.s32 @!p1 $0xFFFFFFFF;
	s0 =	simm.s32 $0x0  }
0x49f: {  	s0 =	simm.s32 $0x6099  }
0x4a0: {  	v0 =	vld.msk [tilespmem:s0+$0x0], $0x1;
	_ =	sdelay $0x4  }
0x4a1: {  	(v2sf) =	vpush v0, $0x0;
	_ =	sdelay $0xc  }
0x4a2: {  	s1 =	sadd.s32 $0xFFFFFFFE, s3  }
0x4a3: {  	s1 =	sadd.s32 $0xFFFFFFFF, s1  }
0x4a4: {  	p2 =	sne.s32 s1, $0x0;
	s2 =	spop (v2sf)  }
.Ltmp33:
0x4a5: {  	p1 =	sgt.u32 s2, $0x270FC;
	(pc) =	sbr.rel @!p2 .LBB2_41-.Ltmp33, $4  }
0x4a6: {  	s6 =	simm.s32 $0x0;
	s3 =	sand.u32 @!p1 $0x3FFF8, s2  }
0x4a7: {  	s0 =	simm.s32 $0x60D8;
	s2 =	sand.u32 @!p1 $0x7, s2;
	s3 =	sadd.s32 @!p1 s4, s3  }
0x4a8: {  	[hbm4b:s3+s2] =	stream.linear.scatter @!p1 [tilespmem:s0], [sflag:$0x5], $0x20, $0x38;
	[tilespmem:$0x1EC48] =	vst v63  }
0x4a9: {  	s6 =	simm.s32 @!p1 $0x80;
	s2 =	simm.s32 $0x0;
	s3 =	simm.s32 $0x609A  }
.LBB2_40:
0x4aa: {  	v0 =	vld.msk [tilespmem:s3+$0x0], $0x1;
	s1 =	sadd.s32 $0xFFFFFFFF, s1;
	s2 =	sadd.s32 s2, s6  }
0x4ab: {  	p1 =	sne.s32 s1, $0x0;
	_ =	sdelay $0x3  }
0x4ac: {  	(v2sf) =	vpush v0, $0x0;
	_ =	sdelay $0xe  }
.Ltmp34:
0x4ad: {  	s5 =	spop (v2sf);
	(pc) =	sbr.rel @p1 .LBB2_40-.Ltmp34, $4  }
0x4ae: {  	s6 =	simm.s32 $0x0;
	p2 =	sgt.u32 s5, $0x270FC  }
0x4af: {  	s0 =	sadd.s32 $0x20, s0;
	s6 =	simm.s32 @!p2 $0x80;
	s7 =	sand.u32 @!p2 $0x3FFF8, s5  }
0x4b0: {  	s3 =	sadd.s32 $0x1, s3;
	s5 =	sand.u32 @!p2 $0x7, s5;
	s7 =	sadd.s32 @!p2 s4, s7  }
0x4b1: {  	[hbm4b:s7+s5] =	stream.linear.scatter @!p2 [tilespmem:s0], [sflag:$0x5], $0x20, $0x38;
	[tilespmem:$0x1EC48] =	vst v63  }
.LBB2_41:
0x4b2: {  	s0 =	sadd.s32 s2, s6  }
0x4b3: {  	s0 =	sshrl.u32 s0, $0x2  }
.LBB2_42:
0x4b4: {  	s1 =	simm.s32 $0x5  }
0x4b5: {  	_ =	swait.ge [sflag:s1], s0  }
0x4b6: {  	s31 =	ssub.s32 $0x0, s0;
	[sflag:s1] =	ssyncset.done $0x0  }
0x4b7: {  	[sflag:s1] =	ssyncadd.s32 s31  }
0x4b8: {  	[sflag:s1] =	ssyncpa.u1 $0x1  }
.LBB2_43:
0x4b9: {  	s0 =	sor.u32 s15, s14  }
0x4ba: {  	p1 =	sne.s32 s0, $0x0  }
.Ltmp35:
0x4bb: {  	_ = 	snop;
	(pc) =	sbr.rel @p1 .LBB2_58-.Ltmp35, $3  }
0x4bc: {  	_ =	sdelay $0x1  }
0x4bd: {  	[bflag:$0x0] =	sbarrier.arrive $0xFFFF  }
0x4be: {  	_ =	sfence  }
0x4bf: {  	s0 =	simm.s32 $0x7  }
0x4c0: {  	s1 =	simm.s32 $0x400;
	s2 =	simm.s32 $0x6098;
	[sflag:s0] =	ssyncpa.u1 $0x0  }
0x4c1: {  	[tilespmem:s2], [sflag:$0x7] =	stream.linear.gather [spmem:s1], $0x20, $0x38;
	[tilespmem:$0x1EC48] =	vst v63  }
0x4c2: {  	s30 =	simm.s32 $0x60B8;
	s1 =	simm.s32 $0x0  }
0x4c3: {  	[tilespmem:s30], [sflag:$0x7] =	stream.linear.gather [spmem:s1], $0x400, $0x38;
	[tilespmem:$0x1EC48] =	vst v63  }
.Ltmp36:
0x4c4: {  	_ = 	snop;
	(pc) =	sbr.rel .LBB2_45-.Ltmp36, $4  }
0x4c5: {  	_ =	swait.ge [sflag:s0], $0x420  }
0x4c6: {  	[sflag:s0] =	ssyncset.done $0x0  }
0x4c7: {  	s31 =	simm.s32 $0x8;
	[sflag:s0] =	ssyncadd.s32 $0xFFFFFBE0  }
0x4c8: {  	s2 =	simm.s32 $0x0;
	[sflag:s31] =	ssyncpa.u1 $0x0  }
.LBB2_51:
0x4c9: {  	p1 =	slt.u32 s3, $0x270FD  }
0x4ca: {  	s0 =	sand.u32 @p1 $0x3FFF8, s3  }
0x4cb: {  	s3 =	sand.u32 @p1 $0x7, s3;
	s5 =	simm.s32 @p1 $0x6068;
	s0 =	sadd.s32 @p1 s4, s0  }
0x4cc: {  	[tilespmem:s5], [sflag:$0x8] =	stream.linear.gather @p1 [hbm4b:s0+s3], $0x20, $0x38;
	[tilespmem:$0x1EC48] =	vst v63  }
0x4cd: {  	s0 =	simm.s32 @p1 $0x8  }
0x4ce: {  	_ =	swait.ge @p1 [sflag:s0], $0x20  }
0x4cf: {  	[sflag:s0] =	ssyncset.done @p1 $0x0  }
0x4d0: {  	[sflag:s0] =	ssyncadd.s32 @p1 $0xFFFFFFE0  }
0x4d1: {  	v1 =	vld @p1 [tilespmem:$0x6068];
	_ =	sdelay $0x2  }
0x4d2: {  	s0 =	sshll.u32 @p1 s2, $0x7  }
0x4d3: {  	s3 =	sshrl.u32 @p1 s0, $0x2  }
0x4d4: {  	[tilespmem:s3+$0x60B8] =	vst.add.f32.msk @p1 $0xffff, v1  }
0x4d5: {  	v1 =	vld @p1 [tilespmem:$0x6078];
	_ =	sdelay $0x3  }
0x4d6: {  	s5 =	sshll.u32 @!p1 s2, $0x7  }
0x4d7: {  	s5 =	smov.u32 @p1 s0;
	[tilespmem:s3+$0x60C8] =	vst.add.f32.msk @p1 $0xffff, v1  }
0x4d8: {  	s0 =	sshrl.u32 s5, $0x2;
	[tilespmem:s1+$0x6098] =	vst.msk $0x1, v0  }
0x4d9: {  	v0 =	vld [tilespmem:s0+$0x60B8];
	_ =	sdelay $0x2  }
0x4da: {  	s31 =	sshll.u32 s1, $0x7  }
0x4db: {  	s3 =	sshra.s32 s31, $0x2  }
0x4dc: {  	[tilespmem:s3+$0x60B8] =	vst v0  }
0x4dd: {  	v0 =	vld [tilespmem:s0+$0x60C8];
	_ =	sdelay $0x4  }
0x4de: {  	s1 =	sadd.s32 $0x1, s1;
	[tilespmem:s3+$0x60C8] =	vst v0  }
.LBB2_52:
0x4df: {  	s2 =	sadd.s32 $0x1, s2  }
0x4e0: {  	p1 =	sne.s32 s2, $0x20  }
.Ltmp37:
0x4e1: {  	_ = 	snop;
	(pc) =	sbr.rel @!p1 .LBB2_53-.Ltmp37, $1  }
0x4e2: {  	_ =	sdelay $0x3  }
.LBB2_45:
0x4e3: {  	v0 =	vld.msk [tilespmem:s2+$0x6098], $0x1;
	_ =	sdelay $0x4  }
0x4e4: {  	(v2sf) =	vpush v0, $0x0;
	_ =	sdelay $0xe  }
0x4e5: {  	s3 =	spop (v2sf)  }
0x4e6: {  	p1 =	seq.s32 s3, $0xFFFFFFFF  }
.Ltmp38:
0x4e7: {  	_ = 	snop;
	(pc) =	sbr.rel @p1 .LBB2_52-.Ltmp38, $1  }
0x4e8: {  	_ =	sdelay $0x3  }
0x4e9: {  	p1 =	slt.s32 s1, $0x1  }
.Ltmp39:
0x4ea: {  	_ = 	snop;
	(pc) =	sbr.rel @p1 .LBB2_51-.Ltmp39, $1  }
0x4eb: {  	_ =	sdelay $0x3  }
0x4ec: {  	s0 =	simm.s32 $0x6098;
	p1 =	por $0x0, $0x0  }
0x4ed: {  	v1 =	vld.msk @!p1 [tilespmem:s0+$0x0], $0x1;
	_ =	sdelay $0x4  }
0x4ee: {  	(v2sf) =	vpush @!p1 v1, $0x0;
	_ =	sdelay $0xd  }
0x4ef: {  	p3 =	sne.s32 s1, $0x1  }
.Ltmp40:
0x4f0: {  	s5 =	spop @!p1 (v2sf);
	(pc) =	sbr.rel @!p3 .LBB2_49-.Ltmp40, $4  }
0x4f1: {  	p2 =	seq.s32 @!p1 s3, s5  }
0x4f2: {  	s5 =	simm.s32 $0x0;
	p2 =	por !p2, p1  }
0x4f3: {  	s7 =	simm.s32 $0xFFFFFFFF;
	s5 =	simm.s32 @p2 $0xFFFFFFFF  }
0x4f4: {  	s6 =	simm.s32 $0x1;
	s5 =	smov.u32 @p1 s7  }
.LBB2_48:
0x4f5: {  	s7 =	smov.u32 s5;
	p1 =	sne.s32 s5, $0xFFFFFFFF  }
0x4f6: {  	s0 =	sadd.s32 $0x1, s0;
	s5 =	smov.u32 s6;
	s6 =	sadd.s32 $0x1, s6  }
0x4f7: {  	p2 =	sne.s32 s1, s6;
	v1 =	vld.msk @!p1 [tilespmem:s0+$0x0], $0x1;
	_ =	sdelay $0x4  }
0x4f8: {  	(v2sf) =	vpush @!p1 v1, $0x0;
	_ =	sdelay $0xe  }
.Ltmp41:
0x4f9: {  	s8 =	spop @!p1 (v2sf);
	(pc) =	sbr.rel @p2 .LBB2_48-.Ltmp41, $4  }
0x4fa: {  	p3 =	seq.s32 @!p1 s3, s8  }
0x4fb: {  	p3 =	por !p3, p1  }
0x4fc: {  	s5 =	simm.s32 @p3 $0xFFFFFFFF  }
0x4fd: {  	s5 =	smov.u32 @p1 s7  }
.LBB2_49:
0x4fe: {  	p1 =	seq.s32 s5, $0xFFFFFFFF  }
.Ltmp42:
0x4ff: {  	_ = 	snop;
	(pc) =	sbr.rel @p1 .LBB2_51-.Ltmp42, $1  }
0x500: {  	_ =	sdelay $0x3  }
0x501: {  	s0 =	sshll.u32 s2, $0x5  }
0x502: {  	s0 =	sand.u32 $0x3FFFFFE0, s0  }
0x503: {  	v0 =	vld [tilespmem:s0+$0x60B8];
	_ =	sdelay $0x2  }
0x504: {  	s3 =	sshll.u32 s5, $0x7  }
0x505: {  	s3 =	sshra.s32 s3, $0x2  }
0x506: {  	[tilespmem:s3+$0x60B8] =	vst.add.f32.msk $0xffff, v0  }
0x507: {  	v0 =	vld [tilespmem:s0+$0x60C8]  }
.Ltmp43:
0x508: {  	_ = 	snop;
	(pc) =	sbr.rel .LBB2_52-.Ltmp43, $2  }
0x509: {  	_ =	sdelay $0x2  }
0x50a: {  	[tilespmem:s3+$0x60C8] =	vst.add.f32.msk $0xffff, v0  }
.LBB2_53:
0x50b: {  	p1 =	slt.s32 s1, $0x1  }
.Ltmp44:
0x50c: {  	_ = 	snop;
	(pc) =	sbr.rel @p1 .LBB2_57-.Ltmp44, $3  }
0x50d: {  	_ =	sdelay $0x1  }
0x50e: {  	s0 =	simm.s32 $0x8  }
0x50f: {  	s2 =	simm.s32 $0x0;
	[sflag:s0] =	ssyncpa.u1 $0x1  }
0x510: {  	s0 =	simm.s32 $0x6098  }
0x511: {  	v0 =	vld.msk [tilespmem:s0+$0x0], $0x1;
	_ =	sdelay $0x4  }
0x512: {  	(v2sf) =	vpush v0, $0x0;
	_ =	sdelay $0xe  }
0x513: {  	s1 =	sadd.s32 $0xFFFFFFFF, s1;
	s3 =	spop (v2sf)  }
0x514: {  	p2 =	sne.s32 s1, $0x0;
	p1 =	sgt.u32 s3, $0x270FC  }
.Ltmp45:
0x515: {  	s5 =	sand.u32 @!p1 $0x3FFF8, s3;
	(pc) =	sbr.rel @!p2 .LBB2_56-.Ltmp45, $4  }
0x516: {  	s0 =	simm.s32 $0x60B8;
	s3 =	sand.u32 @!p1 $0x7, s3;
	s5 =	sadd.s32 @!p1 s4, s5  }
0x517: {  	[hbm4b:s5+s3] =	stream.linear.scatter @!p1 [tilespmem:s0], [sflag:$0x7], $0x20, $0x38;
	[tilespmem:$0x1EC48] =	vst v63  }
0x518: {  	s5 =	simm.s32 $0x0  }
0x519: {  	s3 =	simm.s32 $0x6099;
	s5 =	simm.s32 @!p1 $0x80  }
.LBB2_55:
0x51a: {  	v0 =	vld.msk [tilespmem:s3+$0x0], $0x1;
	s1 =	sadd.s32 $0xFFFFFFFF, s1;
	s2 =	sadd.s32 s2, s5  }
0x51b: {  	p1 =	sne.s32 s1, $0x0;
	_ =	sdelay $0x3  }
0x51c: {  	(v2sf) =	vpush v0, $0x0;
	_ =	sdelay $0xe  }
.Ltmp46:
0x51d: {  	s6 =	spop (v2sf);
	(pc) =	sbr.rel @p1 .LBB2_55-.Ltmp46, $4  }
0x51e: {  	s5 =	simm.s32 $0x0;
	p2 =	sgt.u32 s6, $0x270FC  }
0x51f: {  	s0 =	sadd.s32 $0x20, s0;
	s5 =	simm.s32 @!p2 $0x80;
	s7 =	sand.u32 @!p2 $0x3FFF8, s6  }
0x520: {  	s3 =	sadd.s32 $0x1, s3;
	s6 =	sand.u32 @!p2 $0x7, s6;
	s7 =	sadd.s32 @!p2 s4, s7  }
0x521: {  	[hbm4b:s7+s6] =	stream.linear.scatter @!p2 [tilespmem:s0], [sflag:$0x7], $0x20, $0x38;
	[tilespmem:$0x1EC48] =	vst v63  }
.LBB2_56:
0x522: {  	s0 =	sadd.s32 s2, s5  }
0x523: {  	s2 =	sshrl.u32 s0, $0x2  }
.LBB2_57:
0x524: {  	s0 =	simm.s32 $0x7  }
0x525: {  	_ =	swait.ge [sflag:s0], s2  }
0x526: {  	s1 =	ssub.s32 $0x0, s2;
	[sflag:s0] =	ssyncset.done $0x0  }
0x527: {  	[sflag:s0] =	ssyncadd.s32 s1  }
0x528: {  	[sflag:s0] =	ssyncpa.u1 $0x1  }
.LBB2_58:
0x529: {  	_ =	sfence;
	s0 =	simm.s32 $0x1  }
0x52a: {  	[sflag:s0] =	ssyncpa.u1 $0x1  }
0x52b: {  	_ =	strace $0x9000005F  }
0x52c: {  	[bflag:$0x2] =	sbarrier.arrive $0xFFFF  }
0x52d: {  	s0 =	rddreg [dreg:$0x3]  }
0x52e: {  	s0 =	sadd.s32 @!p0 $0x100000, s0  }
0x52f: {  	[sflag:s0] =	ssyncadd.tile.s32 @!p0 $0x1;
	_ =	shalt  }
.Lfunc_end2:
_tile_overlayer_lowered:
.L_overlay_start_2:
0x530: {  	(tag) =	ssettag $0x2  }
0x531: {  	s0 =	rddreg [dreg:$0x0];
	s2 =	stileid.u32  }
0x532: {  	s1 =	rddreg [dreg:$0x1];
	p0 =	sne.s32 s2, $0x0  }
0x533: {  	s3 =	rddreg [dreg:$0x2];
	[bflag:$0x3] =	sbarrier.arrive $0xFFFF;
	s2 =	simm.s32 @!p0 $0x1C01  }
0x534: {  	[timem:s3], [sflag:s2] =	dma.local @!p0 [hbm:s0], s1  }
0x535: {  	s0 =	simm.s32 @!p0 $0x1  }
0x536: {  	_ =	swait.ge @!p0 [sflag:s0], s1  }
0x537: {  	s1 =	ssub.s32 @!p0 $0x0, s1;
	[sflag:s0] =	ssyncset.done @!p0 $0x0  }
0x538: {  	[sflag:s0] =	ssyncadd.s32 @!p0 s1  }
0x539: {  	[bflag:$0x3] =	sbarrier.arrive $0xFFFF  }
0x53a: {  	_ =	shalt  }

// kernel: scatter_offload_async_start
scs
__scs_entry_jumppad:
0x0: {  	(pc) =	sbr.rel $0x88, $3  }
0x1: {  	(tag) =	ssettag $0x0;
	lr =	simm.s32 $0x1  }
0x2: {  	[smem:$0x3F6A] =	sst lr;
	_ =	strace $0xD0000000  }
0x3: {  	_ = 	snop  }
0x4: {  	_ = 	snop  }
0x5: {  	_ = 	snop  }
0x6: {  	_ = 	snop  }
0x7: {  	_ = 	snop  }
__scs_overlays_trampoline_lowered:
0x8: {  	[smem:$0x3F79] =	sst s0  }
0x9: {  	[smem:$0x3F7A] =	sst s1  }
0xa: {  	[smem:$0x3F7B] =	sst s2  }
0xb: {  	[smem:$0x3F7C] =	sst s3  }
0xc: {  	[smem:$0x3F7D] =	sst s4  }
0xd: {  	[smem:$0x3F7E] =	sst s5  }
0xe: {  	[smem:$0x3F7F] =	sst s6  }
0xf: {  	[smem:$0x3F80] =	sst s7  }
0x10: {  	[smem:$0x3F81] =	sst s8  }
0x11: {  	[smem:$0x3F82] =	sst s9;
	s0 =	simm.s32 @!p0 $0x0  }
0x12: {  	s1 =	sld [smem:$0x3F68];
	s0 =	simm.s32 @p0 $0x1  }
0x13: {  	[smem:$0x3F83] =	sst s0;
	s0 =	simm.s32 @!p1 $0x0  }
0x14: {  	s2 =	sld [smem:$0x3F67];
	s0 =	simm.s32 @p1 $0x1  }
0x15: {  	[smem:$0x3F84] =	sst s0;
	s0 =	simm.s32 @!p2 $0x0  }
0x16: {  	s3 =	sld [smem:$0x3FDB];
	s0 =	simm.s32 @p2 $0x1  }
0x17: {  	s4 =	simm.s32 $0x1BF5;
	[smem:$0x3F86] =	sst s0  }
0x18: {  	s0 =	sld [smem:$0x3F69];
	_ =	swait.ge [sflag:s4], $0x0  }
0x19: {  	s7 =	sld [smem:$0x3F6A]  }
0x1a: {  	s8 =	sadd.s32 $0xFFFFE003, lr  }
0x1b: {  	s9 =	sadd.s32 $0xFFFFFEF7, lr;
	s5 =	simm.s32 $0xFFFFFFFF;
	p2 =	slt.u32 s8, $0xFFFFF086  }
0x1c: {  	p1 =	slt.u32 s9, $0xF7A;
	s5 =	simm.s32 @!p2 $0x0  }
0x1d: {  	s5 =	simm.s32 @p1 $0x1;
	p0 =	seq.s32 s7, s2  }
0x1e: {  	s7 =	smul.u32 @!p0 $0xF7A, s2;
	p2 =	seq.s32 @!p0 s5, $0x0  }
0x1f: {  	s9 =	smul.u32 $0xF7A, s1;
	s8 =	simm.s32 @!p0 $0x1BF5;
	p2 =	por !p2, p0  }
0x20: {  	[sflag:s8] =	ssyncset.s32 @!p0 $0xFFFFF086;
	s6 =	sadd.s32 @!p0 s3, s7;
	s7 =	simm.s32 @!p0 $0x108  }
0x21: {  	s3 =	sadd.s32 s3, s9;
	s6 =	sadd.s32 @!p0 $0x88, s6;
	s7 =	simm.s32 @p2 $0x1082  }
0x22: {  	[simem:s7], [sflag:s8] =	dma.local @!p0 [hbm:s6], $0xF7A  }
0x23: {  	s9 =	sor.u32 $0xD0000000, s2;
	s6 =	simm.s32 $0x108;
	_ =	swait.ge @!p0 [sflag:s8], $0x0  }
0x24: {  	s3 =	sadd.s32 $0x88, s3;
	s6 =	simm.s32 @!p1 $0x1082;
	[sflag:s4] =	ssyncset.s32 $0xFFFFF086  }
0x25: {  	[simem:s6], [sflag:s4] =	dma.local [hbm:s3], $0xF7A  }
0x26: {  	[smem:$0x3F6A] =	sst s1;
	(tag) =	ssettag s2;
	_ =	strace s9  }
0x27: {  	s1 =	sld [smem:$0x3F7A]  }
0x28: {  	s2 =	sld [smem:$0x3F7B]  }
0x29: {  	s4 =	sld [smem:$0x3F7D]  }
0x2a: {  	p0 =	seq.s32 s5, $0x0;
	s5 =	sld [smem:$0x3F7E]  }
0x2b: {  	s6 =	sld [smem:$0x3F7F]  }
0x2c: {  	s7 =	sld [smem:$0x3F80]  }
0x2d: {  	s3 =	simm.s32 $0x108;
	s8 =	sld [smem:$0x3F81]  }
0x2e: {  	s3 =	simm.s32 @!p0 $0x1082;
	s9 =	sld [smem:$0x3F82]  }
0x2f: {  	lr =	sadd.s32 s0, s3;
	s0 =	sld [smem:$0x3F79]  }
0x30: {  	s3 =	sld [smem:$0x3F7C]  }
0x31: {  	[smem:$0x3F85] =	sst s10  }
0x32: {  	s10 =	sld [smem:$0x3F83];
	_ =	sdelay $0x3  }
0x33: {  	p0 =	seq.s32 s10, $0x1;
	s10 =	sld [smem:$0x3F85];
	_ =	sdelay $0x3  }
0x34: {  	[smem:$0x3F85] =	sst s10  }
0x35: {  	s10 =	sld [smem:$0x3F84];
	_ =	sdelay $0x3  }
0x36: {  	p1 =	seq.s32 s10, $0x1;
	s10 =	sld [smem:$0x3F85];
	_ =	sdelay $0x3  }
0x37: {  	[smem:$0x3F85] =	sst s10  }
0x38: {  	s10 =	sld [smem:$0x3F86]  }
0x39: {  	_ = 	snop;
	(pc) =	sbr.ind lr, $3  }
0x3a: {  	_ = 	snop  }
0x3b: {  	_ = 	snop  }
0x3c: {  	p2 =	seq.s32 s10, $0x1;
	s10 =	sld [smem:$0x3F85]  }
0x3d: {  	_ =	shalt  }
0x3e: {  	_ =	shalt  }
0x3f: {  	_ =	shalt  }
0x40: {  	_ =	shalt  }
0x41: {  	_ =	shalt  }
0x42: {  	_ =	shalt  }
0x43: {  	_ =	shalt  }
0x44: {  	_ =	shalt  }
0x45: {  	_ =	shalt  }
0x46: {  	_ =	shalt  }
0x47: {  	_ =	shalt  }
0x48: {  	_ =	shalt  }
0x49: {  	_ =	shalt  }
0x4a: {  	_ =	shalt  }
0x4b: {  	_ =	shalt  }
0x4c: {  	_ =	shalt  }
0x4d: {  	_ =	shalt  }
0x4e: {  	_ =	shalt  }
0x4f: {  	_ =	shalt  }
0x50: {  	_ =	shalt  }
0x51: {  	_ =	shalt  }
0x52: {  	_ =	shalt  }
0x53: {  	_ =	shalt  }
0x54: {  	_ =	shalt  }
0x55: {  	_ =	shalt  }
0x56: {  	_ =	shalt  }
0x57: {  	_ =	shalt  }
0x58: {  	_ =	shalt  }
0x59: {  	_ =	shalt  }
0x5a: {  	_ =	shalt  }
0x5b: {  	_ =	shalt  }
0x5c: {  	_ =	shalt  }
0x5d: {  	_ =	shalt  }
0x5e: {  	_ =	shalt  }
0x5f: {  	_ =	shalt  }
0x60: {  	_ =	shalt  }
0x61: {  	_ =	shalt  }
0x62: {  	_ =	shalt  }
0x63: {  	_ =	shalt  }
0x64: {  	_ =	shalt  }
0x65: {  	_ =	shalt  }
0x66: {  	_ =	shalt  }
0x67: {  	_ =	shalt  }
0x68: {  	_ =	shalt  }
0x69: {  	_ =	shalt  }
0x6a: {  	_ =	shalt  }
0x6b: {  	_ =	shalt  }
0x6c: {  	_ =	shalt  }
0x6d: {  	_ =	shalt  }
0x6e: {  	_ =	shalt  }
0x6f: {  	_ =	shalt  }
0x70: {  	_ =	shalt  }
0x71: {  	_ =	shalt  }
0x72: {  	_ =	shalt  }
0x73: {  	_ =	shalt  }
0x74: {  	_ =	shalt  }
0x75: {  	_ =	shalt  }
0x76: {  	_ =	shalt  }
0x77: {  	_ =	shalt  }
0x78: {  	_ =	shalt  }
0x79: {  	_ =	shalt  }
0x7a: {  	_ =	shalt  }
0x7b: {  	_ =	shalt  }
0x7c: {  	_ =	shalt  }
0x7d: {  	_ =	shalt  }
0x7e: {  	_ =	shalt  }
0x7f: {  	_ =	shalt  }
0x80: {  	_ =	shalt  }
0x81: {  	_ =	shalt  }
0x82: {  	_ =	shalt  }
0x83: {  	_ =	shalt  }
0x84: {  	_ =	shalt  }
0x85: {  	_ =	shalt  }
0x86: {  	_ =	shalt  }
0x87: {  	_ =	shalt  }
.Lfunc_end0:
.L_simem_size_0:
called_computation_lowered:
.L_overlay_start_0:
0x88: {  	s2 =	sld [smem:$0x3FD9]  }
0x89: {  	s3 =	sld [smem:$0x3FFE];
	_ =	sdelay $0x1  }
0x8a: {  	s1 =	srdreg.scid  }
0x8b: {  	s0 =	sand.u32 $0x1, s1  }
0x8c: {  	s17 =	sshll.u32 s0, $0xA;
	s2 =	sadd.s32 s3, s2  }
0x8d: {  	s2 =	sadd.s32 s2, s17  }
0x8e: {  	[smem:$0x3F91] =	sst s2  }
0x8f: {  	_ = 	snop  }
0x90: {  	(tm) =	ssettm $0x1  }
0x91: {  	s18 =	sld [smem:$0x3FFB];
	_ =	sdelay $0x3  }
0x92: {  	_ =	strace s18  }
0x93: {  	s2 =	sld [smem:$0x3FFC];
	_ =	sdelay $0x3  }
0x94: {  	_ =	strace s2  }
0x95: {  	s2 =	sld [smem:$0x3FFD];
	_ =	sdelay $0x3  }
0x96: {  	_ =	strace s2  }
0x97: {  	_ =	strace $0x8FFFFFFF  }
0x98: {  	s19 =	sld [smem:$0x3FDB];
	_ =	sdelay $0x1  }
0x99: {  	s20 =	simm.s32 $_scs_section_size  }
0x9a: {  	s4 =	simm.s32 $_size__tile_overlayer_lowered;
	s5 =	simm.s32 $_tile_overlayer_lowered  }
0x9b: {  	s6 =	simm.s32 $0x1BFF;
	s21 =	sshll.u32 s5, $0x1;
	s3 =	sadd.s32 s20, s19  }
0x9c: {  	s22 =	simm.s32 $0x0;
	s4 =	sshll.u32 s4, $0x1;
	s5 =	sadd.s32 s21, s3  }
0x9d: {  	[timem:s22], [sflag:s6] =	dma.local [hbm:s5], s4  }
0x9e: {  	_ =	swait.ge [sflag:s6], s4  }
0x9f: {  	s4 =	ssub.s32 $0x0, s4;
	[sflag:s6] =	ssyncset.done $0x0  }
0xa0: {  	[sflag:s6] =	ssyncadd.s32 s4;
	_ =	sdelay $0x1  }
0xa1: {  	s23 =	simm.s32 $0x1B8B  }
0xa2: {  	_ =	swait.ge [sflag:s23], $0x1  }
0xa3: {  	[sflag:s23] =	ssyncset.done $0x0  }
0xa4: {  	[sflag:s23] =	ssyncadd.s32 $0xFFFFFFFF  }
0xa5: {  	s4 =	sld [smem:$0x0]  }
0xa6: {  	s5 =	sand.u32 $0xFFFFFFFE, s1  }
0xa7: {  	p0 =	sne.s32 s1, s5  }
0xa8: {  	s5 =	sshll.u32 @p0 s5, $0xE  }
0xa9: {  	s5 =	sadd.s32 @p0 $0x11B8D, s5;
	s6 =	sshll.u32 @p0 s4, $0x11  }
0xaa: {  	s5 =	sor.u32 @p0 s6, s5  }
0xab: {  	[sflag:s5] =	ssyncadd.remote.s32 @p0 $0x1;
	_ =	sdelay $0x1  }
0xac: {  	s5 =	simm.s32 @p0 $0x1B8D  }
0xad: {  	_ =	swait.eq @p0 [sflag:s5], $0x1  }
0xae: {  	[sflag:s5] =	ssyncadd.s32 @p0 $0xFFFFFFFF  }
0xaf: {  	s6 =	sshll.u32 @!p0 s1, $0xE  }
0xb0: {  	s6 =	sor.u32 @!p0 $0x4000, s6;
	s5 =	simm.s32 @!p0 $0x1B8D  }
0xb1: {  	s7 =	sshll.u32 @!p0 s4, $0x11;
	s6 =	sadd.s32 @!p0 $0x11B8D, s6;
	_ =	swait.eq @!p0 [sflag:s5], $0x1  }
0xb2: {  	[sflag:s5] =	ssyncadd.s32 @!p0 $0xFFFFFFFF;
	s5 =	sor.u32 @!p0 s7, s6  }
0xb3: {  	s25 =	simm.s32 $0x1B8E;
	s24 =	sld [smem:$0x3FFE];
	[sflag:s5] =	ssyncadd.remote.s32 @!p0 $0x1  }
0xb4: {  	s26 =	simm.s32 $execute0_lowered;
	[smem:$0x3FD2] =	sst s25  }
0xb5: {  	s6 =	sshll.u32 s26, $0x1;
	_ =	strace $0x8000004F;
	[dreg:$0x1] =	wrdreg $0xFFFFFFFF  }
0xb6: {  	s28 =	simm.s32 $_size_execute0_lowered;
	s3 =	sadd.s32 s3, s6;
	[dreg:$0x0] =	wrdreg $0x0  }
0xb7: {  	s6 =	sshll.u32 s28, $0x1;
	[dreg:$0x2] =	wrdreg s3  }
0xb8: {  	[dreg:$0x3] =	wrdreg s6  }
0xb9: {  	[dreg:$0x4] =	wrdreg $0xC0  }
0xba: {  	_ =	task [dreg:s22], $0x5FFFF  }
0xbb: {  	[dreg:$0x1] =	wrdreg $0xFFFFFFFF  }
0xbc: {  	[dreg:$0x0] =	wrdreg $0x60  }
0xbd: {  	[dreg:$0x2] =	wrdreg s24  }
0xbe: {  	[dreg:$0x3] =	wrdreg s1  }
0xbf: {  	[dreg:$0x4] =	wrdreg s4  }
0xc0: {  	[dreg:$0x5] =	wrdreg $0x9  }
0xc1: {  	_ =	task.clear_ibuf [dreg:s22], $0x6FFFF;
	_ =	strace $0x9000004F  }
0xc2: {  	s29 =	simm.s32 $0x9;
	_ =	strace $0x80000051  }
0xc3: {  	_ =	swait.ge [sflag:s29], $0x1  }
0xc4: {  	[sflag:s29] =	ssyncadd.s32 $0xFFFFFFFF  }
0xc5: {  	_ =	strace $0x90000051  }
0xc6: {  	_ =	sfence  }
0xc7: {  	s30 =	sld [smem:$0x0];
	_ =	sdelay $0x2  }
0xc8: {  	s31 =	sshll.u32 s1, $0xD;
	s1 =	sshrl.u32 s1, $0x2  }
0xc9: {  	s4 =	sand.u32 $0x4000, s31;
	s1 =	sadd.s32 s1, s30  }
0xca: {  	s0 =	sor.u32 s4, s0;
	s1 =	sshll.u32 s1, $0x11  }
0xcb: {  	s0 =	sor.u32 s1, s0  }
0xcc: {  	s0 =	sadd.s32 $0x8F2B, s0  }
0xcd: {  	[sflag:s0] =	ssyncadd.remote.s32 $0x1  }
0xce: {  	_ =	sfence.sel $0xFFFF  }
0xcf: {  	[dreg:$0x0] =	wrdreg $0xFFFFFFFF;
	(pc) =	sbr.abs _section_cstart, $3  }
0xd0: {  	[dreg:$0x1] =	wrdreg $0xFFFFFFFF  }
0xd1: {  	_ =	task.clear_ibuf [dreg:s22], $0x2FFFF;
	_ =	strace $0x9FFFFFFF  }
0xd2: {  	(tm) =	ssettm $0x7FFFFFFF  }
0xd3: {  	_ =	shalt  }
tec
execute0_lowered:
.L_overlay_start_1:
0x0: {  	(tag) =	ssettag $0x1  }
0x1: {  	s14 =	rddreg [dreg:$0x0]  }
0x2: {  	s2 =	rddreg [dreg:$0x1];
	_ =	strace $0x80000050;
	s0 =	simm.s32 $0x1  }
0x3: {  	v0 =	vimm.s32 $0x0;
	[sflag:s0] =	ssyncpa.u1 $0x0;
	s0 =	simm.s32 $0x108  }
0x4: {  	[tilespmem:s0+$0x70] =	vst v0  }
0x5: {  	[tilespmem:s0+$0x60] =	vst v0  }
0x6: {  	[tilespmem:s0+$0x50] =	vst v0  }
0x7: {  	[tilespmem:s0+$0x40] =	vst v0  }
0x8: {  	[tilespmem:s0+$0x30] =	vst v0  }
0x9: {  	s3 =	simm.s32 $0x40;
	s1 =	sadd.s32 $0x9DA00, s14;
	[tilespmem:s0+$0x20] =	vst v0  }
0xa: {  	s15 =	sadd.s32 $0x6CA00, s14;
	s6 =	sadd.s32 $0xC4C00, s14;
	s5 =	sand.u32 $0x1, s2;
	[tilespmem:s0+$0x10] =	vst v0  }
.LBB2_1:
0xb: {  	s3 =	sadd.s32 $0x40, s3;
	[tilespmem:s0+$0x0] =	vst v0;
	s0 =	sadd.s32 $0x80, s0  }
0xc: {  	p0 =	slt.u32 s3, $0x3C40;
	[tilespmem:s0+$0x70] =	vst v0  }
0xd: {  	[tilespmem:s0+$0x60] =	vst v0  }
.Ltmp0:
0xe: {  	[tilespmem:s0+$0x50] =	vst v0;
	(pc) =	sbr.rel @p0 .LBB2_1-.Ltmp0, $4  }
0xf: {  	[tilespmem:s0+$0x40] =	vst v0  }
0x10: {  	[tilespmem:s0+$0x30] =	vst v0  }
0x11: {  	[tilespmem:s0+$0x20] =	vst v0  }
0x12: {  	[tilespmem:s0+$0x10] =	vst v0  }
0x13: {  	s9 =	stileid.u32  }
0x14: {  	s2 =	smul.u32 $0x2A, s9  }
0x15: {  	s3 =	smin.u32 s9, $0x3  }
0x16: {  	s2 =	sadd.s32 s3, s2  }
0x17: {  	p0 =	slt.u32 s9, $0x3;
	s7 =	smul.u32 $0xF0, s2;
	s2 =	simm.s32 $0x2850  }
0x18: {  	s2 =	simm.s32 @!p0 $0x2760  }
0x19: {  	s2 =	sadd.s32 s2, s7  }
0x1a: {  	s8 =	smin.u32 s2, $0x27800  }
0x1b: {  	s2 =	ssub.s32 s8, s7  }
0x1c: {  	p0 =	sgt.s32 s2, $0x0  }
0x1d: {  	s29 =	simm.s32 $0x2;
	s10 =	simm.s32 $0x9;
	s2 =	simm.s32 @!p0 $0x0  }
0x1e: {  	s4 =	simm.s32 $0xA;
	s11 =	simm.s32 $0xB;
	s28 =	smulhi.u32 $0x88888889, s2  }
0x1f: {  	[dreg:$0x4] =	wrdreg s5;
	s31 =	smul.u32 $0x4F00, s5;
	s12 =	simm.s32 $0x1  }
0x20: {  	s22 =	simm.s32 $0x0;
	s18 =	simm.s32 $0xC;
	s30 =	sshrl.u32 s28, $0x7  }
0x21: {  	s20 =	simm.s32 $0x0;
	s21 =	simm.s32 $0x0;
	s3 =	smul.u32 $0xF0, s30  }
.Ltmp1:
0x22: {  	[tilespmem:s0+$0x0] =	vst v0;
	v0 =	vimm.s32 $0xFFFFFFFF;
	[sflag:s29] =	ssyncpa.u1 $0x0;
	s16 =	sshll.u32 s9, $0x8;
	(pc) =	sbr.rel .LBB2_3-.Ltmp1, $4  }
0x23: {  	[tilespmem:$0xF208] =	vst v0;
	[sflag:s10] =	ssyncpa.u1 $0x0;
	p0 =	sne.s32 s2, s3;
	s2 =	simm.s32 $0x1  }
0x24: {  	s14 =	sadd.s32 s31, s14;
	[sflag:s4] =	ssyncpa.u1 $0x0;
	s2 =	simm.s32 @!p0 $0x0  }
0x25: {  	s15 =	sadd.s32 s31, s15;
	[sflag:s11] =	ssyncpa.u1 $0x0;
	s13 =	sadd.s32 s2, s30  }
0x26: {  	v0 =	vlaneseq.u32;
	s19 =	smov.u32 s7;
	p0 =	por $0x0, $0x0;
	s17 =	sadd.s32 $0x1, s13  }
.LBB2_18:
0x27: {  	s0 =	sshrl.u32 s31, $0x2  }
.LBB2_20:
0x28: {  	_ =	swait.ge [sflag:s18], s0  }
0x29: {  	s31 =	ssub.s32 $0x0, s0;
	v1 =	vmov s24;
	vm0 =	veq.s32 v0, $0x0;
	[sflag:s18] =	ssyncset.done $0x0  }
0x2a: {  	vm15 =	veq.s32 v0, $0x2;
	v1 =	vsel vm0, s30, v1;
	[sflag:s18] =	ssyncadd.s32 s31  }
0x2b: {  	v1 =	vsel vm15, s22, v1;
	[sflag:s18] =	ssyncpa.u1 $0x1  }
0x2c: {  	[tilespmem:$0xF208] =	vst v1  }
.LBB2_21:
0x2d: {  	s0 =	sadd.s32 $0xF0, s19  }
0x2e: {  	s2 =	smov.u32 s7;
	p1 =	slt.s32 s0, s8  }
0x2f: {  	s2 =	smov.u32 @p1 s0;
	p1 =	sne.s32 s21, s17  }
.Ltmp2:
0x30: {  	_ = 	snop;
	(pc) =	sbr.rel @!p1 .LBB2_22-.Ltmp2, $3  }
0x31: {  	_ =	sdelay $0x1  }
0x32: {  	s22 =	smov.u32 s20;
	s31 =	sadd.s32 $0x1, s21;
	s20 =	smov.u32 s19  }
0x33: {  	p0 =	por !p0, !p0;
	s21 =	smov.u32 s31;
	s19 =	smov.u32 s2  }
.LBB2_3:
0x34: {  	p1 =	sge.u32 s21, s13  }
0x35: {  	s0 =	smulhi.u32 @!p1 $0xAAAAAAAB, s21  }
0x36: {  	s2 =	smov.u32 s19;
	p2 =	sgt.s32 @!p1 s19, $0x27710  }
0x37: {  	s3 =	sshra.s32 @!p1 s19, $0x1F;
	p2 =	por !p2, p1;
	s0 =	sshrl.u32 @!p1 s0, $0x1  }
0x38: {  	s3 =	sand.u32 @!p1 s3, s19;
	s2 =	simm.s32 @p2 $0x27710;
	s0 =	smul.u32 @!p1 $0x3, s0  }
0x39: {  	s2 =	ssub.s32 @!p1 s2, s3  }
0x3a: {  	s2 =	sadd.s32 @!p1 $0xFFFD88F0, s2;
	s0 =	ssub.s32 @!p1 s21, s0  }
0x3b: {  	s3 =	sshll.u32 @!p1 s2, $0x2;
	p2 =	sgt.s32 @!p1 s2, $0xEF;
	s0 =	smul.u32 @!p1 $0x3C0, s0  }
0x3c: {  	s4 =	sand.u32 @!p1 $0x7, s19;
	s2 =	ssub.s32 @!p1 $0x3C0, s3;
	p2 =	por !p2, p1  }
0x3d: {  	s3 =	sshrl.u32 @!p1 s19, $0x3;
	s2 =	sshrl.u32 @!p1 s2, $0x2;
	s0 =	sshrl.u32 @!p1 s0, $0x2  }
0x3e: {  	s3 =	sadd.s32 @!p1 s3, s14;
	s2 =	simm.s32 @!p2 $0x0;
	s0 =	sadd.s32 @!p1 $0x10248, s0  }
0x3f: {  	[tilespmem:s0], [sflag:$0xA] =	stream.linear.gather @!p1 [hbm4b:s3+s4], s2, $0x38;
	[tilespmem:$0x1F6F8] =	vst v63  }
0x40: {  	s0 =	sadd.s32 $0xFFFFFFFF, s21  }
0x41: {  	p1 =	sge.u32 s0, s13  }
0x42: {  	p2 =	sgt.s32 @!p1 s20, $0x27710  }
0x43: {  	s2 =	smov.u32 s20;
	s3 =	sshra.s32 @!p1 s20, $0x1F;
	p2 =	por !p2, p1  }
0x44: {  	s3 =	sand.u32 @!p1 s3, s20;
	s2 =	simm.s32 @p2 $0x27710  }
0x45: {  	s2 =	ssub.s32 @!p1 s2, s3  }
0x46: {  	s2 =	sadd.s32 @!p1 $0xFFFD88F0, s2  }
0x47: {  	s4 =	sand.u32 @!p1 $0x1, s0;
	s3 =	sshll.u32 @!p1 s2, $0x2  }
0x48: {  	p2 =	sgt.s32 @!p1 s2, $0xEF;
	s2 =	ssub.s32 @!p1 $0x3C0, s3;
	s3 =	smulhi.u32 @!p1 $0xAAAAAAAB, s0  }
0x49: {  	s23 =	smul.u32 @!p1 $0x3C0, s4;
	p2 =	por !p2, p1;
	s2 =	sshrl.u32 @!p1 s2, $0x2  }
0x4a: {  	s5 =	simm.s32 @!p1 $0xA;
	s2 =	simm.s32 @!p2 $0x0;
	s3 =	sshrl.u32 @!p1 s3, $0x1  }
0x4b: {  	s23 =	sshrl.u32 @!p1 s23, $0x2;
	_ =	swait.ge @!p1 [sflag:s5], s2;
	s3 =	smul.u32 @!p1 $0x3, s3  }
0x4c: {  	s23 =	sadd.s32 @!p1 $0x10518, s23;
	s24 =	ssub.s32 @!p1 $0x0, s2;
	[sflag:s5] =	ssyncset.done @!p1 $0x0  }
0x4d: {  	[sflag:s5] =	ssyncadd.s32 @!p1 s24;
	s5 =	sshrl.u32 @!p1 s20, $0x3;
	s0 =	ssub.s32 @!p1 s0, s3  }
0x4e: {  	s24 =	sand.u32 @!p1 $0x7, s20;
	s5 =	sadd.s32 @!p1 s5, s15;
	s0 =	smul.u32 @!p1 $0x3C0, s0  }
0x4f: {  	[tilespmem:s23], [sflag:$0xB] =	stream.linear.gather @!p1 [hbm4b:s5+s24], s2, $0x38;
	[tilespmem:$0x1F6F8] =	vst v63  }
0x50: {  	s3 =	ssub.s32 @!p1 $0x27800, s20;
	s2 =	smul.u32 @!p1 $0x1E000, s4  }
0x51: {  	p2 =	slt.s32 @!p1 s3, $0xF0  }
0x52: {  	p2 =	por !p2, p1;
	s0 =	sshrl.u32 @!p1 s0, $0x2;
	s2 =	sshrl.u32 @!p1 s2, $0x2  }
0x53: {  	s3 =	simm.s32 @p2 $0xF0;
	s0 =	sadd.s32 @!p1 $0x10248, s0;
	s2 =	sor.u32 @!p1 $0x106F8, s2  }
0x54: {  	[tilespmem:s2], [sflag:$0x9] =	stream.indirect.gather @!p1 [hbm4b:s6+s3], $0x80, s0, s3, $0xb8;
	[tilespmem:$0x1F6F8] =	vst v63  }
0x55: {  	p1 =	slt.u32 s21, $0x2  }
.Ltmp3:
0x56: {  	_ = 	snop;
	(pc) =	sbr.rel @p1 .LBB2_21-.Ltmp3, $1  }
0x57: {  	_ =	sdelay $0x3  }
0x58: {  	p1 =	sgt.s32 s22, $0x27710  }
0x59: {  	s0 =	smov.u32 s22;
	s2 =	sshra.s32 s22, $0x1F;
	s3 =	ssub.s32 $0x27800, s22  }
0x5a: {  	s0 =	simm.s32 @!p1 $0x27710;
	s2 =	sand.u32 s2, s22;
	p1 =	slt.s32 s3, $0xF0  }
0x5b: {  	s0 =	ssub.s32 s0, s2;
	s3 =	simm.s32 @!p1 $0xF0  }
0x5c: {  	s0 =	sadd.s32 $0xFFFD88F0, s0;
	s25 =	sshll.u32 s3, $0x7  }
0x5d: {  	s26 =	sshll.u32 s0, $0x2;
	s2 =	sand.u32 $0x3FFFFF80, s25  }
0x5e: {  	p1 =	sgt.s32 s0, $0xEF;
	s29 =	ssub.s32 $0x3C0, s26;
	_ =	swait.ge [sflag:s10], s2  }
0x5f: {  	s2 =	ssub.s32 $0x0, s2;
	[sflag:s10] =	ssyncset.done $0x0;
	s0 =	sshrl.u32 s29, $0x2  }
0x60: {  	[sflag:s10] =	ssyncadd.s32 s2;
	s0 =	simm.s32 @p1 $0x0  }
0x61: {  	_ =	swait.ge [sflag:s11], s0  }
0x62: {  	s0 =	ssub.s32 $0x0, s0;
	[sflag:s11] =	ssyncset.done $0x0  }
0x63: {  	[sflag:s11] =	ssyncadd.s32 s0  }
0x64: {  	v1 =	vld [tilespmem:$0xF208];
	_ =	sdelay $0x4  }
0x65: {  	(v2sf) =	vpush v1, $0x0  }
0x66: {  	(v2sf) =	vpush v1, $0x1  }
0x67: {  	(v2sf) =	vpush v1, $0x2;
	_ =	sdelay $0x3  }
0x68: {  	s0 =	sadd.s32 $0xF0, s22  }
0x69: {  	s2 =	ssub.s32 $0x4F000, s22;
	p1 =	slt.s32 s8, s0  }
0x6a: {  	s0 =	smov.u32 @p1 s8;
	p1 =	sgt.s32 s2, $0x0  }
0x6b: {  	s26 =	ssub.s32 s0, s22;
	s2 =	simm.s32 @!p1 $0x0  }
0x6c: {  	p1 =	slt.s32 s2, s26  }
0x6d: {  	s26 =	smov.u32 @p1 s2  }
0x6e: {  	s25 =	simm.s32 $0x1;
	p1 =	slt.s32 s26, $0x1  }
.Ltmp4:
0x6f: {  	s25 =	simm.s32 @!p0 $0x0;
	(pc) =	sbr.rel @p1 .LBB2_8-.Ltmp4, $4  }
0x70: {  	s31 =	smul.u32 $0x3C0, s25  }
0x71: {  	s28 =	spop (v2sf)  }
0x72: {  	s0 =	sshrl.u32 s31, $0x2;
	s30 =	spop (v2sf)  }
0x73: {  	s23 =	sadd.s32 $0x10518, s0;
	s22 =	spop (v2sf)  }
0x74: {  	s0 =	smin.u32 s26, $0x10  }
0x75: {  	v1 =	vmov s0  }
0x76: {  	p2 =	sgt.s32 s26, $0x10;
	vm1 =	vgt.u32 v1, v0  }
.Ltmp5:
0x77: {  	_ = 	snop;
	(pc) =	sbr.rel @!p2 .LBB2_7-.Ltmp5, $2  }
0x78: {  	_ =	sdelay $0x2  }
0x79: {  	s4 =	simm.s32 $0x10;
	s24 =	sadd.s32 $0xFFFFFFF0, s26;
	s0 =	smov.u32 s23;
	vm0 =	vmmov vm1  }
.LBB2_6:
0x7a: {  	s2 =	smin.u32 s24, $0x10;
	s4 =	sadd.s32 $0x10, s4;
	v1 =	vld.msk [tilespmem:s0+$0x0 ss:$0x1], vm1  }
0x7b: {  	v2 =	vmov s2;
	p2 =	slt.s32 s4, s26  }
0x7c: {  	vm1 =	vgt.u32 v2, v0  }
.Ltmp6:
0x7d: {  	(pc) =	sbr.rel @p2 .LBB2_6-.Ltmp6, $3  }
0x7e: {  	_ =	sdelay $0x1  }
0x7f: {  	v1 =	vshll.u32 v1, $0x4  }
0x80: {  	s24 =	sadd.s32 $0xFFFFFFF0, s24;
	[tilespmem:s0+$0x0] =	vst.msk vm0, v1;
	s0 =	sadd.s32 $0x10, s0;
	vm0 =	vmmov vm1  }
.LBB2_7:
0x81: {  	_ =	sdelay $0x4  }
0x82: {  	v1 =	vld.msk [tilespmem:s0+$0x0 ss:$0x1], vm1;
	_ =	sdelay $0x4  }
0x83: {  	v1 =	vshll.u32 v1, $0x4  }
0x84: {  	[tilespmem:s0+$0x0] =	vst.msk vm0, v1  }
.LBB2_8:
0x85: {  	s0 =	sand.u32 $0x1, s21  }
0x86: {  	s0 =	smul.u32 $0xF0, s0  }
0x87: {  	p2 =	sne.s32 s30, $0xFFFFFFFF  }
0x88: {  	v1 =	vld.msk @!p2 [tilespmem:s0+$0x10518], $0x1;
	_ =	sdelay $0x4  }
0x89: {  	(v2sf) =	vpush @!p2 v1, $0x0;
	_ =	sdelay $0xc  }
.Ltmp7:
0x8a: {  	_ = 	snop;
	(pc) =	sbr.rel @p1 .LBB2_19-.Ltmp7, $4  }
0x8b: {  	_ = 	snop  }
0x8c: {  	s29 =	spop @!p2 (v2sf)  }
0x8d: {  	s22 =	simm.s32 @!p2 $0x0;
	s24 =	smov.u32 s29  }
0x8e: {  	[sflag:s18] =	ssyncpa.u1 $0x0;
	s29 =	smov.u32 @p2 s28;
	s24 =	smov.u32 @p2 s30  }
0x8f: {  	v1 =	vld.msk [tilespmem:s23+$0x0], $0x1;
	_ =	sdelay $0x4  }
0x90: {  	(v2sf) =	vpush v1, $0x0;
	_ =	sdelay $0xe  }
0x91: {  	s2 =	smul.u32 $0x1E000, s25;
	s0 =	spop (v2sf)  }
0x92: {  	s26 =	ssub.s32 $0x0, s26;
	p1 =	seq.s32 s29, s0  }
0x93: {  	s30 =	sadd.s32 $0x1, s26;
	s2 =	sshrl.u32 s2, $0x2;
	p2 =	sgt.s32 @!p1 s29, $0x0  }
0x94: {  	s25 =	sor.u32 $0x10738, s2;
	s2 =	smov.u32 s29;
	p2 =	por !p2, p1  }
0x95: {  	s2 =	simm.s32 @p2 $0x0;
	p2 =	seq.s32 s30, $0x0  }
.Ltmp8:
0x96: {  	_ = 	snop;
	(pc) =	sbr.rel @p2 .LBB2_11-.Ltmp8, $4  }
0x97: {  	_ = 	snop  }
0x98: {  	s28 =	simm.s32 $0x0;
	s31 =	sadd.s32 $0x1, s23;
	s2 =	smin.u32 @!p1 s2, $0x270F0  }
0x99: {  	s4 =	simm.s32 @!p1 $0x1;
	s5 =	simm.s32 @!p1 $0x7988;
	s3 =	sand.u32 @!p1 $0x3FFF8, s2  }
0x9a: {  	s4 =	smov.u32 @p1 s28;
	s2 =	sand.u32 @!p1 $0x7, s2;
	s3 =	sadd.s32 @!p1 s1, s3  }
.LBB2_10:
0x9b: {  	s9 =	smov.u32 s4  }
0x9c: {  	[tilespmem:s5], [sflag:$0x2] =	stream.linear.gather @!p1 [hbm4b:s3+s2], $0x80, $0x38;
	[tilespmem:$0x1F6F8] =	vst v63  }
0x9d: {  	s30 =	sadd.s32 $0x1, s30;
	s2 =	smov.u32 s0;
	v1 =	vld.msk [tilespmem:s31+$0x0], $0x1  }
0x9e: {  	p2 =	seq.s32 s30, $0x0;
	_ =	sdelay $0x3  }
0x9f: {  	(v2sf) =	vpush v1, $0x0;
	_ =	sdelay $0xe  }
0xa0: {  	s0 =	spop (v2sf)  }
0xa1: {  	p1 =	seq.s32 s2, s0  }
0xa2: {  	p3 =	sgt.s32 @!p1 s2, $0x0;
	s3 =	sshll.u32 @!p1 s4, $0x9;
	s4 =	sadd.s32 @!p1 $0x1, s4  }
.Ltmp9:
0xa3: {  	p3 =	por !p3, p1;
	s3 =	sshra.s32 @!p1 s3, $0x2;
	(pc) =	sbr.rel @!p2 .LBB2_10-.Ltmp9, $4  }
0xa4: {  	s4 =	smov.u32 @p1 s9;
	s2 =	simm.s32 @p3 $0x0;
	s5 =	sadd.s32 @!p1 $0x7988, s3  }
0xa5: {  	s2 =	smin.u32 @!p1 s2, $0x270F0  }
0xa6: {  	s3 =	sand.u32 @!p1 $0x3FFF8, s2;
	s2 =	sand.u32 @!p1 $0x7, s2  }
0xa7: {  	s31 =	sadd.s32 $0x1, s31;
	s3 =	sadd.s32 @!p1 s1, s3  }
.LBB2_11:
0xa8: {  	[tilespmem:s5], [sflag:$0x2] =	stream.linear.gather @!p1 [hbm4b:s3+s2], $0x80, $0x38;
	[tilespmem:$0x1F6F8] =	vst v63  }
.Ltmp10:
0xa9: {  	s0 =	sshll.u32 s4, $0x7;
	(pc) =	sbr.rel .LBB2_12-.Ltmp10, $4  }
0xaa: {  	s30 =	simm.s32 $0x2;
	s0 =	sand.u32 $0x3FFFFF80, s0  }
0xab: {  	_ =	swait.ge [sflag:s30], s0  }
0xac: {  	s0 =	ssub.s32 $0x0, s0;
	[sflag:s30] =	ssyncset.done $0x0  }
0xad: {  	s31 =	simm.s32 $0x0;
	[sflag:s30] =	ssyncadd.s32 s0  }
.LBB2_13:
0xae: {  	v1 =	vld [tilespmem:s25+$0xFFFFFFC0];
	_ =	sdelay $0x3  }
0xaf: {  	s0 =	sshra.s32 s0, $0x2  }
0xb0: {  	[tilespmem:s0+$0x108] =	vst.add.f32.msk $0xffff, v1  }
0xb1: {  	v1 =	vld [tilespmem:s25+$0xFFFFFFD0];
	_ =	sdelay $0x4  }
0xb2: {  	[tilespmem:s0+$0x118] =	vst.add.f32.msk $0xffff, v1  }
0xb3: {  	v1 =	vld [tilespmem:s25+$0xFFFFFFE0];
	_ =	sdelay $0x4  }
0xb4: {  	[tilespmem:s0+$0x128] =	vst.add.f32.msk $0xffff, v1  }
0xb5: {  	v1 =	vld [tilespmem:s25+$0xFFFFFFF0];
	_ =	sdelay $0x4  }
0xb6: {  	[tilespmem:s0+$0x138] =	vst.add.f32.msk $0xffff, v1  }
0xb7: {  	v1 =	vld [tilespmem:s25+$0x0];
	_ =	sdelay $0x4  }
0xb8: {  	[tilespmem:s0+$0x148] =	vst.add.f32.msk $0xffff, v1  }
0xb9: {  	v1 =	vld [tilespmem:s25+$0x10];
	_ =	sdelay $0x4  }
0xba: {  	[tilespmem:s0+$0x158] =	vst.add.f32.msk $0xffff, v1  }
0xbb: {  	v1 =	vld [tilespmem:s25+$0x20];
	_ =	sdelay $0x4  }
0xbc: {  	[tilespmem:s0+$0x168] =	vst.add.f32.msk $0xffff, v1  }
0xbd: {  	v1 =	vld [tilespmem:s25+$0x30];
	_ =	sdelay $0x4  }
0xbe: {  	[tilespmem:s0+$0x178] =	vst.add.f32.msk $0xffff, v1  }
.LBB2_17:
0xbf: {  	s26 =	sadd.s32 $0x1, s26  }
0xc0: {  	p1 =	seq.s32 s26, $0x0  }
.Ltmp11:
0xc1: {  	_ = 	snop;
	(pc) =	sbr.rel @p1 .LBB2_18-.Ltmp11, $2  }
0xc2: {  	_ =	sdelay $0x2  }
0xc3: {  	s23 =	sadd.s32 $0x1, s23;
	s25 =	sadd.s32 $0x80, s25;
	s29 =	smov.u32 s30  }
.LBB2_12:
0xc4: {  	v1 =	vld.msk [tilespmem:s23+$0x0], $0x1;
	_ =	sdelay $0x4  }
0xc5: {  	(v2sf) =	vpush v1, $0x0;
	_ =	sdelay $0xe  }
0xc6: {  	s30 =	spop (v2sf)  }
0xc7: {  	p1 =	sne.s32 s29, s30  }
.Ltmp12:
0xc8: {  	_ = 	snop;
	(pc) =	sbr.rel @!p1 .LBB2_13-.Ltmp12, $2  }
0xc9: {  	_ =	sdelay $0x2  }
0xca: {  	s0 =	sshll.u32 s22, $0x9  }
0xcb: {  	p1 =	seq.s32 s29, s24  }
.Ltmp13:
0xcc: {  	_ = 	snop;
	(pc) =	sbr.rel @!p1 .LBB2_15-.Ltmp13, $1  }
0xcd: {  	_ =	sdelay $0x3  }
0xce: {  	s0 =	sshra.s32 s0, $0x2  }
.Ltmp14:
0xcf: {  	s0 =	sadd.s32 $0x108, s0;
	(pc) =	sbr.rel .LBB2_16-.Ltmp14, $4  }
0xd0: {  	[spmem:s16] =	stream.linear.scatter [tilespmem:s0], [sflag:$0x1], $0x80, $0x38;
	[tilespmem:$0x1F6F8] =	vst v63  }
0xd1: {  	_ =	swait.ge [sflag:s12], $0x80  }
0xd2: {  	[sflag:s12] =	ssyncset.done $0x0  }
0xd3: {  	[sflag:s12] =	ssyncadd.s32 $0xFFFFFF80  }
.LBB2_15:
0xd4: {  	s2 =	sshll.u32 s28, $0x9  }
0xd5: {  	s2 =	sshra.s32 s2, $0x2  }
0xd6: {  	v1 =	vld [tilespmem:s2+$0x7988];
	_ =	sdelay $0x3  }
0xd7: {  	s0 =	sshra.s32 s0, $0x2  }
0xd8: {  	[tilespmem:s0+$0x108] =	vst.add.f32.msk $0xffff, v1  }
0xd9: {  	v1 =	vld [tilespmem:s2+$0x7998];
	_ =	sdelay $0x4  }
0xda: {  	[tilespmem:s0+$0x118] =	vst.add.f32.msk $0xffff, v1  }
0xdb: {  	v1 =	vld [tilespmem:s2+$0x79A8];
	_ =	sdelay $0x4  }
0xdc: {  	[tilespmem:s0+$0x128] =	vst.add.f32.msk $0xffff, v1  }
0xdd: {  	v1 =	vld [tilespmem:s2+$0x79B8];
	_ =	sdelay $0x4  }
0xde: {  	[tilespmem:s0+$0x138] =	vst.add.f32.msk $0xffff, v1  }
0xdf: {  	v1 =	vld [tilespmem:s2+$0x79C8];
	_ =	sdelay $0x4  }
0xe0: {  	[tilespmem:s0+$0x148] =	vst.add.f32.msk $0xffff, v1  }
0xe1: {  	v1 =	vld [tilespmem:s2+$0x79D8];
	_ =	sdelay $0x4  }
0xe2: {  	[tilespmem:s0+$0x158] =	vst.add.f32.msk $0xffff, v1  }
0xe3: {  	v1 =	vld [tilespmem:s2+$0x79E8];
	_ =	sdelay $0x4  }
0xe4: {  	[tilespmem:s0+$0x168] =	vst.add.f32.msk $0xffff, v1  }
0xe5: {  	v1 =	vld [tilespmem:s2+$0x79F8];
	_ =	sdelay $0x2  }
0xe6: {  	p1 =	sgt.u32 s29, $0x270F0  }
0xe7: {  	s2 =	sand.u32 @!p1 $0x3FFF8, s29  }
0xe8: {  	s3 =	sadd.s32 $0x108, s0;
	[tilespmem:s0+$0x178] =	vst.add.f32.msk $0xffff, v1;
	s0 =	sadd.s32 @!p1 s1, s2;
	s2 =	sand.u32 @!p1 $0x7, s29  }
0xe9: {  	[hbm4b:s0+s2] =	stream.linear.scatter @!p1 [tilespmem:s3], [sflag:$0xC], $0x80, $0x38;
	[tilespmem:$0x1F6F8] =	vst v63  }
0xea: {  	s0 =	simm.s32 $0x0  }
0xeb: {  	s0 =	simm.s32 @!p1 $0x200  }
0xec: {  	s31 =	sadd.s32 s0, s31  }
.LBB2_16:
0xed: {  	s0 =	sadd.s32 $0x1, s22  }
0xee: {  	s2 =	smulhi.u32 $0x88888889, s0;
	_ =	sdelay $0x1  }
0xef: {  	v1 =	vld [tilespmem:s25+$0xFFFFFFC0];
	s2 =	sshrl.u32 s2, $0x7  }
0xf0: {  	s2 =	smul.u32 $0xF0, s2;
	_ =	sdelay $0x1  }
0xf1: {  	s22 =	ssub.s32 s0, s2  }
0xf2: {  	s0 =	sshll.u32 s22, $0x7  }
0xf3: {  	[tilespmem:s0+$0x108] =	vst v1  }
0xf4: {  	v1 =	vld [tilespmem:s25+$0xFFFFFFD0];
	_ =	sdelay $0x4  }
0xf5: {  	[tilespmem:s0+$0x118] =	vst v1  }
0xf6: {  	v1 =	vld [tilespmem:s25+$0xFFFFFFE0];
	_ =	sdelay $0x4  }
0xf7: {  	[tilespmem:s0+$0x128] =	vst v1  }
0xf8: {  	v1 =	vld [tilespmem:s25+$0xFFFFFFF0];
	_ =	sdelay $0x4  }
0xf9: {  	[tilespmem:s0+$0x138] =	vst v1  }
0xfa: {  	v1 =	vld [tilespmem:s25+$0x0];
	_ =	sdelay $0x4  }
0xfb: {  	[tilespmem:s0+$0x148] =	vst v1  }
0xfc: {  	v1 =	vld [tilespmem:s25+$0x10];
	_ =	sdelay $0x4  }
0xfd: {  	[tilespmem:s0+$0x158] =	vst v1  }
0xfe: {  	v1 =	vld [tilespmem:s25+$0x20];
	_ =	sdelay $0x4  }
0xff: {  	[tilespmem:s0+$0x168] =	vst v1  }
0x100: {  	v1 =	vld [tilespmem:s25+$0x30]  }
.Ltmp15:
0x101: {  	_ = 	snop;
	(pc) =	sbr.rel .LBB2_17-.Ltmp15, $2  }
0x102: {  	_ =	sdelay $0x2  }
0x103: {  	s28 =	sadd.s32 $0x1, s28;
	[tilespmem:s0+$0x178] =	vst v1  }
.LBB2_19:
.Ltmp16:
0x104: {  	(pc) =	sbr.rel .LBB2_20-.Ltmp16, $4  }
0x105: {  	_ = 	snop  }
0x106: {  	s0 =	simm.s32 $0x2  }
0x107: {  	_ =	swait.ge [sflag:s0], $0x0  }
0x108: {  	s30 =	smov.u32 s29;
	[sflag:s0] =	ssyncset.done $0x0;
	s0 =	simm.s32 $0x0  }
.LBB2_22:
0x109: {  	_ =	sfence.sel $0x180000  }
0x10a: {  	s0 =	simm.s32 $0x9;
	[bflag:$0x0] =	sbarrier.arrive $0xFFFF  }
0x10b: {  	s24 =	simm.s32 $0xA;
	[sflag:s0] =	ssyncpa.u1 $0x1  }
0x10c: {  	s25 =	simm.s32 $0xB;
	[sflag:s24] =	ssyncpa.u1 $0x1  }
0x10d: {  	s26 =	simm.s32 $0x2;
	[sflag:s25] =	ssyncpa.u1 $0x1  }
0x10e: {  	[sflag:s26] =	ssyncpa.u1 $0x1  }
0x10f: {  	v0 =	vld [tilespmem:$0xF208];
	_ =	sdelay $0x4  }
0x110: {  	(v2sf) =	vpush v0, $0x0  }
0x111: {  	(v2sf) =	vpush v0, $0x1;
	_ =	sdelay $0x1  }
0x112: {  	(v2sf) =	vpush v0, $0x2;
	_ =	sdelay $0xb  }
0x113: {  	s0 =	spop (v2sf)  }
0x114: {  	s2 =	spop (v2sf)  }
0x115: {  	s3 =	smov.u32 s0;
	p0 =	sne.s32 s0, s2  }
0x116: {  	s4 =	spop (v2sf);
	s3 =	simm.s32 @!p0 $0xFFFFFFFF  }
0x117: {  	v2 =	vimm.s32 $0x1;
	v3 =	vlaneseq.u32;
	p0 =	seq.s32 s4, $0xFFFFFFFF;
	v1 =	vmov s3  }
0x118: {  	s16 =	stileid.u32;
	v0 =	vperm.xlane v0, v2;
	p1 =	sne.s32 @!p0 s0, s2;
	v1 =	vperm.xlane v1, v3  }
0x119: {  	vm0 =	vcmask $0x3F04;
	s6 =	simm.s32 $0xF208;
	s0 =	simm.s32 @!p0 $0x1;
	p1 =	por !p1, p0  }
0x11a: {  	s3 =	sshll.u32 s16, $0x1;
	s2 =	sshll.u32 @!p0 s4, $0x9;
	s0 =	simm.s32 @p1 $0x0;
	v0 =	vsel vm0, v1, v0  }
0x11b: {  	s5 =	sor.u32 $0x1000, s3;
	s2 =	sshra.s32 @!p0 s2, $0x2;
	s0 =	sor.u32 @!p0 s0, s3;
	[tilespmem:$0xF208] =	vst v0  }
0x11c: {  	[spmem:s5] =	stream.linear.scatter [tilespmem:s6], [sflag:$0x1], $0x2, $0x38;
	[tilespmem:$0x1F6F8] =	vst v63  }
0x11d: {  	s2 =	sadd.s32 @!p0 $0x108, s2;
	s0 =	sshll.u32 @!p0 s0, $0x7  }
0x11e: {  	[spmem:s0] =	stream.linear.scatter @!p0 [tilespmem:s2], [sflag:$0x1], $0x80, $0x38;
	[tilespmem:$0x1F6F8] =	vst v63  }
0x11f: {  	s0 =	simm.s32 @!p0 $0x82  }
0x120: {  	s28 =	simm.s32 $0x1;
	s0 =	simm.s32 @p0 $0x2  }
0x121: {  	_ =	swait.ge [sflag:s28], s0  }
0x122: {  	s0 =	ssub.s32 $0x0, s0;
	[sflag:s28] =	ssyncset.done $0x0  }
0x123: {  	p0 =	sne.s32 s16, $0x0;
	[sflag:s28] =	ssyncadd.s32 s0  }
.Ltmp17:
0x124: {  	_ =	sfence.stream.spmem;
	(pc) =	sbr.rel @p0 .LBB2_39-.Ltmp17, $4  }
0x125: {  	s29 =	simm.s32 $0x3;
	[bflag:$0x0] =	sbarrier.arrive $0xFFFF  }
0x126: {  	s30 =	simm.s32 $0x4;
	[sflag:s29] =	ssyncpa.u1 $0x1  }
0x127: {  	s31 =	simm.s32 $0x3C;
	[sflag:s30] =	ssyncpa.u1 $0x1  }
0x128: {  	s15 =	rddreg [dreg:$0x4];
	[sflag:s31] =	ssyncpa.u1 $0x1  }
0x129: {  	_ =	sfence.stream.spmem;
	s0 =	simm.s32 $0x5  }
0x12a: {  	s2 =	simm.s32 $0x1000;
	s3 =	simm.s32 $0xF218;
	[sflag:s0] =	ssyncpa.u1 $0x0  }
0x12b: {  	[tilespmem:s3], [sflag:$0x5] =	stream.linear.gather [spmem:s2], $0x20, $0x38;
	[tilespmem:$0x1F6F8] =	vst v63  }
0x12c: {  	s26 =	simm.s32 $0x0;
	s28 =	simm.s32 $0xF238  }
0x12d: {  	[tilespmem:s28], [sflag:$0x5] =	stream.linear.gather [spmem:s26], $0x1000, $0x38;
	[tilespmem:$0x1F6F8] =	vst v63  }
0x12e: {  	_ =	swait.ge [sflag:s0], $0x1020  }
0x12f: {  	[sflag:s0] =	ssyncset.done $0x0  }
0x130: {  	s29 =	simm.s32 $0x0;
	[sflag:s0] =	ssyncadd.s32 $0xFFFFEFE0  }
0x131: {  	v0 =	vld.msk [tilespmem:s29+$0xF218], $0x1;
	_ =	sdelay $0x1  }
0x132: {  	s30 =	simm.s32 $0x1  }
0x133: {  	v1 =	vld.msk [tilespmem:s30+$0xF218], $0x1;
	_ =	sdelay $0x1  }
0x134: {  	(v2sf) =	vpush v0, $0x0;
	_ =	sdelay $0x2  }
0x135: {  	(v2sf) =	vpush v1, $0x0;
	_ =	sdelay $0x2  }
0x136: {  	s31 =	simm.s32 $0x2  }
0x137: {  	v0 =	vld.msk [tilespmem:s31+$0xF218], $0x1;
	_ =	sdelay $0x2  }
0x138: {  	s4 =	simm.s32 $0xFFFFFFFF;
	s5 =	simm.s32 $0xFFFFFFFF;
	s0 =	simm.s32 $0xC  }
.LBB2_24:
0x139: {  	s2 =	smov.u32 s5;
	s3 =	smov.u32 s4  }
0x13a: {  	s4 =	sshra.s32 s0, $0x2;
	p1 =	sne.s32 s0, $0x7C;
	s0 =	sadd.s32 $0x4, s0;
	(v2sf) =	vpush v0, $0x0  }
0x13b: {  	v0 =	vld.msk [tilespmem:s4+$0xF218], $0x1  }
.Ltmp18:
0x13c: {  	(pc) =	sbr.rel @p1 .LBB2_24-.Ltmp18, $4  }
0x13d: {  	s5 =	spop (v2sf)  }
0x13e: {  	p2 =	sne.s32 s3, $0xFFFFFFFF;
	s4 =	smov.u32 s5  }
0x13f: {  	p3 =	seq.s32 s5, $0xFFFFFFFF;
	s4 =	smov.u32 @p2 s3  }
0x140: {  	s5 =	smov.u32 @p3 s2;
	s4 =	smov.u32 @p3 s3  }
0x141: {  	(v2sf) =	vpush v0, $0x0;
	_ =	sdelay $0x8  }
0x142: {  	s0 =	spop (v2sf)  }
0x143: {  	p1 =	sne.s32 s4, $0xFFFFFFFF;
	s2 =	smov.u32 s0  }
0x144: {  	s9 =	simm.s32 $0x6;
	p2 =	seq.s32 s0, $0xFFFFFFFF;
	s2 =	smov.u32 @p1 s4  }
0x145: {  	s6 =	simm.s32 $0x0;
	s2 =	smov.u32 @p2 s4;
	s3 =	spop (v2sf)  }
0x146: {  	s0 =	smov.u32 @p2 s5;
	p1 =	sne.s32 s2, $0xFFFFFFFF;
	s4 =	smov.u32 s3  }
.Ltmp19:
0x147: {  	p2 =	seq.s32 s3, $0xFFFFFFFF;
	s4 =	smov.u32 @p1 s2;
	(pc) =	sbr.rel .LBB2_26-.Ltmp19, $4  }
0x148: {  	s10 =	simm.s32 $0xF188;
	s4 =	smov.u32 @p2 s2;
	s7 =	spop (v2sf)  }
0x149: {  	s11 =	simm.s32 $0x0;
	p1 =	sne.s32 s4, $0xFFFFFFFF;
	s8 =	smov.u32 s7  }
0x14a: {  	s3 =	smov.u32 @p2 s0;
	p2 =	seq.s32 s7, $0xFFFFFFFF;
	s8 =	smov.u32 @p1 s4  }
0x14b: {  	[sflag:s9] =	ssyncpa.u1 $0x0;
	s7 =	smov.u32 @p2 s3;
	s8 =	smov.u32 @p2 s4  }
.LBB2_32:
0x14c: {  	p1 =	sgt.u32 s12, $0x270F0  }
0x14d: {  	p2 =	seq.s32 @!p1 s12, s8  }
0x14e: {  	p1 =	por p1, p2  }
0x14f: {  	p2 =	sne.s32 @!p1 s12, s7  }
0x150: {  	p1 =	por p1, !p2  }
0x151: {  	s0 =	sshll.u32 @p1 s11, $0x9  }
0x152: {  	s0 =	sand.u32 @!p1 $0x3FFF8, s12  }
0x153: {  	s2 =	sand.u32 @!p1 $0x7, s12;
	s0 =	sadd.s32 @!p1 s1, s0  }
0x154: {  	[tilespmem:s10], [sflag:$0x6] =	stream.linear.gather @!p1 [hbm4b:s0+s2], $0x80, $0x38;
	[tilespmem:$0x1F6F8] =	vst v63  }
0x155: {  	_ =	swait.ge @!p1 [sflag:s9], $0x80  }
0x156: {  	[sflag:s9] =	ssyncset.done @!p1 $0x0  }
0x157: {  	[sflag:s9] =	ssyncadd.s32 @!p1 $0xFFFFFF80  }
0x158: {  	v1 =	vld @!p1 [tilespmem:$0xF188];
	_ =	sdelay $0x2  }
0x159: {  	s0 =	sshll.u32 @!p1 s11, $0x9  }
0x15a: {  	s2 =	sshrl.u32 @!p1 s0, $0x2  }
0x15b: {  	[tilespmem:s2+$0xF238] =	vst.add.f32.msk @!p1 $0xffff, v1  }
0x15c: {  	v1 =	vld @!p1 [tilespmem:$0xF198];
	_ =	sdelay $0x4  }
0x15d: {  	[tilespmem:s2+$0xF248] =	vst.add.f32.msk @!p1 $0xffff, v1  }
0x15e: {  	v1 =	vld @!p1 [tilespmem:$0xF1A8];
	_ =	sdelay $0x4  }
0x15f: {  	[tilespmem:s2+$0xF258] =	vst.add.f32.msk @!p1 $0xffff, v1  }
0x160: {  	v1 =	vld @!p1 [tilespmem:$0xF1B8];
	_ =	sdelay $0x4  }
0x161: {  	[tilespmem:s2+$0xF268] =	vst.add.f32.msk @!p1 $0xffff, v1  }
0x162: {  	v1 =	vld @!p1 [tilespmem:$0xF1C8];
	_ =	sdelay $0x4  }
0x163: {  	[tilespmem:s2+$0xF278] =	vst.add.f32.msk @!p1 $0xffff, v1  }
0x164: {  	v1 =	vld @!p1 [tilespmem:$0xF1D8];
	_ =	sdelay $0x4  }
0x165: {  	[tilespmem:s2+$0xF288] =	vst.add.f32.msk @!p1 $0xffff, v1  }
0x166: {  	v1 =	vld @!p1 [tilespmem:$0xF1E8];
	_ =	sdelay $0x4  }
0x167: {  	[tilespmem:s2+$0xF298] =	vst.add.f32.msk @!p1 $0xffff, v1  }
0x168: {  	v1 =	vld @!p1 [tilespmem:$0xF1F8];
	_ =	sdelay $0x4  }
0x169: {  	[tilespmem:s2+$0xF2A8] =	vst.add.f32.msk @!p1 $0xffff, v1  }
0x16a: {  	s0 =	sshrl.u32 s0, $0x2;
	[tilespmem:s6+$0xF218] =	vst.msk $0x1, v0  }
0x16b: {  	v0 =	vld [tilespmem:s0+$0xF238];
	_ =	sdelay $0x2  }
0x16c: {  	s31 =	sshll.u32 s6, $0x9  }
0x16d: {  	s2 =	sshra.s32 s31, $0x2  }
0x16e: {  	[tilespmem:s2+$0xF238] =	vst v0  }
0x16f: {  	v0 =	vld [tilespmem:s0+$0xF248];
	_ =	sdelay $0x4  }
0x170: {  	[tilespmem:s2+$0xF248] =	vst v0  }
0x171: {  	v0 =	vld [tilespmem:s0+$0xF258];
	_ =	sdelay $0x4  }
0x172: {  	[tilespmem:s2+$0xF258] =	vst v0  }
0x173: {  	v0 =	vld [tilespmem:s0+$0xF268];
	_ =	sdelay $0x4  }
0x174: {  	[tilespmem:s2+$0xF268] =	vst v0  }
0x175: {  	v0 =	vld [tilespmem:s0+$0xF278];
	_ =	sdelay $0x4  }
0x176: {  	[tilespmem:s2+$0xF278] =	vst v0  }
0x177: {  	v0 =	vld [tilespmem:s0+$0xF288];
	_ =	sdelay $0x4  }
0x178: {  	[tilespmem:s2+$0xF288] =	vst v0  }
0x179: {  	v0 =	vld [tilespmem:s0+$0xF298];
	_ =	sdelay $0x4  }
0x17a: {  	[tilespmem:s2+$0xF298] =	vst v0  }
0x17b: {  	v0 =	vld [tilespmem:s0+$0xF2A8];
	_ =	sdelay $0x4  }
0x17c: {  	s6 =	sadd.s32 $0x1, s6;
	[tilespmem:s2+$0xF2A8] =	vst v0  }
.LBB2_33:
0x17d: {  	s11 =	sadd.s32 $0x1, s11  }
0x17e: {  	p1 =	sne.s32 s11, $0x20  }
.Ltmp20:
0x17f: {  	_ = 	snop;
	(pc) =	sbr.rel @!p1 .LBB2_34-.Ltmp20, $1  }
0x180: {  	_ =	sdelay $0x3  }
.LBB2_26:
0x181: {  	v0 =	vld.msk [tilespmem:s11+$0xF218], $0x1;
	_ =	sdelay $0x4  }
0x182: {  	(v2sf) =	vpush v0, $0x0;
	_ =	sdelay $0xe  }
0x183: {  	s12 =	spop (v2sf)  }
0x184: {  	p1 =	seq.s32 s12, $0xFFFFFFFF  }
.Ltmp21:
0x185: {  	_ = 	snop;
	(pc) =	sbr.rel @p1 .LBB2_33-.Ltmp21, $1  }
0x186: {  	_ =	sdelay $0x3  }
0x187: {  	p1 =	slt.s32 s6, $0x1  }
.Ltmp22:
0x188: {  	_ = 	snop;
	(pc) =	sbr.rel @p1 .LBB2_32-.Ltmp22, $1  }
0x189: {  	_ =	sdelay $0x3  }
0x18a: {  	s13 =	simm.s32 $0xF218;
	p1 =	por $0x0, $0x0  }
0x18b: {  	v1 =	vld.msk @!p1 [tilespmem:s13+$0x0], $0x1;
	_ =	sdelay $0x4  }
0x18c: {  	(v2sf) =	vpush @!p1 v1, $0x0;
	_ =	sdelay $0xd  }
0x18d: {  	p3 =	sne.s32 s6, $0x1  }
.Ltmp23:
0x18e: {  	s0 =	spop @!p1 (v2sf);
	(pc) =	sbr.rel @!p3 .LBB2_30-.Ltmp23, $4  }
0x18f: {  	p2 =	seq.s32 @!p1 s12, s0  }
0x190: {  	s14 =	simm.s32 $0x0;
	p2 =	por !p2, p1  }
0x191: {  	s2 =	simm.s32 $0xFFFFFFFF;
	s14 =	simm.s32 @p2 $0xFFFFFFFF  }
0x192: {  	s0 =	simm.s32 $0x1;
	s14 =	smov.u32 @p1 s2  }
.LBB2_29:
0x193: {  	s2 =	smov.u32 s14;
	p1 =	sne.s32 s14, $0xFFFFFFFF  }
0x194: {  	s13 =	sadd.s32 $0x1, s13;
	s14 =	smov.u32 s0;
	s0 =	sadd.s32 $0x1, s0  }
0x195: {  	p2 =	sne.s32 s6, s0;
	v1 =	vld.msk @!p1 [tilespmem:s13+$0x0], $0x1;
	_ =	sdelay $0x4  }
0x196: {  	(v2sf) =	vpush @!p1 v1, $0x0;
	_ =	sdelay $0xe  }
.Ltmp24:
0x197: {  	s3 =	spop @!p1 (v2sf);
	(pc) =	sbr.rel @p2 .LBB2_29-.Ltmp24, $4  }
0x198: {  	p3 =	seq.s32 @!p1 s12, s3  }
0x199: {  	p3 =	por !p3, p1  }
0x19a: {  	s14 =	simm.s32 @p3 $0xFFFFFFFF  }
0x19b: {  	s14 =	smov.u32 @p1 s2  }
.LBB2_30:
0x19c: {  	p1 =	seq.s32 s14, $0xFFFFFFFF  }
.Ltmp25:
0x19d: {  	_ = 	snop;
	(pc) =	sbr.rel @p1 .LBB2_32-.Ltmp25, $1  }
0x19e: {  	_ =	sdelay $0x3  }
0x19f: {  	s0 =	sshll.u32 s11, $0x7  }
0x1a0: {  	s0 =	sand.u32 $0x3FFFFF80, s0  }
0x1a1: {  	v0 =	vld [tilespmem:s0+$0xF238];
	_ =	sdelay $0x2  }
0x1a2: {  	s2 =	sshll.u32 s14, $0x9  }
0x1a3: {  	s2 =	sshra.s32 s2, $0x2  }
0x1a4: {  	[tilespmem:s2+$0xF238] =	vst.add.f32.msk $0xffff, v0  }
0x1a5: {  	v0 =	vld [tilespmem:s0+$0xF248];
	_ =	sdelay $0x4  }
0x1a6: {  	[tilespmem:s2+$0xF248] =	vst.add.f32.msk $0xffff, v0  }
0x1a7: {  	v0 =	vld [tilespmem:s0+$0xF258];
	_ =	sdelay $0x4  }
0x1a8: {  	[tilespmem:s2+$0xF258] =	vst.add.f32.msk $0xffff, v0  }
0x1a9: {  	v0 =	vld [tilespmem:s0+$0xF268];
	_ =	sdelay $0x4  }
0x1aa: {  	[tilespmem:s2+$0xF268] =	vst.add.f32.msk $0xffff, v0  }
0x1ab: {  	v0 =	vld [tilespmem:s0+$0xF278];
	_ =	sdelay $0x4  }
0x1ac: {  	[tilespmem:s2+$0xF278] =	vst.add.f32.msk $0xffff, v0  }
0x1ad: {  	v0 =	vld [tilespmem:s0+$0xF288];
	_ =	sdelay $0x4  }
0x1ae: {  	[tilespmem:s2+$0xF288] =	vst.add.f32.msk $0xffff, v0  }
0x1af: {  	v0 =	vld [tilespmem:s0+$0xF298];
	_ =	sdelay $0x4  }
0x1b0: {  	[tilespmem:s2+$0xF298] =	vst.add.f32.msk $0xffff, v0  }
0x1b1: {  	v0 =	vld [tilespmem:s0+$0xF2A8]  }
.Ltmp26:
0x1b2: {  	_ = 	snop;
	(pc) =	sbr.rel .LBB2_33-.Ltmp26, $2  }
0x1b3: {  	_ =	sdelay $0x2  }
0x1b4: {  	[tilespmem:s2+$0xF2A8] =	vst.add.f32.msk $0xffff, v0  }
.LBB2_34:
0x1b5: {  	s0 =	simm.s32 $0x6;
	p1 =	seq.s32 s6, $0x0  }
0x1b6: {  	[sflag:s0] =	ssyncpa.u1 $0x1;
	v0 =	vimm.s32 @p1 $0xFFFFFFFF  }
0x1b7: {  	s9 =	sadd.s32 $0xFFFFFFFF, s6;
	[tilespmem:$0x10238] =	vst @p1 v0  }
0x1b8: {  	v0 =	vld.msk @!p1 [tilespmem:s9+$0xF218], $0x1;
	_ =	sdelay $0x1  }
0x1b9: {  	v1 =	vld.msk @!p1 [tilespmem:$0xF218], $0x1;
	_ =	sdelay $0x2  }
0x1ba: {  	p2 =	seq.s32 @!p1 s9, $0x0;
	v0 =	vbroadcast @!p1 v0, $0x0  }
0x1bb: {  	vm0 =	vmmov @!p1 $0x1;
	p2 =	por !p2, p1  }
0x1bc: {  	v1 =	vnsel @!p1 vm0, $0xFFFFFFFF, v1;
	vm0 =	vcmask @!p1 $0x308;
	v0 =	vpsel !p2, $0xFFFFFFFF, v0  }
0x1bd: {  	p2 =	sne.s32 @!p1 s8, s7;
	v0 =	vsel @!p1 vm0, v1, v0  }
0x1be: {  	s0 =	simm.s32 @!p1 $0xF238;
	s2 =	simm.s32 @!p1 $0x0;
	p3 =	por !p2, p1;
	[tilespmem:$0x10238] =	vst @!p1 v0  }
0x1bf: {  	[spmem:s2] =	stream.linear.scatter @!p1 [tilespmem:s0], [sflag:$0x1], $0x80, $0x38;
	[tilespmem:$0x1F6F8] =	vst v63  }
0x1c0: {  	s0 =	sshll.u32 @!p3 s9, $0x9  }
0x1c1: {  	s0 =	sshra.s32 @!p3 s0, $0x2  }
0x1c2: {  	s2 =	simm.s32 @!p3 $0x80;
	s0 =	sadd.s32 @!p3 $0xF238, s0  }
0x1c3: {  	[spmem:s2] =	stream.linear.scatter @!p3 [tilespmem:s0], [sflag:$0x1], $0x80, $0x38;
	[tilespmem:$0x1F6F8] =	vst v63  }
0x1c4: {  	s0 =	simm.s32 @!p3 $0x1  }
0x1c5: {  	_ =	swait.ge @!p3 [sflag:s0], $0x100  }
0x1c6: {  	p1 =	por p2, p1;
	[sflag:s0] =	ssyncset.done @!p3 $0x0  }
0x1c7: {  	[sflag:s0] =	ssyncadd.s32 @!p3 $0xFFFFFF00;
	s0 =	simm.s32 @!p1 $0x1  }
0x1c8: {  	_ =	swait.ge @!p1 [sflag:s0], $0x80  }
0x1c9: {  	s29 =	simm.s32 $0x10238;
	[sflag:s0] =	ssyncset.done @!p1 $0x0  }
0x1ca: {  	s30 =	simm.s32 $0x1000;
	s31 =	simm.s32 $0x1;
	[sflag:s0] =	ssyncadd.s32 @!p1 $0xFFFFFF80  }
0x1cb: {  	[spmem:s30] =	stream.linear.scatter [tilespmem:s29], [sflag:$0x1], $0x10, $0x38;
	[tilespmem:$0x1F6F8] =	vst v63  }
0x1cc: {  	_ =	swait.ge [sflag:s31], $0x10  }
0x1cd: {  	[sflag:s31] =	ssyncset.done $0x0  }
0x1ce: {  	p1 =	seq.s32 s15, $0x0;
	s8 =	rddreg [dreg:$0x1];
	[sflag:s31] =	ssyncadd.s32 $0xFFFFFFF0  }
0x1cf: {  	s2 =	sshll.u32 @p1 s8, $0xE;
	s7 =	rddreg [dreg:$0x2]  }
0x1d0: {  	s0 =	sadd.s32 @p1 $0x15C3C, s2;
	s2 =	sshll.u32 @p1 s7, $0x11  }
0x1d1: {  	_ =	sfence.stream.spmem;
	s0 =	sor.u32 @p1 s2, s0  }
0x1d2: {  	[sflag:s0] =	ssyncadd.remote.s32 @p1 $0x1;
	s0 =	simm.s32 @p1 $0x4  }
0x1d3: {  	s3 =	simm.s32 @!p1 $0x3C;
	s2 =	sand.u32 $0xFFFFFFFE, s8;
	_ =	swait.ge @p1 [sflag:s0], $0x22  }
0x1d4: {  	s4 =	simm.s32 @!p1 $0x0;
	s2 =	sadd.s32 @!p1 $0x4, s2;
	[sflag:s0] =	ssyncset.done @p1 $0x0  }
0x1d5: {  	s5 =	simm.s32 @!p1 $0x100;
	[sflag:s0] =	ssyncadd.s32 @p1 $0xFFFFFFDE;
	s0 =	sshll.u32 @!p1 s2, $0x1A  }
0x1d6: {  	s2 =	sshll.u32 @!p1 s2, $0xD;
	s0 =	sor.u32 @!p1 s0, s7;
	_ =	swait.eq @!p1 [sflag:s3], $0x1  }
0x1d7: {  	s2 =	sor.u32 @!p1 $0x1C04, s2;
	s3 =	simm.s32 @!p1 $0x1C03;
	s0 =	sor.u32 @!p1 $0x80004000, s0  }
0x1d8: {  	[spmem:s5], [sflag:s2] =	dma.general @!p1 [spmem:s4], [sflag:s3], length:$0x20, [dreg:$0x0], stride_count:$0x0, ici_dest:s0, dma_misc:DstOpCode:WRITE  }
0x1d9: {  	p2 =	slt.s32 s9, $0x2;
	s4 =	simm.s32 @!p1 $0x200;
	s5 =	simm.s32 @!p1 $0x202  }
0x1da: {  	[spmem:s5], [sflag:s2] =	dma.general @!p1 [spmem:s4], [sflag:s3], length:$0x2, [dreg:$0x0], stride_count:$0x0, ici_dest:s0, dma_misc:DstOpCode:WRITE  }
.Ltmp27:
0x1db: {  	s0 =	simm.s32 @!p1 $0x3;
	(pc) =	sbr.rel @p2 .LBB2_38-.Ltmp27, $4  }
0x1dc: {  	s2 =	sshll.u32 @!p1 s8, $0xE;
	_ =	swait.ge @!p1 [sflag:s0], $0x22  }
0x1dd: {  	s3 =	sshll.u32 @!p1 s7, $0x11;
	s2 =	sadd.s32 @!p1 $0x11C3C, s2;
	[sflag:s0] =	ssyncset.done @!p1 $0x0  }
0x1de: {  	[sflag:s0] =	ssyncadd.s32 @!p1 $0xFFFFFFDE;
	s0 =	sor.u32 @!p1 s3, s2  }
0x1df: {  	[sflag:s0] =	ssyncadd.remote.s32 @!p1 $0xFFFFFFFF;
	s0 =	simm.s32 $0x0  }
0x1e0: {  	s0 =	simm.s32 $0xF219  }
0x1e1: {  	v0 =	vld.msk [tilespmem:s0+$0x0], $0x1;
	_ =	sdelay $0x4  }
0x1e2: {  	(v2sf) =	vpush v0, $0x0;
	_ =	sdelay $0xb  }
0x1e3: {  	s31 =	sadd.s32 $0xFFFFFFFE, s6  }
0x1e4: {  	s0 =	sadd.s32 $0xFFFFFFFF, s31  }
0x1e5: {  	p2 =	sne.s32 s0, $0x0  }
.Ltmp28:
0x1e6: {  	s2 =	spop (v2sf);
	(pc) =	sbr.rel @!p2 .LBB2_37-.Ltmp28, $4  }
0x1e7: {  	s4 =	simm.s32 $0xF2B8;
	s7 =	simm.s32 $0x0;
	p1 =	sgt.u32 s2, $0x270F0  }
0x1e8: {  	s5 =	simm.s32 $0x0;
	s6 =	simm.s32 $0xF21A;
	s3 =	sand.u32 @!p1 $0x3FFF8, s2  }
0x1e9: {  	s2 =	sand.u32 @!p1 $0x7, s2;
	s7 =	simm.s32 @!p1 $0x200;
	s3 =	sadd.s32 @!p1 s1, s3  }
0x1ea: {  	[hbm4b:s3+s2] =	stream.linear.scatter @!p1 [tilespmem:s4], [sflag:$0x5], $0x80, $0x38;
	[tilespmem:$0x1F6F8] =	vst v63  }
.LBB2_36:
0x1eb: {  	v0 =	vld.msk [tilespmem:s6+$0x0], $0x1;
	s0 =	sadd.s32 $0xFFFFFFFF, s0;
	s5 =	sadd.s32 s5, s7  }
0x1ec: {  	p1 =	sne.s32 s0, $0x0;
	_ =	sdelay $0x3  }
0x1ed: {  	(v2sf) =	vpush v0, $0x0;
	_ =	sdelay $0xe  }
.Ltmp29:
0x1ee: {  	s2 =	spop (v2sf);
	(pc) =	sbr.rel @p1 .LBB2_36-.Ltmp29, $4  }
0x1ef: {  	s7 =	simm.s32 $0x0;
	p2 =	sgt.u32 s2, $0x270F0  }
0x1f0: {  	s4 =	sadd.s32 $0x80, s4;
	s7 =	simm.s32 @!p2 $0x200;
	s3 =	sand.u32 @!p2 $0x3FFF8, s2  }
0x1f1: {  	s6 =	sadd.s32 $0x1, s6;
	s2 =	sand.u32 @!p2 $0x7, s2;
	s3 =	sadd.s32 @!p2 s1, s3  }
0x1f2: {  	[hbm4b:s3+s2] =	stream.linear.scatter @!p2 [tilespmem:s4], [sflag:$0x5], $0x80, $0x38;
	[tilespmem:$0x1F6F8] =	vst v63  }
.LBB2_37:
0x1f3: {  	s0 =	sadd.s32 s5, s7  }
0x1f4: {  	s0 =	sshrl.u32 s0, $0x2  }
.LBB2_38:
0x1f5: {  	s2 =	simm.s32 $0x5  }
0x1f6: {  	_ =	swait.ge [sflag:s2], s0  }
0x1f7: {  	s31 =	ssub.s32 $0x0, s0;
	[sflag:s2] =	ssyncset.done $0x0  }
0x1f8: {  	[sflag:s2] =	ssyncadd.s32 s31  }
0x1f9: {  	[sflag:s2] =	ssyncpa.u1 $0x1  }
.LBB2_39:
0x1fa: {  	s0 =	sor.u32 s15, s16  }
0x1fb: {  	p1 =	sne.s32 s0, $0x0  }
.Ltmp30:
0x1fc: {  	_ = 	snop;
	(pc) =	sbr.rel @p1 .LBB2_54-.Ltmp30, $3  }
0x1fd: {  	_ =	sdelay $0x1  }
0x1fe: {  	[bflag:$0x0] =	sbarrier.arrive $0xFFFF  }
0x1ff: {  	_ =	sfence  }
0x200: {  	s0 =	simm.s32 $0x7  }
0x201: {  	s2 =	simm.s32 $0x1000;
	s3 =	simm.s32 $0xF218;
	[sflag:s0] =	ssyncpa.u1 $0x0  }
0x202: {  	[tilespmem:s3], [sflag:$0x7] =	stream.linear.gather [spmem:s2], $0x20, $0x38;
	[tilespmem:$0x1F6F8] =	vst v63  }
0x203: {  	s30 =	simm.s32 $0xF238;
	s2 =	simm.s32 $0x0  }
0x204: {  	[tilespmem:s30], [sflag:$0x7] =	stream.linear.gather [spmem:s2], $0x1000, $0x38;
	[tilespmem:$0x1F6F8] =	vst v63  }
.Ltmp31:
0x205: {  	_ = 	snop;
	(pc) =	sbr.rel .LBB2_41-.Ltmp31, $4  }
0x206: {  	_ =	swait.ge [sflag:s0], $0x1020  }
0x207: {  	[sflag:s0] =	ssyncset.done $0x0  }
0x208: {  	s31 =	simm.s32 $0x8;
	[sflag:s0] =	ssyncadd.s32 $0xFFFFEFE0  }
0x209: {  	s3 =	simm.s32 $0x0;
	[sflag:s31] =	ssyncpa.u1 $0x0  }
.LBB2_47:
0x20a: {  	p1 =	slt.u32 s4, $0x270F1  }
0x20b: {  	s0 =	sand.u32 @p1 $0x3FFF8, s4  }
0x20c: {  	s4 =	sand.u32 @p1 $0x7, s4;
	s5 =	simm.s32 @p1 $0xF188;
	s0 =	sadd.s32 @p1 s1, s0  }
0x20d: {  	[tilespmem:s5], [sflag:$0x8] =	stream.linear.gather @p1 [hbm4b:s0+s4], $0x80, $0x38;
	[tilespmem:$0x1F6F8] =	vst v63  }
0x20e: {  	s0 =	simm.s32 @p1 $0x8  }
0x20f: {  	_ =	swait.ge @p1 [sflag:s0], $0x80  }
0x210: {  	[sflag:s0] =	ssyncset.done @p1 $0x0  }
0x211: {  	[sflag:s0] =	ssyncadd.s32 @p1 $0xFFFFFF80  }
0x212: {  	v1 =	vld @p1 [tilespmem:$0xF188];
	_ =	sdelay $0x2  }
0x213: {  	s0 =	sshll.u32 @p1 s3, $0x9  }
0x214: {  	s4 =	sshrl.u32 @p1 s0, $0x2  }
0x215: {  	[tilespmem:s4+$0xF238] =	vst.add.f32.msk @p1 $0xffff, v1  }
0x216: {  	v1 =	vld @p1 [tilespmem:$0xF198];
	_ =	sdelay $0x4  }
0x217: {  	[tilespmem:s4+$0xF248] =	vst.add.f32.msk @p1 $0xffff, v1  }
0x218: {  	v1 =	vld @p1 [tilespmem:$0xF1A8];
	_ =	sdelay $0x4  }
0x219: {  	[tilespmem:s4+$0xF258] =	vst.add.f32.msk @p1 $0xffff, v1  }
0x21a: {  	v1 =	vld @p1 [tilespmem:$0xF1B8];
	_ =	sdelay $0x4  }
0x21b: {  	[tilespmem:s4+$0xF268] =	vst.add.f32.msk @p1 $0xffff, v1  }
0x21c: {  	v1 =	vld @p1 [tilespmem:$0xF1C8];
	_ =	sdelay $0x4  }
0x21d: {  	[tilespmem:s4+$0xF278] =	vst.add.f32.msk @p1 $0xffff, v1  }
0x21e: {  	v1 =	vld @p1 [tilespmem:$0xF1D8];
	_ =	sdelay $0x4  }
0x21f: {  	[tilespmem:s4+$0xF288] =	vst.add.f32.msk @p1 $0xffff, v1  }
0x220: {  	v1 =	vld @p1 [tilespmem:$0xF1E8];
	_ =	sdelay $0x4  }
0x221: {  	[tilespmem:s4+$0xF298] =	vst.add.f32.msk @p1 $0xffff, v1  }
0x222: {  	v1 =	vld @p1 [tilespmem:$0xF1F8];
	_ =	sdelay $0x3  }
0x223: {  	s5 =	sshll.u32 @!p1 s3, $0x9  }
0x224: {  	s5 =	smov.u32 @p1 s0;
	[tilespmem:s4+$0xF2A8] =	vst.add.f32.msk @p1 $0xffff, v1  }
0x225: {  	s0 =	sshrl.u32 s5, $0x2;
	[tilespmem:s2+$0xF218] =	vst.msk $0x1, v0  }
0x226: {  	v0 =	vld [tilespmem:s0+$0xF238];
	_ =	sdelay $0x2  }
0x227: {  	s31 =	sshll.u32 s2, $0x9  }
0x228: {  	s4 =	sshra.s32 s31, $0x2  }
0x229: {  	[tilespmem:s4+$0xF238] =	vst v0  }
0x22a: {  	v0 =	vld [tilespmem:s0+$0xF248];
	_ =	sdelay $0x4  }
0x22b: {  	[tilespmem:s4+$0xF248] =	vst v0  }
0x22c: {  	v0 =	vld [tilespmem:s0+$0xF258];
	_ =	sdelay $0x4  }
0x22d: {  	[tilespmem:s4+$0xF258] =	vst v0  }
0x22e: {  	v0 =	vld [tilespmem:s0+$0xF268];
	_ =	sdelay $0x4  }
0x22f: {  	[tilespmem:s4+$0xF268] =	vst v0  }
0x230: {  	v0 =	vld [tilespmem:s0+$0xF278];
	_ =	sdelay $0x4  }
0x231: {  	[tilespmem:s4+$0xF278] =	vst v0  }
0x232: {  	v0 =	vld [tilespmem:s0+$0xF288];
	_ =	sdelay $0x4  }
0x233: {  	[tilespmem:s4+$0xF288] =	vst v0  }
0x234: {  	v0 =	vld [tilespmem:s0+$0xF298];
	_ =	sdelay $0x4  }
0x235: {  	[tilespmem:s4+$0xF298] =	vst v0  }
0x236: {  	v0 =	vld [tilespmem:s0+$0xF2A8];
	_ =	sdelay $0x4  }
0x237: {  	s2 =	sadd.s32 $0x1, s2;
	[tilespmem:s4+$0xF2A8] =	vst v0  }
.LBB2_48:
0x238: {  	s3 =	sadd.s32 $0x1, s3  }
0x239: {  	p1 =	sne.s32 s3, $0x20  }
.Ltmp32:
0x23a: {  	_ = 	snop;
	(pc) =	sbr.rel @!p1 .LBB2_49-.Ltmp32, $1  }
0x23b: {  	_ =	sdelay $0x3  }
.LBB2_41:
0x23c: {  	v0 =	vld.msk [tilespmem:s3+$0xF218], $0x1;
	_ =	sdelay $0x4  }
0x23d: {  	(v2sf) =	vpush v0, $0x0;
	_ =	sdelay $0xe  }
0x23e: {  	s4 =	spop (v2sf)  }
0x23f: {  	p1 =	seq.s32 s4, $0xFFFFFFFF  }
.Ltmp33:
0x240: {  	_ = 	snop;
	(pc) =	sbr.rel @p1 .LBB2_48-.Ltmp33, $1  }
0x241: {  	_ =	sdelay $0x3  }
0x242: {  	p1 =	slt.s32 s2, $0x1  }
.Ltmp34:
0x243: {  	_ = 	snop;
	(pc) =	sbr.rel @p1 .LBB2_47-.Ltmp34, $1  }
0x244: {  	_ =	sdelay $0x3  }
0x245: {  	s5 =	simm.s32 $0xF218;
	p1 =	por $0x0, $0x0  }
0x246: {  	v1 =	vld.msk @!p1 [tilespmem:s5+$0x0], $0x1;
	_ =	sdelay $0x4  }
0x247: {  	(v2sf) =	vpush @!p1 v1, $0x0;
	_ =	sdelay $0xd  }
0x248: {  	p3 =	sne.s32 s2, $0x1  }
.Ltmp35:
0x249: {  	s0 =	spop @!p1 (v2sf);
	(pc) =	sbr.rel @!p3 .LBB2_45-.Ltmp35, $4  }
0x24a: {  	p2 =	seq.s32 @!p1 s4, s0  }
0x24b: {  	s6 =	simm.s32 $0x0;
	p2 =	por !p2, p1  }
0x24c: {  	s7 =	simm.s32 $0xFFFFFFFF;
	s6 =	simm.s32 @p2 $0xFFFFFFFF  }
0x24d: {  	s0 =	simm.s32 $0x1;
	s6 =	smov.u32 @p1 s7  }
.LBB2_44:
0x24e: {  	s7 =	smov.u32 s6;
	p1 =	sne.s32 s6, $0xFFFFFFFF  }
0x24f: {  	s5 =	sadd.s32 $0x1, s5;
	s6 =	smov.u32 s0;
	s0 =	sadd.s32 $0x1, s0  }
0x250: {  	p2 =	sne.s32 s2, s0;
	v1 =	vld.msk @!p1 [tilespmem:s5+$0x0], $0x1;
	_ =	sdelay $0x4  }
0x251: {  	(v2sf) =	vpush @!p1 v1, $0x0;
	_ =	sdelay $0xe  }
.Ltmp36:
0x252: {  	s8 =	spop @!p1 (v2sf);
	(pc) =	sbr.rel @p2 .LBB2_44-.Ltmp36, $4  }
0x253: {  	p3 =	seq.s32 @!p1 s4, s8  }
0x254: {  	p3 =	por !p3, p1  }
0x255: {  	s6 =	simm.s32 @p3 $0xFFFFFFFF  }
0x256: {  	s6 =	smov.u32 @p1 s7  }
.LBB2_45:
0x257: {  	p1 =	seq.s32 s6, $0xFFFFFFFF  }
.Ltmp37:
0x258: {  	_ = 	snop;
	(pc) =	sbr.rel @p1 .LBB2_47-.Ltmp37, $1  }
0x259: {  	_ =	sdelay $0x3  }
0x25a: {  	s0 =	sshll.u32 s3, $0x7  }
0x25b: {  	s0 =	sand.u32 $0x3FFFFF80, s0  }
0x25c: {  	v0 =	vld [tilespmem:s0+$0xF238];
	_ =	sdelay $0x2  }
0x25d: {  	s4 =	sshll.u32 s6, $0x9  }
0x25e: {  	s4 =	sshra.s32 s4, $0x2  }
0x25f: {  	[tilespmem:s4+$0xF238] =	vst.add.f32.msk $0xffff, v0  }
0x260: {  	v0 =	vld [tilespmem:s0+$0xF248];
	_ =	sdelay $0x4  }
0x261: {  	[tilespmem:s4+$0xF248] =	vst.add.f32.msk $0xffff, v0  }
0x262: {  	v0 =	vld [tilespmem:s0+$0xF258];
	_ =	sdelay $0x4  }
0x263: {  	[tilespmem:s4+$0xF258] =	vst.add.f32.msk $0xffff, v0  }
0x264: {  	v0 =	vld [tilespmem:s0+$0xF268];
	_ =	sdelay $0x4  }
0x265: {  	[tilespmem:s4+$0xF268] =	vst.add.f32.msk $0xffff, v0  }
0x266: {  	v0 =	vld [tilespmem:s0+$0xF278];
	_ =	sdelay $0x4  }
0x267: {  	[tilespmem:s4+$0xF278] =	vst.add.f32.msk $0xffff, v0  }
0x268: {  	v0 =	vld [tilespmem:s0+$0xF288];
	_ =	sdelay $0x4  }
0x269: {  	[tilespmem:s4+$0xF288] =	vst.add.f32.msk $0xffff, v0  }
0x26a: {  	v0 =	vld [tilespmem:s0+$0xF298];
	_ =	sdelay $0x4  }
0x26b: {  	[tilespmem:s4+$0xF298] =	vst.add.f32.msk $0xffff, v0  }
0x26c: {  	v0 =	vld [tilespmem:s0+$0xF2A8]  }
.Ltmp38:
0x26d: {  	_ = 	snop;
	(pc) =	sbr.rel .LBB2_48-.Ltmp38, $2  }
0x26e: {  	_ =	sdelay $0x2  }
0x26f: {  	[tilespmem:s4+$0xF2A8] =	vst.add.f32.msk $0xffff, v0  }
.LBB2_49:
0x270: {  	p1 =	slt.s32 s2, $0x1  }
.Ltmp39:
0x271: {  	_ = 	snop;
	(pc) =	sbr.rel @p1 .LBB2_53-.Ltmp39, $3  }
0x272: {  	_ =	sdelay $0x1  }
0x273: {  	s0 =	simm.s32 $0x8  }
0x274: {  	s3 =	simm.s32 $0x0;
	[sflag:s0] =	ssyncpa.u1 $0x1  }
0x275: {  	s0 =	simm.s32 $0xF218  }
0x276: {  	v0 =	vld.msk [tilespmem:s0+$0x0], $0x1;
	_ =	sdelay $0x4  }
0x277: {  	(v2sf) =	vpush v0, $0x0;
	_ =	sdelay $0xe  }
0x278: {  	s0 =	sadd.s32 $0xFFFFFFFF, s2;
	s5 =	spop (v2sf)  }
0x279: {  	p2 =	sne.s32 s0, $0x0;
	p1 =	sgt.u32 s5, $0x270F0  }
.Ltmp40:
0x27a: {  	s6 =	sand.u32 @!p1 $0x3FFF8, s5;
	(pc) =	sbr.rel @!p2 .LBB2_52-.Ltmp40, $4  }
0x27b: {  	s4 =	simm.s32 $0xF238;
	s5 =	sand.u32 @!p1 $0x7, s5;
	s2 =	sadd.s32 @!p1 s1, s6  }
0x27c: {  	[hbm4b:s2+s5] =	stream.linear.scatter @!p1 [tilespmem:s4], [sflag:$0x7], $0x80, $0x38;
	[tilespmem:$0x1F6F8] =	vst v63  }
0x27d: {  	s5 =	simm.s32 $0x0  }
0x27e: {  	s2 =	simm.s32 $0xF219;
	s5 =	simm.s32 @!p1 $0x200  }
.LBB2_51:
0x27f: {  	v0 =	vld.msk [tilespmem:s2+$0x0], $0x1;
	s0 =	sadd.s32 $0xFFFFFFFF, s0;
	s3 =	sadd.s32 s3, s5  }
0x280: {  	p1 =	sne.s32 s0, $0x0;
	_ =	sdelay $0x3  }
0x281: {  	(v2sf) =	vpush v0, $0x0;
	_ =	sdelay $0xe  }
.Ltmp41:
0x282: {  	s6 =	spop (v2sf);
	(pc) =	sbr.rel @p1 .LBB2_51-.Ltmp41, $4  }
0x283: {  	s5 =	simm.s32 $0x0;
	p2 =	sgt.u32 s6, $0x270F0  }
0x284: {  	s4 =	sadd.s32 $0x80, s4;
	s5 =	simm.s32 @!p2 $0x200;
	s7 =	sand.u32 @!p2 $0x3FFF8, s6  }
0x285: {  	s2 =	sadd.s32 $0x1, s2;
	s6 =	sand.u32 @!p2 $0x7, s6;
	s7 =	sadd.s32 @!p2 s1, s7  }
0x286: {  	[hbm4b:s7+s6] =	stream.linear.scatter @!p2 [tilespmem:s4], [sflag:$0x7], $0x80, $0x38;
	[tilespmem:$0x1F6F8] =	vst v63  }
.LBB2_52:
0x287: {  	s0 =	sadd.s32 s3, s5  }
0x288: {  	s3 =	sshrl.u32 s0, $0x2  }
.LBB2_53:
0x289: {  	s0 =	simm.s32 $0x7  }
0x28a: {  	_ =	swait.ge [sflag:s0], s3  }
0x28b: {  	s1 =	ssub.s32 $0x0, s3;
	[sflag:s0] =	ssyncset.done $0x0  }
0x28c: {  	[sflag:s0] =	ssyncadd.s32 s1  }
0x28d: {  	[sflag:s0] =	ssyncpa.u1 $0x1  }
.LBB2_54:
0x28e: {  	_ =	sfence;
	s0 =	simm.s32 $0x1  }
0x28f: {  	[sflag:s0] =	ssyncpa.u1 $0x1  }
0x290: {  	_ =	strace $0x90000050  }
0x291: {  	[bflag:$0x2] =	sbarrier.arrive $0xFFFF  }
0x292: {  	s0 =	rddreg [dreg:$0x3]  }
0x293: {  	s0 =	sadd.s32 @!p0 $0x100000, s0  }
0x294: {  	[sflag:s0] =	ssyncadd.tile.s32 @!p0 $0x1;
	_ =	shalt  }
.Lfunc_end2:
_tile_overlayer_lowered:
.L_overlay_start_2:
0x295: {  	(tag) =	ssettag $0x2  }
0x296: {  	s0 =	rddreg [dreg:$0x0];
	s2 =	stileid.u32  }
0x297: {  	s1 =	rddreg [dreg:$0x1];
	p0 =	sne.s32 s2, $0x0  }
0x298: {  	s3 =	rddreg [dreg:$0x2];
	[bflag:$0x3] =	sbarrier.arrive $0xFFFF;
	s2 =	simm.s32 @!p0 $0x1C01  }
0x299: {  	[timem:s3], [sflag:s2] =	dma.local @!p0 [hbm:s0], s1  }
0x29a: {  	s0 =	simm.s32 @!p0 $0x1  }
0x29b: {  	_ =	swait.ge @!p0 [sflag:s0], s1  }
0x29c: {  	s1 =	ssub.s32 @!p0 $0x0, s1;
	[sflag:s0] =	ssyncset.done @!p0 $0x0  }
0x29d: {  	[sflag:s0] =	ssyncadd.s32 @!p0 s1  }
0x29e: {  	[bflag:$0x3] =	sbarrier.arrive $0xFFFF  }
0x29f: {  	_ =	shalt  }

// kernel: sparse-core-data-format-call.1.cloned.1.call-start
scs
called_computation.5_lowered:
.L_overlay_start_0:
0x0: {  	s1 =	sld [smem:$0x3FD9]  }
0x1: {  	s2 =	sld [smem:$0x3FFE];
	_ =	sdelay $0x1  }
0x2: {  	s3 =	srdreg.scid  }
0x3: {  	s0 =	sand.u32 $0x1, s3  }
0x4: {  	s17 =	sshll.u32 s0, $0xA;
	s1 =	sadd.s32 s2, s1  }
0x5: {  	s1 =	sadd.s32 s1, s17  }
0x6: {  	[smem:$0x3F91] =	sst s1  }
0x7: {  	_ = 	snop  }
0x8: {  	(tm) =	ssettm $0x1  }
0x9: {  	s18 =	sld [smem:$0x3FFB];
	_ =	sdelay $0x3  }
0xa: {  	_ =	strace s18  }
0xb: {  	s1 =	sld [smem:$0x3FFC];
	_ =	sdelay $0x3  }
0xc: {  	_ =	strace s1  }
0xd: {  	s1 =	sld [smem:$0x3FFD];
	_ =	sdelay $0x3  }
0xe: {  	_ =	strace s1  }
0xf: {  	_ =	strace $0x8FFFFFFF  }
0x10: {  	s19 =	sld [smem:$0x3FDB];
	_ =	sdelay $0x1  }
0x11: {  	s20 =	simm.s32 $_scs_section_size  }
0x12: {  	s4 =	simm.s32 $_size__tile_overlayer_lowered;
	s5 =	simm.s32 $_tile_overlayer_lowered  }
0x13: {  	s23 =	simm.s32 $0x1BFF;
	s22 =	sshll.u32 s5, $0x1;
	s1 =	sadd.s32 s20, s19  }
0x14: {  	s6 =	simm.s32 $0x0;
	s21 =	sshll.u32 s4, $0x1;
	s4 =	sadd.s32 s22, s1  }
0x15: {  	[timem:s6], [sflag:s23] =	dma.local [hbm:s4], s21  }
0x16: {  	_ =	swait.ge [sflag:s23], s21  }
0x17: {  	s2 =	ssub.s32 $0x0, s21;
	[sflag:s23] =	ssyncset.done $0x0  }
0x18: {  	[sflag:s23] =	ssyncadd.s32 s2;
	_ =	sdelay $0x1  }
0x19: {  	s24 =	simm.s32 $0x1B8B  }
0x1a: {  	_ =	swait.ge [sflag:s24], $0x1  }
0x1b: {  	[sflag:s24] =	ssyncset.done $0x0  }
0x1c: {  	s26 =	simm.s32 $0x1B8E;
	s25 =	sld [smem:$0x3FFE];
	[sflag:s24] =	ssyncadd.s32 $0xFFFFFFFF  }
0x1d: {  	s27 =	simm.s32 $execute0_lowered;
	[smem:$0x3FD2] =	sst s26  }
0x1e: {  	s4 =	sshll.u32 s27, $0x1;
	_ =	strace $0x80000052;
	[dreg:$0x1] =	wrdreg $0xFFFFFFFF  }
0x1f: {  	s28 =	simm.s32 $_size_execute0_lowered;
	s1 =	sadd.s32 s1, s4;
	[dreg:$0x0] =	wrdreg $0x0  }
0x20: {  	s4 =	sshll.u32 s28, $0x1;
	[dreg:$0x2] =	wrdreg s1  }
0x21: {  	[dreg:$0x3] =	wrdreg s4  }
0x22: {  	[dreg:$0x4] =	wrdreg $0xC0  }
0x23: {  	_ =	task [dreg:s6], $0x5FFFF  }
0x24: {  	[dreg:$0x1] =	wrdreg $0xFFFFFFFF  }
0x25: {  	[dreg:$0x0] =	wrdreg $0x60  }
0x26: {  	[dreg:$0x2] =	wrdreg s25  }
0x27: {  	[dreg:$0x3] =	wrdreg $0x9  }
0x28: {  	_ =	task.clear_ibuf [dreg:s6], $0x4FFFF;
	_ =	strace $0x90000052  }
0x29: {  	s29 =	simm.s32 $0x9;
	_ =	strace $0x80000054  }
0x2a: {  	_ =	swait.ge [sflag:s29], $0x1  }
0x2b: {  	[sflag:s29] =	ssyncadd.s32 $0xFFFFFFFF  }
0x2c: {  	_ =	strace $0x90000054  }
0x2d: {  	_ =	sfence  }
0x2e: {  	s30 =	sld [smem:$0x0];
	_ =	sdelay $0x2  }
0x2f: {  	s31 =	sshll.u32 s3, $0xD;
	s3 =	sshrl.u32 s3, $0x2  }
0x30: {  	s2 =	sand.u32 $0x4000, s31;
	s1 =	sadd.s32 s3, s30  }
0x31: {  	s0 =	sor.u32 s2, s0;
	s1 =	sshll.u32 s1, $0x11  }
0x32: {  	s0 =	sor.u32 s1, s0  }
0x33: {  	s0 =	sadd.s32 $0x8F2B, s0  }
0x34: {  	[sflag:s0] =	ssyncadd.remote.s32 $0x1  }
0x35: {  	_ =	sfence.sel $0xFFFF  }
0x36: {  	[dreg:$0x0] =	wrdreg $0xFFFFFFFF;
	(pc) =	sbr.abs _section_cstart, $3  }
0x37: {  	[dreg:$0x1] =	wrdreg $0xFFFFFFFF  }
0x38: {  	_ =	task.clear_ibuf [dreg:s6], $0x2FFFF;
	_ =	strace $0x9FFFFFFF  }
0x39: {  	(tm) =	ssettm $0x7FFFFFFF  }
tec
execute0_lowered:
.L_overlay_start_1:
0x0: {  	(tag) =	ssettag $0x1  }
0x1: {  	s0 =	srdreg.scid  }
0x2: {  	s1 =	sshll.u32 s0, $0x4  }
0x3: {  	s4 =	rddreg [dreg:$0x0];
	s0 =	stileid.u32;
	s1 =	sand.u32 $0x10, s1  }
0x4: {  	s7 =	simm.s32 $0x1;
	s8 =	simm.s32 $0x2;
	s1 =	sor.u32 s0, s1  }
0x5: {  	s11 =	simm.s32 $0x0;
	s10 =	simm.s32 $0x0;
	s2 =	sshll.u32 s1, $0x7  }
0x6: {  	s3 =	sadd.s32 $0x80600, s4;
	s4 =	sadd.s32 $0x570600, s4;
	s6 =	ssub.s32 $0x4F000, s2  }
.Ltmp0:
0x7: {  	s1 =	rddreg [dreg:$0x1];
	s5 =	sand.u32 $0xF80, s6;
	(pc) =	sbr.rel .LBB1_1-.Ltmp0, $4  }
0x8: {  	_ =	strace $0x80000053;
	s9 =	smov.u32 s2;
	p0 =	sne.s32 s5, $0x0  }
0x9: {  	s6 =	sshrl.u32 s6, $0xC;
	s5 =	simm.s32 $0x1;
	s7 =	simm.s32 @!p0 $0x0  }
0xa: {  	[sflag:s5] =	ssyncpa.u1 $0x0;
	p0 =	por $0x0, $0x0;
	s6 =	sadd.s32 s7, s6  }
0xb: {  	[sflag:s8] =	ssyncpa.u1 $0x0;
	s8 =	simm.s32 $0x278000;
	s7 =	sadd.s32 $0x1, s6  }
.LBB1_4:
0xc: {  	s14 =	sshll.u32 s11, $0x3  }
0xd: {  	s30 =	sand.u32 $0x7F, s11;
	s15 =	sand.u32 $0xFFFFFC00, s14  }
0xe: {  	s11 =	sor.u32 s30, s15  }
0xf: {  	s15 =	smulhi.u32 $0xCF6474A9, s11  }
0x10: {  	s14 =	smulhi.u32 $0xCF6474A9, s14  }
0x11: {  	s15 =	sshrl.u32 s15, $0x12  }
0x12: {  	s14 =	sshrl.u32 s14, $0x12;
	s15 =	smul.u32 $0x4F000, s15  }
0x13: {  	s14 =	sand.u32 $0x1F, s14  }
0x14: {  	s14 =	smul.u32 $0x9E00, s14;
	s11 =	ssub.s32 s11, s15  }
0x15: {  	s15 =	sand.u32 $0x7, s11  }
0x16: {  	s14 =	sadd.s32 s4, s14;
	s11 =	sshrl.u32 s11, $0x3;
	s15 =	sshll.u32 s15, $0x12  }
0x17: {  	[tilespmem:s13+$0x0 ss:$0x81] =	vst.msk $0xffff, v0;
	s11 =	sadd.s32 s11, s14;
	s31 =	sor.u32 $0x400, s15  }
0x18: {  	[hbm4b:s11+s31] =	stream.strided.scatter [tilespmem:s12], [sflag:$0x2], $0x1000, s8, s31, $0x20;
	[tilespmem:$0x4040] =	vst v63  }
.LBB1_5:
0x19: {  	s13 =	sadd.s32 $0x1000, s9  }
0x1a: {  	p2 =	sgt.s32 s13, $0x4EFFF  }
0x1b: {  	s13 =	smov.u32 @p2 s2;
	p2 =	sne.s32 s10, s7  }
.Ltmp1:
0x1c: {  	p1 =	slt.u32 s10, $0x2;
	(pc) =	sbr.rel @!p2 .LBB1_6-.Ltmp1, $4  }
0x1d: {  	s12 =	simm.s32 @!p1 $0x2  }
0x1e: {  	s14 =	sadd.s32 $0x1, s10;
	_ =	swait.ge @!p1 [sflag:s12], $0x1000  }
0x1f: {  	s11 =	smov.u32 s9;
	p0 =	por !p0, !p0;
	[sflag:s12] =	ssyncset.done @!p1 $0x0  }
0x20: {  	s10 =	smov.u32 s14;
	s9 =	smov.u32 s13;
	[sflag:s12] =	ssyncadd.s32 @!p1 $0xFFFFF000  }
.LBB1_1:
0x21: {  	p1 =	sge.u32 s10, s6  }
0x22: {  	s12 =	sand.u32 @!p1 $0x1FFFFFF, s9  }
0x23: {  	s13 =	smulhi.u32 @!p1 $0xCF6475, s12;
	_ =	sdelay $0x1  }
0x24: {  	s13 =	sshrl.u32 @!p1 s13, $0xA  }
0x25: {  	s13 =	smul.u32 @!p1 $0x4F000, s13;
	_ =	sdelay $0x1  }
0x26: {  	s31 =	sadd.s32 $0xFFFFFFFF, s10;
	s14 =	sxor.u32 @!p1 $0xFFFFFFFF, s10;
	s12 =	ssub.s32 @!p1 s12, s13  }
0x27: {  	s15 =	simm.s32 @!p1 $0x80;
	s14 =	sshll.u32 @!p1 s14, $0xC;
	s12 =	sshll.u32 @!p1 s12, $0x4  }
0x28: {  	s13 =	sand.u32 @!p1 $0x1000, s14;
	s14 =	simm.s32 @!p1 $0x20;
	s12 =	sadd.s32 @!p1 s3, s12  }
0x29: {  	[tilespmem:s13], [sflag:$0x1] =	stream.strided.gather @!p1 [hbm4b:s12+s14], $0x1000, s15, s14, $0x38;
	[tilespmem:$0x4040] =	vst v63  }
0x2a: {  	p1 =	sge.u32 s31, s6  }
.Ltmp2:
0x2b: {  	_ = 	snop;
	(pc) =	sbr.rel @p1 .LBB1_5-.Ltmp2, $1  }
0x2c: {  	_ =	sdelay $0x3  }
0x2d: {  	s12 =	simm.s32 $0x1  }
0x2e: {  	_ =	swait.ge [sflag:s5], $0x1000;
	s12 =	simm.s32 @!p0 $0x0  }
0x2f: {  	[sflag:s5] =	ssyncset.done $0x0;
	s13 =	sshll.u32 s12, $0xC  }
0x30: {  	[sflag:s5] =	ssyncadd.s32 $0xFFFFF000;
	s16 =	sor.u32 $0x10, s13  }
0x31: {  	s12 =	smul.u32 $0x4080, s12;
	v1 =	vld [tilespmem:s16+$0x0]  }
0x32: {  	s30 =	sand.u32 $0x1, s10;
	v0 =	vld [tilespmem:s16+$0xFFFFFFF0]  }
0x33: {  	s13 =	smul.u32 $0x4080, s30;
	s12 =	sshrl.u32 s12, $0x2  }
0x34: {  	s14 =	sor.u32 $0x2000, s12  }
0x35: {  	s31 =	sshrl.u32 s13, $0x2;
	s13 =	sadd.s32 $0x0, s14  }
0x36: {  	s15 =	simm.s32 $0x4;
	s16 =	sadd.s32 $0x20, s16;
	s12 =	sor.u32 $0x2000, s31;
	[tilespmem:s13+$0x810 ss:$0x81] =	vst.msk $0xffff, v1  }
.LBB1_3:
0x37: {  	v1 =	vld [tilespmem:s16+$0x0];
	p1 =	sne.s32 s15, $0x1FC;
	[tilespmem:s13+$0x0 ss:$0x81] =	vst.msk $0xffff, v0;
	s13 =	smov.u32 s15;
	s15 =	sadd.s32 $0x4, s15  }
.Ltmp3:
0x38: {  	v0 =	vld [tilespmem:s16+$0xFFFFFFF0];
	(pc) =	sbr.rel @p1 .LBB1_3-.Ltmp3, $4  }
0x39: {  	_ = 	snop  }
0x3a: {  	s13 =	sshra.s32 s13, $0x2  }
0x3b: {  	s13 =	sadd.s32 s13, s14  }
0x3c: {  	s16 =	sadd.s32 $0x20, s16;
	[tilespmem:s13+$0x810 ss:$0x81] =	vst.msk $0xffff, v1  }
.Ltmp4:
0x3d: {  	_ = 	snop;
	(pc) =	sbr.rel .LBB1_4-.Ltmp4, $1  }
0x3e: {  	_ =	sdelay $0x3  }
.LBB1_6:
0x3f: {  	_ =	sfence.sel $0x180000  }
0x40: {  	s2 =	simm.s32 $0x1;
	[bflag:$0x0] =	sbarrier.arrive $0xFFFF  }
0x41: {  	s31 =	simm.s32 $0x2;
	[sflag:s2] =	ssyncpa.u1 $0x1  }
0x42: {  	[sflag:s31] =	ssyncpa.u1 $0x1  }
0x43: {  	p0 =	sne.s32 s0, $0x0;
	_ =	strace $0x90000053  }
0x44: {  	s0 =	sadd.s32 @!p0 $0x100000, s1;
	[bflag:$0x2] =	sbarrier.arrive $0xFFFF  }
0x45: {  	[sflag:s0] =	ssyncadd.tile.s32 @!p0 $0x1;
	_ =	shalt  }
.Lfunc_end1:
_tile_overlayer_lowered:
.L_overlay_start_2:
0x46: {  	(tag) =	ssettag $0x2  }
0x47: {  	s0 =	rddreg [dreg:$0x0];
	s2 =	stileid.u32  }
0x48: {  	s1 =	rddreg [dreg:$0x1];
	p0 =	sne.s32 s2, $0x0  }
0x49: {  	s3 =	rddreg [dreg:$0x2];
	[bflag:$0x3] =	sbarrier.arrive $0xFFFF;
	s2 =	simm.s32 @!p0 $0x1C01  }
0x4a: {  	[timem:s3], [sflag:s2] =	dma.local @!p0 [hbm:s0], s1  }
0x4b: {  	s0 =	simm.s32 @!p0 $0x1  }
0x4c: {  	_ =	swait.ge @!p0 [sflag:s0], s1  }
0x4d: {  	s1 =	ssub.s32 @!p0 $0x0, s1;
	[sflag:s0] =	ssyncset.done @!p0 $0x0  }
0x4e: {  	[sflag:s0] =	ssyncadd.s32 @!p0 s1  }
0x4f: {  	[bflag:$0x3] =	sbarrier.arrive $0xFFFF  }
0x50: {  	_ =	shalt  }

// kernel: sparse-core-data-format-call.2.cloned.1.call-start
scs
called_computation.6_lowered:
.L_overlay_start_0:
0x0: {  	s2 =	sld [smem:$0x3FD9]  }
0x1: {  	s3 =	sld [smem:$0x3FFE];
	_ =	sdelay $0x1  }
0x2: {  	s1 =	srdreg.scid  }
0x3: {  	s0 =	sand.u32 $0x1, s1  }
0x4: {  	s18 =	sshll.u32 s0, $0xA;
	s2 =	sadd.s32 s3, s2  }
0x5: {  	s2 =	sadd.s32 s2, s18  }
0x6: {  	[smem:$0x3F91] =	sst s2  }
0x7: {  	_ = 	snop  }
0x8: {  	(tm) =	ssettm $0x1  }
0x9: {  	s19 =	sld [smem:$0x3FFB];
	_ =	sdelay $0x3  }
0xa: {  	_ =	strace s19  }
0xb: {  	s2 =	sld [smem:$0x3FFC];
	_ =	sdelay $0x3  }
0xc: {  	_ =	strace s2  }
0xd: {  	s2 =	sld [smem:$0x3FFD];
	_ =	sdelay $0x3  }
0xe: {  	_ =	strace s2  }
0xf: {  	_ =	strace $0x8FFFFFFF  }
0x10: {  	s20 =	sld [smem:$0x3FDB];
	_ =	sdelay $0x1  }
0x11: {  	s21 =	simm.s32 $_scs_section_size  }
0x12: {  	s4 =	simm.s32 $_size__tile_overlayer_lowered;
	s5 =	simm.s32 $_tile_overlayer_lowered  }
0x13: {  	s6 =	simm.s32 $0x1BFF;
	s22 =	sshll.u32 s5, $0x1;
	s3 =	sadd.s32 s21, s20  }
0x14: {  	s23 =	simm.s32 $0x0;
	s4 =	sshll.u32 s4, $0x1;
	s5 =	sadd.s32 s22, s3  }
0x15: {  	[timem:s23], [sflag:s6] =	dma.local [hbm:s5], s4  }
0x16: {  	_ =	swait.ge [sflag:s6], s4  }
0x17: {  	s4 =	ssub.s32 $0x0, s4;
	[sflag:s6] =	ssyncset.done $0x0  }
0x18: {  	[sflag:s6] =	ssyncadd.s32 s4;
	_ =	sdelay $0x1  }
0x19: {  	s24 =	simm.s32 $0x1B8B  }
0x1a: {  	_ =	swait.ge [sflag:s24], $0x1  }
0x1b: {  	[sflag:s24] =	ssyncset.done $0x0  }
0x1c: {  	[sflag:s24] =	ssyncadd.s32 $0xFFFFFFFF  }
0x1d: {  	s4 =	sld [smem:$0x0]  }
0x1e: {  	s5 =	sand.u32 $0xFFFFFFFE, s1  }
0x1f: {  	p0 =	sne.s32 s1, s5  }
0x20: {  	s5 =	sshll.u32 @p0 s5, $0xE  }
0x21: {  	s5 =	sadd.s32 @p0 $0x11B8D, s5;
	s6 =	sshll.u32 @p0 s4, $0x11  }
0x22: {  	s5 =	sor.u32 @p0 s6, s5  }
0x23: {  	[sflag:s5] =	ssyncadd.remote.s32 @p0 $0x1;
	_ =	sdelay $0x1  }
0x24: {  	s5 =	simm.s32 @p0 $0x1B8D  }
0x25: {  	_ =	swait.eq @p0 [sflag:s5], $0x1  }
0x26: {  	[sflag:s5] =	ssyncadd.s32 @p0 $0xFFFFFFFF  }
0x27: {  	s6 =	sshll.u32 @!p0 s1, $0xE  }
0x28: {  	s6 =	sor.u32 @!p0 $0x4000, s6;
	s5 =	simm.s32 @!p0 $0x1B8D  }
0x29: {  	s4 =	sshll.u32 @!p0 s4, $0x11;
	s6 =	sadd.s32 @!p0 $0x11B8D, s6;
	_ =	swait.eq @!p0 [sflag:s5], $0x1  }
0x2a: {  	s4 =	sor.u32 @!p0 s4, s6;
	[sflag:s5] =	ssyncadd.s32 @!p0 $0xFFFFFFFF  }
0x2b: {  	s26 =	simm.s32 $0x1B8E;
	s25 =	sld [smem:$0x3FFE];
	[sflag:s4] =	ssyncadd.remote.s32 @!p0 $0x1  }
0x2c: {  	s27 =	simm.s32 $execute0_lowered;
	[smem:$0x3FD2] =	sst s26  }
0x2d: {  	s5 =	sshll.u32 s27, $0x1;
	_ =	strace $0x8000005B;
	[dreg:$0x1] =	wrdreg $0xFFFFFFFF  }
0x2e: {  	s28 =	simm.s32 $_size_execute0_lowered;
	s3 =	sadd.s32 s3, s5;
	[dreg:$0x0] =	wrdreg $0x0  }
0x2f: {  	s5 =	sshll.u32 s28, $0x1;
	[dreg:$0x2] =	wrdreg s3  }
0x30: {  	[dreg:$0x3] =	wrdreg s5  }
0x31: {  	[dreg:$0x4] =	wrdreg $0xC0  }
0x32: {  	_ =	task [dreg:s23], $0x5FFFF  }
0x33: {  	[dreg:$0x1] =	wrdreg $0xFFFFFFFF  }
0x34: {  	[dreg:$0x0] =	wrdreg $0x60  }
0x35: {  	[dreg:$0x2] =	wrdreg s25  }
0x36: {  	[dreg:$0x3] =	wrdreg $0xA  }
0x37: {  	_ =	task.clear_ibuf [dreg:s23], $0x4FFFF;
	_ =	strace $0x9000005B  }
0x38: {  	s29 =	simm.s32 $0xA;
	_ =	strace $0x8000005D  }
0x39: {  	_ =	swait.ge [sflag:s29], $0x1  }
0x3a: {  	[sflag:s29] =	ssyncadd.s32 $0xFFFFFFFF  }
0x3b: {  	_ =	strace $0x9000005D  }
0x3c: {  	_ =	sfence  }
0x3d: {  	s30 =	sld [smem:$0x0];
	_ =	sdelay $0x2  }
0x3e: {  	s31 =	sshll.u32 s1, $0xD;
	s1 =	sshrl.u32 s1, $0x2  }
0x3f: {  	s4 =	sand.u32 $0x4000, s31;
	s1 =	sadd.s32 s1, s30  }
0x40: {  	s0 =	sor.u32 s4, s0;
	s1 =	sshll.u32 s1, $0x11  }
0x41: {  	s0 =	sor.u32 s1, s0  }
0x42: {  	s0 =	sadd.s32 $0x8F2B, s0  }
0x43: {  	[sflag:s0] =	ssyncadd.remote.s32 $0x1  }
0x44: {  	_ =	sfence.sel $0xFFFF  }
0x45: {  	[dreg:$0x0] =	wrdreg $0xFFFFFFFF;
	(pc) =	sbr.abs _section_cstart, $3  }
0x46: {  	[dreg:$0x1] =	wrdreg $0xFFFFFFFF  }
0x47: {  	_ =	task.clear_ibuf [dreg:s23], $0x2FFFF;
	_ =	strace $0x9FFFFFFF  }
0x48: {  	(tm) =	ssettm $0x7FFFFFFF  }
0x49: {  	_ =	shalt  }
tec
execute0_lowered:
.L_overlay_start_1:
0x0: {  	(tag) =	ssettag $0x1  }
0x1: {  	s0 =	srdreg.scid  }
0x2: {  	s6 =	rddreg [dreg:$0x0];
	s7 =	simm.s32 $0x1;
	s1 =	sshll.u32 s0, $0x4  }
0x3: {  	s8 =	simm.s32 $0x2;
	s0 =	stileid.u32;
	s1 =	sand.u32 $0x10, s1  }
0x4: {  	s13 =	simm.s32 $0x0;
	s12 =	simm.s32 $0x0;
	s1 =	sor.u32 s0, s1  }
0x5: {  	s10 =	simm.s32 $0x0;
	s3 =	sadd.s32 $0x6AC600, s6;
	s2 =	sshll.u32 s1, $0x9  }
0x6: {  	s11 =	simm.s32 $0x0;
	s6 =	sadd.s32 $0x7E8600, s6;
	s5 =	ssub.s32 $0x4F000, s2  }
.Ltmp0:
0x7: {  	s1 =	rddreg [dreg:$0x1];
	s4 =	sand.u32 $0x3E00, s5;
	(pc) =	sbr.rel .LBB1_1-.Ltmp0, $4  }
0x8: {  	_ =	strace $0x8000005C;
	s9 =	smov.u32 s2;
	p0 =	sne.s32 s4, $0x0  }
0x9: {  	s5 =	sshrl.u32 s5, $0xE;
	s4 =	simm.s32 $0x1;
	s7 =	simm.s32 @!p0 $0x0  }
0xa: {  	[sflag:s4] =	ssyncpa.u1 $0x0;
	p0 =	por $0x0, $0x0;
	s5 =	sadd.s32 s7, s5  }
0xb: {  	[sflag:s8] =	ssyncpa.u1 $0x0;
	s8 =	simm.s32 $0x80;
	s7 =	sadd.s32 $0x1, s5  }
.LBB1_4:
0xc: {  	_ = 	snop  }
0xd: {  	[tilespmem:s18+$0x2D60 ss:$0x21] =	vst.msk $0xffff, v7  }
0xe: {  	[tilespmem:s18+$0x2F70 ss:$0x21] =	vst.msk $0xffff, v6  }
0xf: {  	[tilespmem:s18+$0x3390 ss:$0x21] =	vst.msk $0xffff, v3  }
0x10: {  	s21 =	sor.u32 s24, s23;
	v31 =	vld.idx.msk [tilespmem:v0+s16+$0xC70 ss:$0x1], $0xffff;
	[tilespmem:s18+$0x35A0 ss:$0x21] =	vst.msk $0xffff, v1  }
0x11: {  	[tilespmem:s18+$0x37B0 ss:$0x21] =	vst.msk $0xffff, v2;
	v43 =	vld.idx.msk [tilespmem:v0+s21+$0x410 ss:$0x1], $0xffff  }
0x12: {  	[tilespmem:s18+$0x39C0 ss:$0x21] =	vst.msk $0xffff, v4;
	v44 =	vld.idx.msk [tilespmem:v0+s21+$0x420 ss:$0x1], $0xffff  }
0x13: {  	[tilespmem:s18+$0x3BD0 ss:$0x21] =	vst.msk $0xffff, v5;
	s22 =	sand.u32 $0x3200, s21;
	v45 =	vld.idx.msk [tilespmem:v0+s21+$0x430 ss:$0x1], $0xffff  }
0x14: {  	s20 =	sand.u32 $0x180, s20;
	s25 =	sshra.s32 s19, $0x2;
	[tilespmem:s18+$0x3DE0 ss:$0x21] =	vst.msk $0xffff, v8;
	v46 =	vld.idx.msk [tilespmem:v0+s21+$0x440 ss:$0x1], $0xffff;
	s15 =	sadd.s32 s22, s15  }
0x15: {  	v47 =	vld.idx.msk [tilespmem:v0+s21+$0x450 ss:$0x1], $0xffff;
	s24 =	sadd.s32 s20, s15;
	s15 =	sadd.s32 s25, s17;
	[tilespmem:s18+$0x3FF0 ss:$0x21] =	vst.msk $0xffff, v31  }
0x16: {  	v48 =	vld.idx.msk [tilespmem:v0+s21+$0x460 ss:$0x1], $0xffff;
	[tilespmem:s15+$0x1290 ss:$0x21] =	vst.msk $0xffff, v43  }
0x17: {  	v49 =	vld.idx.msk [tilespmem:v0+s21+$0x470 ss:$0x1], $0xffff;
	[tilespmem:s15+$0x14A0 ss:$0x21] =	vst.msk $0xffff, v44  }
0x18: {  	v50 =	vld.idx.msk [tilespmem:v0+s21+$0x810 ss:$0x1], $0xffff;
	[tilespmem:s15+$0x16B0 ss:$0x21] =	vst.msk $0xffff, v45  }
0x19: {  	v51 =	vld.idx.msk [tilespmem:v0+s21+$0x820 ss:$0x1], $0xffff;
	[tilespmem:s15+$0x18C0 ss:$0x21] =	vst.msk $0xffff, v46  }
0x1a: {  	v52 =	vld.idx.msk [tilespmem:v0+s21+$0x830 ss:$0x1], $0xffff;
	[tilespmem:s15+$0x1AD0 ss:$0x21] =	vst.msk $0xffff, v47  }
0x1b: {  	v53 =	vld.idx.msk [tilespmem:v0+s21+$0x840 ss:$0x1], $0xffff;
	[tilespmem:s15+$0x1CE0 ss:$0x21] =	vst.msk $0xffff, v48  }
0x1c: {  	v54 =	vld.idx.msk [tilespmem:v0+s21+$0x850 ss:$0x1], $0xffff;
	[tilespmem:s15+$0x1EF0 ss:$0x21] =	vst.msk $0xffff, v49  }
0x1d: {  	v55 =	vld.idx.msk [tilespmem:v0+s21+$0x860 ss:$0x1], $0xffff;
	[tilespmem:s15+$0x2310 ss:$0x21] =	vst.msk $0xffff, v50  }
0x1e: {  	v56 =	vld.idx.msk [tilespmem:v0+s21+$0x870 ss:$0x1], $0xffff;
	[tilespmem:s15+$0x2520 ss:$0x21] =	vst.msk $0xffff, v51  }
0x1f: {  	v57 =	vld.idx.msk [tilespmem:v0+s21+$0xC10 ss:$0x1], $0xffff;
	[tilespmem:s15+$0x2730 ss:$0x21] =	vst.msk $0xffff, v52  }
0x20: {  	v58 =	vld.idx.msk [tilespmem:v0+s21+$0xC20 ss:$0x1], $0xffff;
	[tilespmem:s15+$0x2940 ss:$0x21] =	vst.msk $0xffff, v53  }
0x21: {  	v59 =	vld.idx.msk [tilespmem:v0+s21+$0xC30 ss:$0x1], $0xffff;
	[tilespmem:s15+$0x2B50 ss:$0x21] =	vst.msk $0xffff, v54  }
0x22: {  	v60 =	vld.idx.msk [tilespmem:v0+s21+$0xC40 ss:$0x1], $0xffff;
	[tilespmem:s15+$0x2D60 ss:$0x21] =	vst.msk $0xffff, v55  }
0x23: {  	v61 =	vld.idx.msk [tilespmem:v0+s21+$0xC50 ss:$0x1], $0xffff;
	[tilespmem:s15+$0x2F70 ss:$0x21] =	vst.msk $0xffff, v56  }
0x24: {  	v62 =	vld.idx.msk [tilespmem:v0+s21+$0xC60 ss:$0x1], $0xffff;
	[tilespmem:s15+$0x3390 ss:$0x21] =	vst.msk $0xffff, v57  }
0x25: {  	v63 =	vld.idx.msk [tilespmem:v0+s21+$0xC70 ss:$0x1], $0xffff;
	[tilespmem:s15+$0x35A0 ss:$0x21] =	vst.msk $0xffff, v58  }
0x26: {  	v32 =	vld [tilespmem:s24+$0xC00];
	[tilespmem:s15+$0x37B0 ss:$0x21] =	vst.msk $0xffff, v59  }
0x27: {  	v33 =	vld [tilespmem:s24+$0x0];
	[tilespmem:s15+$0x39C0 ss:$0x21] =	vst.msk $0xffff, v60  }
0x28: {  	v34 =	vld [tilespmem:s24+$0x10];
	[tilespmem:s15+$0x3BD0 ss:$0x21] =	vst.msk $0xffff, v61  }
0x29: {  	s13 =	sshll.u32 s13, $0x7;
	s26 =	sshll.u32 s12, $0x3;
	v35 =	vld [tilespmem:s24+$0x20];
	[tilespmem:s15+$0x3DE0 ss:$0x21] =	vst.msk $0xffff, v62  }
0x2a: {  	s27 =	sand.u32 $0xFFFFFC00, s13;
	s16 =	sand.u32 $0xFFFFFC00, s26;
	v36 =	vld [tilespmem:s24+$0x30];
	[tilespmem:s15+$0x3FF0 ss:$0x21] =	vst.msk $0xffff, v63  }
0x2b: {  	s13 =	sand.u32 $0x380, s13;
	s16 =	sadd.s32 s16, s27;
	v37 =	vld [tilespmem:s24+$0x40];
	[tilespmem:s15+$0x3180 ss:$0x21] =	vst.msk $0xffff, v32  }
0x2c: {  	s13 =	sor.u32 s13, s16;
	v38 =	vld [tilespmem:s24+$0x50];
	[tilespmem:s15+$0x0 ss:$0x21] =	vst.msk $0xffff, v33  }
0x2d: {  	v39 =	vld [tilespmem:s24+$0x60];
	s13 =	sshrl.u32 s13, $0x7;
	[tilespmem:s15+$0x210 ss:$0x21] =	vst.msk $0xffff, v34  }
0x2e: {  	v40 =	vld [tilespmem:s24+$0x70];
	s28 =	smulhi.u32 $0xCF6475, s13;
	[tilespmem:s15+$0x420 ss:$0x21] =	vst.msk $0xffff, v35  }
0x2f: {  	v41 =	vld [tilespmem:s24+$0x400];
	[tilespmem:s15+$0x630 ss:$0x21] =	vst.msk $0xffff, v36  }
0x30: {  	v42 =	vld [tilespmem:s24+$0x800];
	s16 =	sshrl.u32 s28, $0xA;
	[tilespmem:s15+$0x840 ss:$0x21] =	vst.msk $0xffff, v37  }
0x31: {  	s16 =	smul.u32 $0x4F000, s16;
	[tilespmem:s15+$0xA50 ss:$0x21] =	vst.msk $0xffff, v38  }
0x32: {  	s29 =	sshrl.u32 s12, $0x3;
	[tilespmem:s15+$0xC60 ss:$0x21] =	vst.msk $0xffff, v39  }
0x33: {  	s31 =	sand.u32 $0x7, s12;
	s30 =	sand.u32 $0xF, s29;
	[tilespmem:s15+$0xE70 ss:$0x21] =	vst.msk $0xffff, v40;
	s13 =	ssub.s32 s13, s16  }
0x34: {  	s12 =	sshll.u32 s31, $0x12;
	[tilespmem:s15+$0x1080 ss:$0x21] =	vst.msk $0xffff, v41;
	s16 =	sadd.s32 s6, s30;
	s13 =	sshll.u32 s13, $0x4  }
0x35: {  	s12 =	sor.u32 $0x20, s12;
	[tilespmem:s15+$0x2100 ss:$0x21] =	vst.msk $0xffff, v42;
	s13 =	sadd.s32 s13, s16  }
0x36: {  	[hbm4b:s13+s12] =	stream.strided.scatter [tilespmem:s14], [sflag:$0x2], $0x4000, s8, s12, $0x10;
	[tilespmem:$0x10400] =	vst v63  }
.LBB1_5:
0x37: {  	s14 =	sadd.s32 $0x4000, s9  }
0x38: {  	s12 =	sadd.s32 $0x20, s10;
	s16 =	smov.u32 s10;
	p2 =	sgt.s32 s14, $0x4EFFF  }
0x39: {  	s16 =	smov.u32 @p2 s12  }
0x3a: {  	s14 =	smov.u32 @p2 s2;
	p2 =	sgt.s32 s16, $0x1F  }
0x3b: {  	s16 =	simm.s32 @p2 $0x0;
	p2 =	sne.s32 s11, s7  }
.Ltmp1:
0x3c: {  	p1 =	slt.u32 s11, $0x2;
	(pc) =	sbr.rel @!p2 .LBB1_6-.Ltmp1, $4  }
0x3d: {  	s15 =	simm.s32 @!p1 $0x2  }
0x3e: {  	s13 =	smov.u32 s9;
	p0 =	por !p0, !p0;
	_ =	swait.ge @!p1 [sflag:s15], $0x4000  }
0x3f: {  	s12 =	smov.u32 s10;
	[sflag:s15] =	ssyncset.done @!p1 $0x0;
	s9 =	smov.u32 s14  }
0x40: {  	s11 =	sadd.s32 $0x1, s11;
	[sflag:s15] =	ssyncadd.s32 @!p1 $0xFFFFC000;
	s10 =	smov.u32 s16  }
.LBB1_1:
0x41: {  	p1 =	sge.u32 s11, s5  }
0x42: {  	s14 =	sshrl.u32 @!p1 s10, $0x3  }
0x43: {  	s15 =	sshll.u32 @!p1 s9, $0x3;
	s16 =	sshll.u32 @!p1 s10, $0x7;
	s14 =	smul.u32 @!p1 $0x278000, s14  }
0x44: {  	s17 =	sand.u32 @!p1 $0x7F, s9;
	s15 =	sand.u32 @!p1 $0xFFFFFC00, s15;
	s16 =	sand.u32 @!p1 $0x380, s16  }
0x45: {  	s14 =	sadd.s32 @!p1 s14, s15;
	s15 =	sor.u32 @!p1 s17, s16  }
0x46: {  	s15 =	sor.u32 @!p1 s14, s15  }
0x47: {  	s16 =	smulhi.u32 @!p1 $0xCF6474A9, s15;
	_ =	sdelay $0x1  }
0x48: {  	s14 =	smulhi.u32 @!p1 $0xCF6474A9, s14;
	s16 =	sshrl.u32 @!p1 s16, $0x12  }
0x49: {  	s16 =	smul.u32 @!p1 $0x4F000, s16  }
0x4a: {  	s31 =	sadd.s32 $0xFFFFFFFF, s11;
	s17 =	sxor.u32 @!p1 $0xFFFFFFFF, s11;
	s14 =	sshrl.u32 @!p1 s14, $0x12  }
0x4b: {  	s17 =	sshll.u32 @!p1 s17, $0xE;
	s14 =	sand.u32 @!p1 $0x1F, s14;
	s15 =	ssub.s32 @!p1 s15, s16  }
0x4c: {  	s14 =	smul.u32 @!p1 $0x9E00, s14;
	s16 =	sshrl.u32 @!p1 s15, $0x3;
	s15 =	sand.u32 @!p1 $0x7, s15  }
0x4d: {  	s17 =	sand.u32 @!p1 $0x4000, s17;
	s16 =	sadd.s32 @!p1 s3, s16;
	s15 =	sshll.u32 @!p1 s15, $0x12  }
0x4e: {  	s14 =	sadd.s32 @!p1 s14, s16;
	s15 =	sor.u32 @!p1 $0x1000, s15;
	s16 =	simm.s32 @!p1 $0x278000  }
0x4f: {  	[tilespmem:s17], [sflag:$0x1] =	stream.strided.gather @!p1 [hbm4b:s14+s15], $0x4000, s16, s15, $0x38;
	[tilespmem:$0x10400] =	vst v63  }
0x50: {  	p1 =	sge.u32 s31, s5  }
.Ltmp2:
0x51: {  	_ = 	snop;
	(pc) =	sbr.rel @p1 .LBB1_5-.Ltmp2, $1  }
0x52: {  	_ =	sdelay $0x3  }
0x53: {  	s17 =	simm.s32 $0x0  }
0x54: {  	s16 =	sand.u32 $0x3000, s17;
	s18 =	sand.u32 $0x380, s17  }
0x55: {  	s14 =	sand.u32 $0x1, s11;
	s16 =	sor.u32 s18, s16  }
0x56: {  	_ =	swait.ge [sflag:s4], $0x4000;
	s15 =	sshll.u32 s14, $0xE;
	s18 =	sand.u32 $0x3200, s16  }
0x57: {  	[sflag:s4] =	ssyncset.done $0x0;
	s17 =	sand.u32 $0x180, s17;
	s18 =	sadd.s32 s18, s15  }
0x58: {  	[sflag:s4] =	ssyncadd.s32 $0xFFFFC000;
	s20 =	sadd.s32 s17, s18  }
0x59: {  	v4 =	vld [tilespmem:s20+$0xC00]  }
0x5a: {  	s19 =	simm.s32 $0x1;
	v0 =	vmov s15;
	v5 =	vld [tilespmem:s20+$0x0]  }
0x5b: {  	s19 =	simm.s32 @!p0 $0x0;
	v6 =	vld [tilespmem:s20+$0x10]  }
0x5c: {  	s31 =	smul.u32 $0x10800, s19;
	v7 =	vld [tilespmem:s20+$0x20]  }
0x5d: {  	v8 =	vld [tilespmem:s20+$0x30]  }
0x5e: {  	s17 =	sshrl.u32 s31, $0x2;
	v9 =	vld [tilespmem:s20+$0x40]  }
0x5f: {  	s17 =	sor.u32 $0x8000, s17;
	v1 =	vld.idx.msk [tilespmem:v0+s16+$0x410 ss:$0x1], $0xffff  }
0x60: {  	v2 =	vld.idx.msk [tilespmem:v0+s16+$0x420 ss:$0x1], $0xffff;
	s18 =	sadd.s32 $0x0, s17  }
0x61: {  	v3 =	vld.idx.msk [tilespmem:v0+s16+$0x430 ss:$0x1], $0xffff;
	[tilespmem:s18+$0x3180 ss:$0x21] =	vst.msk $0xffff, v4  }
0x62: {  	v10 =	vld.idx.msk [tilespmem:v0+s16+$0x820 ss:$0x1], $0xffff;
	[tilespmem:s18+$0x0 ss:$0x21] =	vst.msk $0xffff, v5  }
0x63: {  	v11 =	vld.idx.msk [tilespmem:v0+s16+$0x830 ss:$0x1], $0xffff;
	[tilespmem:s18+$0x210 ss:$0x21] =	vst.msk $0xffff, v6  }
0x64: {  	v12 =	vld.idx.msk [tilespmem:v0+s16+$0x840 ss:$0x1], $0xffff;
	[tilespmem:s18+$0x420 ss:$0x21] =	vst.msk $0xffff, v7  }
0x65: {  	v13 =	vld.idx.msk [tilespmem:v0+s16+$0x850 ss:$0x1], $0xffff;
	[tilespmem:s18+$0x630 ss:$0x21] =	vst.msk $0xffff, v8  }
0x66: {  	v4 =	vld [tilespmem:s20+$0x50];
	[tilespmem:s18+$0x840 ss:$0x21] =	vst.msk $0xffff, v9  }
0x67: {  	v5 =	vld [tilespmem:s20+$0x60];
	[tilespmem:s18+$0x1290 ss:$0x21] =	vst.msk $0xffff, v1  }
0x68: {  	v6 =	vld [tilespmem:s20+$0x70];
	[tilespmem:s18+$0x14A0 ss:$0x21] =	vst.msk $0xffff, v2  }
0x69: {  	v7 =	vld [tilespmem:s20+$0x400];
	[tilespmem:s18+$0x16B0 ss:$0x21] =	vst.msk $0xffff, v3  }
0x6a: {  	v8 =	vld [tilespmem:s20+$0x800];
	[tilespmem:s18+$0x2520 ss:$0x21] =	vst.msk $0xffff, v10  }
0x6b: {  	v9 =	vld.idx.msk [tilespmem:v0+s16+$0x470 ss:$0x1], $0xffff;
	[tilespmem:s18+$0x2730 ss:$0x21] =	vst.msk $0xffff, v11  }
0x6c: {  	v3 =	vld.idx.msk [tilespmem:v0+s16+$0xC10 ss:$0x1], $0xffff;
	[tilespmem:s18+$0x2940 ss:$0x21] =	vst.msk $0xffff, v12  }
0x6d: {  	v1 =	vld.idx.msk [tilespmem:v0+s16+$0xC20 ss:$0x1], $0xffff;
	[tilespmem:s18+$0x2B50 ss:$0x21] =	vst.msk $0xffff, v13  }
0x6e: {  	v2 =	vld.idx.msk [tilespmem:v0+s16+$0xC30 ss:$0x1], $0xffff;
	[tilespmem:s18+$0xA50 ss:$0x21] =	vst.msk $0xffff, v4  }
0x6f: {  	[tilespmem:s18+$0xE70 ss:$0x21] =	vst.msk $0xffff, v6;
	v6 =	vld.idx.msk [tilespmem:v0+s16+$0x460 ss:$0x1], $0xffff  }
0x70: {  	v4 =	vld.idx.msk [tilespmem:v0+s16+$0x440 ss:$0x1], $0xffff;
	[tilespmem:s18+$0xC60 ss:$0x21] =	vst.msk $0xffff, v5  }
0x71: {  	v5 =	vld.idx.msk [tilespmem:v0+s16+$0x450 ss:$0x1], $0xffff;
	[tilespmem:s18+$0x1080 ss:$0x21] =	vst.msk $0xffff, v7  }
0x72: {  	[tilespmem:s18+$0x2100 ss:$0x21] =	vst.msk $0xffff, v8;
	v8 =	vld.idx.msk [tilespmem:v0+s16+$0x810 ss:$0x1], $0xffff  }
0x73: {  	v7 =	vld.idx.msk [tilespmem:v0+s16+$0x860 ss:$0x1], $0xffff;
	[tilespmem:s18+$0x1EF0 ss:$0x21] =	vst.msk $0xffff, v9  }
0x74: {  	s14 =	smul.u32 $0x10800, s14;
	[tilespmem:s18+$0x1CE0 ss:$0x21] =	vst.msk $0xffff, v6;
	v6 =	vld.idx.msk [tilespmem:v0+s16+$0x870 ss:$0x1], $0xffff  }
0x75: {  	s21 =	simm.s32 $0x200;
	s22 =	simm.s32 $0x8;
	[tilespmem:s18+$0x18C0 ss:$0x21] =	vst.msk $0xffff, v4;
	v4 =	vld.idx.msk [tilespmem:v0+s16+$0xC40 ss:$0x1], $0xffff  }
0x76: {  	s23 =	sand.u32 $0x3000, s21;
	s14 =	sshrl.u32 s14, $0x2;
	s20 =	simm.s32 $0x80;
	[tilespmem:s18+$0x1AD0 ss:$0x21] =	vst.msk $0xffff, v5;
	v5 =	vld.idx.msk [tilespmem:v0+s16+$0xC50 ss:$0x1], $0xffff  }
0x77: {  	s19 =	simm.s32 $0x4;
	s14 =	sor.u32 $0x8000, s14;
	s24 =	sand.u32 $0x380, s20;
	[tilespmem:s18+$0x2310 ss:$0x21] =	vst.msk $0xffff, v8;
	v8 =	vld.idx.msk [tilespmem:v0+s16+$0xC60 ss:$0x1], $0xffff  }
.LBB1_3:
0x78: {  	p1 =	sne.s32 s22, $0x7C;
	[tilespmem:s18+$0x2D60 ss:$0x21] =	vst.msk $0xffff, v7;
	v7 =	vld.idx.msk [tilespmem:v0+s16+$0xC70 ss:$0x1], $0xffff;
	s16 =	sor.u32 s24, s23  }
0x79: {  	s23 =	sand.u32 $0x3200, s16;
	v9 =	vld.idx.msk [tilespmem:v0+s16+$0x410 ss:$0x1], $0xffff;
	[tilespmem:s18+$0x2F70 ss:$0x21] =	vst.msk $0xffff, v6  }
0x7a: {  	s24 =	sand.u32 $0x180, s20;
	s23 =	sadd.s32 s23, s15;
	v6 =	vld.idx.msk [tilespmem:v0+s16+$0x420 ss:$0x1], $0xffff;
	[tilespmem:s18+$0x3390 ss:$0x21] =	vst.msk $0xffff, v3  }
0x7b: {  	s23 =	sadd.s32 s24, s23;
	v3 =	vld.idx.msk [tilespmem:v0+s16+$0x430 ss:$0x1], $0xffff;
	[tilespmem:s18+$0x35A0 ss:$0x21] =	vst.msk $0xffff, v1  }
0x7c: {  	v1 =	vld [tilespmem:s23+$0xC00];
	[tilespmem:s18+$0x37B0 ss:$0x21] =	vst.msk $0xffff, v2  }
0x7d: {  	v2 =	vld [tilespmem:s23+$0x0];
	[tilespmem:s18+$0x39C0 ss:$0x21] =	vst.msk $0xffff, v4  }
0x7e: {  	v4 =	vld [tilespmem:s23+$0x10];
	[tilespmem:s18+$0x3BD0 ss:$0x21] =	vst.msk $0xffff, v5  }
0x7f: {  	s24 =	sshra.s32 s19, $0x2;
	s19 =	smov.u32 s22;
	v5 =	vld [tilespmem:s23+$0x20];
	[tilespmem:s18+$0x3DE0 ss:$0x21] =	vst.msk $0xffff, v8  }
0x80: {  	v8 =	vld [tilespmem:s23+$0x30];
	[tilespmem:s18+$0x3FF0 ss:$0x21] =	vst.msk $0xffff, v7;
	s18 =	sadd.s32 s24, s17  }
0x81: {  	v7 =	vld [tilespmem:s23+$0x40];
	[tilespmem:s18+$0x3180 ss:$0x21] =	vst.msk $0xffff, v1  }
0x82: {  	[tilespmem:s18+$0x0 ss:$0x21] =	vst.msk $0xffff, v2;
	v1 =	vld [tilespmem:s23+$0x50]  }
0x83: {  	[tilespmem:s18+$0x210 ss:$0x21] =	vst.msk $0xffff, v4;
	v2 =	vld [tilespmem:s23+$0x60]  }
0x84: {  	[tilespmem:s18+$0x420 ss:$0x21] =	vst.msk $0xffff, v5;
	v4 =	vld [tilespmem:s23+$0x70]  }
0x85: {  	[tilespmem:s18+$0x630 ss:$0x21] =	vst.msk $0xffff, v8;
	v5 =	vld [tilespmem:s23+$0x400]  }
0x86: {  	[tilespmem:s18+$0x840 ss:$0x21] =	vst.msk $0xffff, v7;
	v7 =	vld [tilespmem:s23+$0x800]  }
0x87: {  	[tilespmem:s18+$0xA50 ss:$0x21] =	vst.msk $0xffff, v1;
	v1 =	vld.idx.msk [tilespmem:v0+s16+$0x440 ss:$0x1], $0xffff  }
0x88: {  	[tilespmem:s18+$0xC60 ss:$0x21] =	vst.msk $0xffff, v2;
	v2 =	vld.idx.msk [tilespmem:v0+s16+$0x450 ss:$0x1], $0xffff  }
0x89: {  	[tilespmem:s18+$0xE70 ss:$0x21] =	vst.msk $0xffff, v4;
	v4 =	vld.idx.msk [tilespmem:v0+s16+$0x460 ss:$0x1], $0xffff  }
0x8a: {  	[tilespmem:s18+$0x1080 ss:$0x21] =	vst.msk $0xffff, v5;
	v5 =	vld.idx.msk [tilespmem:v0+s16+$0x470 ss:$0x1], $0xffff  }
0x8b: {  	[tilespmem:s18+$0x2100 ss:$0x21] =	vst.msk $0xffff, v7;
	v8 =	vld.idx.msk [tilespmem:v0+s16+$0x810 ss:$0x1], $0xffff  }
0x8c: {  	[tilespmem:s18+$0x1290 ss:$0x21] =	vst.msk $0xffff, v9;
	v9 =	vld.idx.msk [tilespmem:v0+s16+$0x820 ss:$0x1], $0xffff  }
0x8d: {  	[tilespmem:s18+$0x14A0 ss:$0x21] =	vst.msk $0xffff, v6;
	v10 =	vld.idx.msk [tilespmem:v0+s16+$0x830 ss:$0x1], $0xffff  }
0x8e: {  	[tilespmem:s18+$0x16B0 ss:$0x21] =	vst.msk $0xffff, v3;
	v11 =	vld.idx.msk [tilespmem:v0+s16+$0x840 ss:$0x1], $0xffff  }
0x8f: {  	[tilespmem:s18+$0x18C0 ss:$0x21] =	vst.msk $0xffff, v1;
	v12 =	vld.idx.msk [tilespmem:v0+s16+$0x850 ss:$0x1], $0xffff  }
0x90: {  	[tilespmem:s18+$0x1AD0 ss:$0x21] =	vst.msk $0xffff, v2;
	v7 =	vld.idx.msk [tilespmem:v0+s16+$0x860 ss:$0x1], $0xffff  }
0x91: {  	[tilespmem:s18+$0x1CE0 ss:$0x21] =	vst.msk $0xffff, v4;
	v6 =	vld.idx.msk [tilespmem:v0+s16+$0x870 ss:$0x1], $0xffff  }
0x92: {  	[tilespmem:s18+$0x1EF0 ss:$0x21] =	vst.msk $0xffff, v5;
	v3 =	vld.idx.msk [tilespmem:v0+s16+$0xC10 ss:$0x1], $0xffff  }
.Ltmp3:
0x93: {  	[tilespmem:s18+$0x2310 ss:$0x21] =	vst.msk $0xffff, v8;
	v1 =	vld.idx.msk [tilespmem:v0+s16+$0xC20 ss:$0x1], $0xffff;
	(pc) =	sbr.rel @p1 .LBB1_3-.Ltmp3, $4  }
0x94: {  	[tilespmem:s18+$0x2520 ss:$0x21] =	vst.msk $0xffff, v9;
	v2 =	vld.idx.msk [tilespmem:v0+s16+$0xC30 ss:$0x1], $0xffff  }
0x95: {  	[tilespmem:s18+$0x2730 ss:$0x21] =	vst.msk $0xffff, v10;
	v4 =	vld.idx.msk [tilespmem:v0+s16+$0xC40 ss:$0x1], $0xffff  }
0x96: {  	s20 =	sadd.s32 $0x80, s20;
	s21 =	sadd.s32 $0x200, s21;
	[tilespmem:s18+$0x2940 ss:$0x21] =	vst.msk $0xffff, v11;
	v5 =	vld.idx.msk [tilespmem:v0+s16+$0xC50 ss:$0x1], $0xffff  }
0x97: {  	s22 =	sadd.s32 $0x4, s22;
	s24 =	sand.u32 $0x380, s20;
	s23 =	sand.u32 $0x3000, s21;
	[tilespmem:s18+$0x2B50 ss:$0x21] =	vst.msk $0xffff, v12;
	v8 =	vld.idx.msk [tilespmem:v0+s16+$0xC60 ss:$0x1], $0xffff  }
.Ltmp4:
0x98: {  	_ = 	snop;
	(pc) =	sbr.rel .LBB1_4-.Ltmp4, $1  }
0x99: {  	_ =	sdelay $0x3  }
.LBB1_6:
0x9a: {  	_ =	sfence.sel $0x180000  }
0x9b: {  	s2 =	simm.s32 $0x1;
	[bflag:$0x0] =	sbarrier.arrive $0xFFFF  }
0x9c: {  	s31 =	simm.s32 $0x2;
	[sflag:s2] =	ssyncpa.u1 $0x1  }
0x9d: {  	[sflag:s31] =	ssyncpa.u1 $0x1  }
0x9e: {  	p0 =	sne.s32 s0, $0x0;
	_ =	strace $0x9000005C  }
0x9f: {  	s0 =	sadd.s32 @!p0 $0x100000, s1;
	[bflag:$0x2] =	sbarrier.arrive $0xFFFF  }
0xa0: {  	[sflag:s0] =	ssyncadd.tile.s32 @!p0 $0x1;
	_ =	shalt  }
.Lfunc_end1:
_tile_overlayer_lowered:
.L_overlay_start_2:
0xa1: {  	(tag) =	ssettag $0x2  }
0xa2: {  	s0 =	rddreg [dreg:$0x0];
	s2 =	stileid.u32  }
0xa3: {  	s1 =	rddreg [dreg:$0x1];
	p0 =	sne.s32 s2, $0x0  }
0xa4: {  	s3 =	rddreg [dreg:$0x2];
	[bflag:$0x3] =	sbarrier.arrive $0xFFFF;
	s2 =	simm.s32 @!p0 $0x1C01  }
0xa5: {  	[timem:s3], [sflag:s2] =	dma.local @!p0 [hbm:s0], s1  }
0xa6: {  	s0 =	simm.s32 @!p0 $0x1  }
0xa7: {  	_ =	swait.ge @!p0 [sflag:s0], s1  }
0xa8: {  	s1 =	ssub.s32 @!p0 $0x0, s1;
	[sflag:s0] =	ssyncset.done @!p0 $0x0  }
0xa9: {  	[sflag:s0] =	ssyncadd.s32 @!p0 s1  }
0xaa: {  	[bflag:$0x3] =	sbarrier.arrive $0xFFFF  }
0xab: {  	_ =	shalt  }

// kernel: sparse-core-data-format-call.3.cloned.1.call-start
scs
called_computation.7_lowered:
.L_overlay_start_0:
0x0: {  	s2 =	sld [smem:$0x3FD9]  }
0x1: {  	s3 =	sld [smem:$0x3FFE];
	_ =	sdelay $0x1  }
0x2: {  	s1 =	srdreg.scid  }
0x3: {  	s0 =	sand.u32 $0x1, s1  }
0x4: {  	s18 =	sshll.u32 s0, $0xA;
	s2 =	sadd.s32 s3, s2  }
0x5: {  	s2 =	sadd.s32 s2, s18  }
0x6: {  	[smem:$0x3F91] =	sst s2  }
0x7: {  	_ = 	snop  }
0x8: {  	(tm) =	ssettm $0x1  }
0x9: {  	s19 =	sld [smem:$0x3FFB];
	_ =	sdelay $0x3  }
0xa: {  	_ =	strace s19  }
0xb: {  	s2 =	sld [smem:$0x3FFC];
	_ =	sdelay $0x3  }
0xc: {  	_ =	strace s2  }
0xd: {  	s2 =	sld [smem:$0x3FFD];
	_ =	sdelay $0x3  }
0xe: {  	_ =	strace s2  }
0xf: {  	_ =	strace $0x8FFFFFFF  }
0x10: {  	s20 =	sld [smem:$0x3FDB];
	_ =	sdelay $0x1  }
0x11: {  	s21 =	simm.s32 $_scs_section_size  }
0x12: {  	s4 =	simm.s32 $_size__tile_overlayer_lowered;
	s5 =	simm.s32 $_tile_overlayer_lowered  }
0x13: {  	s6 =	simm.s32 $0x1BFF;
	s22 =	sshll.u32 s5, $0x1;
	s3 =	sadd.s32 s21, s20  }
0x14: {  	s23 =	simm.s32 $0x0;
	s4 =	sshll.u32 s4, $0x1;
	s5 =	sadd.s32 s22, s3  }
0x15: {  	[timem:s23], [sflag:s6] =	dma.local [hbm:s5], s4  }
0x16: {  	_ =	swait.ge [sflag:s6], s4  }
0x17: {  	s4 =	ssub.s32 $0x0, s4;
	[sflag:s6] =	ssyncset.done $0x0  }
0x18: {  	[sflag:s6] =	ssyncadd.s32 s4;
	_ =	sdelay $0x1  }
0x19: {  	s24 =	simm.s32 $0x1B8B  }
0x1a: {  	_ =	swait.ge [sflag:s24], $0x1  }
0x1b: {  	[sflag:s24] =	ssyncset.done $0x0  }
0x1c: {  	[sflag:s24] =	ssyncadd.s32 $0xFFFFFFFF  }
0x1d: {  	s4 =	sld [smem:$0x0]  }
0x1e: {  	s5 =	sand.u32 $0xFFFFFFFE, s1  }
0x1f: {  	p0 =	sne.s32 s1, s5  }
0x20: {  	s5 =	sshll.u32 @p0 s5, $0xE  }
0x21: {  	s5 =	sadd.s32 @p0 $0x11B8D, s5;
	s6 =	sshll.u32 @p0 s4, $0x11  }
0x22: {  	s5 =	sor.u32 @p0 s6, s5  }
0x23: {  	[sflag:s5] =	ssyncadd.remote.s32 @p0 $0x1;
	_ =	sdelay $0x1  }
0x24: {  	s5 =	simm.s32 @p0 $0x1B8D  }
0x25: {  	_ =	swait.eq @p0 [sflag:s5], $0x1  }
0x26: {  	[sflag:s5] =	ssyncadd.s32 @p0 $0xFFFFFFFF  }
0x27: {  	s6 =	sshll.u32 @!p0 s1, $0xE  }
0x28: {  	s6 =	sor.u32 @!p0 $0x4000, s6;
	s5 =	simm.s32 @!p0 $0x1B8D  }
0x29: {  	s4 =	sshll.u32 @!p0 s4, $0x11;
	s6 =	sadd.s32 @!p0 $0x11B8D, s6;
	_ =	swait.eq @!p0 [sflag:s5], $0x1  }
0x2a: {  	s4 =	sor.u32 @!p0 s4, s6;
	[sflag:s5] =	ssyncadd.s32 @!p0 $0xFFFFFFFF  }
0x2b: {  	s26 =	simm.s32 $0x1B8E;
	s25 =	sld [smem:$0x3FFE];
	[sflag:s4] =	ssyncadd.remote.s32 @!p0 $0x1  }
0x2c: {  	s27 =	simm.s32 $execute0_lowered;
	[smem:$0x3FD2] =	sst s26  }
0x2d: {  	s5 =	sshll.u32 s27, $0x1;
	_ =	strace $0x80000055;
	[dreg:$0x1] =	wrdreg $0xFFFFFFFF  }
0x2e: {  	s28 =	simm.s32 $_size_execute0_lowered;
	s3 =	sadd.s32 s3, s5;
	[dreg:$0x0] =	wrdreg $0x0  }
0x2f: {  	s5 =	sshll.u32 s28, $0x1;
	[dreg:$0x2] =	wrdreg s3  }
0x30: {  	[dreg:$0x3] =	wrdreg s5  }
0x31: {  	[dreg:$0x4] =	wrdreg $0xC0  }
0x32: {  	_ =	task [dreg:s23], $0x5FFFF  }
0x33: {  	[dreg:$0x1] =	wrdreg $0xFFFFFFFF  }
0x34: {  	[dreg:$0x0] =	wrdreg $0x60  }
0x35: {  	[dreg:$0x2] =	wrdreg s25  }
0x36: {  	[dreg:$0x3] =	wrdreg $0xA  }
0x37: {  	_ =	task.clear_ibuf [dreg:s23], $0x4FFFF;
	_ =	strace $0x90000055  }
0x38: {  	s29 =	simm.s32 $0xA;
	_ =	strace $0x80000057  }
0x39: {  	_ =	swait.ge [sflag:s29], $0x1  }
0x3a: {  	[sflag:s29] =	ssyncadd.s32 $0xFFFFFFFF  }
0x3b: {  	_ =	strace $0x90000057  }
0x3c: {  	_ =	sfence  }
0x3d: {  	s30 =	sld [smem:$0x0];
	_ =	sdelay $0x2  }
0x3e: {  	s31 =	sshll.u32 s1, $0xD;
	s1 =	sshrl.u32 s1, $0x2  }
0x3f: {  	s4 =	sand.u32 $0x4000, s31;
	s1 =	sadd.s32 s1, s30  }
0x40: {  	s0 =	sor.u32 s4, s0;
	s1 =	sshll.u32 s1, $0x11  }
0x41: {  	s0 =	sor.u32 s1, s0  }
0x42: {  	s0 =	sadd.s32 $0x8F2B, s0  }
0x43: {  	[sflag:s0] =	ssyncadd.remote.s32 $0x1  }
0x44: {  	_ =	sfence.sel $0xFFFF  }
0x45: {  	[dreg:$0x0] =	wrdreg $0xFFFFFFFF;
	(pc) =	sbr.abs _section_cstart, $3  }
0x46: {  	[dreg:$0x1] =	wrdreg $0xFFFFFFFF  }
0x47: {  	_ =	task.clear_ibuf [dreg:s23], $0x2FFFF;
	_ =	strace $0x9FFFFFFF  }
0x48: {  	(tm) =	ssettm $0x7FFFFFFF  }
0x49: {  	_ =	shalt  }
tec
execute0_lowered:
.L_overlay_start_1:
0x0: {  	(tag) =	ssettag $0x1  }
0x1: {  	s0 =	srdreg.scid  }
0x2: {  	s1 =	sshll.u32 s0, $0x4  }
0x3: {  	s4 =	rddreg [dreg:$0x0];
	s0 =	stileid.u32;
	s1 =	sand.u32 $0x10, s1  }
0x4: {  	s7 =	simm.s32 $0x1;
	s8 =	simm.s32 $0x2;
	s2 =	sor.u32 s0, s1  }
0x5: {  	s11 =	simm.s32 $0x0;
	s3 =	sadd.s32 $0x6AC600, s4;
	s2 =	sshll.u32 s2, $0x7  }
0x6: {  	s10 =	simm.s32 $0x0;
	s4 =	sadd.s32 $0xB9C600, s4;
	s6 =	ssub.s32 $0x4F000, s2  }
.Ltmp0:
0x7: {  	s1 =	rddreg [dreg:$0x1];
	s5 =	sand.u32 $0xF80, s6;
	(pc) =	sbr.rel .LBB1_1-.Ltmp0, $4  }
0x8: {  	_ =	strace $0x80000056;
	s9 =	smov.u32 s2;
	p0 =	sne.s32 s5, $0x0  }
0x9: {  	s6 =	sshrl.u32 s6, $0xC;
	s5 =	simm.s32 $0x1;
	s7 =	simm.s32 @!p0 $0x0  }
0xa: {  	[sflag:s5] =	ssyncpa.u1 $0x0;
	p0 =	por $0x0, $0x0;
	s6 =	sadd.s32 s7, s6  }
0xb: {  	[sflag:s8] =	ssyncpa.u1 $0x0;
	s8 =	simm.s32 $0x278000;
	s7 =	sadd.s32 $0x1, s6  }
.LBB1_4:
0xc: {  	s14 =	sshll.u32 s11, $0x3  }
0xd: {  	s30 =	sand.u32 $0x7F, s11;
	s15 =	sand.u32 $0xFFFFFC00, s14  }
0xe: {  	s11 =	sor.u32 s30, s15  }
0xf: {  	s15 =	smulhi.u32 $0xCF6474A9, s11  }
0x10: {  	s14 =	smulhi.u32 $0xCF6474A9, s14  }
0x11: {  	s15 =	sshrl.u32 s15, $0x12  }
0x12: {  	s14 =	sshrl.u32 s14, $0x12;
	s15 =	smul.u32 $0x4F000, s15  }
0x13: {  	s14 =	sand.u32 $0x1F, s14  }
0x14: {  	s14 =	smul.u32 $0x9E00, s14;
	s11 =	ssub.s32 s11, s15  }
0x15: {  	s15 =	sand.u32 $0x7, s11  }
0x16: {  	s14 =	sadd.s32 s4, s14;
	s11 =	sshrl.u32 s11, $0x3;
	s15 =	sshll.u32 s15, $0x12  }
0x17: {  	[tilespmem:s13+$0x0 ss:$0x81] =	vst.msk $0xffff, v0;
	s11 =	sadd.s32 s11, s14;
	s31 =	sor.u32 $0x400, s15  }
0x18: {  	[hbm4b:s11+s31] =	stream.strided.scatter [tilespmem:s12], [sflag:$0x2], $0x1000, s8, s31, $0x20;
	[tilespmem:$0x4040] =	vst v63  }
.LBB1_5:
0x19: {  	s13 =	sadd.s32 $0x1000, s9  }
0x1a: {  	p2 =	sgt.s32 s13, $0x4EFFF  }
0x1b: {  	s13 =	smov.u32 @p2 s2;
	p2 =	sne.s32 s10, s7  }
.Ltmp1:
0x1c: {  	p1 =	slt.u32 s10, $0x2;
	(pc) =	sbr.rel @!p2 .LBB1_6-.Ltmp1, $4  }
0x1d: {  	s12 =	simm.s32 @!p1 $0x2  }
0x1e: {  	s14 =	sadd.s32 $0x1, s10;
	_ =	swait.ge @!p1 [sflag:s12], $0x1000  }
0x1f: {  	s11 =	smov.u32 s9;
	p0 =	por !p0, !p0;
	[sflag:s12] =	ssyncset.done @!p1 $0x0  }
0x20: {  	s10 =	smov.u32 s14;
	s9 =	smov.u32 s13;
	[sflag:s12] =	ssyncadd.s32 @!p1 $0xFFFFF000  }
.LBB1_1:
0x21: {  	p1 =	sge.u32 s10, s6  }
0x22: {  	s12 =	sand.u32 @!p1 $0x1FFFFFF, s9  }
0x23: {  	s13 =	smulhi.u32 @!p1 $0xCF6475, s12;
	_ =	sdelay $0x1  }
0x24: {  	s13 =	sshrl.u32 @!p1 s13, $0xA  }
0x25: {  	s13 =	smul.u32 @!p1 $0x4F000, s13;
	_ =	sdelay $0x1  }
0x26: {  	s31 =	sadd.s32 $0xFFFFFFFF, s10;
	s14 =	sxor.u32 @!p1 $0xFFFFFFFF, s10;
	s12 =	ssub.s32 @!p1 s12, s13  }
0x27: {  	s15 =	simm.s32 @!p1 $0x80;
	s14 =	sshll.u32 @!p1 s14, $0xC;
	s12 =	sshll.u32 @!p1 s12, $0x4  }
0x28: {  	s13 =	sand.u32 @!p1 $0x1000, s14;
	s14 =	simm.s32 @!p1 $0x20;
	s12 =	sadd.s32 @!p1 s3, s12  }
0x29: {  	[tilespmem:s13], [sflag:$0x1] =	stream.strided.gather @!p1 [hbm4b:s12+s14], $0x1000, s15, s14, $0x38;
	[tilespmem:$0x4040] =	vst v63  }
0x2a: {  	p1 =	sge.u32 s31, s6  }
.Ltmp2:
0x2b: {  	_ = 	snop;
	(pc) =	sbr.rel @p1 .LBB1_5-.Ltmp2, $1  }
0x2c: {  	_ =	sdelay $0x3  }
0x2d: {  	s12 =	simm.s32 $0x1  }
0x2e: {  	_ =	swait.ge [sflag:s5], $0x1000;
	s12 =	simm.s32 @!p0 $0x0  }
0x2f: {  	[sflag:s5] =	ssyncset.done $0x0;
	s13 =	sshll.u32 s12, $0xC  }
0x30: {  	[sflag:s5] =	ssyncadd.s32 $0xFFFFF000;
	s16 =	sor.u32 $0x10, s13  }
0x31: {  	s12 =	smul.u32 $0x4080, s12;
	v1 =	vld [tilespmem:s16+$0x0]  }
0x32: {  	s30 =	sand.u32 $0x1, s10;
	v0 =	vld [tilespmem:s16+$0xFFFFFFF0]  }
0x33: {  	s13 =	smul.u32 $0x4080, s30;
	s12 =	sshrl.u32 s12, $0x2  }
0x34: {  	s14 =	sor.u32 $0x2000, s12  }
0x35: {  	s31 =	sshrl.u32 s13, $0x2;
	s13 =	sadd.s32 $0x0, s14  }
0x36: {  	s15 =	simm.s32 $0x4;
	s16 =	sadd.s32 $0x20, s16;
	s12 =	sor.u32 $0x2000, s31;
	[tilespmem:s13+$0x810 ss:$0x81] =	vst.msk $0xffff, v1  }
.LBB1_3:
0x37: {  	v1 =	vld [tilespmem:s16+$0x0];
	p1 =	sne.s32 s15, $0x1FC;
	[tilespmem:s13+$0x0 ss:$0x81] =	vst.msk $0xffff, v0;
	s13 =	smov.u32 s15;
	s15 =	sadd.s32 $0x4, s15  }
.Ltmp3:
0x38: {  	v0 =	vld [tilespmem:s16+$0xFFFFFFF0];
	(pc) =	sbr.rel @p1 .LBB1_3-.Ltmp3, $4  }
0x39: {  	_ = 	snop  }
0x3a: {  	s13 =	sshra.s32 s13, $0x2  }
0x3b: {  	s13 =	sadd.s32 s13, s14  }
0x3c: {  	s16 =	sadd.s32 $0x20, s16;
	[tilespmem:s13+$0x810 ss:$0x81] =	vst.msk $0xffff, v1  }
.Ltmp4:
0x3d: {  	_ = 	snop;
	(pc) =	sbr.rel .LBB1_4-.Ltmp4, $1  }
0x3e: {  	_ =	sdelay $0x3  }
.LBB1_6:
0x3f: {  	_ =	sfence.sel $0x180000  }
0x40: {  	s2 =	simm.s32 $0x1;
	[bflag:$0x0] =	sbarrier.arrive $0xFFFF  }
0x41: {  	s31 =	simm.s32 $0x2;
	[sflag:s2] =	ssyncpa.u1 $0x1  }
0x42: {  	[sflag:s31] =	ssyncpa.u1 $0x1  }
0x43: {  	p0 =	sne.s32 s0, $0x0;
	_ =	strace $0x90000056  }
0x44: {  	s0 =	sadd.s32 @!p0 $0x100000, s1;
	[bflag:$0x2] =	sbarrier.arrive $0xFFFF  }
0x45: {  	[sflag:s0] =	ssyncadd.tile.s32 @!p0 $0x1;
	_ =	shalt  }
.Lfunc_end1:
_tile_overlayer_lowered:
.L_overlay_start_2:
0x46: {  	(tag) =	ssettag $0x2  }
0x47: {  	s0 =	rddreg [dreg:$0x0];
	s2 =	stileid.u32  }
0x48: {  	s1 =	rddreg [dreg:$0x1];
	p0 =	sne.s32 s2, $0x0  }
0x49: {  	s3 =	rddreg [dreg:$0x2];
	[bflag:$0x3] =	sbarrier.arrive $0xFFFF;
	s2 =	simm.s32 @!p0 $0x1C01  }
0x4a: {  	[timem:s3], [sflag:s2] =	dma.local @!p0 [hbm:s0], s1  }
0x4b: {  	s0 =	simm.s32 @!p0 $0x1  }
0x4c: {  	_ =	swait.ge @!p0 [sflag:s0], s1  }
0x4d: {  	s1 =	ssub.s32 @!p0 $0x0, s1;
	[sflag:s0] =	ssyncset.done @!p0 $0x0  }
0x4e: {  	[sflag:s0] =	ssyncadd.s32 @!p0 s1  }
0x4f: {  	[bflag:$0x3] =	sbarrier.arrive $0xFFFF  }
0x50: {  	_ =	shalt  }

// kernel: sparse-core-data-format-call.cloned.1.call-start
scs
called_computation.4_lowered:
.L_overlay_start_0:
0x0: {  	s2 =	sld [smem:$0x3FD9]  }
0x1: {  	s3 =	sld [smem:$0x3FFE];
	_ =	sdelay $0x1  }
0x2: {  	s1 =	srdreg.scid  }
0x3: {  	s0 =	sand.u32 $0x1, s1  }
0x4: {  	s18 =	sshll.u32 s0, $0xA;
	s2 =	sadd.s32 s3, s2  }
0x5: {  	s2 =	sadd.s32 s2, s18  }
0x6: {  	[smem:$0x3F91] =	sst s2  }
0x7: {  	_ = 	snop  }
0x8: {  	(tm) =	ssettm $0x1  }
0x9: {  	s19 =	sld [smem:$0x3FFB];
	_ =	sdelay $0x3  }
0xa: {  	_ =	strace s19  }
0xb: {  	s2 =	sld [smem:$0x3FFC];
	_ =	sdelay $0x3  }
0xc: {  	_ =	strace s2  }
0xd: {  	s2 =	sld [smem:$0x3FFD];
	_ =	sdelay $0x3  }
0xe: {  	_ =	strace s2  }
0xf: {  	_ =	strace $0x8FFFFFFF  }
0x10: {  	s20 =	sld [smem:$0x3FDB];
	_ =	sdelay $0x1  }
0x11: {  	s21 =	simm.s32 $_scs_section_size  }
0x12: {  	s4 =	simm.s32 $_size__tile_overlayer_lowered;
	s5 =	simm.s32 $_tile_overlayer_lowered  }
0x13: {  	s6 =	simm.s32 $0x1BFF;
	s22 =	sshll.u32 s5, $0x1;
	s3 =	sadd.s32 s21, s20  }
0x14: {  	s23 =	simm.s32 $0x0;
	s4 =	sshll.u32 s4, $0x1;
	s5 =	sadd.s32 s22, s3  }
0x15: {  	[timem:s23], [sflag:s6] =	dma.local [hbm:s5], s4  }
0x16: {  	_ =	swait.ge [sflag:s6], s4  }
0x17: {  	s4 =	ssub.s32 $0x0, s4;
	[sflag:s6] =	ssyncset.done $0x0  }
0x18: {  	[sflag:s6] =	ssyncadd.s32 s4;
	_ =	sdelay $0x1  }
0x19: {  	s24 =	simm.s32 $0x1B8B  }
0x1a: {  	_ =	swait.ge [sflag:s24], $0x1  }
0x1b: {  	[sflag:s24] =	ssyncset.done $0x0  }
0x1c: {  	[sflag:s24] =	ssyncadd.s32 $0xFFFFFFFF  }
0x1d: {  	s4 =	sld [smem:$0x0]  }
0x1e: {  	s5 =	sand.u32 $0xFFFFFFFE, s1  }
0x1f: {  	p0 =	sne.s32 s1, s5  }
0x20: {  	s5 =	sshll.u32 @p0 s5, $0xE  }
0x21: {  	s5 =	sadd.s32 @p0 $0x11B8D, s5;
	s6 =	sshll.u32 @p0 s4, $0x11  }
0x22: {  	s5 =	sor.u32 @p0 s6, s5  }
0x23: {  	[sflag:s5] =	ssyncadd.remote.s32 @p0 $0x1;
	_ =	sdelay $0x1  }
0x24: {  	s5 =	simm.s32 @p0 $0x1B8D  }
0x25: {  	_ =	swait.eq @p0 [sflag:s5], $0x1  }
0x26: {  	[sflag:s5] =	ssyncadd.s32 @p0 $0xFFFFFFFF  }
0x27: {  	s6 =	sshll.u32 @!p0 s1, $0xE  }
0x28: {  	s6 =	sor.u32 @!p0 $0x4000, s6;
	s5 =	simm.s32 @!p0 $0x1B8D  }
0x29: {  	s4 =	sshll.u32 @!p0 s4, $0x11;
	s6 =	sadd.s32 @!p0 $0x11B8D, s6;
	_ =	swait.eq @!p0 [sflag:s5], $0x1  }
0x2a: {  	s4 =	sor.u32 @!p0 s4, s6;
	[sflag:s5] =	ssyncadd.s32 @!p0 $0xFFFFFFFF  }
0x2b: {  	s26 =	simm.s32 $0x1B8E;
	s25 =	sld [smem:$0x3FFE];
	[sflag:s4] =	ssyncadd.remote.s32 @!p0 $0x1  }
0x2c: {  	s27 =	simm.s32 $execute0_lowered;
	[smem:$0x3FD2] =	sst s26  }
0x2d: {  	s5 =	sshll.u32 s27, $0x1;
	_ =	strace $0x80000058;
	[dreg:$0x1] =	wrdreg $0xFFFFFFFF  }
0x2e: {  	s28 =	simm.s32 $_size_execute0_lowered;
	s3 =	sadd.s32 s3, s5;
	[dreg:$0x0] =	wrdreg $0x0  }
0x2f: {  	s5 =	sshll.u32 s28, $0x1;
	[dreg:$0x2] =	wrdreg s3  }
0x30: {  	[dreg:$0x3] =	wrdreg s5  }
0x31: {  	[dreg:$0x4] =	wrdreg $0xC0  }
0x32: {  	_ =	task [dreg:s23], $0x5FFFF  }
0x33: {  	[dreg:$0x1] =	wrdreg $0xFFFFFFFF  }
0x34: {  	[dreg:$0x0] =	wrdreg $0x60  }
0x35: {  	[dreg:$0x2] =	wrdreg s25  }
0x36: {  	[dreg:$0x3] =	wrdreg $0x9  }
0x37: {  	_ =	task.clear_ibuf [dreg:s23], $0x4FFFF;
	_ =	strace $0x90000058  }
0x38: {  	s29 =	simm.s32 $0x9;
	_ =	strace $0x8000005A  }
0x39: {  	_ =	swait.ge [sflag:s29], $0x1  }
0x3a: {  	[sflag:s29] =	ssyncadd.s32 $0xFFFFFFFF  }
0x3b: {  	_ =	strace $0x9000005A  }
0x3c: {  	_ =	sfence  }
0x3d: {  	s30 =	sld [smem:$0x0];
	_ =	sdelay $0x2  }
0x3e: {  	s31 =	sshll.u32 s1, $0xD;
	s1 =	sshrl.u32 s1, $0x2  }
0x3f: {  	s4 =	sand.u32 $0x4000, s31;
	s1 =	sadd.s32 s1, s30  }
0x40: {  	s0 =	sor.u32 s4, s0;
	s1 =	sshll.u32 s1, $0x11  }
0x41: {  	s0 =	sor.u32 s1, s0  }
0x42: {  	s0 =	sadd.s32 $0x8F2B, s0  }
0x43: {  	[sflag:s0] =	ssyncadd.remote.s32 $0x1  }
0x44: {  	_ =	sfence.sel $0xFFFF  }
0x45: {  	[dreg:$0x0] =	wrdreg $0xFFFFFFFF;
	(pc) =	sbr.abs _section_cstart, $3  }
0x46: {  	[dreg:$0x1] =	wrdreg $0xFFFFFFFF  }
0x47: {  	_ =	task.clear_ibuf [dreg:s23], $0x2FFFF;
	_ =	strace $0x9FFFFFFF  }
0x48: {  	(tm) =	ssettm $0x7FFFFFFF  }
0x49: {  	_ =	shalt  }
tec
execute0_lowered:
.L_overlay_start_1:
0x0: {  	(tag) =	ssettag $0x1  }
0x1: {  	s0 =	srdreg.scid  }
0x2: {  	s6 =	rddreg [dreg:$0x0];
	s7 =	simm.s32 $0x1;
	s1 =	sshll.u32 s0, $0x4  }
0x3: {  	s8 =	simm.s32 $0x2;
	s0 =	stileid.u32;
	s1 =	sand.u32 $0x10, s1  }
0x4: {  	s13 =	simm.s32 $0x0;
	s12 =	simm.s32 $0x0;
	s1 =	sor.u32 s0, s1  }
0x5: {  	s10 =	simm.s32 $0x0;
	s11 =	simm.s32 $0x0;
	s2 =	sshll.u32 s1, $0x9  }
0x6: {  	s3 =	sadd.s32 $0x80600, s6;
	s6 =	sadd.s32 $0x1BC600, s6;
	s5 =	ssub.s32 $0x4F000, s2  }
.Ltmp0:
0x7: {  	s1 =	rddreg [dreg:$0x1];
	s4 =	sand.u32 $0x3E00, s5;
	(pc) =	sbr.rel .LBB1_1-.Ltmp0, $4  }
0x8: {  	_ =	strace $0x80000059;
	s9 =	smov.u32 s2;
	p0 =	sne.s32 s4, $0x0  }
0x9: {  	s5 =	sshrl.u32 s5, $0xE;
	s4 =	simm.s32 $0x1;
	s7 =	simm.s32 @!p0 $0x0  }
0xa: {  	[sflag:s4] =	ssyncpa.u1 $0x0;
	p0 =	por $0x0, $0x0;
	s5 =	sadd.s32 s7, s5  }
0xb: {  	[sflag:s8] =	ssyncpa.u1 $0x0;
	s8 =	simm.s32 $0x80;
	s7 =	sadd.s32 $0x1, s5  }
.LBB1_4:
0xc: {  	_ = 	snop  }
0xd: {  	[tilespmem:s18+$0x2D60 ss:$0x21] =	vst.msk $0xffff, v7  }
0xe: {  	[tilespmem:s18+$0x2F70 ss:$0x21] =	vst.msk $0xffff, v6  }
0xf: {  	[tilespmem:s18+$0x3390 ss:$0x21] =	vst.msk $0xffff, v3  }
0x10: {  	s21 =	sor.u32 s24, s23;
	v31 =	vld.idx.msk [tilespmem:v0+s16+$0xC70 ss:$0x1], $0xffff;
	[tilespmem:s18+$0x35A0 ss:$0x21] =	vst.msk $0xffff, v1  }
0x11: {  	[tilespmem:s18+$0x37B0 ss:$0x21] =	vst.msk $0xffff, v2;
	v43 =	vld.idx.msk [tilespmem:v0+s21+$0x410 ss:$0x1], $0xffff  }
0x12: {  	[tilespmem:s18+$0x39C0 ss:$0x21] =	vst.msk $0xffff, v4;
	v44 =	vld.idx.msk [tilespmem:v0+s21+$0x420 ss:$0x1], $0xffff  }
0x13: {  	[tilespmem:s18+$0x3BD0 ss:$0x21] =	vst.msk $0xffff, v5;
	s22 =	sand.u32 $0x3200, s21;
	v45 =	vld.idx.msk [tilespmem:v0+s21+$0x430 ss:$0x1], $0xffff  }
0x14: {  	s20 =	sand.u32 $0x180, s20;
	s25 =	sshra.s32 s19, $0x2;
	[tilespmem:s18+$0x3DE0 ss:$0x21] =	vst.msk $0xffff, v8;
	v46 =	vld.idx.msk [tilespmem:v0+s21+$0x440 ss:$0x1], $0xffff;
	s15 =	sadd.s32 s22, s15  }
0x15: {  	v47 =	vld.idx.msk [tilespmem:v0+s21+$0x450 ss:$0x1], $0xffff;
	s24 =	sadd.s32 s20, s15;
	s15 =	sadd.s32 s25, s17;
	[tilespmem:s18+$0x3FF0 ss:$0x21] =	vst.msk $0xffff, v31  }
0x16: {  	v48 =	vld.idx.msk [tilespmem:v0+s21+$0x460 ss:$0x1], $0xffff;
	[tilespmem:s15+$0x1290 ss:$0x21] =	vst.msk $0xffff, v43  }
0x17: {  	v49 =	vld.idx.msk [tilespmem:v0+s21+$0x470 ss:$0x1], $0xffff;
	[tilespmem:s15+$0x14A0 ss:$0x21] =	vst.msk $0xffff, v44  }
0x18: {  	v50 =	vld.idx.msk [tilespmem:v0+s21+$0x810 ss:$0x1], $0xffff;
	[tilespmem:s15+$0x16B0 ss:$0x21] =	vst.msk $0xffff, v45  }
0x19: {  	v51 =	vld.idx.msk [tilespmem:v0+s21+$0x820 ss:$0x1], $0xffff;
	[tilespmem:s15+$0x18C0 ss:$0x21] =	vst.msk $0xffff, v46  }
0x1a: {  	v52 =	vld.idx.msk [tilespmem:v0+s21+$0x830 ss:$0x1], $0xffff;
	[tilespmem:s15+$0x1AD0 ss:$0x21] =	vst.msk $0xffff, v47  }
0x1b: {  	v53 =	vld.idx.msk [tilespmem:v0+s21+$0x840 ss:$0x1], $0xffff;
	[tilespmem:s15+$0x1CE0 ss:$0x21] =	vst.msk $0xffff, v48  }
0x1c: {  	v54 =	vld.idx.msk [tilespmem:v0+s21+$0x850 ss:$0x1], $0xffff;
	[tilespmem:s15+$0x1EF0 ss:$0x21] =	vst.msk $0xffff, v49  }
0x1d: {  	v55 =	vld.idx.msk [tilespmem:v0+s21+$0x860 ss:$0x1], $0xffff;
	[tilespmem:s15+$0x2310 ss:$0x21] =	vst.msk $0xffff, v50  }
0x1e: {  	v56 =	vld.idx.msk [tilespmem:v0+s21+$0x870 ss:$0x1], $0xffff;
	[tilespmem:s15+$0x2520 ss:$0x21] =	vst.msk $0xffff, v51  }
0x1f: {  	v57 =	vld.idx.msk [tilespmem:v0+s21+$0xC10 ss:$0x1], $0xffff;
	[tilespmem:s15+$0x2730 ss:$0x21] =	vst.msk $0xffff, v52  }
0x20: {  	v58 =	vld.idx.msk [tilespmem:v0+s21+$0xC20 ss:$0x1], $0xffff;
	[tilespmem:s15+$0x2940 ss:$0x21] =	vst.msk $0xffff, v53  }
0x21: {  	v59 =	vld.idx.msk [tilespmem:v0+s21+$0xC30 ss:$0x1], $0xffff;
	[tilespmem:s15+$0x2B50 ss:$0x21] =	vst.msk $0xffff, v54  }
0x22: {  	v60 =	vld.idx.msk [tilespmem:v0+s21+$0xC40 ss:$0x1], $0xffff;
	[tilespmem:s15+$0x2D60 ss:$0x21] =	vst.msk $0xffff, v55  }
0x23: {  	v61 =	vld.idx.msk [tilespmem:v0+s21+$0xC50 ss:$0x1], $0xffff;
	[tilespmem:s15+$0x2F70 ss:$0x21] =	vst.msk $0xffff, v56  }
0x24: {  	v62 =	vld.idx.msk [tilespmem:v0+s21+$0xC60 ss:$0x1], $0xffff;
	[tilespmem:s15+$0x3390 ss:$0x21] =	vst.msk $0xffff, v57  }
0x25: {  	v63 =	vld.idx.msk [tilespmem:v0+s21+$0xC70 ss:$0x1], $0xffff;
	[tilespmem:s15+$0x35A0 ss:$0x21] =	vst.msk $0xffff, v58  }
0x26: {  	v32 =	vld [tilespmem:s24+$0xC00];
	[tilespmem:s15+$0x37B0 ss:$0x21] =	vst.msk $0xffff, v59  }
0x27: {  	v33 =	vld [tilespmem:s24+$0x0];
	[tilespmem:s15+$0x39C0 ss:$0x21] =	vst.msk $0xffff, v60  }
0x28: {  	v34 =	vld [tilespmem:s24+$0x10];
	[tilespmem:s15+$0x3BD0 ss:$0x21] =	vst.msk $0xffff, v61  }
0x29: {  	s13 =	sshll.u32 s13, $0x7;
	s26 =	sshll.u32 s12, $0x3;
	v35 =	vld [tilespmem:s24+$0x20];
	[tilespmem:s15+$0x3DE0 ss:$0x21] =	vst.msk $0xffff, v62  }
0x2a: {  	s27 =	sand.u32 $0xFFFFFC00, s13;
	s16 =	sand.u32 $0xFFFFFC00, s26;
	v36 =	vld [tilespmem:s24+$0x30];
	[tilespmem:s15+$0x3FF0 ss:$0x21] =	vst.msk $0xffff, v63  }
0x2b: {  	s13 =	sand.u32 $0x380, s13;
	s16 =	sadd.s32 s16, s27;
	v37 =	vld [tilespmem:s24+$0x40];
	[tilespmem:s15+$0x3180 ss:$0x21] =	vst.msk $0xffff, v32  }
0x2c: {  	s13 =	sor.u32 s13, s16;
	v38 =	vld [tilespmem:s24+$0x50];
	[tilespmem:s15+$0x0 ss:$0x21] =	vst.msk $0xffff, v33  }
0x2d: {  	v39 =	vld [tilespmem:s24+$0x60];
	s13 =	sshrl.u32 s13, $0x7;
	[tilespmem:s15+$0x210 ss:$0x21] =	vst.msk $0xffff, v34  }
0x2e: {  	v40 =	vld [tilespmem:s24+$0x70];
	s28 =	smulhi.u32 $0xCF6475, s13;
	[tilespmem:s15+$0x420 ss:$0x21] =	vst.msk $0xffff, v35  }
0x2f: {  	v41 =	vld [tilespmem:s24+$0x400];
	[tilespmem:s15+$0x630 ss:$0x21] =	vst.msk $0xffff, v36  }
0x30: {  	v42 =	vld [tilespmem:s24+$0x800];
	s16 =	sshrl.u32 s28, $0xA;
	[tilespmem:s15+$0x840 ss:$0x21] =	vst.msk $0xffff, v37  }
0x31: {  	s16 =	smul.u32 $0x4F000, s16;
	[tilespmem:s15+$0xA50 ss:$0x21] =	vst.msk $0xffff, v38  }
0x32: {  	s29 =	sshrl.u32 s12, $0x3;
	[tilespmem:s15+$0xC60 ss:$0x21] =	vst.msk $0xffff, v39  }
0x33: {  	s31 =	sand.u32 $0x7, s12;
	s30 =	sand.u32 $0xF, s29;
	[tilespmem:s15+$0xE70 ss:$0x21] =	vst.msk $0xffff, v40;
	s13 =	ssub.s32 s13, s16  }
0x34: {  	s12 =	sshll.u32 s31, $0x12;
	[tilespmem:s15+$0x1080 ss:$0x21] =	vst.msk $0xffff, v41;
	s16 =	sadd.s32 s6, s30;
	s13 =	sshll.u32 s13, $0x4  }
0x35: {  	s12 =	sor.u32 $0x20, s12;
	[tilespmem:s15+$0x2100 ss:$0x21] =	vst.msk $0xffff, v42;
	s13 =	sadd.s32 s13, s16  }
0x36: {  	[hbm4b:s13+s12] =	stream.strided.scatter [tilespmem:s14], [sflag:$0x2], $0x4000, s8, s12, $0x10;
	[tilespmem:$0x10400] =	vst v63  }
.LBB1_5:
0x37: {  	s14 =	sadd.s32 $0x4000, s9  }
0x38: {  	s12 =	sadd.s32 $0x20, s10;
	s16 =	smov.u32 s10;
	p2 =	sgt.s32 s14, $0x4EFFF  }
0x39: {  	s16 =	smov.u32 @p2 s12  }
0x3a: {  	s14 =	smov.u32 @p2 s2;
	p2 =	sgt.s32 s16, $0x1F  }
0x3b: {  	s16 =	simm.s32 @p2 $0x0;
	p2 =	sne.s32 s11, s7  }
.Ltmp1:
0x3c: {  	p1 =	slt.u32 s11, $0x2;
	(pc) =	sbr.rel @!p2 .LBB1_6-.Ltmp1, $4  }
0x3d: {  	s15 =	simm.s32 @!p1 $0x2  }
0x3e: {  	s13 =	smov.u32 s9;
	p0 =	por !p0, !p0;
	_ =	swait.ge @!p1 [sflag:s15], $0x4000  }
0x3f: {  	s12 =	smov.u32 s10;
	[sflag:s15] =	ssyncset.done @!p1 $0x0;
	s9 =	smov.u32 s14  }
0x40: {  	s11 =	sadd.s32 $0x1, s11;
	[sflag:s15] =	ssyncadd.s32 @!p1 $0xFFFFC000;
	s10 =	smov.u32 s16  }
.LBB1_1:
0x41: {  	p1 =	sge.u32 s11, s5  }
0x42: {  	s14 =	sshrl.u32 @!p1 s10, $0x3  }
0x43: {  	s15 =	sshll.u32 @!p1 s9, $0x3;
	s16 =	sshll.u32 @!p1 s10, $0x7;
	s14 =	smul.u32 @!p1 $0x278000, s14  }
0x44: {  	s17 =	sand.u32 @!p1 $0x7F, s9;
	s15 =	sand.u32 @!p1 $0xFFFFFC00, s15;
	s16 =	sand.u32 @!p1 $0x380, s16  }
0x45: {  	s14 =	sadd.s32 @!p1 s14, s15;
	s15 =	sor.u32 @!p1 s17, s16  }
0x46: {  	s15 =	sor.u32 @!p1 s14, s15  }
0x47: {  	s16 =	smulhi.u32 @!p1 $0xCF6474A9, s15;
	_ =	sdelay $0x1  }
0x48: {  	s14 =	smulhi.u32 @!p1 $0xCF6474A9, s14;
	s16 =	sshrl.u32 @!p1 s16, $0x12  }
0x49: {  	s16 =	smul.u32 @!p1 $0x4F000, s16  }
0x4a: {  	s31 =	sadd.s32 $0xFFFFFFFF, s11;
	s17 =	sxor.u32 @!p1 $0xFFFFFFFF, s11;
	s14 =	sshrl.u32 @!p1 s14, $0x12  }
0x4b: {  	s17 =	sshll.u32 @!p1 s17, $0xE;
	s14 =	sand.u32 @!p1 $0x1F, s14;
	s15 =	ssub.s32 @!p1 s15, s16  }
0x4c: {  	s14 =	smul.u32 @!p1 $0x9E00, s14;
	s16 =	sshrl.u32 @!p1 s15, $0x3;
	s15 =	sand.u32 @!p1 $0x7, s15  }
0x4d: {  	s17 =	sand.u32 @!p1 $0x4000, s17;
	s16 =	sadd.s32 @!p1 s3, s16;
	s15 =	sshll.u32 @!p1 s15, $0x12  }
0x4e: {  	s14 =	sadd.s32 @!p1 s14, s16;
	s15 =	sor.u32 @!p1 $0x1000, s15;
	s16 =	simm.s32 @!p1 $0x278000  }
0x4f: {  	[tilespmem:s17], [sflag:$0x1] =	stream.strided.gather @!p1 [hbm4b:s14+s15], $0x4000, s16, s15, $0x38;
	[tilespmem:$0x10400] =	vst v63  }
0x50: {  	p1 =	sge.u32 s31, s5  }
.Ltmp2:
0x51: {  	_ = 	snop;
	(pc) =	sbr.rel @p1 .LBB1_5-.Ltmp2, $1  }
0x52: {  	_ =	sdelay $0x3  }
0x53: {  	s17 =	simm.s32 $0x0  }
0x54: {  	s16 =	sand.u32 $0x3000, s17;
	s18 =	sand.u32 $0x380, s17  }
0x55: {  	s14 =	sand.u32 $0x1, s11;
	s16 =	sor.u32 s18, s16  }
0x56: {  	_ =	swait.ge [sflag:s4], $0x4000;
	s15 =	sshll.u32 s14, $0xE;
	s18 =	sand.u32 $0x3200, s16  }
0x57: {  	[sflag:s4] =	ssyncset.done $0x0;
	s17 =	sand.u32 $0x180, s17;
	s18 =	sadd.s32 s18, s15  }
0x58: {  	[sflag:s4] =	ssyncadd.s32 $0xFFFFC000;
	s20 =	sadd.s32 s17, s18  }
0x59: {  	v4 =	vld [tilespmem:s20+$0xC00]  }
0x5a: {  	s19 =	simm.s32 $0x1;
	v0 =	vmov s15;
	v5 =	vld [tilespmem:s20+$0x0]  }
0x5b: {  	s19 =	simm.s32 @!p0 $0x0;
	v6 =	vld [tilespmem:s20+$0x10]  }
0x5c: {  	s31 =	smul.u32 $0x10800, s19;
	v7 =	vld [tilespmem:s20+$0x20]  }
0x5d: {  	v8 =	vld [tilespmem:s20+$0x30]  }
0x5e: {  	s17 =	sshrl.u32 s31, $0x2;
	v9 =	vld [tilespmem:s20+$0x40]  }
0x5f: {  	s17 =	sor.u32 $0x8000, s17;
	v1 =	vld.idx.msk [tilespmem:v0+s16+$0x410 ss:$0x1], $0xffff  }
0x60: {  	v2 =	vld.idx.msk [tilespmem:v0+s16+$0x420 ss:$0x1], $0xffff;
	s18 =	sadd.s32 $0x0, s17  }
0x61: {  	v3 =	vld.idx.msk [tilespmem:v0+s16+$0x430 ss:$0x1], $0xffff;
	[tilespmem:s18+$0x3180 ss:$0x21] =	vst.msk $0xffff, v4  }
0x62: {  	v10 =	vld.idx.msk [tilespmem:v0+s16+$0x820 ss:$0x1], $0xffff;
	[tilespmem:s18+$0x0 ss:$0x21] =	vst.msk $0xffff, v5  }
0x63: {  	v11 =	vld.idx.msk [tilespmem:v0+s16+$0x830 ss:$0x1], $0xffff;
	[tilespmem:s18+$0x210 ss:$0x21] =	vst.msk $0xffff, v6  }
0x64: {  	v12 =	vld.idx.msk [tilespmem:v0+s16+$0x840 ss:$0x1], $0xffff;
	[tilespmem:s18+$0x420 ss:$0x21] =	vst.msk $0xffff, v7  }
0x65: {  	v13 =	vld.idx.msk [tilespmem:v0+s16+$0x850 ss:$0x1], $0xffff;
	[tilespmem:s18+$0x630 ss:$0x21] =	vst.msk $0xffff, v8  }
0x66: {  	v4 =	vld [tilespmem:s20+$0x50];
	[tilespmem:s18+$0x840 ss:$0x21] =	vst.msk $0xffff, v9  }
0x67: {  	v5 =	vld [tilespmem:s20+$0x60];
	[tilespmem:s18+$0x1290 ss:$0x21] =	vst.msk $0xffff, v1  }
0x68: {  	v6 =	vld [tilespmem:s20+$0x70];
	[tilespmem:s18+$0x14A0 ss:$0x21] =	vst.msk $0xffff, v2  }
0x69: {  	v7 =	vld [tilespmem:s20+$0x400];
	[tilespmem:s18+$0x16B0 ss:$0x21] =	vst.msk $0xffff, v3  }
0x6a: {  	v8 =	vld [tilespmem:s20+$0x800];
	[tilespmem:s18+$0x2520 ss:$0x21] =	vst.msk $0xffff, v10  }
0x6b: {  	v9 =	vld.idx.msk [tilespmem:v0+s16+$0x470 ss:$0x1], $0xffff;
	[tilespmem:s18+$0x2730 ss:$0x21] =	vst.msk $0xffff, v11  }
0x6c: {  	v3 =	vld.idx.msk [tilespmem:v0+s16+$0xC10 ss:$0x1], $0xffff;
	[tilespmem:s18+$0x2940 ss:$0x21] =	vst.msk $0xffff, v12  }
0x6d: {  	v1 =	vld.idx.msk [tilespmem:v0+s16+$0xC20 ss:$0x1], $0xffff;
	[tilespmem:s18+$0x2B50 ss:$0x21] =	vst.msk $0xffff, v13  }
0x6e: {  	v2 =	vld.idx.msk [tilespmem:v0+s16+$0xC30 ss:$0x1], $0xffff;
	[tilespmem:s18+$0xA50 ss:$0x21] =	vst.msk $0xffff, v4  }
0x6f: {  	[tilespmem:s18+$0xE70 ss:$0x21] =	vst.msk $0xffff, v6;
	v6 =	vld.idx.msk [tilespmem:v0+s16+$0x460 ss:$0x1], $0xffff  }
0x70: {  	v4 =	vld.idx.msk [tilespmem:v0+s16+$0x440 ss:$0x1], $0xffff;
	[tilespmem:s18+$0xC60 ss:$0x21] =	vst.msk $0xffff, v5  }
0x71: {  	v5 =	vld.idx.msk [tilespmem:v0+s16+$0x450 ss:$0x1], $0xffff;
	[tilespmem:s18+$0x1080 ss:$0x21] =	vst.msk $0xffff, v7  }
0x72: {  	[tilespmem:s18+$0x2100 ss:$0x21] =	vst.msk $0xffff, v8;
	v8 =	vld.idx.msk [tilespmem:v0+s16+$0x810 ss:$0x1], $0xffff  }
0x73: {  	v7 =	vld.idx.msk [tilespmem:v0+s16+$0x860 ss:$0x1], $0xffff;
	[tilespmem:s18+$0x1EF0 ss:$0x21] =	vst.msk $0xffff, v9  }
0x74: {  	s14 =	smul.u32 $0x10800, s14;
	[tilespmem:s18+$0x1CE0 ss:$0x21] =	vst.msk $0xffff, v6;
	v6 =	vld.idx.msk [tilespmem:v0+s16+$0x870 ss:$0x1], $0xffff  }
0x75: {  	s21 =	simm.s32 $0x200;
	s22 =	simm.s32 $0x8;
	[tilespmem:s18+$0x18C0 ss:$0x21] =	vst.msk $0xffff, v4;
	v4 =	vld.idx.msk [tilespmem:v0+s16+$0xC40 ss:$0x1], $0xffff  }
0x76: {  	s23 =	sand.u32 $0x3000, s21;
	s14 =	sshrl.u32 s14, $0x2;
	s20 =	simm.s32 $0x80;
	[tilespmem:s18+$0x1AD0 ss:$0x21] =	vst.msk $0xffff, v5;
	v5 =	vld.idx.msk [tilespmem:v0+s16+$0xC50 ss:$0x1], $0xffff  }
0x77: {  	s19 =	simm.s32 $0x4;
	s14 =	sor.u32 $0x8000, s14;
	s24 =	sand.u32 $0x380, s20;
	[tilespmem:s18+$0x2310 ss:$0x21] =	vst.msk $0xffff, v8;
	v8 =	vld.idx.msk [tilespmem:v0+s16+$0xC60 ss:$0x1], $0xffff  }
.LBB1_3:
0x78: {  	p1 =	sne.s32 s22, $0x7C;
	[tilespmem:s18+$0x2D60 ss:$0x21] =	vst.msk $0xffff, v7;
	v7 =	vld.idx.msk [tilespmem:v0+s16+$0xC70 ss:$0x1], $0xffff;
	s16 =	sor.u32 s24, s23  }
0x79: {  	s23 =	sand.u32 $0x3200, s16;
	v9 =	vld.idx.msk [tilespmem:v0+s16+$0x410 ss:$0x1], $0xffff;
	[tilespmem:s18+$0x2F70 ss:$0x21] =	vst.msk $0xffff, v6  }
0x7a: {  	s24 =	sand.u32 $0x180, s20;
	s23 =	sadd.s32 s23, s15;
	v6 =	vld.idx.msk [tilespmem:v0+s16+$0x420 ss:$0x1], $0xffff;
	[tilespmem:s18+$0x3390 ss:$0x21] =	vst.msk $0xffff, v3  }
0x7b: {  	s23 =	sadd.s32 s24, s23;
	v3 =	vld.idx.msk [tilespmem:v0+s16+$0x430 ss:$0x1], $0xffff;
	[tilespmem:s18+$0x35A0 ss:$0x21] =	vst.msk $0xffff, v1  }
0x7c: {  	v1 =	vld [tilespmem:s23+$0xC00];
	[tilespmem:s18+$0x37B0 ss:$0x21] =	vst.msk $0xffff, v2  }
0x7d: {  	v2 =	vld [tilespmem:s23+$0x0];
	[tilespmem:s18+$0x39C0 ss:$0x21] =	vst.msk $0xffff, v4  }
0x7e: {  	v4 =	vld [tilespmem:s23+$0x10];
	[tilespmem:s18+$0x3BD0 ss:$0x21] =	vst.msk $0xffff, v5  }
0x7f: {  	s24 =	sshra.s32 s19, $0x2;
	s19 =	smov.u32 s22;
	v5 =	vld [tilespmem:s23+$0x20];
	[tilespmem:s18+$0x3DE0 ss:$0x21] =	vst.msk $0xffff, v8  }
0x80: {  	v8 =	vld [tilespmem:s23+$0x30];
	[tilespmem:s18+$0x3FF0 ss:$0x21] =	vst.msk $0xffff, v7;
	s18 =	sadd.s32 s24, s17  }
0x81: {  	v7 =	vld [tilespmem:s23+$0x40];
	[tilespmem:s18+$0x3180 ss:$0x21] =	vst.msk $0xffff, v1  }
0x82: {  	[tilespmem:s18+$0x0 ss:$0x21] =	vst.msk $0xffff, v2;
	v1 =	vld [tilespmem:s23+$0x50]  }
0x83: {  	[tilespmem:s18+$0x210 ss:$0x21] =	vst.msk $0xffff, v4;
	v2 =	vld [tilespmem:s23+$0x60]  }
0x84: {  	[tilespmem:s18+$0x420 ss:$0x21] =	vst.msk $0xffff, v5;
	v4 =	vld [tilespmem:s23+$0x70]  }
0x85: {  	[tilespmem:s18+$0x630 ss:$0x21] =	vst.msk $0xffff, v8;
	v5 =	vld [tilespmem:s23+$0x400]  }
0x86: {  	[tilespmem:s18+$0x840 ss:$0x21] =	vst.msk $0xffff, v7;
	v7 =	vld [tilespmem:s23+$0x800]  }
0x87: {  	[tilespmem:s18+$0xA50 ss:$0x21] =	vst.msk $0xffff, v1;
	v1 =	vld.idx.msk [tilespmem:v0+s16+$0x440 ss:$0x1], $0xffff  }
0x88: {  	[tilespmem:s18+$0xC60 ss:$0x21] =	vst.msk $0xffff, v2;
	v2 =	vld.idx.msk [tilespmem:v0+s16+$0x450 ss:$0x1], $0xffff  }
0x89: {  	[tilespmem:s18+$0xE70 ss:$0x21] =	vst.msk $0xffff, v4;
	v4 =	vld.idx.msk [tilespmem:v0+s16+$0x460 ss:$0x1], $0xffff  }
0x8a: {  	[tilespmem:s18+$0x1080 ss:$0x21] =	vst.msk $0xffff, v5;
	v5 =	vld.idx.msk [tilespmem:v0+s16+$0x470 ss:$0x1], $0xffff  }
0x8b: {  	[tilespmem:s18+$0x2100 ss:$0x21] =	vst.msk $0xffff, v7;
	v8 =	vld.idx.msk [tilespmem:v0+s16+$0x810 ss:$0x1], $0xffff  }
0x8c: {  	[tilespmem:s18+$0x1290 ss:$0x21] =	vst.msk $0xffff, v9;
	v9 =	vld.idx.msk [tilespmem:v0+s16+$0x820 ss:$0x1], $0xffff  }
0x8d: {  	[tilespmem:s18+$0x14A0 ss:$0x21] =	vst.msk $0xffff, v6;
	v10 =	vld.idx.msk [tilespmem:v0+s16+$0x830 ss:$0x1], $0xffff  }
0x8e: {  	[tilespmem:s18+$0x16B0 ss:$0x21] =	vst.msk $0xffff, v3;
	v11 =	vld.idx.msk [tilespmem:v0+s16+$0x840 ss:$0x1], $0xffff  }
0x8f: {  	[tilespmem:s18+$0x18C0 ss:$0x21] =	vst.msk $0xffff, v1;
	v12 =	vld.idx.msk [tilespmem:v0+s16+$0x850 ss:$0x1], $0xffff  }
0x90: {  	[tilespmem:s18+$0x1AD0 ss:$0x21] =	vst.msk $0xffff, v2;
	v7 =	vld.idx.msk [tilespmem:v0+s16+$0x860 ss:$0x1], $0xffff  }
0x91: {  	[tilespmem:s18+$0x1CE0 ss:$0x21] =	vst.msk $0xffff, v4;
	v6 =	vld.idx.msk [tilespmem:v0+s16+$0x870 ss:$0x1], $0xffff  }
0x92: {  	[tilespmem:s18+$0x1EF0 ss:$0x21] =	vst.msk $0xffff, v5;
	v3 =	vld.idx.msk [tilespmem:v0+s16+$0xC10 ss:$0x1], $0xffff  }
.Ltmp3:
0x93: {  	[tilespmem:s18+$0x2310 ss:$0x21] =	vst.msk $0xffff, v8;
	v1 =	vld.idx.msk [tilespmem:v0+s16+$0xC20 ss:$0x1], $0xffff;
	(pc) =	sbr.rel @p1 .LBB1_3-.Ltmp3, $4  }
0x94: {  	[tilespmem:s18+$0x2520 ss:$0x21] =	vst.msk $0xffff, v9;
	v2 =	vld.idx.msk [tilespmem:v0+s16+$0xC30 ss:$0x1], $0xffff  }
0x95: {  	[tilespmem:s18+$0x2730 ss:$0x21] =	vst.msk $0xffff, v10;
	v4 =	vld.idx.msk [tilespmem:v0+s16+$0xC40 ss:$0x1], $0xffff  }
0x96: {  	s20 =	sadd.s32 $0x80, s20;
	s21 =	sadd.s32 $0x200, s21;
	[tilespmem:s18+$0x2940 ss:$0x21] =	vst.msk $0xffff, v11;
	v5 =	vld.idx.msk [tilespmem:v0+s16+$0xC50 ss:$0x1], $0xffff  }
0x97: {  	s22 =	sadd.s32 $0x4, s22;
	s24 =	sand.u32 $0x380, s20;
	s23 =	sand.u32 $0x3000, s21;
	[tilespmem:s18+$0x2B50 ss:$0x21] =	vst.msk $0xffff, v12;
	v8 =	vld.idx.msk [tilespmem:v0+s16+$0xC60 ss:$0x1], $0xffff  }
.Ltmp4:
0x98: {  	_ = 	snop;
	(pc) =	sbr.rel .LBB1_4-.Ltmp4, $1  }
0x99: {  	_ =	sdelay $0x3  }
.LBB1_6:
0x9a: {  	_ =	sfence.sel $0x180000  }
0x9b: {  	s2 =	simm.s32 $0x1;
	[bflag:$0x0] =	sbarrier.arrive $0xFFFF  }
0x9c: {  	s31 =	simm.s32 $0x2;
	[sflag:s2] =	ssyncpa.u1 $0x1  }
0x9d: {  	[sflag:s31] =	ssyncpa.u1 $0x1  }
0x9e: {  	p0 =	sne.s32 s0, $0x0;
	_ =	strace $0x90000059  }
0x9f: {  	s0 =	sadd.s32 @!p0 $0x100000, s1;
	[bflag:$0x2] =	sbarrier.arrive $0xFFFF  }
0xa0: {  	[sflag:s0] =	ssyncadd.tile.s32 @!p0 $0x1;
	_ =	shalt  }
.Lfunc_end1:
_tile_overlayer_lowered:
.L_overlay_start_2:
0xa1: {  	(tag) =	ssettag $0x2  }
0xa2: {  	s0 =	rddreg [dreg:$0x0];
	s2 =	stileid.u32  }
0xa3: {  	s1 =	rddreg [dreg:$0x1];
	p0 =	sne.s32 s2, $0x0  }
0xa4: {  	s3 =	rddreg [dreg:$0x2];
	[bflag:$0x3] =	sbarrier.arrive $0xFFFF;
	s2 =	simm.s32 @!p0 $0x1C01  }
0xa5: {  	[timem:s3], [sflag:s2] =	dma.local @!p0 [hbm:s0], s1  }
0xa6: {  	s0 =	simm.s32 @!p0 $0x1  }
0xa7: {  	_ =	swait.ge @!p0 [sflag:s0], s1  }
0xa8: {  	s1 =	ssub.s32 @!p0 $0x0, s1;
	[sflag:s0] =	ssyncset.done @!p0 $0x0  }
0xa9: {  	[sflag:s0] =	ssyncadd.s32 @!p0 s1  }
0xaa: {  	[bflag:$0x3] =	sbarrier.arrive $0xFFFF  }
0xab: {  	_ =	shalt  }

</sc_bundles>
